<compile_context>
chip_gen: v7x
topology: tpu7x:2x2x1
jax: 0.10.2.dev20260603
libtpu: 0.0.44.dev20260713+nightly
codegen_flags: <defaults>
</compile_context>

<pallas_src>
import functools

import jax
import jax.numpy as jnp
import numpy as np
from jax import lax
from jax.experimental import pallas as pl
from jax.experimental.pallas import tpu as pltpu
from jax.experimental.pallas import tpu_sc as plsc

_SELF_E = {1: -0.5, 6: -37.8, 7: -54.6, 8: -75.0, 9: -99.7,
           16: -398.1, 17: -460.1, 35: -2574.0, 99: -1000.0}

_N_ATOMS = 6_400_000
_M_MOL = 100_000
_MP = 102_400
_NC = 2
_NS = 16
_NW = _NC * _NS
_PER_W = _N_ATOMS // _NW
_B = 8_000
_NCHUNK = _PER_W // _B
_NBUF = 5
_NOUT = _NCHUNK // _NBUF
_M_SLICE = _MP // _NS
_ZW = 1_600


def _table_array():
    t = np.zeros((128,), dtype=np.float32)
    for z, v in _SELF_E.items():
        t[z] = v
    return jnp.asarray(t)


def _sc_body(table_hbm, z_hbm, m_hbm, out_hbm,
             table_v, z_v, m_v, e_v, zero_v, accum_sh, in_sem, sc_sem):
    cid = lax.axis_index("c")
    sid = lax.axis_index("s")
    wid = sid * _NC + cid
    base = wid * _PER_W

    pltpu.sync_copy(table_hbm, table_v)

    def _zl(i, c):
        zero_v[pl.ds(i * 16, 16)] = jnp.zeros((16,), jnp.float32)
        return c
    lax.fori_loop(0, _ZW // 16, _zl, 0)
    for t in range(_M_SLICE // _ZW):
        pltpu.sync_copy(zero_v,
                        accum_sh.at[pl.ds(sid * _M_SLICE + t * _ZW, _ZW)])
    plsc.subcore_barrier()

    def _in_desc(j, b):
        off = base + j * _B
        dz = pltpu.make_async_copy(z_hbm.at[pl.ds(off, _B)], z_v.at[b],
                                   in_sem.at[b])
        dm = pltpu.make_async_copy(m_hbm.at[pl.ds(off, _B)], m_v.at[b],
                                   in_sem.at[b])
        return dz, dm

    def _fire_in(j, b):
        dz, dm = _in_desc(j, b)
        dz.start()
        dm.start()

    def _sc_desc(b):
        return pltpu.make_async_copy(e_v.at[b], accum_sh.at[m_v.at[b]],
                                     sc_sem.at[b])

    def _gather(b):
        def _g(i, c):
            z = z_v[b, pl.ds(i * 16, 16)]
            e = plsc.load_gather(table_v, [z])
            e_v[b, pl.ds(i * 16, 16)] = e
            return c
        lax.fori_loop(0, _B // 16, _g, 0, unroll=8)

    def _step(j, b, fire_j):
        dz, dm = _in_desc(j, b)
        dz.wait()
        dm.wait()
        _gather(b)
        _sc_desc(b).start(add=True)
        if fire_j is not None:
            _fire_in(fire_j, (b + 3) % _NBUF)

    for b in range(3):
        _fire_in(b, b)

    for b in range(_NBUF):
        j = b
        dz, dm = _in_desc(j, b)
        dz.wait()
        dm.wait()
        _gather(b)
        _sc_desc(b).start(add=True)
        if j >= 2:
            _sc_desc((b - 2) % _NBUF).wait()
        _fire_in(j + 3, (b + 3) % _NBUF)

    def _outer(o, c):
        for b in range(_NBUF):
            j = o * _NBUF + b
            dz, dm = _in_desc(j, b)
            dz.wait()
            dm.wait()
            _gather(b)
            _sc_desc(b).start(add=True)
            _sc_desc((b - 2) % _NBUF).wait()
            _fire_in(j + 3, (b + 3) % _NBUF)
        return c
    lax.fori_loop(1, _NOUT - 1, _outer, 0)

    for b in range(_NBUF):
        j = (_NOUT - 1) * _NBUF + b
        dz, dm = _in_desc(j, b)
        dz.wait()
        dm.wait()
        _gather(b)
        _sc_desc(b).start(add=True)
        _sc_desc((b - 2) % _NBUF).wait()
        if j + 3 < _NCHUNK:
            _fire_in(j + 3, (b + 3) % _NBUF)

    _sc_desc((_NBUF - 2) % _NBUF).wait()
    _sc_desc((_NBUF - 1) % _NBUF).wait()

    plsc.subcore_barrier()
    pltpu.sync_copy(accum_sh.at[pl.ds(sid * _M_SLICE, _M_SLICE)],
                    out_hbm.at[cid, pl.ds(sid * _M_SLICE, _M_SLICE)])


def _segment_partials(table, atomic_numbers, molecule_indices):
    mesh = plsc.VectorSubcoreMesh(core_axis_name="c", subcore_axis_name="s")
    f = functools.partial(
        pl.kernel,
        mesh=mesh,
        compiler_params=pltpu.CompilerParams(needs_layout_passes=False,
                                             use_tc_tiling_on_sc=False),
        out_type=jax.ShapeDtypeStruct((_NC, _MP), jnp.float32),
        scratch_types=[
            pltpu.VMEM((128,), jnp.float32),
            pltpu.VMEM((_NBUF, _B), jnp.int32),
            pltpu.VMEM((_NBUF, _B), jnp.int32),
            pltpu.VMEM((_NBUF, _B), jnp.float32),
            pltpu.VMEM((_ZW,), jnp.float32),
            pltpu.VMEM_SHARED((_MP,), jnp.float32),
            pltpu.SemaphoreType.DMA((_NBUF,)),
            pltpu.SemaphoreType.DMA((_NBUF,)),
        ],
    )(_sc_body)
    return f(table, atomic_numbers, molecule_indices)


def _combine_body(e_ref, p_ref, o_ref):
    o_ref[...] = e_ref[...] + p_ref[0] + p_ref[1]


def _combine(energies_padded, partials):
    rows = _MP // 128
    out = pl.pallas_call(
        _combine_body,
        out_shape=jax.ShapeDtypeStruct((rows, 128), jnp.float32),
    )(energies_padded.reshape(rows, 128), partials.reshape(_NC, rows, 128))
    return out.reshape(_MP)


def kernel(energies, atomic_numbers, molecule_indices):
    table = _table_array()
    partials = _segment_partials(table, atomic_numbers, molecule_indices)
    e_pad = jnp.pad(energies, (0, _MP - _M_MOL))
    return _combine(e_pad, partials)[:_M_MOL]

# --- scband reference (transcript-rebuilt; emitter-appended) ---
"""Pipeline reference for scband-add-self-energies-27212912788033 (READ-ONLY COPY).

The authoritative reference and input builder live on the scoring server;
editing this copy changes nothing except your own understanding.
"""

import jax, jax.numpy as jnp
import numpy as np

# stats['self_energies'] from init_kwargs (atomic_number -> self energy)
SELF_ENERGIES = {1: -0.5, 6: -37.8, 7: -54.6, 8: -75.0, 9: -99.7, 16: -398.1, 17: -460.1, 35: -2574.0, 99: -1000.0}
MAX_Z = max(SELF_ENERGIES.keys())

M_MOLECULES = 100000
N_ATOMS = 6400000


def setup_inputs(seed: int = 0) -> dict:
    key = jax.random.key(seed)
    k1, k2, k3 = jax.random.split(key, 3)
    energies = jax.random.normal(k1, (M_MOLECULES,), dtype=jnp.float32)
    atomic_numbers = jax.random.randint(k2, (N_ATOMS,), 0, MAX_Z + 1, dtype=jnp.int32)
    molecule_indices = jnp.sort(jax.random.randint(k3, (N_ATOMS,), 0, M_MOLECULES, dtype=jnp.int32))
    return {"energies": energies, "atomic_numbers": atomic_numbers, "molecule_indices": molecule_indices}


def reference(energies, atomic_numbers, molecule_indices):
    # Build dense self-energy lookup table: self_energies_tensor[z] = energy
    table = jnp.zeros((MAX_Z + 1,), dtype=jnp.float32)
    zs = jnp.array(list(SELF_ENERGIES.keys()), dtype=jnp.int32)
    vals = jnp.array(list(SELF_ENERGIES.values()), dtype=jnp.float32)
    table = table.at[zs].set(vals)
    # Gather per-atom self energies
    atom_self_energies = jnp.take(table, atomic_numbers, axis=0)
    # Vectorized form of the per-molecule masked sum: segment-sum over molecule ids
    molecule_self_energies = jax.ops.segment_sum(
        atom_self_energies, molecule_indices, num_segments=energies.shape[0]
    )
    adjusted_energies = energies + molecule_self_energies
    return adjusted_energies

if __name__ == "__main__":
    import jax
    _d = setup_inputs()
    print(jax.jit(kernel)(*tuple(_d.values())))

</pallas_src>

<mosaic_0001>
#map = affine_map<(d0, d1) -> (0)>
#map1 = affine_map<(d0, d1) -> (0, 0)>
module attributes {stable_mosaic.version = 14 : i64} {
  func.func @_sc_body(%arg0: i32, %arg1: i32, %arg2: memref<128xf32, #tpu.memory_space<hbm>>, %arg3: memref<6400000xi32, #tpu.memory_space<hbm>>, %arg4: memref<6400000xi32, #tpu.memory_space<hbm>>, %arg5: memref<2x102400xf32, #tpu.memory_space<hbm>>, %arg6: memref<128xf32, #tpu.memory_space<vmem>>, %arg7: memref<5x8000xi32, #tpu.memory_space<vmem>>, %arg8: memref<5x8000xi32, #tpu.memory_space<vmem>>, %arg9: memref<5x8000xf32, #tpu.memory_space<vmem>>, %arg10: memref<1600xf32, #tpu.memory_space<vmem>>, %arg11: memref<102400xf32, #tpu.memory_space<vmem_shared>>, %arg12: memref<5x!tpu.dma_semaphore, #tpu.memory_space<semaphore_mem>>, %arg13: memref<5x!tpu.dma_semaphore, #tpu.memory_space<semaphore_mem>>) attributes {dimension_semantics = [#tpu.dimension_semantics<core_parallel>, #tpu.dimension_semantics<subcore_parallel>], iteration_bounds = array<i64: 2, 16>, scalar_prefetch = 0 : i64, scratch_operands = 8 : i64, tpu.core_type = #tpu.core_type<sc_vector_subcore>, window_params = [{transform_indices = #map}, {transform_indices = #map}, {transform_indices = #map}, {transform_indices = #map1}]} {
    %mul3A = arith.constant 2 : i32
    %mul3A_0 = arith.muli %arg1, %mul3A : i32
    %add3A = arith.addi %mul3A_0, %arg0 : i32
    %mul3A_1 = arith.constant 200000 : i32
    %mul3A_2 = arith.muli %add3A, %mul3A_1 : i32
    "tpu.region"() ({
      %run_scoped3A = tpu.sem_alloc : memref<!tpu.dma_semaphore, #tpu.memory_space<semaphore_mem>>
      tpu.enqueue_dma source(%arg2 : memref<128xf32, #tpu.memory_space<hbm>>) target(%arg6 : memref<128xf32, #tpu.memory_space<vmem>>) target_semaphore(%run_scoped3A : memref<!tpu.dma_semaphore, #tpu.memory_space<semaphore_mem>>)
      tpu.wait_dma2 semaphore(%run_scoped3A : memref<!tpu.dma_semaphore, #tpu.memory_space<semaphore_mem>>) src(%arg2 : memref<128xf32, #tpu.memory_space<hbm>>) dst(%arg6 : memref<128xf32, #tpu.memory_space<vmem>>)
      tpu.yield
    }) : () -> ()
    %scan3A = arith.constant 0 : i32
    %scan3A_3 = arith.constant 0 : i32
    %scan3A_4 = arith.constant 100 : i32
    %scan3A_5 = arith.addi %scan3A_3, %scan3A_4 : i32
    %scan3A_6 = arith.constant 1 : i32
    scf.for %scan3A_1470 = %scan3A_3 to %scan3A_5 step %scan3A_6  : i32 {
      %broadcast_in_dim3A = arith.constant 0.000000e+00 : f32
      %broadcast_in_dim3A_1471 = vector.broadcast %broadcast_in_dim3A : f32 to vector<16xf32>
      %mul3A_1472 = arith.constant 16 : i32
      %mul3A_1473 = arith.muli %scan3A_1470, %mul3A_1472 : i32
      %swap3A_1474 = arith.index_cast %mul3A_1473 : i32 to index
      %swap3A_1475 = tpu.vector_load %arg10[%swap3A_1474] {strides = array<i32>} : memref<1600xf32, #tpu.memory_space<vmem>>, vector<16xf32>,
      tpu.vector_store %arg10[%swap3A_1474], %broadcast_in_dim3A_1471 {strides = array<i32>} : memref<1600xf32, #tpu.memory_space<vmem>>, vector<16xf32>,
    }
    %scan3A_7 = arith.constant 100 : i32
    %mul3A_8 = arith.constant 6400 : i32
    %mul3A_9 = arith.muli %arg1, %mul3A_8 : i32
    %add3A_10 = arith.constant 0 : i32
    %add3A_11 = arith.addi %mul3A_9, %add3A_10 : i32
    "tpu.region"() ({
      %run_scoped3A = tpu.sem_alloc : memref<!tpu.dma_semaphore, #tpu.memory_space<semaphore_mem>>
      %dma_start3A_1470 = tpu.memref_slice %arg11[%add3A_11] : memref<102400xf32, #tpu.memory_space<vmem_shared>> -> memref<1600xf32, #tpu.memory_space<vmem_shared>>
      %dma_start3A_1471 = tpu.memref_slice %arg11[%add3A_11] : memref<102400xf32, #tpu.memory_space<vmem_shared>> -> memref<1600xf32, #tpu.memory_space<vmem_shared>>
      tpu.enqueue_dma source(%arg10 : memref<1600xf32, #tpu.memory_space<vmem>>) target(%dma_start3A_1471 : memref<1600xf32, #tpu.memory_space<vmem_shared>>) target_semaphore(%run_scoped3A : memref<!tpu.dma_semaphore, #tpu.memory_space<semaphore_mem>>)
      %dma_wait3A_1472 = tpu.memref_slice %arg11[%add3A_11] : memref<102400xf32, #tpu.memory_space<vmem_shared>> -> memref<1600xf32, #tpu.memory_space<vmem_shared>>
      %dma_wait3A_1473 = tpu.memref_slice %arg11[%add3A_11] : memref<102400xf32, #tpu.memory_space<vmem_shared>> -> memref<1600xf32, #tpu.memory_space<vmem_shared>>
      tpu.wait_dma2 semaphore(%run_scoped3A : memref<!tpu.dma_semaphore, #tpu.memory_space<semaphore_mem>>) src(%arg10 : memref<1600xf32, #tpu.memory_space<vmem>>) dst(%dma_wait3A_1473 : memref<1600xf32, #tpu.memory_space<vmem_shared>>)
      tpu.yield
    }) : () -> ()
    %mul3A_12 = arith.constant 6400 : i32
    %mul3A_13 = arith.muli %arg1, %mul3A_12 : i32
    %add3A_14 = arith.constant 1600 : i32
    %add3A_15 = arith.addi %mul3A_13, %add3A_14 : i32
    "tpu.region"() ({
      %run_scoped3A = tpu.sem_alloc : memref<!tpu.dma_semaphore, #tpu.memory_space<semaphore_mem>>
      %dma_start3A_1470 = tpu.memref_slice %arg11[%add3A_15] : memref<102400xf32, #tpu.memory_space<vmem_shared>> -> memref<1600xf32, #tpu.memory_space<vmem_shared>>
      %dma_start3A_1471 = tpu.memref_slice %arg11[%add3A_15] : memref<102400xf32, #tpu.memory_space<vmem_shared>> -> memref<1600xf32, #tpu.memory_space<vmem_shared>>
      tpu.enqueue_dma source(%arg10 : memref<1600xf32, #tpu.memory_space<vmem>>) target(%dma_start3A_1471 : memref<1600xf32, #tpu.memory_space<vmem_shared>>) target_semaphore(%run_scoped3A : memref<!tpu.dma_semaphore, #tpu.memory_space<semaphore_mem>>)
      %dma_wait3A_1472 = tpu.memref_slice %arg11[%add3A_15] : memref<102400xf32, #tpu.memory_space<vmem_shared>> -> memref<1600xf32, #tpu.memory_space<vmem_shared>>
      %dma_wait3A_1473 = tpu.memref_slice %arg11[%add3A_15] : memref<102400xf32, #tpu.memory_space<vmem_shared>> -> memref<1600xf32, #tpu.memory_space<vmem_shared>>
      tpu.wait_dma2 semaphore(%run_scoped3A : memref<!tpu.dma_semaphore, #tpu.memory_space<semaphore_mem>>) src(%arg10 : memref<1600xf32, #tpu.memory_space<vmem>>) dst(%dma_wait3A_1473 : memref<1600xf32, #tpu.memory_space<vmem_shared>>)
      tpu.yield
    }) : () -> ()
    %mul3A_16 = arith.constant 6400 : i32
    %mul3A_17 = arith.muli %arg1, %mul3A_16 : i32
    %add3A_18 = arith.constant 3200 : i32
    %add3A_19 = arith.addi %mul3A_17, %add3A_18 : i32
    "tpu.region"() ({
      %run_scoped3A = tpu.sem_alloc : memref<!tpu.dma_semaphore, #tpu.memory_space<semaphore_mem>>
      %dma_start3A_1470 = tpu.memref_slice %arg11[%add3A_19] : memref<102400xf32, #tpu.memory_space<vmem_shared>> -> memref<1600xf32, #tpu.memory_space<vmem_shared>>
      %dma_start3A_1471 = tpu.memref_slice %arg11[%add3A_19] : memref<102400xf32, #tpu.memory_space<vmem_shared>> -> memref<1600xf32, #tpu.memory_space<vmem_shared>>
      tpu.enqueue_dma source(%arg10 : memref<1600xf32, #tpu.memory_space<vmem>>) target(%dma_start3A_1471 : memref<1600xf32, #tpu.memory_space<vmem_shared>>) target_semaphore(%run_scoped3A : memref<!tpu.dma_semaphore, #tpu.memory_space<semaphore_mem>>)
      %dma_wait3A_1472 = tpu.memref_slice %arg11[%add3A_19] : memref<102400xf32, #tpu.memory_space<vmem_shared>> -> memref<1600xf32, #tpu.memory_space<vmem_shared>>
      %dma_wait3A_1473 = tpu.memref_slice %arg11[%add3A_19] : memref<102400xf32, #tpu.memory_space<vmem_shared>> -> memref<1600xf32, #tpu.memory_space<vmem_shared>>
      tpu.wait_dma2 semaphore(%run_scoped3A : memref<!tpu.dma_semaphore, #tpu.memory_space<semaphore_mem>>) src(%arg10 : memref<1600xf32, #tpu.memory_space<vmem>>) dst(%dma_wait3A_1473 : memref<1600xf32, #tpu.memory_space<vmem_shared>>)
      tpu.yield
    }) : () -> ()
    %mul3A_20 = arith.constant 6400 : i32
    %mul3A_21 = arith.muli %arg1, %mul3A_20 : i32
    %add3A_22 = arith.constant 4800 : i32
    %add3A_23 = arith.addi %mul3A_21, %add3A_22 : i32
    "tpu.region"() ({
      %run_scoped3A = tpu.sem_alloc : memref<!tpu.dma_semaphore, #tpu.memory_space<semaphore_mem>>
      %dma_start3A_1470 = tpu.memref_slice %arg11[%add3A_23] : memref<102400xf32, #tpu.memory_space<vmem_shared>> -> memref<1600xf32, #tpu.memory_space<vmem_shared>>
      %dma_start3A_1471 = tpu.memref_slice %arg11[%add3A_23] : memref<102400xf32, #tpu.memory_space<vmem_shared>> -> memref<1600xf32, #tpu.memory_space<vmem_shared>>
      tpu.enqueue_dma source(%arg10 : memref<1600xf32, #tpu.memory_space<vmem>>) target(%dma_start3A_1471 : memref<1600xf32, #tpu.memory_space<vmem_shared>>) target_semaphore(%run_scoped3A : memref<!tpu.dma_semaphore, #tpu.memory_space<semaphore_mem>>)
      %dma_wait3A_1472 = tpu.memref_slice %arg11[%add3A_23] : memref<102400xf32, #tpu.memory_space<vmem_shared>> -> memref<1600xf32, #tpu.memory_space<vmem_shared>>
      %dma_wait3A_1473 = tpu.memref_slice %arg11[%add3A_23] : memref<102400xf32, #tpu.memory_space<vmem_shared>> -> memref<1600xf32, #tpu.memory_space<vmem_shared>>
      tpu.wait_dma2 semaphore(%run_scoped3A : memref<!tpu.dma_semaphore, #tpu.memory_space<semaphore_mem>>) src(%arg10 : memref<1600xf32, #tpu.memory_space<vmem>>) dst(%dma_wait3A_1473 : memref<1600xf32, #tpu.memory_space<vmem_shared>>)
      tpu.yield
    }) : () -> ()
    %barrier3A = arith.constant 0 : index
    tpu.barrier barrier_id(%barrier3A)
    %add3A_24 = arith.constant 0 : i32
    %add3A_25 = arith.addi %mul3A_2, %add3A_24 : i32
    %dma_start3A = arith.constant 0 : i32
    %dma_start3A_26 = arith.constant 0 : i32
    %dma_start3A_27 = arith.constant 0 : i32
    %dma_start3A_28 = tpu.memref_slice %arg7[%dma_start3A, %dma_start3A_27] : memref<5x8000xi32, #tpu.memory_space<vmem>> -> memref<1x8000xi32, #tpu.memory_space<vmem>>
    %dma_start3A_29 = tpu.memref_squeeze %dma_start3A_28 : memref<1x8000xi32, #tpu.memory_space<vmem>> -> memref<8000xi32, #tpu.memory_space<vmem>>
    %dma_start3A_30 = tpu.memref_slice %arg3[%add3A_25] : memref<6400000xi32, #tpu.memory_space<hbm>> -> memref<8000xi32, #tpu.memory_space<hbm>>
    %dma_start3A_31 = tpu.memref_slice %arg12[%dma_start3A_26] : memref<5x!tpu.dma_semaphore, #tpu.memory_space<semaphore_mem>> -> memref<1x!tpu.dma_semaphore, #tpu.memory_space<semaphore_mem>>
    %dma_start3A_32 = tpu.memref_squeeze %dma_start3A_31 : memref<1x!tpu.dma_semaphore, #tpu.memory_space<semaphore_mem>> -> memref<!tpu.dma_semaphore, #tpu.memory_space<semaphore_mem>>
    %dma_start3A_33 = arith.constant 0 : i32
    %dma_start3A_34 = tpu.memref_slice %arg7[%dma_start3A, %dma_start3A_33] : memref<5x8000xi32, #tpu.memory_space<vmem>> -> memref<1x8000xi32, #tpu.memory_space<vmem>>
    %dma_start3A_35 = tpu.memref_squeeze %dma_start3A_34 : memref<1x8000xi32, #tpu.memory_space<vmem>> -> memref<8000xi32, #tpu.memory_space<vmem>>
    %dma_start3A_36 = tpu.memref_slice %arg3[%add3A_25] : memref<6400000xi32, #tpu.memory_space<hbm>> -> memref<8000xi32, #tpu.memory_space<hbm>>
    tpu.enqueue_dma source(%dma_start3A_36 : memref<8000xi32, #tpu.memory_space<hbm>>) target(%dma_start3A_35 : memref<8000xi32, #tpu.memory_space<vmem>>) target_semaphore(%dma_start3A_32 : memref<!tpu.dma_semaphore, #tpu.memory_space<semaphore_mem>>)
    %dma_start3A_37 = arith.constant 0 : i32
    %dma_start3A_38 = arith.constant 0 : i32
    %dma_start3A_39 = arith.constant 0 : i32
    %dma_start3A_40 = tpu.memref_slice %arg8[%dma_start3A_37, %dma_start3A_39] : memref<5x8000xi32, #tpu.memory_space<vmem>> -> memref<1x8000xi32, #tpu.memory_space<vmem>>
    %dma_start3A_41 = tpu.memref_squeeze %dma_start3A_40 : memref<1x8000xi32, #tpu.memory_space<vmem>> -> memref<8000xi32, #tpu.memory_space<vmem>>
    %dma_start3A_42 = tpu.memref_slice %arg4[%add3A_25] : memref<6400000xi32, #tpu.memory_space<hbm>> -> memref<8000xi32, #tpu.memory_space<hbm>>
    %dma_start3A_43 = tpu.memref_slice %arg12[%dma_start3A_38] : memref<5x!tpu.dma_semaphore, #tpu.memory_space<semaphore_mem>> -> memref<1x!tpu.dma_semaphore, #tpu.memory_space<semaphore_mem>>
    %dma_start3A_44 = tpu.memref_squeeze %dma_start3A_43 : memref<1x!tpu.dma_semaphore, #tpu.memory_space<semaphore_mem>> -> memref<!tpu.dma_semaphore, #tpu.memory_space<semaphore_mem>>
    %dma_start3A_45 = arith.constant 0 : i32
    %dma_start3A_46 = tpu.memref_slice %arg8[%dma_start3A_37, %dma_start3A_45] : memref<5x8000xi32, #tpu.memory_space<vmem>> -> memref<1x8000xi32, #tpu.memory_space<vmem>>
    %dma_start3A_47 = tpu.memref_squeeze %dma_start3A_46 : memref<1x8000xi32, #tpu.memory_space<vmem>> -> memref<8000xi32, #tpu.memory_space<vmem>>
    %dma_start3A_48 = tpu.memref_slice %arg4[%add3A_25] : memref<6400000xi32, #tpu.memory_space<hbm>> -> memref<8000xi32, #tpu.memory_space<hbm>>
    tpu.enqueue_dma source(%dma_start3A_48 : memref<8000xi32, #tpu.memory_space<hbm>>) target(%dma_start3A_47 : memref<8000xi32, #tpu.memory_space<vmem>>) target_semaphore(%dma_start3A_44 : memref<!tpu.dma_semaphore, #tpu.memory_space<semaphore_mem>>)
    %add3A_49 = arith.constant 8000 : i32
    %add3A_50 = arith.addi %mul3A_2, %add3A_49 : i32
    %dma_start3A_51 = arith.constant 1 : i32
    %dma_start3A_52 = arith.constant 1 : i32
    %dma_start3A_53 = arith.constant 0 : i32
    %dma_start3A_54 = tpu.memref_slice %arg7[%dma_start3A_51, %dma_start3A_53] : memref<5x8000xi32, #tpu.memory_space<vmem>> -> memref<1x8000xi32, #tpu.memory_space<vmem>>
    %dma_start3A_55 = tpu.memref_squeeze %dma_start3A_54 : memref<1x8000xi32, #tpu.memory_space<vmem>> -> memref<8000xi32, #tpu.memory_space<vmem>>
    %dma_start3A_56 = tpu.memref_slice %arg3[%add3A_50] : memref<6400000xi32, #tpu.memory_space<hbm>> -> memref<8000xi32, #tpu.memory_space<hbm>>
    %dma_start3A_57 = tpu.memref_slice %arg12[%dma_start3A_52] : memref<5x!tpu.dma_semaphore, #tpu.memory_space<semaphore_mem>> -> memref<1x!tpu.dma_semaphore, #tpu.memory_space<semaphore_mem>>
    %dma_start3A_58 = tpu.memref_squeeze %dma_start3A_57 : memref<1x!tpu.dma_semaphore, #tpu.memory_space<semaphore_mem>> -> memref<!tpu.dma_semaphore, #tpu.memory_space<semaphore_mem>>
    %dma_start3A_59 = arith.constant 0 : i32
    %dma_start3A_60 = tpu.memref_slice %arg7[%dma_start3A_51, %dma_start3A_59] : memref<5x8000xi32, #tpu.memory_space<vmem>> -> memref<1x8000xi32, #tpu.memory_space<vmem>>
    %dma_start3A_61 = tpu.memref_squeeze %dma_start3A_60 : memref<1x8000xi32, #tpu.memory_space<vmem>> -> memref<8000xi32, #tpu.memory_space<vmem>>
    %dma_start3A_62 = tpu.memref_slice %arg3[%add3A_50] : memref<6400000xi32, #tpu.memory_space<hbm>> -> memref<8000xi32, #tpu.memory_space<hbm>>
    tpu.enqueue_dma source(%dma_start3A_62 : memref<8000xi32, #tpu.memory_space<hbm>>) target(%dma_start3A_61 : memref<8000xi32, #tpu.memory_space<vmem>>) target_semaphore(%dma_start3A_58 : memref<!tpu.dma_semaphore, #tpu.memory_space<semaphore_mem>>)
    %dma_start3A_63 = arith.constant 1 : i32
    %dma_start3A_64 = arith.constant 1 : i32
    %dma_start3A_65 = arith.constant 0 : i32
    %dma_start3A_66 = tpu.memref_slice %arg8[%dma_start3A_63, %dma_start3A_65] : memref<5x8000xi32, #tpu.memory_space<vmem>> -> memref<1x8000xi32, #tpu.memory_space<vmem>>
    %dma_start3A_67 = tpu.memref_squeeze %dma_start3A_66 : memref<1x8000xi32, #tpu.memory_space<vmem>> -> memref<8000xi32, #tpu.memory_space<vmem>>
    %dma_start3A_68 = tpu.memref_slice %arg4[%add3A_50] : memref<6400000xi32, #tpu.memory_space<hbm>> -> memref<8000xi32, #tpu.memory_space<hbm>>
    %dma_start3A_69 = tpu.memref_slice %arg12[%dma_start3A_64] : memref<5x!tpu.dma_semaphore, #tpu.memory_space<semaphore_mem>> -> memref<1x!tpu.dma_semaphore, #tpu.memory_space<semaphore_mem>>
    %dma_start3A_70 = tpu.memref_squeeze %dma_start3A_69 : memref<1x!tpu.dma_semaphore, #tpu.memory_space<semaphore_mem>> -> memref<!tpu.dma_semaphore, #tpu.memory_space<semaphore_mem>>
    %dma_start3A_71 = arith.constant 0 : i32
    %dma_start3A_72 = tpu.memref_slice %arg8[%dma_start3A_63, %dma_start3A_71] : memref<5x8000xi32, #tpu.memory_space<vmem>> -> memref<1x8000xi32, #tpu.memory_space<vmem>>
    %dma_start3A_73 = tpu.memref_squeeze %dma_start3A_72 : memref<1x8000xi32, #tpu.memory_space<vmem>> -> memref<8000xi32, #tpu.memory_space<vmem>>
    %dma_start3A_74 = tpu.memref_slice %arg4[%add3A_50] : memref<6400000xi32, #tpu.memory_space<hbm>> -> memref<8000xi32, #tpu.memory_space<hbm>>
    tpu.enqueue_dma source(%dma_start3A_74 : memref<8000xi32, #tpu.memory_space<hbm>>) target(%dma_start3A_73 : memref<8000xi32, #tpu.memory_space<vmem>>) target_semaphore(%dma_start3A_70 : memref<!tpu.dma_semaphore, #tpu.memory_space<semaphore_mem>>)
    %add3A_75 = arith.constant 16000 : i32
    %add3A_76 = arith.addi %mul3A_2, %add3A_75 : i32
    %dma_start3A_77 = arith.constant 2 : i32
    %dma_start3A_78 = arith.constant 2 : i32
    %dma_start3A_79 = arith.constant 0 : i32
    %dma_start3A_80 = tpu.memref_slice %arg7[%dma_start3A_77, %dma_start3A_79] : memref<5x8000xi32, #tpu.memory_space<vmem>> -> memref<1x8000xi32, #tpu.memory_space<vmem>>
    %dma_start3A_81 = tpu.memref_squeeze %dma_start3A_80 : memref<1x8000xi32, #tpu.memory_space<vmem>> -> memref<8000xi32, #tpu.memory_space<vmem>>
    %dma_start3A_82 = tpu.memref_slice %arg3[%add3A_76] : memref<6400000xi32, #tpu.memory_space<hbm>> -> memref<8000xi32, #tpu.memory_space<hbm>>
    %dma_start3A_83 = tpu.memref_slice %arg12[%dma_start3A_78] : memref<5x!tpu.dma_semaphore, #tpu.memory_space<semaphore_mem>> -> memref<1x!tpu.dma_semaphore, #tpu.memory_space<semaphore_mem>>
    %dma_start3A_84 = tpu.memref_squeeze %dma_start3A_83 : memref<1x!tpu.dma_semaphore, #tpu.memory_space<semaphore_mem>> -> memref<!tpu.dma_semaphore, #tpu.memory_space<semaphore_mem>>
    %dma_start3A_85 = arith.constant 0 : i32
    %dma_start3A_86 = tpu.memref_slice %arg7[%dma_start3A_77, %dma_start3A_85] : memref<5x8000xi32, #tpu.memory_space<vmem>> -> memref<1x8000xi32, #tpu.memory_space<vmem>>
    %dma_start3A_87 = tpu.memref_squeeze %dma_start3A_86 : memref<1x8000xi32, #tpu.memory_space<vmem>> -> memref<8000xi32, #tpu.memory_space<vmem>>
    %dma_start3A_88 = tpu.memref_slice %arg3[%add3A_76] : memref<6400000xi32, #tpu.memory_space<hbm>> -> memref<8000xi32, #tpu.memory_space<hbm>>
    tpu.enqueue_dma source(%dma_start3A_88 : memref<8000xi32, #tpu.memory_space<hbm>>) target(%dma_start3A_87 : memref<8000xi32, #tpu.memory_space<vmem>>) target_semaphore(%dma_start3A_84 : memref<!tpu.dma_semaphore, #tpu.memory_space<semaphore_mem>>)
    %dma_start3A_89 = arith.constant 2 : i32
    %dma_start3A_90 = arith.constant 2 : i32
    %dma_start3A_91 = arith.constant 0 : i32
    %dma_start3A_92 = tpu.memref_slice %arg8[%dma_start3A_89, %dma_start3A_91] : memref<5x8000xi32, #tpu.memory_space<vmem>> -> memref<1x8000xi32, #tpu.memory_space<vmem>>
    %dma_start3A_93 = tpu.memref_squeeze %dma_start3A_92 : memref<1x8000xi32, #tpu.memory_space<vmem>> -> memref<8000xi32, #tpu.memory_space<vmem>>
    %dma_start3A_94 = tpu.memref_slice %arg4[%add3A_76] : memref<6400000xi32, #tpu.memory_space<hbm>> -> memref<8000xi32, #tpu.memory_space<hbm>>
    %dma_start3A_95 = tpu.memref_slice %arg12[%dma_start3A_90] : memref<5x!tpu.dma_semaphore, #tpu.memory_space<semaphore_mem>> -> memref<1x!tpu.dma_semaphore, #tpu.memory_space<semaphore_mem>>
    %dma_start3A_96 = tpu.memref_squeeze %dma_start3A_95 : memref<1x!tpu.dma_semaphore, #tpu.memory_space<semaphore_mem>> -> memref<!tpu.dma_semaphore, #tpu.memory_space<semaphore_mem>>
    %dma_start3A_97 = arith.constant 0 : i32
    %dma_start3A_98 = tpu.memref_slice %arg8[%dma_start3A_89, %dma_start3A_97] : memref<5x8000xi32, #tpu.memory_space<vmem>> -> memref<1x8000xi32, #tpu.memory_space<vmem>>
    %dma_start3A_99 = tpu.memref_squeeze %dma_start3A_98 : memref<1x8000xi32, #tpu.memory_space<vmem>> -> memref<8000xi32, #tpu.memory_space<vmem>>
    %dma_start3A_100 = tpu.memref_slice %arg4[%add3A_76] : memref<6400000xi32, #tpu.memory_space<hbm>> -> memref<8000xi32, #tpu.memory_space<hbm>>
    tpu.enqueue_dma source(%dma_start3A_100 : memref<8000xi32, #tpu.memory_space<hbm>>) target(%dma_start3A_99 : memref<8000xi32, #tpu.memory_space<vmem>>) target_semaphore(%dma_start3A_96 : memref<!tpu.dma_semaphore, #tpu.memory_space<semaphore_mem>>)
    %add3A_101 = arith.constant 0 : i32
    %add3A_102 = arith.addi %mul3A_2, %add3A_101 : i32
    %dma_wait3A = arith.constant 0 : i32
    %dma_wait3A_103 = arith.constant 0 : i32
    %dma_wait3A_104 = arith.constant 0 : i32
    %dma_wait3A_105 = tpu.memref_slice %arg7[%dma_wait3A, %dma_wait3A_104] : memref<5x8000xi32, #tpu.memory_space<vmem>> -> memref<1x8000xi32, #tpu.memory_space<vmem>>
    %dma_wait3A_106 = tpu.memref_squeeze %dma_wait3A_105 : memref<1x8000xi32, #tpu.memory_space<vmem>> -> memref<8000xi32, #tpu.memory_space<vmem>>
    %dma_wait3A_107 = tpu.memref_slice %arg3[%add3A_102] : memref<6400000xi32, #tpu.memory_space<hbm>> -> memref<8000xi32, #tpu.memory_space<hbm>>
    %dma_wait3A_108 = tpu.memref_slice %arg12[%dma_wait3A_103] : memref<5x!tpu.dma_semaphore, #tpu.memory_space<semaphore_mem>> -> memref<1x!tpu.dma_semaphore, #tpu.memory_space<semaphore_mem>>
    %dma_wait3A_109 = tpu.memref_squeeze %dma_wait3A_108 : memref<1x!tpu.dma_semaphore, #tpu.memory_space<semaphore_mem>> -> memref<!tpu.dma_semaphore, #tpu.memory_space<semaphore_mem>>
    %dma_wait3A_110 = arith.constant 0 : i32
    %dma_wait3A_111 = tpu.memref_slice %arg7[%dma_wait3A, %dma_wait3A_110] : memref<5x8000xi32, #tpu.memory_space<vmem>> -> memref<1x8000xi32, #tpu.memory_space<vmem>>
    %dma_wait3A_112 = tpu.memref_squeeze %dma_wait3A_111 : memref<1x8000xi32, #tpu.memory_space<vmem>> -> memref<8000xi32, #tpu.memory_space<vmem>>
    %dma_wait3A_113 = tpu.memref_slice %arg3[%add3A_102] : memref<6400000xi32, #tpu.memory_space<hbm>> -> memref<8000xi32, #tpu.memory_space<hbm>>
    tpu.wait_dma2 semaphore(%dma_wait3A_109 : memref<!tpu.dma_semaphore, #tpu.memory_space<semaphore_mem>>) src(%dma_wait3A_113 : memref<8000xi32, #tpu.memory_space<hbm>>) dst(%dma_wait3A_112 : memref<8000xi32, #tpu.memory_space<vmem>>)
    %dma_wait3A_114 = arith.constant 0 : i32
    %dma_wait3A_115 = arith.constant 0 : i32
    %dma_wait3A_116 = arith.constant 0 : i32
    %dma_wait3A_117 = tpu.memref_slice %arg8[%dma_wait3A_114, %dma_wait3A_116] : memref<5x8000xi32, #tpu.memory_space<vmem>> -> memref<1x8000xi32, #tpu.memory_space<vmem>>
    %dma_wait3A_118 = tpu.memref_squeeze %dma_wait3A_117 : memref<1x8000xi32, #tpu.memory_space<vmem>> -> memref<8000xi32, #tpu.memory_space<vmem>>
    %dma_wait3A_119 = tpu.memref_slice %arg4[%add3A_102] : memref<6400000xi32, #tpu.memory_space<hbm>> -> memref<8000xi32, #tpu.memory_space<hbm>>
    %dma_wait3A_120 = tpu.memref_slice %arg12[%dma_wait3A_115] : memref<5x!tpu.dma_semaphore, #tpu.memory_space<semaphore_mem>> -> memref<1x!tpu.dma_semaphore, #tpu.memory_space<semaphore_mem>>
    %dma_wait3A_121 = tpu.memref_squeeze %dma_wait3A_120 : memref<1x!tpu.dma_semaphore, #tpu.memory_space<semaphore_mem>> -> memref<!tpu.dma_semaphore, #tpu.memory_space<semaphore_mem>>
    %dma_wait3A_122 = arith.constant 0 : i32
    %dma_wait3A_123 = tpu.memref_slice %arg8[%dma_wait3A_114, %dma_wait3A_122] : memref<5x8000xi32, #tpu.memory_space<vmem>> -> memref<1x8000xi32, #tpu.memory_space<vmem>>
    %dma_wait3A_124 = tpu.memref_squeeze %dma_wait3A_123 : memref<1x8000xi32, #tpu.memory_space<vmem>> -> memref<8000xi32, #tpu.memory_space<vmem>>
    %dma_wait3A_125 = tpu.memref_slice %arg4[%add3A_102] : memref<6400000xi32, #tpu.memory_space<hbm>> -> memref<8000xi32, #tpu.memory_space<hbm>>
    tpu.wait_dma2 semaphore(%dma_wait3A_121 : memref<!tpu.dma_semaphore, #tpu.memory_space<semaphore_mem>>) src(%dma_wait3A_125 : memref<8000xi32, #tpu.memory_space<hbm>>) dst(%dma_wait3A_124 : memref<8000xi32, #tpu.memory_space<vmem>>)
    %scan3A_126 = arith.constant 0 : i32
    %scan3A_127 = arith.constant 0 : i32
    %scan3A_128 = arith.constant 496 : i32
    %scan3A_129 = arith.addi %scan3A_127, %scan3A_128 : i32
    %scan3A_130 = arith.constant 8 : i32
    scf.for %scan3A_1470 = %scan3A_127 to %scan3A_129 step %scan3A_130  : i32 {
      %mul3A_1471 = arith.constant 16 : i32
      %mul3A_1472 = arith.muli %scan3A_1470, %mul3A_1471 : i32
      %get3A_1473 = arith.constant 0 : i32
      %get3A_1474 = arith.index_cast %get3A_1473 : i32 to index
      %get3A_1475 = arith.index_cast %mul3A_1472 : i32 to index
      %get3A_1476 = tpu.vector_load %arg7[%get3A_1474, %get3A_1475] {strides = array<i32>} : memref<5x8000xi32, #tpu.memory_space<vmem>>, vector<16xi32>,
      %gather3A_1477 = tpu.vector_load_idx %arg6[%get3A_1476] : memref<128xf32, #tpu.memory_space<vmem>>[vector<16xi32>], vector<16xf32>,
      %mul3A_1478 = arith.constant 16 : i32
      %mul3A_1479 = arith.muli %scan3A_1470, %mul3A_1478 : i32
      %swap3A_1480 = arith.constant 0 : i32
      %swap3A_1481 = arith.index_cast %swap3A_1480 : i32 to index
      %swap3A_1482 = arith.index_cast %mul3A_1479 : i32 to index
      %swap3A_1483 = tpu.vector_load %arg9[%swap3A_1481, %swap3A_1482] {strides = array<i32>} : memref<5x8000xf32, #tpu.memory_space<vmem>>, vector<16xf32>,
      tpu.vector_store %arg9[%swap3A_1481, %swap3A_1482], %gather3A_1477 {strides = array<i32>} : memref<5x8000xf32, #tpu.memory_space<vmem>>, vector<16xf32>,
      %scan3A_1484 = arith.constant 1 : i32
      %scan3A_1485 = arith.addi %scan3A_1470, %scan3A_1484 : i32
      %mul3A_1486 = arith.constant 16 : i32
      %mul3A_1487 = arith.muli %scan3A_1485, %mul3A_1486 : i32
      %get3A_1488 = arith.constant 0 : i32
      %get3A_1489 = arith.index_cast %get3A_1488 : i32 to index
      %get3A_1490 = arith.index_cast %mul3A_1487 : i32 to index
      %get3A_1491 = tpu.vector_load %arg7[%get3A_1489, %get3A_1490] {strides = array<i32>} : memref<5x8000xi32, #tpu.memory_space<vmem>>, vector<16xi32>,
      %gather3A_1492 = tpu.vector_load_idx %arg6[%get3A_1491] : memref<128xf32, #tpu.memory_space<vmem>>[vector<16xi32>], vector<16xf32>,
      %mul3A_1493 = arith.constant 16 : i32
      %mul3A_1494 = arith.muli %scan3A_1485, %mul3A_1493 : i32
      %swap3A_1495 = arith.constant 0 : i32
      %swap3A_1496 = arith.index_cast %swap3A_1495 : i32 to index
      %swap3A_1497 = arith.index_cast %mul3A_1494 : i32 to index
      %swap3A_1498 = tpu.vector_load %arg9[%swap3A_1496, %swap3A_1497] {strides = array<i32>} : memref<5x8000xf32, #tpu.memory_space<vmem>>, vector<16xf32>,
      tpu.vector_store %arg9[%swap3A_1496, %swap3A_1497], %gather3A_1492 {strides = array<i32>} : memref<5x8000xf32, #tpu.memory_space<vmem>>, vector<16xf32>,
      %scan3A_1499 = arith.constant 2 : i32
      %scan3A_1500 = arith.addi %scan3A_1470, %scan3A_1499 : i32
      %mul3A_1501 = arith.constant 16 : i32
      %mul3A_1502 = arith.muli %scan3A_1500, %mul3A_1501 : i32
      %get3A_1503 = arith.constant 0 : i32
      %get3A_1504 = arith.index_cast %get3A_1503 : i32 to index
      %get3A_1505 = arith.index_cast %mul3A_1502 : i32 to index
      %get3A_1506 = tpu.vector_load %arg7[%get3A_1504, %get3A_1505] {strides = array<i32>} : memref<5x8000xi32, #tpu.memory_space<vmem>>, vector<16xi32>,
      %gather3A_1507 = tpu.vector_load_idx %arg6[%get3A_1506] : memref<128xf32, #tpu.memory_space<vmem>>[vector<16xi32>], vector<16xf32>,
      %mul3A_1508 = arith.constant 16 : i32
      %mul3A_1509 = arith.muli %scan3A_1500, %mul3A_1508 : i32
      %swap3A_1510 = arith.constant 0 : i32
      %swap3A_1511 = arith.index_cast %swap3A_1510 : i32 to index
      %swap3A_1512 = arith.index_cast %mul3A_1509 : i32 to index
      %swap3A_1513 = tpu.vector_load %arg9[%swap3A_1511, %swap3A_1512] {strides = array<i32>} : memref<5x8000xf32, #tpu.memory_space<vmem>>, vector<16xf32>,
      tpu.vector_store %arg9[%swap3A_1511, %swap3A_1512], %gather3A_1507 {strides = array<i32>} : memref<5x8000xf32, #tpu.memory_space<vmem>>, vector<16xf32>,
      %scan3A_1514 = arith.constant 3 : i32
      %scan3A_1515 = arith.addi %scan3A_1470, %scan3A_1514 : i32
      %mul3A_1516 = arith.constant 16 : i32
      %mul3A_1517 = arith.muli %scan3A_1515, %mul3A_1516 : i32
      %get3A_1518 = arith.constant 0 : i32
      %get3A_1519 = arith.index_cast %get3A_1518 : i32 to index
      %get3A_1520 = arith.index_cast %mul3A_1517 : i32 to index
      %get3A_1521 = tpu.vector_load %arg7[%get3A_1519, %get3A_1520] {strides = array<i32>} : memref<5x8000xi32, #tpu.memory_space<vmem>>, vector<16xi32>,
      %gather3A_1522 = tpu.vector_load_idx %arg6[%get3A_1521] : memref<128xf32, #tpu.memory_space<vmem>>[vector<16xi32>], vector<16xf32>,
      %mul3A_1523 = arith.constant 16 : i32
      %mul3A_1524 = arith.muli %scan3A_1515, %mul3A_1523 : i32
      %swap3A_1525 = arith.constant 0 : i32
      %swap3A_1526 = arith.index_cast %swap3A_1525 : i32 to index
      %swap3A_1527 = arith.index_cast %mul3A_1524 : i32 to index
      %swap3A_1528 = tpu.vector_load %arg9[%swap3A_1526, %swap3A_1527] {strides = array<i32>} : memref<5x8000xf32, #tpu.memory_space<vmem>>, vector<16xf32>,
      tpu.vector_store %arg9[%swap3A_1526, %swap3A_1527], %gather3A_1522 {strides = array<i32>} : memref<5x8000xf32, #tpu.memory_space<vmem>>, vector<16xf32>,
      %scan3A_1529 = arith.constant 4 : i32
      %scan3A_1530 = arith.addi %scan3A_1470, %scan3A_1529 : i32
      %mul3A_1531 = arith.constant 16 : i32
      %mul3A_1532 = arith.muli %scan3A_1530, %mul3A_1531 : i32
      %get3A_1533 = arith.constant 0 : i32
      %get3A_1534 = arith.index_cast %get3A_1533 : i32 to index
      %get3A_1535 = arith.index_cast %mul3A_1532 : i32 to index
      %get3A_1536 = tpu.vector_load %arg7[%get3A_1534, %get3A_1535] {strides = array<i32>} : memref<5x8000xi32, #tpu.memory_space<vmem>>, vector<16xi32>,
      %gather3A_1537 = tpu.vector_load_idx %arg6[%get3A_1536] : memref<128xf32, #tpu.memory_space<vmem>>[vector<16xi32>], vector<16xf32>,
      %mul3A_1538 = arith.constant 16 : i32
      %mul3A_1539 = arith.muli %scan3A_1530, %mul3A_1538 : i32
      %swap3A_1540 = arith.constant 0 : i32
      %swap3A_1541 = arith.index_cast %swap3A_1540 : i32 to index
      %swap3A_1542 = arith.index_cast %mul3A_1539 : i32 to index
      %swap3A_1543 = tpu.vector_load %arg9[%swap3A_1541, %swap3A_1542] {strides = array<i32>} : memref<5x8000xf32, #tpu.memory_space<vmem>>, vector<16xf32>,
      tpu.vector_store %arg9[%swap3A_1541, %swap3A_1542], %gather3A_1537 {strides = array<i32>} : memref<5x8000xf32, #tpu.memory_space<vmem>>, vector<16xf32>,
      %scan3A_1544 = arith.constant 5 : i32
      %scan3A_1545 = arith.addi %scan3A_1470, %scan3A_1544 : i32
      %mul3A_1546 = arith.constant 16 : i32
      %mul3A_1547 = arith.muli %scan3A_1545, %mul3A_1546 : i32
      %get3A_1548 = arith.constant 0 : i32
      %get3A_1549 = arith.index_cast %get3A_1548 : i32 to index
      %get3A_1550 = arith.index_cast %mul3A_1547 : i32 to index
      %get3A_1551 = tpu.vector_load %arg7[%get3A_1549, %get3A_1550] {strides = array<i32>} : memref<5x8000xi32, #tpu.memory_space<vmem>>, vector<16xi32>,
      %gather3A_1552 = tpu.vector_load_idx %arg6[%get3A_1551] : memref<128xf32, #tpu.memory_space<vmem>>[vector<16xi32>], vector<16xf32>,
      %mul3A_1553 = arith.constant 16 : i32
      %mul3A_1554 = arith.muli %scan3A_1545, %mul3A_1553 : i32
      %swap3A_1555 = arith.constant 0 : i32
      %swap3A_1556 = arith.index_cast %swap3A_1555 : i32 to index
      %swap3A_1557 = arith.index_cast %mul3A_1554 : i32 to index
      %swap3A_1558 = tpu.vector_load %arg9[%swap3A_1556, %swap3A_1557] {strides = array<i32>} : memref<5x8000xf32, #tpu.memory_space<vmem>>, vector<16xf32>,
      tpu.vector_store %arg9[%swap3A_1556, %swap3A_1557], %gather3A_1552 {strides = array<i32>} : memref<5x8000xf32, #tpu.memory_space<vmem>>, vector<16xf32>,
      %scan3A_1559 = arith.constant 6 : i32
      %scan3A_1560 = arith.addi %scan3A_1470, %scan3A_1559 : i32
      %mul3A_1561 = arith.constant 16 : i32
      %mul3A_1562 = arith.muli %scan3A_1560, %mul3A_1561 : i32
      %get3A_1563 = arith.constant 0 : i32
      %get3A_1564 = arith.index_cast %get3A_1563 : i32 to index
      %get3A_1565 = arith.index_cast %mul3A_1562 : i32 to index
      %get3A_1566 = tpu.vector_load %arg7[%get3A_1564, %get3A_1565] {strides = array<i32>} : memref<5x8000xi32, #tpu.memory_space<vmem>>, vector<16xi32>,
      %gather3A_1567 = tpu.vector_load_idx %arg6[%get3A_1566] : memref<128xf32, #tpu.memory_space<vmem>>[vector<16xi32>], vector<16xf32>,
      %mul3A_1568 = arith.constant 16 : i32
      %mul3A_1569 = arith.muli %scan3A_1560, %mul3A_1568 : i32
      %swap3A_1570 = arith.constant 0 : i32
      %swap3A_1571 = arith.index_cast %swap3A_1570 : i32 to index
      %swap3A_1572 = arith.index_cast %mul3A_1569 : i32 to index
      %swap3A_1573 = tpu.vector_load %arg9[%swap3A_1571, %swap3A_1572] {strides = array<i32>} : memref<5x8000xf32, #tpu.memory_space<vmem>>, vector<16xf32>,
      tpu.vector_store %arg9[%swap3A_1571, %swap3A_1572], %gather3A_1567 {strides = array<i32>} : memref<5x8000xf32, #tpu.memory_space<vmem>>, vector<16xf32>,
      %scan3A_1574 = arith.constant 7 : i32
      %scan3A_1575 = arith.addi %scan3A_1470, %scan3A_1574 : i32
      %mul3A_1576 = arith.constant 16 : i32
      %mul3A_1577 = arith.muli %scan3A_1575, %mul3A_1576 : i32
      %get3A_1578 = arith.constant 0 : i32
      %get3A_1579 = arith.index_cast %get3A_1578 : i32 to index
      %get3A_1580 = arith.index_cast %mul3A_1577 : i32 to index
      %get3A_1581 = tpu.vector_load %arg7[%get3A_1579, %get3A_1580] {strides = array<i32>} : memref<5x8000xi32, #tpu.memory_space<vmem>>, vector<16xi32>,
      %gather3A_1582 = tpu.vector_load_idx %arg6[%get3A_1581] : memref<128xf32, #tpu.memory_space<vmem>>[vector<16xi32>], vector<16xf32>,
      %mul3A_1583 = arith.constant 16 : i32
      %mul3A_1584 = arith.muli %scan3A_1575, %mul3A_1583 : i32
      %swap3A_1585 = arith.constant 0 : i32
      %swap3A_1586 = arith.index_cast %swap3A_1585 : i32 to index
      %swap3A_1587 = arith.index_cast %mul3A_1584 : i32 to index
      %swap3A_1588 = tpu.vector_load %arg9[%swap3A_1586, %swap3A_1587] {strides = array<i32>} : memref<5x8000xf32, #tpu.memory_space<vmem>>, vector<16xf32>,
      tpu.vector_store %arg9[%swap3A_1586, %swap3A_1587], %gather3A_1582 {strides = array<i32>} : memref<5x8000xf32, #tpu.memory_space<vmem>>, vector<16xf32>,
    }
    %scan3A_131 = arith.constant 496 : i32
    %scan3A_132 = arith.addi %scan3A_127, %scan3A_131 : i32
    %mul3A_133 = arith.constant 16 : i32
    %mul3A_134 = arith.muli %scan3A_132, %mul3A_133 : i32
    %get3A = arith.constant 0 : i32
    %get3A_135 = arith.index_cast %get3A : i32 to index
    %get3A_136 = arith.index_cast %mul3A_134 : i32 to index
    %get3A_137 = tpu.vector_load %arg7[%get3A_135, %get3A_136] {strides = array<i32>} : memref<5x8000xi32, #tpu.memory_space<vmem>>, vector<16xi32>,
    %gather3A = tpu.vector_load_idx %arg6[%get3A_137] : memref<128xf32, #tpu.memory_space<vmem>>[vector<16xi32>], vector<16xf32>,
    %mul3A_138 = arith.constant 16 : i32
    %mul3A_139 = arith.muli %scan3A_132, %mul3A_138 : i32
    %swap3A = arith.constant 0 : i32
    %swap3A_140 = arith.index_cast %swap3A : i32 to index
    %swap3A_141 = arith.index_cast %mul3A_139 : i32 to index
    %swap3A_142 = tpu.vector_load %arg9[%swap3A_140, %swap3A_141] {strides = array<i32>} : memref<5x8000xf32, #tpu.memory_space<vmem>>, vector<16xf32>,
    tpu.vector_store %arg9[%swap3A_140, %swap3A_141], %gather3A {strides = array<i32>} : memref<5x8000xf32, #tpu.memory_space<vmem>>, vector<16xf32>,
    %scan3A_143 = arith.constant 497 : i32
    %scan3A_144 = arith.addi %scan3A_127, %scan3A_143 : i32
    %mul3A_145 = arith.constant 16 : i32
    %mul3A_146 = arith.muli %scan3A_144, %mul3A_145 : i32
    %get3A_147 = arith.constant 0 : i32
    %get3A_148 = arith.index_cast %get3A_147 : i32 to index
    %get3A_149 = arith.index_cast %mul3A_146 : i32 to index
    %get3A_150 = tpu.vector_load %arg7[%get3A_148, %get3A_149] {strides = array<i32>} : memref<5x8000xi32, #tpu.memory_space<vmem>>, vector<16xi32>,
    %gather3A_151 = tpu.vector_load_idx %arg6[%get3A_150] : memref<128xf32, #tpu.memory_space<vmem>>[vector<16xi32>], vector<16xf32>,
    %mul3A_152 = arith.constant 16 : i32
    %mul3A_153 = arith.muli %scan3A_144, %mul3A_152 : i32
    %swap3A_154 = arith.constant 0 : i32
    %swap3A_155 = arith.index_cast %swap3A_154 : i32 to index
    %swap3A_156 = arith.index_cast %mul3A_153 : i32 to index
    %swap3A_157 = tpu.vector_load %arg9[%swap3A_155, %swap3A_156] {strides = array<i32>} : memref<5x8000xf32, #tpu.memory_space<vmem>>, vector<16xf32>,
    tpu.vector_store %arg9[%swap3A_155, %swap3A_156], %gather3A_151 {strides = array<i32>} : memref<5x8000xf32, #tpu.memory_space<vmem>>, vector<16xf32>,
    %scan3A_158 = arith.constant 498 : i32
    %scan3A_159 = arith.addi %scan3A_127, %scan3A_158 : i32
    %mul3A_160 = arith.constant 16 : i32
    %mul3A_161 = arith.muli %scan3A_159, %mul3A_160 : i32
    %get3A_162 = arith.constant 0 : i32
    %get3A_163 = arith.index_cast %get3A_162 : i32 to index
    %get3A_164 = arith.index_cast %mul3A_161 : i32 to index
    %get3A_165 = tpu.vector_load %arg7[%get3A_163, %get3A_164] {strides = array<i32>} : memref<5x8000xi32, #tpu.memory_space<vmem>>, vector<16xi32>,
    %gather3A_166 = tpu.vector_load_idx %arg6[%get3A_165] : memref<128xf32, #tpu.memory_space<vmem>>[vector<16xi32>], vector<16xf32>,
    %mul3A_167 = arith.constant 16 : i32
    %mul3A_168 = arith.muli %scan3A_159, %mul3A_167 : i32
    %swap3A_169 = arith.constant 0 : i32
    %swap3A_170 = arith.index_cast %swap3A_169 : i32 to index
    %swap3A_171 = arith.index_cast %mul3A_168 : i32 to index
    %swap3A_172 = tpu.vector_load %arg9[%swap3A_170, %swap3A_171] {strides = array<i32>} : memref<5x8000xf32, #tpu.memory_space<vmem>>, vector<16xf32>,
    tpu.vector_store %arg9[%swap3A_170, %swap3A_171], %gather3A_166 {strides = array<i32>} : memref<5x8000xf32, #tpu.memory_space<vmem>>, vector<16xf32>,
    %scan3A_173 = arith.constant 499 : i32
    %scan3A_174 = arith.addi %scan3A_127, %scan3A_173 : i32
    %mul3A_175 = arith.constant 16 : i32
    %mul3A_176 = arith.muli %scan3A_174, %mul3A_175 : i32
    %get3A_177 = arith.constant 0 : i32
    %get3A_178 = arith.index_cast %get3A_177 : i32 to index
    %get3A_179 = arith.index_cast %mul3A_176 : i32 to index
    %get3A_180 = tpu.vector_load %arg7[%get3A_178, %get3A_179] {strides = array<i32>} : memref<5x8000xi32, #tpu.memory_space<vmem>>, vector<16xi32>,
    %gather3A_181 = tpu.vector_load_idx %arg6[%get3A_180] : memref<128xf32, #tpu.memory_space<vmem>>[vector<16xi32>], vector<16xf32>,
    %mul3A_182 = arith.constant 16 : i32
    %mul3A_183 = arith.muli %scan3A_174, %mul3A_182 : i32
    %swap3A_184 = arith.constant 0 : i32
    %swap3A_185 = arith.index_cast %swap3A_184 : i32 to index
    %swap3A_186 = arith.index_cast %mul3A_183 : i32 to index
    %swap3A_187 = tpu.vector_load %arg9[%swap3A_185, %swap3A_186] {strides = array<i32>} : memref<5x8000xf32, #tpu.memory_space<vmem>>, vector<16xf32>,
    tpu.vector_store %arg9[%swap3A_185, %swap3A_186], %gather3A_181 {strides = array<i32>} : memref<5x8000xf32, #tpu.memory_space<vmem>>, vector<16xf32>,
    %scan3A_188 = arith.constant 500 : i32
    %dma_start3A_189 = arith.constant 0 : i32
    %dma_start3A_190 = arith.constant 0 : i32
    %dma_start3A_191 = arith.constant 0 : i32
    %dma_start3A_192 = arith.constant 0 : i32
    %dma_start3A_193 = tpu.memref_slice %arg9[%dma_start3A_189, %dma_start3A_192] : memref<5x8000xf32, #tpu.memory_space<vmem>> -> memref<1x8000xf32, #tpu.memory_space<vmem>>
    %dma_start3A_194 = tpu.memref_squeeze %dma_start3A_193 : memref<1x8000xf32, #tpu.memory_space<vmem>> -> memref<8000xf32, #tpu.memory_space<vmem>>
    %dma_start3A_195 = arith.constant 0 : i32
    %dma_start3A_196 = tpu.memref_slice %arg8[%dma_start3A_190, %dma_start3A_195] : memref<5x8000xi32, #tpu.memory_space<vmem>> -> memref<1x8000xi32, #tpu.memory_space<vmem>>
    %dma_start3A_197 = tpu.memref_squeeze %dma_start3A_196 : memref<1x8000xi32, #tpu.memory_space<vmem>> -> memref<8000xi32, #tpu.memory_space<vmem>>
    %dma_start3A_198 = arith.constant 0 : i32
    %dma_start3A_199 = tpu.memref_slice %arg11[%dma_start3A_198] : memref<102400xf32, #tpu.memory_space<vmem_shared>> -> memref<102400xf32, #tpu.memory_space<vmem_shared>>
    %dma_start3A_200 = tpu.memref_slice %arg13[%dma_start3A_191] : memref<5x!tpu.dma_semaphore, #tpu.memory_space<semaphore_mem>> -> memref<1x!tpu.dma_semaphore, #tpu.memory_space<semaphore_mem>>
    %dma_start3A_201 = tpu.memref_squeeze %dma_start3A_200 : memref<1x!tpu.dma_semaphore, #tpu.memory_space<semaphore_mem>> -> memref<!tpu.dma_semaphore, #tpu.memory_space<semaphore_mem>>
    tpu.enqueue_indirect_dma source(%dma_start3A_194 : memref<8000xf32, #tpu.memory_space<vmem>>) target(%dma_start3A_199 : memref<102400xf32, #tpu.memory_space<vmem_shared>>) offsets(%dma_start3A_197 : memref<8000xi32, #tpu.memory_space<vmem>>) semaphore(%dma_start3A_201 : memref<!tpu.dma_semaphore, #tpu.memory_space<semaphore_mem>>) {add = true}
    %add3A_202 = arith.constant 24000 : i32
    %add3A_203 = arith.addi %mul3A_2, %add3A_202 : i32
    %dma_start3A_204 = arith.constant 3 : i32
    %dma_start3A_205 = arith.constant 3 : i32
    %dma_start3A_206 = arith.constant 0 : i32
    %dma_start3A_207 = tpu.memref_slice %arg7[%dma_start3A_204, %dma_start3A_206] : memref<5x8000xi32, #tpu.memory_space<vmem>> -> memref<1x8000xi32, #tpu.memory_space<vmem>>
    %dma_start3A_208 = tpu.memref_squeeze %dma_start3A_207 : memref<1x8000xi32, #tpu.memory_space<vmem>> -> memref<8000xi32, #tpu.memory_space<vmem>>
    %dma_start3A_209 = tpu.memref_slice %arg3[%add3A_203] : memref<6400000xi32, #tpu.memory_space<hbm>> -> memref<8000xi32, #tpu.memory_space<hbm>>
    %dma_start3A_210 = tpu.memref_slice %arg12[%dma_start3A_205] : memref<5x!tpu.dma_semaphore, #tpu.memory_space<semaphore_mem>> -> memref<1x!tpu.dma_semaphore, #tpu.memory_space<semaphore_mem>>
    %dma_start3A_211 = tpu.memref_squeeze %dma_start3A_210 : memref<1x!tpu.dma_semaphore, #tpu.memory_space<semaphore_mem>> -> memref<!tpu.dma_semaphore, #tpu.memory_space<semaphore_mem>>
    %dma_start3A_212 = arith.constant 0 : i32
    %dma_start3A_213 = tpu.memref_slice %arg7[%dma_start3A_204, %dma_start3A_212] : memref<5x8000xi32, #tpu.memory_space<vmem>> -> memref<1x8000xi32, #tpu.memory_space<vmem>>
    %dma_start3A_214 = tpu.memref_squeeze %dma_start3A_213 : memref<1x8000xi32, #tpu.memory_space<vmem>> -> memref<8000xi32, #tpu.memory_space<vmem>>
    %dma_start3A_215 = tpu.memref_slice %arg3[%add3A_203] : memref<6400000xi32, #tpu.memory_space<hbm>> -> memref<8000xi32, #tpu.memory_space<hbm>>
    tpu.enqueue_dma source(%dma_start3A_215 : memref<8000xi32, #tpu.memory_space<hbm>>) target(%dma_start3A_214 : memref<8000xi32, #tpu.memory_space<vmem>>) target_semaphore(%dma_start3A_211 : memref<!tpu.dma_semaphore, #tpu.memory_space<semaphore_mem>>)
    %dma_start3A_216 = arith.constant 3 : i32
    %dma_start3A_217 = arith.constant 3 : i32
    %dma_start3A_218 = arith.constant 0 : i32
    %dma_start3A_219 = tpu.memref_slice %arg8[%dma_start3A_216, %dma_start3A_218] : memref<5x8000xi32, #tpu.memory_space<vmem>> -> memref<1x8000xi32, #tpu.memory_space<vmem>>
    %dma_start3A_220 = tpu.memref_squeeze %dma_start3A_219 : memref<1x8000xi32, #tpu.memory_space<vmem>> -> memref<8000xi32, #tpu.memory_space<vmem>>
    %dma_start3A_221 = tpu.memref_slice %arg4[%add3A_203] : memref<6400000xi32, #tpu.memory_space<hbm>> -> memref<8000xi32, #tpu.memory_space<hbm>>
    %dma_start3A_222 = tpu.memref_slice %arg12[%dma_start3A_217] : memref<5x!tpu.dma_semaphore, #tpu.memory_space<semaphore_mem>> -> memref<1x!tpu.dma_semaphore, #tpu.memory_space<semaphore_mem>>
    %dma_start3A_223 = tpu.memref_squeeze %dma_start3A_222 : memref<1x!tpu.dma_semaphore, #tpu.memory_space<semaphore_mem>> -> memref<!tpu.dma_semaphore, #tpu.memory_space<semaphore_mem>>
    %dma_start3A_224 = arith.constant 0 : i32
    %dma_start3A_225 = tpu.memref_slice %arg8[%dma_start3A_216, %dma_start3A_224] : memref<5x8000xi32, #tpu.memory_space<vmem>> -> memref<1x8000xi32, #tpu.memory_space<vmem>>
    %dma_start3A_226 = tpu.memref_squeeze %dma_start3A_225 : memref<1x8000xi32, #tpu.memory_space<vmem>> -> memref<8000xi32, #tpu.memory_space<vmem>>
    %dma_start3A_227 = tpu.memref_slice %arg4[%add3A_203] : memref<6400000xi32, #tpu.memory_space<hbm>> -> memref<8000xi32, #tpu.memory_space<hbm>>
    tpu.enqueue_dma source(%dma_start3A_227 : memref<8000xi32, #tpu.memory_space<hbm>>) target(%dma_start3A_226 : memref<8000xi32, #tpu.memory_space<vmem>>) target_semaphore(%dma_start3A_223 : memref<!tpu.dma_semaphore, #tpu.memory_space<semaphore_mem>>)
    %add3A_228 = arith.constant 8000 : i32
    %add3A_229 = arith.addi %mul3A_2, %add3A_228 : i32
    %dma_wait3A_230 = arith.constant 1 : i32
    %dma_wait3A_231 = arith.constant 1 : i32
    %dma_wait3A_232 = arith.constant 0 : i32
    %dma_wait3A_233 = tpu.memref_slice %arg7[%dma_wait3A_230, %dma_wait3A_232] : memref<5x8000xi32, #tpu.memory_space<vmem>> -> memref<1x8000xi32, #tpu.memory_space<vmem>>
    %dma_wait3A_234 = tpu.memref_squeeze %dma_wait3A_233 : memref<1x8000xi32, #tpu.memory_space<vmem>> -> memref<8000xi32, #tpu.memory_space<vmem>>
    %dma_wait3A_235 = tpu.memref_slice %arg3[%add3A_229] : memref<6400000xi32, #tpu.memory_space<hbm>> -> memref<8000xi32, #tpu.memory_space<hbm>>
    %dma_wait3A_236 = tpu.memref_slice %arg12[%dma_wait3A_231] : memref<5x!tpu.dma_semaphore, #tpu.memory_space<semaphore_mem>> -> memref<1x!tpu.dma_semaphore, #tpu.memory_space<semaphore_mem>>
    %dma_wait3A_237 = tpu.memref_squeeze %dma_wait3A_236 : memref<1x!tpu.dma_semaphore, #tpu.memory_space<semaphore_mem>> -> memref<!tpu.dma_semaphore, #tpu.memory_space<semaphore_mem>>
    %dma_wait3A_238 = arith.constant 0 : i32
    %dma_wait3A_239 = tpu.memref_slice %arg7[%dma_wait3A_230, %dma_wait3A_238] : memref<5x8000xi32, #tpu.memory_space<vmem>> -> memref<1x8000xi32, #tpu.memory_space<vmem>>
    %dma_wait3A_240 = tpu.memref_squeeze %dma_wait3A_239 : memref<1x8000xi32, #tpu.memory_space<vmem>> -> memref<8000xi32, #tpu.memory_space<vmem>>
    %dma_wait3A_241 = tpu.memref_slice %arg3[%add3A_229] : memref<6400000xi32, #tpu.memory_space<hbm>> -> memref<8000xi32, #tpu.memory_space<hbm>>
    tpu.wait_dma2 semaphore(%dma_wait3A_237 : memref<!tpu.dma_semaphore, #tpu.memory_space<semaphore_mem>>) src(%dma_wait3A_241 : memref<8000xi32, #tpu.memory_space<hbm>>) dst(%dma_wait3A_240 : memref<8000xi32, #tpu.memory_space<vmem>>)
    %dma_wait3A_242 = arith.constant 1 : i32
    %dma_wait3A_243 = arith.constant 1 : i32
    %dma_wait3A_244 = arith.constant 0 : i32
    %dma_wait3A_245 = tpu.memref_slice %arg8[%dma_wait3A_242, %dma_wait3A_244] : memref<5x8000xi32, #tpu.memory_space<vmem>> -> memref<1x8000xi32, #tpu.memory_space<vmem>>
    %dma_wait3A_246 = tpu.memref_squeeze %dma_wait3A_245 : memref<1x8000xi32, #tpu.memory_space<vmem>> -> memref<8000xi32, #tpu.memory_space<vmem>>
    %dma_wait3A_247 = tpu.memref_slice %arg4[%add3A_229] : memref<6400000xi32, #tpu.memory_space<hbm>> -> memref<8000xi32, #tpu.memory_space<hbm>>
    %dma_wait3A_248 = tpu.memref_slice %arg12[%dma_wait3A_243] : memref<5x!tpu.dma_semaphore, #tpu.memory_space<semaphore_mem>> -> memref<1x!tpu.dma_semaphore, #tpu.memory_space<semaphore_mem>>
    %dma_wait3A_249 = tpu.memref_squeeze %dma_wait3A_248 : memref<1x!tpu.dma_semaphore, #tpu.memory_space<semaphore_mem>> -> memref<!tpu.dma_semaphore, #tpu.memory_space<semaphore_mem>>
    %dma_wait3A_250 = arith.constant 0 : i32
    %dma_wait3A_251 = tpu.memref_slice %arg8[%dma_wait3A_242, %dma_wait3A_250] : memref<5x8000xi32, #tpu.memory_space<vmem>> -> memref<1x8000xi32, #tpu.memory_space<vmem>>
    %dma_wait3A_252 = tpu.memref_squeeze %dma_wait3A_251 : memref<1x8000xi32, #tpu.memory_space<vmem>> -> memref<8000xi32, #tpu.memory_space<vmem>>
    %dma_wait3A_253 = tpu.memref_slice %arg4[%add3A_229] : memref<6400000xi32, #tpu.memory_space<hbm>> -> memref<8000xi32, #tpu.memory_space<hbm>>
    tpu.wait_dma2 semaphore(%dma_wait3A_249 : memref<!tpu.dma_semaphore, #tpu.memory_space<semaphore_mem>>) src(%dma_wait3A_253 : memref<8000xi32, #tpu.memory_space<hbm>>) dst(%dma_wait3A_252 : memref<8000xi32, #tpu.memory_space<vmem>>)
    %scan3A_254 = arith.constant 0 : i32
    %scan3A_255 = arith.constant 0 : i32
    %scan3A_256 = arith.constant 496 : i32
    %scan3A_257 = arith.addi %scan3A_255, %scan3A_256 : i32
    %scan3A_258 = arith.constant 8 : i32
    scf.for %scan3A_1470 = %scan3A_255 to %scan3A_257 step %scan3A_258  : i32 {
      %mul3A_1471 = arith.constant 16 : i32
      %mul3A_1472 = arith.muli %scan3A_1470, %mul3A_1471 : i32
      %get3A_1473 = arith.constant 1 : i32
      %get3A_1474 = arith.index_cast %get3A_1473 : i32 to index
      %get3A_1475 = arith.index_cast %mul3A_1472 : i32 to index
      %get3A_1476 = tpu.vector_load %arg7[%get3A_1474, %get3A_1475] {strides = array<i32>} : memref<5x8000xi32, #tpu.memory_space<vmem>>, vector<16xi32>,
      %gather3A_1477 = tpu.vector_load_idx %arg6[%get3A_1476] : memref<128xf32, #tpu.memory_space<vmem>>[vector<16xi32>], vector<16xf32>,
      %mul3A_1478 = arith.constant 16 : i32
      %mul3A_1479 = arith.muli %scan3A_1470, %mul3A_1478 : i32
      %swap3A_1480 = arith.constant 1 : i32
      %swap3A_1481 = arith.index_cast %swap3A_1480 : i32 to index
      %swap3A_1482 = arith.index_cast %mul3A_1479 : i32 to index
      %swap3A_1483 = tpu.vector_load %arg9[%swap3A_1481, %swap3A_1482] {strides = array<i32>} : memref<5x8000xf32, #tpu.memory_space<vmem>>, vector<16xf32>,
      tpu.vector_store %arg9[%swap3A_1481, %swap3A_1482], %gather3A_1477 {strides = array<i32>} : memref<5x8000xf32, #tpu.memory_space<vmem>>, vector<16xf32>,
      %scan3A_1484 = arith.constant 1 : i32
      %scan3A_1485 = arith.addi %scan3A_1470, %scan3A_1484 : i32
      %mul3A_1486 = arith.constant 16 : i32
      %mul3A_1487 = arith.muli %scan3A_1485, %mul3A_1486 : i32
      %get3A_1488 = arith.constant 1 : i32
      %get3A_1489 = arith.index_cast %get3A_1488 : i32 to index
      %get3A_1490 = arith.index_cast %mul3A_1487 : i32 to index
      %get3A_1491 = tpu.vector_load %arg7[%get3A_1489, %get3A_1490] {strides = array<i32>} : memref<5x8000xi32, #tpu.memory_space<vmem>>, vector<16xi32>,
      %gather3A_1492 = tpu.vector_load_idx %arg6[%get3A_1491] : memref<128xf32, #tpu.memory_space<vmem>>[vector<16xi32>], vector<16xf32>,
      %mul3A_1493 = arith.constant 16 : i32
      %mul3A_1494 = arith.muli %scan3A_1485, %mul3A_1493 : i32
      %swap3A_1495 = arith.constant 1 : i32
      %swap3A_1496 = arith.index_cast %swap3A_1495 : i32 to index
      %swap3A_1497 = arith.index_cast %mul3A_1494 : i32 to index
      %swap3A_1498 = tpu.vector_load %arg9[%swap3A_1496, %swap3A_1497] {strides = array<i32>} : memref<5x8000xf32, #tpu.memory_space<vmem>>, vector<16xf32>,
      tpu.vector_store %arg9[%swap3A_1496, %swap3A_1497], %gather3A_1492 {strides = array<i32>} : memref<5x8000xf32, #tpu.memory_space<vmem>>, vector<16xf32>,
      %scan3A_1499 = arith.constant 2 : i32
      %scan3A_1500 = arith.addi %scan3A_1470, %scan3A_1499 : i32
      %mul3A_1501 = arith.constant 16 : i32
      %mul3A_1502 = arith.muli %scan3A_1500, %mul3A_1501 : i32
      %get3A_1503 = arith.constant 1 : i32
      %get3A_1504 = arith.index_cast %get3A_1503 : i32 to index
      %get3A_1505 = arith.index_cast %mul3A_1502 : i32 to index
      %get3A_1506 = tpu.vector_load %arg7[%get3A_1504, %get3A_1505] {strides = array<i32>} : memref<5x8000xi32, #tpu.memory_space<vmem>>, vector<16xi32>,
      %gather3A_1507 = tpu.vector_load_idx %arg6[%get3A_1506] : memref<128xf32, #tpu.memory_space<vmem>>[vector<16xi32>], vector<16xf32>,
      %mul3A_1508 = arith.constant 16 : i32
      %mul3A_1509 = arith.muli %scan3A_1500, %mul3A_1508 : i32
      %swap3A_1510 = arith.constant 1 : i32
      %swap3A_1511 = arith.index_cast %swap3A_1510 : i32 to index
      %swap3A_1512 = arith.index_cast %mul3A_1509 : i32 to index
      %swap3A_1513 = tpu.vector_load %arg9[%swap3A_1511, %swap3A_1512] {strides = array<i32>} : memref<5x8000xf32, #tpu.memory_space<vmem>>, vector<16xf32>,
      tpu.vector_store %arg9[%swap3A_1511, %swap3A_1512], %gather3A_1507 {strides = array<i32>} : memref<5x8000xf32, #tpu.memory_space<vmem>>, vector<16xf32>,
      %scan3A_1514 = arith.constant 3 : i32
      %scan3A_1515 = arith.addi %scan3A_1470, %scan3A_1514 : i32
      %mul3A_1516 = arith.constant 16 : i32
      %mul3A_1517 = arith.muli %scan3A_1515, %mul3A_1516 : i32
      %get3A_1518 = arith.constant 1 : i32
      %get3A_1519 = arith.index_cast %get3A_1518 : i32 to index
      %get3A_1520 = arith.index_cast %mul3A_1517 : i32 to index
      %get3A_1521 = tpu.vector_load %arg7[%get3A_1519, %get3A_1520] {strides = array<i32>} : memref<5x8000xi32, #tpu.memory_space<vmem>>, vector<16xi32>,
      %gather3A_1522 = tpu.vector_load_idx %arg6[%get3A_1521] : memref<128xf32, #tpu.memory_space<vmem>>[vector<16xi32>], vector<16xf32>,
      %mul3A_1523 = arith.constant 16 : i32
      %mul3A_1524 = arith.muli %scan3A_1515, %mul3A_1523 : i32
      %swap3A_1525 = arith.constant 1 : i32
      %swap3A_1526 = arith.index_cast %swap3A_1525 : i32 to index
      %swap3A_1527 = arith.index_cast %mul3A_1524 : i32 to index
      %swap3A_1528 = tpu.vector_load %arg9[%swap3A_1526, %swap3A_1527] {strides = array<i32>} : memref<5x8000xf32, #tpu.memory_space<vmem>>, vector<16xf32>,
      tpu.vector_store %arg9[%swap3A_1526, %swap3A_1527], %gather3A_1522 {strides = array<i32>} : memref<5x8000xf32, #tpu.memory_space<vmem>>, vector<16xf32>,
      %scan3A_1529 = arith.constant 4 : i32
      %scan3A_1530 = arith.addi %scan3A_1470, %scan3A_1529 : i32
      %mul3A_1531 = arith.constant 16 : i32
      %mul3A_1532 = arith.muli %scan3A_1530, %mul3A_1531 : i32
      %get3A_1533 = arith.constant 1 : i32
      %get3A_1534 = arith.index_cast %get3A_1533 : i32 to index
      %get3A_1535 = arith.index_cast %mul3A_1532 : i32 to index
      %get3A_1536 = tpu.vector_load %arg7[%get3A_1534, %get3A_1535] {strides = array<i32>} : memref<5x8000xi32, #tpu.memory_space<vmem>>, vector<16xi32>,
      %gather3A_1537 = tpu.vector_load_idx %arg6[%get3A_1536] : memref<128xf32, #tpu.memory_space<vmem>>[vector<16xi32>], vector<16xf32>,
      %mul3A_1538 = arith.constant 16 : i32
      %mul3A_1539 = arith.muli %scan3A_1530, %mul3A_1538 : i32
      %swap3A_1540 = arith.constant 1 : i32
      %swap3A_1541 = arith.index_cast %swap3A_1540 : i32 to index
      %swap3A_1542 = arith.index_cast %mul3A_1539 : i32 to index
      %swap3A_1543 = tpu.vector_load %arg9[%swap3A_1541, %swap3A_1542] {strides = array<i32>} : memref<5x8000xf32, #tpu.memory_space<vmem>>, vector<16xf32>,
      tpu.vector_store %arg9[%swap3A_1541, %swap3A_1542], %gather3A_1537 {strides = array<i32>} : memref<5x8000xf32, #tpu.memory_space<vmem>>, vector<16xf32>,
      %scan3A_1544 = arith.constant 5 : i32
      %scan3A_1545 = arith.addi %scan3A_1470, %scan3A_1544 : i32
      %mul3A_1546 = arith.constant 16 : i32
      %mul3A_1547 = arith.muli %scan3A_1545, %mul3A_1546 : i32
      %get3A_1548 = arith.constant 1 : i32
      %get3A_1549 = arith.index_cast %get3A_1548 : i32 to index
      %get3A_1550 = arith.index_cast %mul3A_1547 : i32 to index
      %get3A_1551 = tpu.vector_load %arg7[%get3A_1549, %get3A_1550] {strides = array<i32>} : memref<5x8000xi32, #tpu.memory_space<vmem>>, vector<16xi32>,
      %gather3A_1552 = tpu.vector_load_idx %arg6[%get3A_1551] : memref<128xf32, #tpu.memory_space<vmem>>[vector<16xi32>], vector<16xf32>,
      %mul3A_1553 = arith.constant 16 : i32
      %mul3A_1554 = arith.muli %scan3A_1545, %mul3A_1553 : i32
      %swap3A_1555 = arith.constant 1 : i32
      %swap3A_1556 = arith.index_cast %swap3A_1555 : i32 to index
      %swap3A_1557 = arith.index_cast %mul3A_1554 : i32 to index
      %swap3A_1558 = tpu.vector_load %arg9[%swap3A_1556, %swap3A_1557] {strides = array<i32>} : memref<5x8000xf32, #tpu.memory_space<vmem>>, vector<16xf32>,
      tpu.vector_store %arg9[%swap3A_1556, %swap3A_1557], %gather3A_1552 {strides = array<i32>} : memref<5x8000xf32, #tpu.memory_space<vmem>>, vector<16xf32>,
      %scan3A_1559 = arith.constant 6 : i32
      %scan3A_1560 = arith.addi %scan3A_1470, %scan3A_1559 : i32
      %mul3A_1561 = arith.constant 16 : i32
      %mul3A_1562 = arith.muli %scan3A_1560, %mul3A_1561 : i32
      %get3A_1563 = arith.constant 1 : i32
      %get3A_1564 = arith.index_cast %get3A_1563 : i32 to index
      %get3A_1565 = arith.index_cast %mul3A_1562 : i32 to index
      %get3A_1566 = tpu.vector_load %arg7[%get3A_1564, %get3A_1565] {strides = array<i32>} : memref<5x8000xi32, #tpu.memory_space<vmem>>, vector<16xi32>,
      %gather3A_1567 = tpu.vector_load_idx %arg6[%get3A_1566] : memref<128xf32, #tpu.memory_space<vmem>>[vector<16xi32>], vector<16xf32>,
      %mul3A_1568 = arith.constant 16 : i32
      %mul3A_1569 = arith.muli %scan3A_1560, %mul3A_1568 : i32
      %swap3A_1570 = arith.constant 1 : i32
      %swap3A_1571 = arith.index_cast %swap3A_1570 : i32 to index
      %swap3A_1572 = arith.index_cast %mul3A_1569 : i32 to index
      %swap3A_1573 = tpu.vector_load %arg9[%swap3A_1571, %swap3A_1572] {strides = array<i32>} : memref<5x8000xf32, #tpu.memory_space<vmem>>, vector<16xf32>,
      tpu.vector_store %arg9[%swap3A_1571, %swap3A_1572], %gather3A_1567 {strides = array<i32>} : memref<5x8000xf32, #tpu.memory_space<vmem>>, vector<16xf32>,
      %scan3A_1574 = arith.constant 7 : i32
      %scan3A_1575 = arith.addi %scan3A_1470, %scan3A_1574 : i32
      %mul3A_1576 = arith.constant 16 : i32
      %mul3A_1577 = arith.muli %scan3A_1575, %mul3A_1576 : i32
      %get3A_1578 = arith.constant 1 : i32
      %get3A_1579 = arith.index_cast %get3A_1578 : i32 to index
      %get3A_1580 = arith.index_cast %mul3A_1577 : i32 to index
      %get3A_1581 = tpu.vector_load %arg7[%get3A_1579, %get3A_1580] {strides = array<i32>} : memref<5x8000xi32, #tpu.memory_space<vmem>>, vector<16xi32>,
      %gather3A_1582 = tpu.vector_load_idx %arg6[%get3A_1581] : memref<128xf32, #tpu.memory_space<vmem>>[vector<16xi32>], vector<16xf32>,
      %mul3A_1583 = arith.constant 16 : i32
      %mul3A_1584 = arith.muli %scan3A_1575, %mul3A_1583 : i32
      %swap3A_1585 = arith.constant 1 : i32
      %swap3A_1586 = arith.index_cast %swap3A_1585 : i32 to index
      %swap3A_1587 = arith.index_cast %mul3A_1584 : i32 to index
      %swap3A_1588 = tpu.vector_load %arg9[%swap3A_1586, %swap3A_1587] {strides = array<i32>} : memref<5x8000xf32, #tpu.memory_space<vmem>>, vector<16xf32>,
      tpu.vector_store %arg9[%swap3A_1586, %swap3A_1587], %gather3A_1582 {strides = array<i32>} : memref<5x8000xf32, #tpu.memory_space<vmem>>, vector<16xf32>,
    }
    %scan3A_259 = arith.constant 496 : i32
    %scan3A_260 = arith.addi %scan3A_255, %scan3A_259 : i32
    %mul3A_261 = arith.constant 16 : i32
    %mul3A_262 = arith.muli %scan3A_260, %mul3A_261 : i32
    %get3A_263 = arith.constant 1 : i32
    %get3A_264 = arith.index_cast %get3A_263 : i32 to index
    %get3A_265 = arith.index_cast %mul3A_262 : i32 to index
    %get3A_266 = tpu.vector_load %arg7[%get3A_264, %get3A_265] {strides = array<i32>} : memref<5x8000xi32, #tpu.memory_space<vmem>>, vector<16xi32>,
    %gather3A_267 = tpu.vector_load_idx %arg6[%get3A_266] : memref<128xf32, #tpu.memory_space<vmem>>[vector<16xi32>], vector<16xf32>,
    %mul3A_268 = arith.constant 16 : i32
    %mul3A_269 = arith.muli %scan3A_260, %mul3A_268 : i32
    %swap3A_270 = arith.constant 1 : i32
    %swap3A_271 = arith.index_cast %swap3A_270 : i32 to index
    %swap3A_272 = arith.index_cast %mul3A_269 : i32 to index
    %swap3A_273 = tpu.vector_load %arg9[%swap3A_271, %swap3A_272] {strides = array<i32>} : memref<5x8000xf32, #tpu.memory_space<vmem>>, vector<16xf32>,
    tpu.vector_store %arg9[%swap3A_271, %swap3A_272], %gather3A_267 {strides = array<i32>} : memref<5x8000xf32, #tpu.memory_space<vmem>>, vector<16xf32>,
    %scan3A_274 = arith.constant 497 : i32
    %scan3A_275 = arith.addi %scan3A_255, %scan3A_274 : i32
    %mul3A_276 = arith.constant 16 : i32
    %mul3A_277 = arith.muli %scan3A_275, %mul3A_276 : i32
    %get3A_278 = arith.constant 1 : i32
    %get3A_279 = arith.index_cast %get3A_278 : i32 to index
    %get3A_280 = arith.index_cast %mul3A_277 : i32 to index
    %get3A_281 = tpu.vector_load %arg7[%get3A_279, %get3A_280] {strides = array<i32>} : memref<5x8000xi32, #tpu.memory_space<vmem>>, vector<16xi32>,
    %gather3A_282 = tpu.vector_load_idx %arg6[%get3A_281] : memref<128xf32, #tpu.memory_space<vmem>>[vector<16xi32>], vector<16xf32>,
    %mul3A_283 = arith.constant 16 : i32
    %mul3A_284 = arith.muli %scan3A_275, %mul3A_283 : i32
    %swap3A_285 = arith.constant 1 : i32
    %swap3A_286 = arith.index_cast %swap3A_285 : i32 to index
    %swap3A_287 = arith.index_cast %mul3A_284 : i32 to index
    %swap3A_288 = tpu.vector_load %arg9[%swap3A_286, %swap3A_287] {strides = array<i32>} : memref<5x8000xf32, #tpu.memory_space<vmem>>, vector<16xf32>,
    tpu.vector_store %arg9[%swap3A_286, %swap3A_287], %gather3A_282 {strides = array<i32>} : memref<5x8000xf32, #tpu.memory_space<vmem>>, vector<16xf32>,
    %scan3A_289 = arith.constant 498 : i32
    %scan3A_290 = arith.addi %scan3A_255, %scan3A_289 : i32
    %mul3A_291 = arith.constant 16 : i32
    %mul3A_292 = arith.muli %scan3A_290, %mul3A_291 : i32
    %get3A_293 = arith.constant 1 : i32
    %get3A_294 = arith.index_cast %get3A_293 : i32 to index
    %get3A_295 = arith.index_cast %mul3A_292 : i32 to index
    %get3A_296 = tpu.vector_load %arg7[%get3A_294, %get3A_295] {strides = array<i32>} : memref<5x8000xi32, #tpu.memory_space<vmem>>, vector<16xi32>,
    %gather3A_297 = tpu.vector_load_idx %arg6[%get3A_296] : memref<128xf32, #tpu.memory_space<vmem>>[vector<16xi32>], vector<16xf32>,
    %mul3A_298 = arith.constant 16 : i32
    %mul3A_299 = arith.muli %scan3A_290, %mul3A_298 : i32
    %swap3A_300 = arith.constant 1 : i32
    %swap3A_301 = arith.index_cast %swap3A_300 : i32 to index
    %swap3A_302 = arith.index_cast %mul3A_299 : i32 to index
    %swap3A_303 = tpu.vector_load %arg9[%swap3A_301, %swap3A_302] {strides = array<i32>} : memref<5x8000xf32, #tpu.memory_space<vmem>>, vector<16xf32>,
    tpu.vector_store %arg9[%swap3A_301, %swap3A_302], %gather3A_297 {strides = array<i32>} : memref<5x8000xf32, #tpu.memory_space<vmem>>, vector<16xf32>,
    %scan3A_304 = arith.constant 499 : i32
    %scan3A_305 = arith.addi %scan3A_255, %scan3A_304 : i32
    %mul3A_306 = arith.constant 16 : i32
    %mul3A_307 = arith.muli %scan3A_305, %mul3A_306 : i32
    %get3A_308 = arith.constant 1 : i32
    %get3A_309 = arith.index_cast %get3A_308 : i32 to index
    %get3A_310 = arith.index_cast %mul3A_307 : i32 to index
    %get3A_311 = tpu.vector_load %arg7[%get3A_309, %get3A_310] {strides = array<i32>} : memref<5x8000xi32, #tpu.memory_space<vmem>>, vector<16xi32>,
    %gather3A_312 = tpu.vector_load_idx %arg6[%get3A_311] : memref<128xf32, #tpu.memory_space<vmem>>[vector<16xi32>], vector<16xf32>,
    %mul3A_313 = arith.constant 16 : i32
    %mul3A_314 = arith.muli %scan3A_305, %mul3A_313 : i32
    %swap3A_315 = arith.constant 1 : i32
    %swap3A_316 = arith.index_cast %swap3A_315 : i32 to index
    %swap3A_317 = arith.index_cast %mul3A_314 : i32 to index
    %swap3A_318 = tpu.vector_load %arg9[%swap3A_316, %swap3A_317] {strides = array<i32>} : memref<5x8000xf32, #tpu.memory_space<vmem>>, vector<16xf32>,
    tpu.vector_store %arg9[%swap3A_316, %swap3A_317], %gather3A_312 {strides = array<i32>} : memref<5x8000xf32, #tpu.memory_space<vmem>>, vector<16xf32>,
    %scan3A_319 = arith.constant 500 : i32
    %dma_start3A_320 = arith.constant 1 : i32
    %dma_start3A_321 = arith.constant 1 : i32
    %dma_start3A_322 = arith.constant 1 : i32
    %dma_start3A_323 = arith.constant 0 : i32
    %dma_start3A_324 = tpu.memref_slice %arg9[%dma_start3A_320, %dma_start3A_323] : memref<5x8000xf32, #tpu.memory_space<vmem>> -> memref<1x8000xf32, #tpu.memory_space<vmem>>
    %dma_start3A_325 = tpu.memref_squeeze %dma_start3A_324 : memref<1x8000xf32, #tpu.memory_space<vmem>> -> memref<8000xf32, #tpu.memory_space<vmem>>
    %dma_start3A_326 = arith.constant 0 : i32
    %dma_start3A_327 = tpu.memref_slice %arg8[%dma_start3A_321, %dma_start3A_326] : memref<5x8000xi32, #tpu.memory_space<vmem>> -> memref<1x8000xi32, #tpu.memory_space<vmem>>
    %dma_start3A_328 = tpu.memref_squeeze %dma_start3A_327 : memref<1x8000xi32, #tpu.memory_space<vmem>> -> memref<8000xi32, #tpu.memory_space<vmem>>
    %dma_start3A_329 = arith.constant 0 : i32
    %dma_start3A_330 = tpu.memref_slice %arg11[%dma_start3A_329] : memref<102400xf32, #tpu.memory_space<vmem_shared>> -> memref<102400xf32, #tpu.memory_space<vmem_shared>>
    %dma_start3A_331 = tpu.memref_slice %arg13[%dma_start3A_322] : memref<5x!tpu.dma_semaphore, #tpu.memory_space<semaphore_mem>> -> memref<1x!tpu.dma_semaphore, #tpu.memory_space<semaphore_mem>>
    %dma_start3A_332 = tpu.memref_squeeze %dma_start3A_331 : memref<1x!tpu.dma_semaphore, #tpu.memory_space<semaphore_mem>> -> memref<!tpu.dma_semaphore, #tpu.memory_space<semaphore_mem>>
    tpu.enqueue_indirect_dma source(%dma_start3A_325 : memref<8000xf32, #tpu.memory_space<vmem>>) target(%dma_start3A_330 : memref<102400xf32, #tpu.memory_space<vmem_shared>>) offsets(%dma_start3A_328 : memref<8000xi32, #tpu.memory_space<vmem>>) semaphore(%dma_start3A_332 : memref<!tpu.dma_semaphore, #tpu.memory_space<semaphore_mem>>) {add = true}
    %add3A_333 = arith.constant 32000 : i32
    %add3A_334 = arith.addi %mul3A_2, %add3A_333 : i32
    %dma_start3A_335 = arith.constant 4 : i32
    %dma_start3A_336 = arith.constant 4 : i32
    %dma_start3A_337 = arith.constant 0 : i32
    %dma_start3A_338 = tpu.memref_slice %arg7[%dma_start3A_335, %dma_start3A_337] : memref<5x8000xi32, #tpu.memory_space<vmem>> -> memref<1x8000xi32, #tpu.memory_space<vmem>>
    %dma_start3A_339 = tpu.memref_squeeze %dma_start3A_338 : memref<1x8000xi32, #tpu.memory_space<vmem>> -> memref<8000xi32, #tpu.memory_space<vmem>>
    %dma_start3A_340 = tpu.memref_slice %arg3[%add3A_334] : memref<6400000xi32, #tpu.memory_space<hbm>> -> memref<8000xi32, #tpu.memory_space<hbm>>
    %dma_start3A_341 = tpu.memref_slice %arg12[%dma_start3A_336] : memref<5x!tpu.dma_semaphore, #tpu.memory_space<semaphore_mem>> -> memref<1x!tpu.dma_semaphore, #tpu.memory_space<semaphore_mem>>
    %dma_start3A_342 = tpu.memref_squeeze %dma_start3A_341 : memref<1x!tpu.dma_semaphore, #tpu.memory_space<semaphore_mem>> -> memref<!tpu.dma_semaphore, #tpu.memory_space<semaphore_mem>>
    %dma_start3A_343 = arith.constant 0 : i32
    %dma_start3A_344 = tpu.memref_slice %arg7[%dma_start3A_335, %dma_start3A_343] : memref<5x8000xi32, #tpu.memory_space<vmem>> -> memref<1x8000xi32, #tpu.memory_space<vmem>>
    %dma_start3A_345 = tpu.memref_squeeze %dma_start3A_344 : memref<1x8000xi32, #tpu.memory_space<vmem>> -> memref<8000xi32, #tpu.memory_space<vmem>>
    %dma_start3A_346 = tpu.memref_slice %arg3[%add3A_334] : memref<6400000xi32, #tpu.memory_space<hbm>> -> memref<8000xi32, #tpu.memory_space<hbm>>
    tpu.enqueue_dma source(%dma_start3A_346 : memref<8000xi32, #tpu.memory_space<hbm>>) target(%dma_start3A_345 : memref<8000xi32, #tpu.memory_space<vmem>>) target_semaphore(%dma_start3A_342 : memref<!tpu.dma_semaphore, #tpu.memory_space<semaphore_mem>>)
    %dma_start3A_347 = arith.constant 4 : i32
    %dma_start3A_348 = arith.constant 4 : i32
    %dma_start3A_349 = arith.constant 0 : i32
    %dma_start3A_350 = tpu.memref_slice %arg8[%dma_start3A_347, %dma_start3A_349] : memref<5x8000xi32, #tpu.memory_space<vmem>> -> memref<1x8000xi32, #tpu.memory_space<vmem>>
    %dma_start3A_351 = tpu.memref_squeeze %dma_start3A_350 : memref<1x8000xi32, #tpu.memory_space<vmem>> -> memref<8000xi32, #tpu.memory_space<vmem>>
    %dma_start3A_352 = tpu.memref_slice %arg4[%add3A_334] : memref<6400000xi32, #tpu.memory_space<hbm>> -> memref<8000xi32, #tpu.memory_space<hbm>>
    %dma_start3A_353 = tpu.memref_slice %arg12[%dma_start3A_348] : memref<5x!tpu.dma_semaphore, #tpu.memory_space<semaphore_mem>> -> memref<1x!tpu.dma_semaphore, #tpu.memory_space<semaphore_mem>>
    %dma_start3A_354 = tpu.memref_squeeze %dma_start3A_353 : memref<1x!tpu.dma_semaphore, #tpu.memory_space<semaphore_mem>> -> memref<!tpu.dma_semaphore, #tpu.memory_space<semaphore_mem>>
    %dma_start3A_355 = arith.constant 0 : i32
    %dma_start3A_356 = tpu.memref_slice %arg8[%dma_start3A_347, %dma_start3A_355] : memref<5x8000xi32, #tpu.memory_space<vmem>> -> memref<1x8000xi32, #tpu.memory_space<vmem>>
    %dma_start3A_357 = tpu.memref_squeeze %dma_start3A_356 : memref<1x8000xi32, #tpu.memory_space<vmem>> -> memref<8000xi32, #tpu.memory_space<vmem>>
    %dma_start3A_358 = tpu.memref_slice %arg4[%add3A_334] : memref<6400000xi32, #tpu.memory_space<hbm>> -> memref<8000xi32, #tpu.memory_space<hbm>>
    tpu.enqueue_dma source(%dma_start3A_358 : memref<8000xi32, #tpu.memory_space<hbm>>) target(%dma_start3A_357 : memref<8000xi32, #tpu.memory_space<vmem>>) target_semaphore(%dma_start3A_354 : memref<!tpu.dma_semaphore, #tpu.memory_space<semaphore_mem>>)
    %add3A_359 = arith.constant 16000 : i32
    %add3A_360 = arith.addi %mul3A_2, %add3A_359 : i32
    %dma_wait3A_361 = arith.constant 2 : i32
    %dma_wait3A_362 = arith.constant 2 : i32
    %dma_wait3A_363 = arith.constant 0 : i32
    %dma_wait3A_364 = tpu.memref_slice %arg7[%dma_wait3A_361, %dma_wait3A_363] : memref<5x8000xi32, #tpu.memory_space<vmem>> -> memref<1x8000xi32, #tpu.memory_space<vmem>>
    %dma_wait3A_365 = tpu.memref_squeeze %dma_wait3A_364 : memref<1x8000xi32, #tpu.memory_space<vmem>> -> memref<8000xi32, #tpu.memory_space<vmem>>
    %dma_wait3A_366 = tpu.memref_slice %arg3[%add3A_360] : memref<6400000xi32, #tpu.memory_space<hbm>> -> memref<8000xi32, #tpu.memory_space<hbm>>
    %dma_wait3A_367 = tpu.memref_slice %arg12[%dma_wait3A_362] : memref<5x!tpu.dma_semaphore, #tpu.memory_space<semaphore_mem>> -> memref<1x!tpu.dma_semaphore, #tpu.memory_space<semaphore_mem>>
    %dma_wait3A_368 = tpu.memref_squeeze %dma_wait3A_367 : memref<1x!tpu.dma_semaphore, #tpu.memory_space<semaphore_mem>> -> memref<!tpu.dma_semaphore, #tpu.memory_space<semaphore_mem>>
    %dma_wait3A_369 = arith.constant 0 : i32
    %dma_wait3A_370 = tpu.memref_slice %arg7[%dma_wait3A_361, %dma_wait3A_369] : memref<5x8000xi32, #tpu.memory_space<vmem>> -> memref<1x8000xi32, #tpu.memory_space<vmem>>
    %dma_wait3A_371 = tpu.memref_squeeze %dma_wait3A_370 : memref<1x8000xi32, #tpu.memory_space<vmem>> -> memref<8000xi32, #tpu.memory_space<vmem>>
    %dma_wait3A_372 = tpu.memref_slice %arg3[%add3A_360] : memref<6400000xi32, #tpu.memory_space<hbm>> -> memref<8000xi32, #tpu.memory_space<hbm>>
    tpu.wait_dma2 semaphore(%dma_wait3A_368 : memref<!tpu.dma_semaphore, #tpu.memory_space<semaphore_mem>>) src(%dma_wait3A_372 : memref<8000xi32, #tpu.memory_space<hbm>>) dst(%dma_wait3A_371 : memref<8000xi32, #tpu.memory_space<vmem>>)
    %dma_wait3A_373 = arith.constant 2 : i32
    %dma_wait3A_374 = arith.constant 2 : i32
    %dma_wait3A_375 = arith.constant 0 : i32
    %dma_wait3A_376 = tpu.memref_slice %arg8[%dma_wait3A_373, %dma_wait3A_375] : memref<5x8000xi32, #tpu.memory_space<vmem>> -> memref<1x8000xi32, #tpu.memory_space<vmem>>
    %dma_wait3A_377 = tpu.memref_squeeze %dma_wait3A_376 : memref<1x8000xi32, #tpu.memory_space<vmem>> -> memref<8000xi32, #tpu.memory_space<vmem>>
    %dma_wait3A_378 = tpu.memref_slice %arg4[%add3A_360] : memref<6400000xi32, #tpu.memory_space<hbm>> -> memref<8000xi32, #tpu.memory_space<hbm>>
    %dma_wait3A_379 = tpu.memref_slice %arg12[%dma_wait3A_374] : memref<5x!tpu.dma_semaphore, #tpu.memory_space<semaphore_mem>> -> memref<1x!tpu.dma_semaphore, #tpu.memory_space<semaphore_mem>>
    %dma_wait3A_380 = tpu.memref_squeeze %dma_wait3A_379 : memref<1x!tpu.dma_semaphore, #tpu.memory_space<semaphore_mem>> -> memref<!tpu.dma_semaphore, #tpu.memory_space<semaphore_mem>>
    %dma_wait3A_381 = arith.constant 0 : i32
    %dma_wait3A_382 = tpu.memref_slice %arg8[%dma_wait3A_373, %dma_wait3A_381] : memref<5x8000xi32, #tpu.memory_space<vmem>> -> memref<1x8000xi32, #tpu.memory_space<vmem>>
    %dma_wait3A_383 = tpu.memref_squeeze %dma_wait3A_382 : memref<1x8000xi32, #tpu.memory_space<vmem>> -> memref<8000xi32, #tpu.memory_space<vmem>>
    %dma_wait3A_384 = tpu.memref_slice %arg4[%add3A_360] : memref<6400000xi32, #tpu.memory_space<hbm>> -> memref<8000xi32, #tpu.memory_space<hbm>>
    tpu.wait_dma2 semaphore(%dma_wait3A_380 : memref<!tpu.dma_semaphore, #tpu.memory_space<semaphore_mem>>) src(%dma_wait3A_384 : memref<8000xi32, #tpu.memory_space<hbm>>) dst(%dma_wait3A_383 : memref<8000xi32, #tpu.memory_space<vmem>>)
    %scan3A_385 = arith.constant 0 : i32
    %scan3A_386 = arith.constant 0 : i32
    %scan3A_387 = arith.constant 496 : i32
    %scan3A_388 = arith.addi %scan3A_386, %scan3A_387 : i32
    %scan3A_389 = arith.constant 8 : i32
    scf.for %scan3A_1470 = %scan3A_386 to %scan3A_388 step %scan3A_389  : i32 {
      %mul3A_1471 = arith.constant 16 : i32
      %mul3A_1472 = arith.muli %scan3A_1470, %mul3A_1471 : i32
      %get3A_1473 = arith.constant 2 : i32
      %get3A_1474 = arith.index_cast %get3A_1473 : i32 to index
      %get3A_1475 = arith.index_cast %mul3A_1472 : i32 to index
      %get3A_1476 = tpu.vector_load %arg7[%get3A_1474, %get3A_1475] {strides = array<i32>} : memref<5x8000xi32, #tpu.memory_space<vmem>>, vector<16xi32>,
      %gather3A_1477 = tpu.vector_load_idx %arg6[%get3A_1476] : memref<128xf32, #tpu.memory_space<vmem>>[vector<16xi32>], vector<16xf32>,
      %mul3A_1478 = arith.constant 16 : i32
      %mul3A_1479 = arith.muli %scan3A_1470, %mul3A_1478 : i32
      %swap3A_1480 = arith.constant 2 : i32
      %swap3A_1481 = arith.index_cast %swap3A_1480 : i32 to index
      %swap3A_1482 = arith.index_cast %mul3A_1479 : i32 to index
      %swap3A_1483 = tpu.vector_load %arg9[%swap3A_1481, %swap3A_1482] {strides = array<i32>} : memref<5x8000xf32, #tpu.memory_space<vmem>>, vector<16xf32>,
      tpu.vector_store %arg9[%swap3A_1481, %swap3A_1482], %gather3A_1477 {strides = array<i32>} : memref<5x8000xf32, #tpu.memory_space<vmem>>, vector<16xf32>,
      %scan3A_1484 = arith.constant 1 : i32
      %scan3A_1485 = arith.addi %scan3A_1470, %scan3A_1484 : i32
      %mul3A_1486 = arith.constant 16 : i32
      %mul3A_1487 = arith.muli %scan3A_1485, %mul3A_1486 : i32
      %get3A_1488 = arith.constant 2 : i32
      %get3A_1489 = arith.index_cast %get3A_1488 : i32 to index
      %get3A_1490 = arith.index_cast %mul3A_1487 : i32 to index
      %get3A_1491 = tpu.vector_load %arg7[%get3A_1489, %get3A_1490] {strides = array<i32>} : memref<5x8000xi32, #tpu.memory_space<vmem>>, vector<16xi32>,
      %gather3A_1492 = tpu.vector_load_idx %arg6[%get3A_1491] : memref<128xf32, #tpu.memory_space<vmem>>[vector<16xi32>], vector<16xf32>,
      %mul3A_1493 = arith.constant 16 : i32
      %mul3A_1494 = arith.muli %scan3A_1485, %mul3A_1493 : i32
      %swap3A_1495 = arith.constant 2 : i32
      %swap3A_1496 = arith.index_cast %swap3A_1495 : i32 to index
      %swap3A_1497 = arith.index_cast %mul3A_1494 : i32 to index
      %swap3A_1498 = tpu.vector_load %arg9[%swap3A_1496, %swap3A_1497] {strides = array<i32>} : memref<5x8000xf32, #tpu.memory_space<vmem>>, vector<16xf32>,
      tpu.vector_store %arg9[%swap3A_1496, %swap3A_1497], %gather3A_1492 {strides = array<i32>} : memref<5x8000xf32, #tpu.memory_space<vmem>>, vector<16xf32>,
      %scan3A_1499 = arith.constant 2 : i32
      %scan3A_1500 = arith.addi %scan3A_1470, %scan3A_1499 : i32
      %mul3A_1501 = arith.constant 16 : i32
      %mul3A_1502 = arith.muli %scan3A_1500, %mul3A_1501 : i32
      %get3A_1503 = arith.constant 2 : i32
      %get3A_1504 = arith.index_cast %get3A_1503 : i32 to index
      %get3A_1505 = arith.index_cast %mul3A_1502 : i32 to index
      %get3A_1506 = tpu.vector_load %arg7[%get3A_1504, %get3A_1505] {strides = array<i32>} : memref<5x8000xi32, #tpu.memory_space<vmem>>, vector<16xi32>,
      %gather3A_1507 = tpu.vector_load_idx %arg6[%get3A_1506] : memref<128xf32, #tpu.memory_space<vmem>>[vector<16xi32>], vector<16xf32>,
      %mul3A_1508 = arith.constant 16 : i32
      %mul3A_1509 = arith.muli %scan3A_1500, %mul3A_1508 : i32
      %swap3A_1510 = arith.constant 2 : i32
      %swap3A_1511 = arith.index_cast %swap3A_1510 : i32 to index
      %swap3A_1512 = arith.index_cast %mul3A_1509 : i32 to index
      %swap3A_1513 = tpu.vector_load %arg9[%swap3A_1511, %swap3A_1512] {strides = array<i32>} : memref<5x8000xf32, #tpu.memory_space<vmem>>, vector<16xf32>,
      tpu.vector_store %arg9[%swap3A_1511, %swap3A_1512], %gather3A_1507 {strides = array<i32>} : memref<5x8000xf32, #tpu.memory_space<vmem>>, vector<16xf32>,
      %scan3A_1514 = arith.constant 3 : i32
      %scan3A_1515 = arith.addi %scan3A_1470, %scan3A_1514 : i32
      %mul3A_1516 = arith.constant 16 : i32
      %mul3A_1517 = arith.muli %scan3A_1515, %mul3A_1516 : i32
      %get3A_1518 = arith.constant 2 : i32
      %get3A_1519 = arith.index_cast %get3A_1518 : i32 to index
      %get3A_1520 = arith.index_cast %mul3A_1517 : i32 to index
      %get3A_1521 = tpu.vector_load %arg7[%get3A_1519, %get3A_1520] {strides = array<i32>} : memref<5x8000xi32, #tpu.memory_space<vmem>>, vector<16xi32>,
      %gather3A_1522 = tpu.vector_load_idx %arg6[%get3A_1521] : memref<128xf32, #tpu.memory_space<vmem>>[vector<16xi32>], vector<16xf32>,
      %mul3A_1523 = arith.constant 16 : i32
      %mul3A_1524 = arith.muli %scan3A_1515, %mul3A_1523 : i32
      %swap3A_1525 = arith.constant 2 : i32
      %swap3A_1526 = arith.index_cast %swap3A_1525 : i32 to index
      %swap3A_1527 = arith.index_cast %mul3A_1524 : i32 to index
      %swap3A_1528 = tpu.vector_load %arg9[%swap3A_1526, %swap3A_1527] {strides = array<i32>} : memref<5x8000xf32, #tpu.memory_space<vmem>>, vector<16xf32>,
      tpu.vector_store %arg9[%swap3A_1526, %swap3A_1527], %gather3A_1522 {strides = array<i32>} : memref<5x8000xf32, #tpu.memory_space<vmem>>, vector<16xf32>,
      %scan3A_1529 = arith.constant 4 : i32
      %scan3A_1530 = arith.addi %scan3A_1470, %scan3A_1529 : i32
      %mul3A_1531 = arith.constant 16 : i32
      %mul3A_1532 = arith.muli %scan3A_1530, %mul3A_1531 : i32
      %get3A_1533 = arith.constant 2 : i32
      %get3A_1534 = arith.index_cast %get3A_1533 : i32 to index
      %get3A_1535 = arith.index_cast %mul3A_1532 : i32 to index
      %get3A_1536 = tpu.vector_load %arg7[%get3A_1534, %get3A_1535] {strides = array<i32>} : memref<5x8000xi32, #tpu.memory_space<vmem>>, vector<16xi32>,
      %gather3A_1537 = tpu.vector_load_idx %arg6[%get3A_1536] : memref<128xf32, #tpu.memory_space<vmem>>[vector<16xi32>], vector<16xf32>,
      %mul3A_1538 = arith.constant 16 : i32
      %mul3A_1539 = arith.muli %scan3A_1530, %mul3A_1538 : i32
      %swap3A_1540 = arith.constant 2 : i32
      %swap3A_1541 = arith.index_cast %swap3A_1540 : i32 to index
      %swap3A_1542 = arith.index_cast %mul3A_1539 : i32 to index
      %swap3A_1543 = tpu.vector_load %arg9[%swap3A_1541, %swap3A_1542] {strides = array<i32>} : memref<5x8000xf32, #tpu.memory_space<vmem>>, vector<16xf32>,
      tpu.vector_store %arg9[%swap3A_1541, %swap3A_1542], %gather3A_1537 {strides = array<i32>} : memref<5x8000xf32, #tpu.memory_space<vmem>>, vector<16xf32>,
      %scan3A_1544 = arith.constant 5 : i32
      %scan3A_1545 = arith.addi %scan3A_1470, %scan3A_1544 : i32
      %mul3A_1546 = arith.constant 16 : i32
      %mul3A_1547 = arith.muli %scan3A_1545, %mul3A_1546 : i32
      %get3A_1548 = arith.constant 2 : i32
      %get3A_1549 = arith.index_cast %get3A_1548 : i32 to index
      %get3A_1550 = arith.index_cast %mul3A_1547 : i32 to index
      %get3A_1551 = tpu.vector_load %arg7[%get3A_1549, %get3A_1550] {strides = array<i32>} : memref<5x8000xi32, #tpu.memory_space<vmem>>, vector<16xi32>,
      %gather3A_1552 = tpu.vector_load_idx %arg6[%get3A_1551] : memref<128xf32, #tpu.memory_space<vmem>>[vector<16xi32>], vector<16xf32>,
      %mul3A_1553 = arith.constant 16 : i32
      %mul3A_1554 = arith.muli %scan3A_1545, %mul3A_1553 : i32
      %swap3A_1555 = arith.constant 2 : i32
      %swap3A_1556 = arith.index_cast %swap3A_1555 : i32 to index
      %swap3A_1557 = arith.index_cast %mul3A_1554 : i32 to index
      %swap3A_1558 = tpu.vector_load %arg9[%swap3A_1556, %swap3A_1557] {strides = array<i32>} : memref<5x8000xf32, #tpu.memory_space<vmem>>, vector<16xf32>,
      tpu.vector_store %arg9[%swap3A_1556, %swap3A_1557], %gather3A_1552 {strides = array<i32>} : memref<5x8000xf32, #tpu.memory_space<vmem>>, vector<16xf32>,
      %scan3A_1559 = arith.constant 6 : i32
      %scan3A_1560 = arith.addi %scan3A_1470, %scan3A_1559 : i32
      %mul3A_1561 = arith.constant 16 : i32
      %mul3A_1562 = arith.muli %scan3A_1560, %mul3A_1561 : i32
      %get3A_1563 = arith.constant 2 : i32
      %get3A_1564 = arith.index_cast %get3A_1563 : i32 to index
      %get3A_1565 = arith.index_cast %mul3A_1562 : i32 to index
      %get3A_1566 = tpu.vector_load %arg7[%get3A_1564, %get3A_1565] {strides = array<i32>} : memref<5x8000xi32, #tpu.memory_space<vmem>>, vector<16xi32>,
      %gather3A_1567 = tpu.vector_load_idx %arg6[%get3A_1566] : memref<128xf32, #tpu.memory_space<vmem>>[vector<16xi32>], vector<16xf32>,
      %mul3A_1568 = arith.constant 16 : i32
      %mul3A_1569 = arith.muli %scan3A_1560, %mul3A_1568 : i32
      %swap3A_1570 = arith.constant 2 : i32
      %swap3A_1571 = arith.index_cast %swap3A_1570 : i32 to index
      %swap3A_1572 = arith.index_cast %mul3A_1569 : i32 to index
      %swap3A_1573 = tpu.vector_load %arg9[%swap3A_1571, %swap3A_1572] {strides = array<i32>} : memref<5x8000xf32, #tpu.memory_space<vmem>>, vector<16xf32>,
      tpu.vector_store %arg9[%swap3A_1571, %swap3A_1572], %gather3A_1567 {strides = array<i32>} : memref<5x8000xf32, #tpu.memory_space<vmem>>, vector<16xf32>,
      %scan3A_1574 = arith.constant 7 : i32
      %scan3A_1575 = arith.addi %scan3A_1470, %scan3A_1574 : i32
      %mul3A_1576 = arith.constant 16 : i32
      %mul3A_1577 = arith.muli %scan3A_1575, %mul3A_1576 : i32
      %get3A_1578 = arith.constant 2 : i32
      %get3A_1579 = arith.index_cast %get3A_1578 : i32 to index
      %get3A_1580 = arith.index_cast %mul3A_1577 : i32 to index
      %get3A_1581 = tpu.vector_load %arg7[%get3A_1579, %get3A_1580] {strides = array<i32>} : memref<5x8000xi32, #tpu.memory_space<vmem>>, vector<16xi32>,
      %gather3A_1582 = tpu.vector_load_idx %arg6[%get3A_1581] : memref<128xf32, #tpu.memory_space<vmem>>[vector<16xi32>], vector<16xf32>,
      %mul3A_1583 = arith.constant 16 : i32
      %mul3A_1584 = arith.muli %scan3A_1575, %mul3A_1583 : i32
      %swap3A_1585 = arith.constant 2 : i32
      %swap3A_1586 = arith.index_cast %swap3A_1585 : i32 to index
      %swap3A_1587 = arith.index_cast %mul3A_1584 : i32 to index
      %swap3A_1588 = tpu.vector_load %arg9[%swap3A_1586, %swap3A_1587] {strides = array<i32>} : memref<5x8000xf32, #tpu.memory_space<vmem>>, vector<16xf32>,
      tpu.vector_store %arg9[%swap3A_1586, %swap3A_1587], %gather3A_1582 {strides = array<i32>} : memref<5x8000xf32, #tpu.memory_space<vmem>>, vector<16xf32>,
    }
    %scan3A_390 = arith.constant 496 : i32
    %scan3A_391 = arith.addi %scan3A_386, %scan3A_390 : i32
    %mul3A_392 = arith.constant 16 : i32
    %mul3A_393 = arith.muli %scan3A_391, %mul3A_392 : i32
    %get3A_394 = arith.constant 2 : i32
    %get3A_395 = arith.index_cast %get3A_394 : i32 to index
    %get3A_396 = arith.index_cast %mul3A_393 : i32 to index
    %get3A_397 = tpu.vector_load %arg7[%get3A_395, %get3A_396] {strides = array<i32>} : memref<5x8000xi32, #tpu.memory_space<vmem>>, vector<16xi32>,
    %gather3A_398 = tpu.vector_load_idx %arg6[%get3A_397] : memref<128xf32, #tpu.memory_space<vmem>>[vector<16xi32>], vector<16xf32>,
    %mul3A_399 = arith.constant 16 : i32
    %mul3A_400 = arith.muli %scan3A_391, %mul3A_399 : i32
    %swap3A_401 = arith.constant 2 : i32
    %swap3A_402 = arith.index_cast %swap3A_401 : i32 to index
    %swap3A_403 = arith.index_cast %mul3A_400 : i32 to index
    %swap3A_404 = tpu.vector_load %arg9[%swap3A_402, %swap3A_403] {strides = array<i32>} : memref<5x8000xf32, #tpu.memory_space<vmem>>, vector<16xf32>,
    tpu.vector_store %arg9[%swap3A_402, %swap3A_403], %gather3A_398 {strides = array<i32>} : memref<5x8000xf32, #tpu.memory_space<vmem>>, vector<16xf32>,
    %scan3A_405 = arith.constant 497 : i32
    %scan3A_406 = arith.addi %scan3A_386, %scan3A_405 : i32
    %mul3A_407 = arith.constant 16 : i32
    %mul3A_408 = arith.muli %scan3A_406, %mul3A_407 : i32
    %get3A_409 = arith.constant 2 : i32
    %get3A_410 = arith.index_cast %get3A_409 : i32 to index
    %get3A_411 = arith.index_cast %mul3A_408 : i32 to index
    %get3A_412 = tpu.vector_load %arg7[%get3A_410, %get3A_411] {strides = array<i32>} : memref<5x8000xi32, #tpu.memory_space<vmem>>, vector<16xi32>,
    %gather3A_413 = tpu.vector_load_idx %arg6[%get3A_412] : memref<128xf32, #tpu.memory_space<vmem>>[vector<16xi32>], vector<16xf32>,
    %mul3A_414 = arith.constant 16 : i32
    %mul3A_415 = arith.muli %scan3A_406, %mul3A_414 : i32
    %swap3A_416 = arith.constant 2 : i32
    %swap3A_417 = arith.index_cast %swap3A_416 : i32 to index
    %swap3A_418 = arith.index_cast %mul3A_415 : i32 to index
    %swap3A_419 = tpu.vector_load %arg9[%swap3A_417, %swap3A_418] {strides = array<i32>} : memref<5x8000xf32, #tpu.memory_space<vmem>>, vector<16xf32>,
    tpu.vector_store %arg9[%swap3A_417, %swap3A_418], %gather3A_413 {strides = array<i32>} : memref<5x8000xf32, #tpu.memory_space<vmem>>, vector<16xf32>,
    %scan3A_420 = arith.constant 498 : i32
    %scan3A_421 = arith.addi %scan3A_386, %scan3A_420 : i32
    %mul3A_422 = arith.constant 16 : i32
    %mul3A_423 = arith.muli %scan3A_421, %mul3A_422 : i32
    %get3A_424 = arith.constant 2 : i32
    %get3A_425 = arith.index_cast %get3A_424 : i32 to index
    %get3A_426 = arith.index_cast %mul3A_423 : i32 to index
    %get3A_427 = tpu.vector_load %arg7[%get3A_425, %get3A_426] {strides = array<i32>} : memref<5x8000xi32, #tpu.memory_space<vmem>>, vector<16xi32>,
    %gather3A_428 = tpu.vector_load_idx %arg6[%get3A_427] : memref<128xf32, #tpu.memory_space<vmem>>[vector<16xi32>], vector<16xf32>,
    %mul3A_429 = arith.constant 16 : i32
    %mul3A_430 = arith.muli %scan3A_421, %mul3A_429 : i32
    %swap3A_431 = arith.constant 2 : i32
    %swap3A_432 = arith.index_cast %swap3A_431 : i32 to index
    %swap3A_433 = arith.index_cast %mul3A_430 : i32 to index
    %swap3A_434 = tpu.vector_load %arg9[%swap3A_432, %swap3A_433] {strides = array<i32>} : memref<5x8000xf32, #tpu.memory_space<vmem>>, vector<16xf32>,
    tpu.vector_store %arg9[%swap3A_432, %swap3A_433], %gather3A_428 {strides = array<i32>} : memref<5x8000xf32, #tpu.memory_space<vmem>>, vector<16xf32>,
    %scan3A_435 = arith.constant 499 : i32
    %scan3A_436 = arith.addi %scan3A_386, %scan3A_435 : i32
    %mul3A_437 = arith.constant 16 : i32
    %mul3A_438 = arith.muli %scan3A_436, %mul3A_437 : i32
    %get3A_439 = arith.constant 2 : i32
    %get3A_440 = arith.index_cast %get3A_439 : i32 to index
    %get3A_441 = arith.index_cast %mul3A_438 : i32 to index
    %get3A_442 = tpu.vector_load %arg7[%get3A_440, %get3A_441] {strides = array<i32>} : memref<5x8000xi32, #tpu.memory_space<vmem>>, vector<16xi32>,
    %gather3A_443 = tpu.vector_load_idx %arg6[%get3A_442] : memref<128xf32, #tpu.memory_space<vmem>>[vector<16xi32>], vector<16xf32>,
    %mul3A_444 = arith.constant 16 : i32
    %mul3A_445 = arith.muli %scan3A_436, %mul3A_444 : i32
    %swap3A_446 = arith.constant 2 : i32
    %swap3A_447 = arith.index_cast %swap3A_446 : i32 to index
    %swap3A_448 = arith.index_cast %mul3A_445 : i32 to index
    %swap3A_449 = tpu.vector_load %arg9[%swap3A_447, %swap3A_448] {strides = array<i32>} : memref<5x8000xf32, #tpu.memory_space<vmem>>, vector<16xf32>,
    tpu.vector_store %arg9[%swap3A_447, %swap3A_448], %gather3A_443 {strides = array<i32>} : memref<5x8000xf32, #tpu.memory_space<vmem>>, vector<16xf32>,
    %scan3A_450 = arith.constant 500 : i32
    %dma_start3A_451 = arith.constant 2 : i32
    %dma_start3A_452 = arith.constant 2 : i32
    %dma_start3A_453 = arith.constant 2 : i32
    %dma_start3A_454 = arith.constant 0 : i32
    %dma_start3A_455 = tpu.memref_slice %arg9[%dma_start3A_451, %dma_start3A_454] : memref<5x8000xf32, #tpu.memory_space<vmem>> -> memref<1x8000xf32, #tpu.memory_space<vmem>>
    %dma_start3A_456 = tpu.memref_squeeze %dma_start3A_455 : memref<1x8000xf32, #tpu.memory_space<vmem>> -> memref<8000xf32, #tpu.memory_space<vmem>>
    %dma_start3A_457 = arith.constant 0 : i32
    %dma_start3A_458 = tpu.memref_slice %arg8[%dma_start3A_452, %dma_start3A_457] : memref<5x8000xi32, #tpu.memory_space<vmem>> -> memref<1x8000xi32, #tpu.memory_space<vmem>>
    %dma_start3A_459 = tpu.memref_squeeze %dma_start3A_458 : memref<1x8000xi32, #tpu.memory_space<vmem>> -> memref<8000xi32, #tpu.memory_space<vmem>>
    %dma_start3A_460 = arith.constant 0 : i32
    %dma_start3A_461 = tpu.memref_slice %arg11[%dma_start3A_460] : memref<102400xf32, #tpu.memory_space<vmem_shared>> -> memref<102400xf32, #tpu.memory_space<vmem_shared>>
    %dma_start3A_462 = tpu.memref_slice %arg13[%dma_start3A_453] : memref<5x!tpu.dma_semaphore, #tpu.memory_space<semaphore_mem>> -> memref<1x!tpu.dma_semaphore, #tpu.memory_space<semaphore_mem>>
    %dma_start3A_463 = tpu.memref_squeeze %dma_start3A_462 : memref<1x!tpu.dma_semaphore, #tpu.memory_space<semaphore_mem>> -> memref<!tpu.dma_semaphore, #tpu.memory_space<semaphore_mem>>
    tpu.enqueue_indirect_dma source(%dma_start3A_456 : memref<8000xf32, #tpu.memory_space<vmem>>) target(%dma_start3A_461 : memref<102400xf32, #tpu.memory_space<vmem_shared>>) offsets(%dma_start3A_459 : memref<8000xi32, #tpu.memory_space<vmem>>) semaphore(%dma_start3A_463 : memref<!tpu.dma_semaphore, #tpu.memory_space<semaphore_mem>>) {add = true}
    %dma_wait3A_464 = arith.constant 0 : i32
    %dma_wait3A_465 = arith.constant 0 : i32
    %dma_wait3A_466 = arith.constant 0 : i32
    %dma_wait3A_467 = arith.constant 0 : i32
    %dma_wait3A_468 = tpu.memref_slice %arg9[%dma_wait3A_464, %dma_wait3A_467] : memref<5x8000xf32, #tpu.memory_space<vmem>> -> memref<1x8000xf32, #tpu.memory_space<vmem>>
    %dma_wait3A_469 = tpu.memref_squeeze %dma_wait3A_468 : memref<1x8000xf32, #tpu.memory_space<vmem>> -> memref<8000xf32, #tpu.memory_space<vmem>>
    %dma_wait3A_470 = arith.constant 0 : i32
    %dma_wait3A_471 = tpu.memref_slice %arg8[%dma_wait3A_465, %dma_wait3A_470] : memref<5x8000xi32, #tpu.memory_space<vmem>> -> memref<1x8000xi32, #tpu.memory_space<vmem>>
    %dma_wait3A_472 = tpu.memref_squeeze %dma_wait3A_471 : memref<1x8000xi32, #tpu.memory_space<vmem>> -> memref<8000xi32, #tpu.memory_space<vmem>>
    %dma_wait3A_473 = arith.constant 0 : i32
    %dma_wait3A_474 = tpu.memref_slice %arg11[%dma_wait3A_473] : memref<102400xf32, #tpu.memory_space<vmem_shared>> -> memref<102400xf32, #tpu.memory_space<vmem_shared>>
    %dma_wait3A_475 = tpu.memref_slice %arg13[%dma_wait3A_466] : memref<5x!tpu.dma_semaphore, #tpu.memory_space<semaphore_mem>> -> memref<1x!tpu.dma_semaphore, #tpu.memory_space<semaphore_mem>>
    %dma_wait3A_476 = tpu.memref_squeeze %dma_wait3A_475 : memref<1x!tpu.dma_semaphore, #tpu.memory_space<semaphore_mem>> -> memref<!tpu.dma_semaphore, #tpu.memory_space<semaphore_mem>>
    tpu.wait_indirect_dma semaphore(%dma_wait3A_476 : memref<!tpu.dma_semaphore, #tpu.memory_space<semaphore_mem>>) src(%dma_wait3A_469 : memref<8000xf32, #tpu.memory_space<vmem>>) dst(%dma_wait3A_474 : memref<102400xf32, #tpu.memory_space<vmem_shared>>)
    %add3A_477 = arith.constant 40000 : i32
    %add3A_478 = arith.addi %mul3A_2, %add3A_477 : i32
    %dma_start3A_479 = arith.constant 0 : i32
    %dma_start3A_480 = arith.constant 0 : i32
    %dma_start3A_481 = arith.constant 0 : i32
    %dma_start3A_482 = tpu.memref_slice %arg7[%dma_start3A_479, %dma_start3A_481] : memref<5x8000xi32, #tpu.memory_space<vmem>> -> memref<1x8000xi32, #tpu.memory_space<vmem>>
    %dma_start3A_483 = tpu.memref_squeeze %dma_start3A_482 : memref<1x8000xi32, #tpu.memory_space<vmem>> -> memref<8000xi32, #tpu.memory_space<vmem>>
    %dma_start3A_484 = tpu.memref_slice %arg3[%add3A_478] : memref<6400000xi32, #tpu.memory_space<hbm>> -> memref<8000xi32, #tpu.memory_space<hbm>>
    %dma_start3A_485 = tpu.memref_slice %arg12[%dma_start3A_480] : memref<5x!tpu.dma_semaphore, #tpu.memory_space<semaphore_mem>> -> memref<1x!tpu.dma_semaphore, #tpu.memory_space<semaphore_mem>>
    %dma_start3A_486 = tpu.memref_squeeze %dma_start3A_485 : memref<1x!tpu.dma_semaphore, #tpu.memory_space<semaphore_mem>> -> memref<!tpu.dma_semaphore, #tpu.memory_space<semaphore_mem>>
    %dma_start3A_487 = arith.constant 0 : i32
    %dma_start3A_488 = tpu.memref_slice %arg7[%dma_start3A_479, %dma_start3A_487] : memref<5x8000xi32, #tpu.memory_space<vmem>> -> memref<1x8000xi32, #tpu.memory_space<vmem>>
    %dma_start3A_489 = tpu.memref_squeeze %dma_start3A_488 : memref<1x8000xi32, #tpu.memory_space<vmem>> -> memref<8000xi32, #tpu.memory_space<vmem>>
    %dma_start3A_490 = tpu.memref_slice %arg3[%add3A_478] : memref<6400000xi32, #tpu.memory_space<hbm>> -> memref<8000xi32, #tpu.memory_space<hbm>>
    tpu.enqueue_dma source(%dma_start3A_490 : memref<8000xi32, #tpu.memory_space<hbm>>) target(%dma_start3A_489 : memref<8000xi32, #tpu.memory_space<vmem>>) target_semaphore(%dma_start3A_486 : memref<!tpu.dma_semaphore, #tpu.memory_space<semaphore_mem>>)
    %dma_start3A_491 = arith.constant 0 : i32
    %dma_start3A_492 = arith.constant 0 : i32
    %dma_start3A_493 = arith.constant 0 : i32
    %dma_start3A_494 = tpu.memref_slice %arg8[%dma_start3A_491, %dma_start3A_493] : memref<5x8000xi32, #tpu.memory_space<vmem>> -> memref<1x8000xi32, #tpu.memory_space<vmem>>
    %dma_start3A_495 = tpu.memref_squeeze %dma_start3A_494 : memref<1x8000xi32, #tpu.memory_space<vmem>> -> memref<8000xi32, #tpu.memory_space<vmem>>
    %dma_start3A_496 = tpu.memref_slice %arg4[%add3A_478] : memref<6400000xi32, #tpu.memory_space<hbm>> -> memref<8000xi32, #tpu.memory_space<hbm>>
    %dma_start3A_497 = tpu.memref_slice %arg12[%dma_start3A_492] : memref<5x!tpu.dma_semaphore, #tpu.memory_space<semaphore_mem>> -> memref<1x!tpu.dma_semaphore, #tpu.memory_space<semaphore_mem>>
    %dma_start3A_498 = tpu.memref_squeeze %dma_start3A_497 : memref<1x!tpu.dma_semaphore, #tpu.memory_space<semaphore_mem>> -> memref<!tpu.dma_semaphore, #tpu.memory_space<semaphore_mem>>
    %dma_start3A_499 = arith.constant 0 : i32
    %dma_start3A_500 = tpu.memref_slice %arg8[%dma_start3A_491, %dma_start3A_499] : memref<5x8000xi32, #tpu.memory_space<vmem>> -> memref<1x8000xi32, #tpu.memory_space<vmem>>
    %dma_start3A_501 = tpu.memref_squeeze %dma_start3A_500 : memref<1x8000xi32, #tpu.memory_space<vmem>> -> memref<8000xi32, #tpu.memory_space<vmem>>
    %dma_start3A_502 = tpu.memref_slice %arg4[%add3A_478] : memref<6400000xi32, #tpu.memory_space<hbm>> -> memref<8000xi32, #tpu.memory_space<hbm>>
    tpu.enqueue_dma source(%dma_start3A_502 : memref<8000xi32, #tpu.memory_space<hbm>>) target(%dma_start3A_501 : memref<8000xi32, #tpu.memory_space<vmem>>) target_semaphore(%dma_start3A_498 : memref<!tpu.dma_semaphore, #tpu.memory_space<semaphore_mem>>)
    %add3A_503 = arith.constant 24000 : i32
    %add3A_504 = arith.addi %mul3A_2, %add3A_503 : i32
    %dma_wait3A_505 = arith.constant 3 : i32
    %dma_wait3A_506 = arith.constant 3 : i32
    %dma_wait3A_507 = arith.constant 0 : i32
    %dma_wait3A_508 = tpu.memref_slice %arg7[%dma_wait3A_505, %dma_wait3A_507] : memref<5x8000xi32, #tpu.memory_space<vmem>> -> memref<1x8000xi32, #tpu.memory_space<vmem>>
    %dma_wait3A_509 = tpu.memref_squeeze %dma_wait3A_508 : memref<1x8000xi32, #tpu.memory_space<vmem>> -> memref<8000xi32, #tpu.memory_space<vmem>>
    %dma_wait3A_510 = tpu.memref_slice %arg3[%add3A_504] : memref<6400000xi32, #tpu.memory_space<hbm>> -> memref<8000xi32, #tpu.memory_space<hbm>>
    %dma_wait3A_511 = tpu.memref_slice %arg12[%dma_wait3A_506] : memref<5x!tpu.dma_semaphore, #tpu.memory_space<semaphore_mem>> -> memref<1x!tpu.dma_semaphore, #tpu.memory_space<semaphore_mem>>
    %dma_wait3A_512 = tpu.memref_squeeze %dma_wait3A_511 : memref<1x!tpu.dma_semaphore, #tpu.memory_space<semaphore_mem>> -> memref<!tpu.dma_semaphore, #tpu.memory_space<semaphore_mem>>
    %dma_wait3A_513 = arith.constant 0 : i32
    %dma_wait3A_514 = tpu.memref_slice %arg7[%dma_wait3A_505, %dma_wait3A_513] : memref<5x8000xi32, #tpu.memory_space<vmem>> -> memref<1x8000xi32, #tpu.memory_space<vmem>>
    %dma_wait3A_515 = tpu.memref_squeeze %dma_wait3A_514 : memref<1x8000xi32, #tpu.memory_space<vmem>> -> memref<8000xi32, #tpu.memory_space<vmem>>
    %dma_wait3A_516 = tpu.memref_slice %arg3[%add3A_504] : memref<6400000xi32, #tpu.memory_space<hbm>> -> memref<8000xi32, #tpu.memory_space<hbm>>
    tpu.wait_dma2 semaphore(%dma_wait3A_512 : memref<!tpu.dma_semaphore, #tpu.memory_space<semaphore_mem>>) src(%dma_wait3A_516 : memref<8000xi32, #tpu.memory_space<hbm>>) dst(%dma_wait3A_515 : memref<8000xi32, #tpu.memory_space<vmem>>)
    %dma_wait3A_517 = arith.constant 3 : i32
    %dma_wait3A_518 = arith.constant 3 : i32
    %dma_wait3A_519 = arith.constant 0 : i32
    %dma_wait3A_520 = tpu.memref_slice %arg8[%dma_wait3A_517, %dma_wait3A_519] : memref<5x8000xi32, #tpu.memory_space<vmem>> -> memref<1x8000xi32, #tpu.memory_space<vmem>>
    %dma_wait3A_521 = tpu.memref_squeeze %dma_wait3A_520 : memref<1x8000xi32, #tpu.memory_space<vmem>> -> memref<8000xi32, #tpu.memory_space<vmem>>
    %dma_wait3A_522 = tpu.memref_slice %arg4[%add3A_504] : memref<6400000xi32, #tpu.memory_space<hbm>> -> memref<8000xi32, #tpu.memory_space<hbm>>
    %dma_wait3A_523 = tpu.memref_slice %arg12[%dma_wait3A_518] : memref<5x!tpu.dma_semaphore, #tpu.memory_space<semaphore_mem>> -> memref<1x!tpu.dma_semaphore, #tpu.memory_space<semaphore_mem>>
    %dma_wait3A_524 = tpu.memref_squeeze %dma_wait3A_523 : memref<1x!tpu.dma_semaphore, #tpu.memory_space<semaphore_mem>> -> memref<!tpu.dma_semaphore, #tpu.memory_space<semaphore_mem>>
    %dma_wait3A_525 = arith.constant 0 : i32
    %dma_wait3A_526 = tpu.memref_slice %arg8[%dma_wait3A_517, %dma_wait3A_525] : memref<5x8000xi32, #tpu.memory_space<vmem>> -> memref<1x8000xi32, #tpu.memory_space<vmem>>
    %dma_wait3A_527 = tpu.memref_squeeze %dma_wait3A_526 : memref<1x8000xi32, #tpu.memory_space<vmem>> -> memref<8000xi32, #tpu.memory_space<vmem>>
    %dma_wait3A_528 = tpu.memref_slice %arg4[%add3A_504] : memref<6400000xi32, #tpu.memory_space<hbm>> -> memref<8000xi32, #tpu.memory_space<hbm>>
    tpu.wait_dma2 semaphore(%dma_wait3A_524 : memref<!tpu.dma_semaphore, #tpu.memory_space<semaphore_mem>>) src(%dma_wait3A_528 : memref<8000xi32, #tpu.memory_space<hbm>>) dst(%dma_wait3A_527 : memref<8000xi32, #tpu.memory_space<vmem>>)
    %scan3A_529 = arith.constant 0 : i32
    %scan3A_530 = arith.constant 0 : i32
    %scan3A_531 = arith.constant 496 : i32
    %scan3A_532 = arith.addi %scan3A_530, %scan3A_531 : i32
    %scan3A_533 = arith.constant 8 : i32
    scf.for %scan3A_1470 = %scan3A_530 to %scan3A_532 step %scan3A_533  : i32 {
      %mul3A_1471 = arith.constant 16 : i32
      %mul3A_1472 = arith.muli %scan3A_1470, %mul3A_1471 : i32
      %get3A_1473 = arith.constant 3 : i32
      %get3A_1474 = arith.index_cast %get3A_1473 : i32 to index
      %get3A_1475 = arith.index_cast %mul3A_1472 : i32 to index
      %get3A_1476 = tpu.vector_load %arg7[%get3A_1474, %get3A_1475] {strides = array<i32>} : memref<5x8000xi32, #tpu.memory_space<vmem>>, vector<16xi32>,
      %gather3A_1477 = tpu.vector_load_idx %arg6[%get3A_1476] : memref<128xf32, #tpu.memory_space<vmem>>[vector<16xi32>], vector<16xf32>,
      %mul3A_1478 = arith.constant 16 : i32
      %mul3A_1479 = arith.muli %scan3A_1470, %mul3A_1478 : i32
      %swap3A_1480 = arith.constant 3 : i32
      %swap3A_1481 = arith.index_cast %swap3A_1480 : i32 to index
      %swap3A_1482 = arith.index_cast %mul3A_1479 : i32 to index
      %swap3A_1483 = tpu.vector_load %arg9[%swap3A_1481, %swap3A_1482] {strides = array<i32>} : memref<5x8000xf32, #tpu.memory_space<vmem>>, vector<16xf32>,
      tpu.vector_store %arg9[%swap3A_1481, %swap3A_1482], %gather3A_1477 {strides = array<i32>} : memref<5x8000xf32, #tpu.memory_space<vmem>>, vector<16xf32>,
      %scan3A_1484 = arith.constant 1 : i32
      %scan3A_1485 = arith.addi %scan3A_1470, %scan3A_1484 : i32
      %mul3A_1486 = arith.constant 16 : i32
      %mul3A_1487 = arith.muli %scan3A_1485, %mul3A_1486 : i32
      %get3A_1488 = arith.constant 3 : i32
      %get3A_1489 = arith.index_cast %get3A_1488 : i32 to index
      %get3A_1490 = arith.index_cast %mul3A_1487 : i32 to index
      %get3A_1491 = tpu.vector_load %arg7[%get3A_1489, %get3A_1490] {strides = array<i32>} : memref<5x8000xi32, #tpu.memory_space<vmem>>, vector<16xi32>,
      %gather3A_1492 = tpu.vector_load_idx %arg6[%get3A_1491] : memref<128xf32, #tpu.memory_space<vmem>>[vector<16xi32>], vector<16xf32>,
      %mul3A_1493 = arith.constant 16 : i32
      %mul3A_1494 = arith.muli %scan3A_1485, %mul3A_1493 : i32
      %swap3A_1495 = arith.constant 3 : i32
      %swap3A_1496 = arith.index_cast %swap3A_1495 : i32 to index
      %swap3A_1497 = arith.index_cast %mul3A_1494 : i32 to index
      %swap3A_1498 = tpu.vector_load %arg9[%swap3A_1496, %swap3A_1497] {strides = array<i32>} : memref<5x8000xf32, #tpu.memory_space<vmem>>, vector<16xf32>,
      tpu.vector_store %arg9[%swap3A_1496, %swap3A_1497], %gather3A_1492 {strides = array<i32>} : memref<5x8000xf32, #tpu.memory_space<vmem>>, vector<16xf32>,
      %scan3A_1499 = arith.constant 2 : i32
      %scan3A_1500 = arith.addi %scan3A_1470, %scan3A_1499 : i32
      %mul3A_1501 = arith.constant 16 : i32
      %mul3A_1502 = arith.muli %scan3A_1500, %mul3A_1501 : i32
      %get3A_1503 = arith.constant 3 : i32
      %get3A_1504 = arith.index_cast %get3A_1503 : i32 to index
      %get3A_1505 = arith.index_cast %mul3A_1502 : i32 to index
      %get3A_1506 = tpu.vector_load %arg7[%get3A_1504, %get3A_1505] {strides = array<i32>} : memref<5x8000xi32, #tpu.memory_space<vmem>>, vector<16xi32>,
      %gather3A_1507 = tpu.vector_load_idx %arg6[%get3A_1506] : memref<128xf32, #tpu.memory_space<vmem>>[vector<16xi32>], vector<16xf32>,
      %mul3A_1508 = arith.constant 16 : i32
      %mul3A_1509 = arith.muli %scan3A_1500, %mul3A_1508 : i32
      %swap3A_1510 = arith.constant 3 : i32
      %swap3A_1511 = arith.index_cast %swap3A_1510 : i32 to index
      %swap3A_1512 = arith.index_cast %mul3A_1509 : i32 to index
      %swap3A_1513 = tpu.vector_load %arg9[%swap3A_1511, %swap3A_1512] {strides = array<i32>} : memref<5x8000xf32, #tpu.memory_space<vmem>>, vector<16xf32>,
      tpu.vector_store %arg9[%swap3A_1511, %swap3A_1512], %gather3A_1507 {strides = array<i32>} : memref<5x8000xf32, #tpu.memory_space<vmem>>, vector<16xf32>,
      %scan3A_1514 = arith.constant 3 : i32
      %scan3A_1515 = arith.addi %scan3A_1470, %scan3A_1514 : i32
      %mul3A_1516 = arith.constant 16 : i32
      %mul3A_1517 = arith.muli %scan3A_1515, %mul3A_1516 : i32
      %get3A_1518 = arith.constant 3 : i32
      %get3A_1519 = arith.index_cast %get3A_1518 : i32 to index
      %get3A_1520 = arith.index_cast %mul3A_1517 : i32 to index
      %get3A_1521 = tpu.vector_load %arg7[%get3A_1519, %get3A_1520] {strides = array<i32>} : memref<5x8000xi32, #tpu.memory_space<vmem>>, vector<16xi32>,
      %gather3A_1522 = tpu.vector_load_idx %arg6[%get3A_1521] : memref<128xf32, #tpu.memory_space<vmem>>[vector<16xi32>], vector<16xf32>,
      %mul3A_1523 = arith.constant 16 : i32
      %mul3A_1524 = arith.muli %scan3A_1515, %mul3A_1523 : i32
      %swap3A_1525 = arith.constant 3 : i32
      %swap3A_1526 = arith.index_cast %swap3A_1525 : i32 to index
      %swap3A_1527 = arith.index_cast %mul3A_1524 : i32 to index
      %swap3A_1528 = tpu.vector_load %arg9[%swap3A_1526, %swap3A_1527] {strides = array<i32>} : memref<5x8000xf32, #tpu.memory_space<vmem>>, vector<16xf32>,
      tpu.vector_store %arg9[%swap3A_1526, %swap3A_1527], %gather3A_1522 {strides = array<i32>} : memref<5x8000xf32, #tpu.memory_space<vmem>>, vector<16xf32>,
      %scan3A_1529 = arith.constant 4 : i32
      %scan3A_1530 = arith.addi %scan3A_1470, %scan3A_1529 : i32
      %mul3A_1531 = arith.constant 16 : i32
      %mul3A_1532 = arith.muli %scan3A_1530, %mul3A_1531 : i32
      %get3A_1533 = arith.constant 3 : i32
      %get3A_1534 = arith.index_cast %get3A_1533 : i32 to index
      %get3A_1535 = arith.index_cast %mul3A_1532 : i32 to index
      %get3A_1536 = tpu.vector_load %arg7[%get3A_1534, %get3A_1535] {strides = array<i32>} : memref<5x8000xi32, #tpu.memory_space<vmem>>, vector<16xi32>,
      %gather3A_1537 = tpu.vector_load_idx %arg6[%get3A_1536] : memref<128xf32, #tpu.memory_space<vmem>>[vector<16xi32>], vector<16xf32>,
      %mul3A_1538 = arith.constant 16 : i32
      %mul3A_1539 = arith.muli %scan3A_1530, %mul3A_1538 : i32
      %swap3A_1540 = arith.constant 3 : i32
      %swap3A_1541 = arith.index_cast %swap3A_1540 : i32 to index
      %swap3A_1542 = arith.index_cast %mul3A_1539 : i32 to index
      %swap3A_1543 = tpu.vector_load %arg9[%swap3A_1541, %swap3A_1542] {strides = array<i32>} : memref<5x8000xf32, #tpu.memory_space<vmem>>, vector<16xf32>,
      tpu.vector_store %arg9[%swap3A_1541, %swap3A_1542], %gather3A_1537 {strides = array<i32>} : memref<5x8000xf32, #tpu.memory_space<vmem>>, vector<16xf32>,
      %scan3A_1544 = arith.constant 5 : i32
      %scan3A_1545 = arith.addi %scan3A_1470, %scan3A_1544 : i32
      %mul3A_1546 = arith.constant 16 : i32
      %mul3A_1547 = arith.muli %scan3A_1545, %mul3A_1546 : i32
      %get3A_1548 = arith.constant 3 : i32
      %get3A_1549 = arith.index_cast %get3A_1548 : i32 to index
      %get3A_1550 = arith.index_cast %mul3A_1547 : i32 to index
      %get3A_1551 = tpu.vector_load %arg7[%get3A_1549, %get3A_1550] {strides = array<i32>} : memref<5x8000xi32, #tpu.memory_space<vmem>>, vector<16xi32>,
      %gather3A_1552 = tpu.vector_load_idx %arg6[%get3A_1551] : memref<128xf32, #tpu.memory_space<vmem>>[vector<16xi32>], vector<16xf32>,
      %mul3A_1553 = arith.constant 16 : i32
      %mul3A_1554 = arith.muli %scan3A_1545, %mul3A_1553 : i32
      %swap3A_1555 = arith.constant 3 : i32
      %swap3A_1556 = arith.index_cast %swap3A_1555 : i32 to index
      %swap3A_1557 = arith.index_cast %mul3A_1554 : i32 to index
      %swap3A_1558 = tpu.vector_load %arg9[%swap3A_1556, %swap3A_1557] {strides = array<i32>} : memref<5x8000xf32, #tpu.memory_space<vmem>>, vector<16xf32>,
      tpu.vector_store %arg9[%swap3A_1556, %swap3A_1557], %gather3A_1552 {strides = array<i32>} : memref<5x8000xf32, #tpu.memory_space<vmem>>, vector<16xf32>,
      %scan3A_1559 = arith.constant 6 : i32
      %scan3A_1560 = arith.addi %scan3A_1470, %scan3A_1559 : i32
      %mul3A_1561 = arith.constant 16 : i32
      %mul3A_1562 = arith.muli %scan3A_1560, %mul3A_1561 : i32
      %get3A_1563 = arith.constant 3 : i32
      %get3A_1564 = arith.index_cast %get3A_1563 : i32 to index
      %get3A_1565 = arith.index_cast %mul3A_1562 : i32 to index
      %get3A_1566 = tpu.vector_load %arg7[%get3A_1564, %get3A_1565] {strides = array<i32>} : memref<5x8000xi32, #tpu.memory_space<vmem>>, vector<16xi32>,
      %gather3A_1567 = tpu.vector_load_idx %arg6[%get3A_1566] : memref<128xf32, #tpu.memory_space<vmem>>[vector<16xi32>], vector<16xf32>,
      %mul3A_1568 = arith.constant 16 : i32
      %mul3A_1569 = arith.muli %scan3A_1560, %mul3A_1568 : i32
      %swap3A_1570 = arith.constant 3 : i32
      %swap3A_1571 = arith.index_cast %swap3A_1570 : i32 to index
      %swap3A_1572 = arith.index_cast %mul3A_1569 : i32 to index
      %swap3A_1573 = tpu.vector_load %arg9[%swap3A_1571, %swap3A_1572] {strides = array<i32>} : memref<5x8000xf32, #tpu.memory_space<vmem>>, vector<16xf32>,
      tpu.vector_store %arg9[%swap3A_1571, %swap3A_1572], %gather3A_1567 {strides = array<i32>} : memref<5x8000xf32, #tpu.memory_space<vmem>>, vector<16xf32>,
      %scan3A_1574 = arith.constant 7 : i32
      %scan3A_1575 = arith.addi %scan3A_1470, %scan3A_1574 : i32
      %mul3A_1576 = arith.constant 16 : i32
      %mul3A_1577 = arith.muli %scan3A_1575, %mul3A_1576 : i32
      %get3A_1578 = arith.constant 3 : i32
      %get3A_1579 = arith.index_cast %get3A_1578 : i32 to index
      %get3A_1580 = arith.index_cast %mul3A_1577 : i32 to index
      %get3A_1581 = tpu.vector_load %arg7[%get3A_1579, %get3A_1580] {strides = array<i32>} : memref<5x8000xi32, #tpu.memory_space<vmem>>, vector<16xi32>,
      %gather3A_1582 = tpu.vector_load_idx %arg6[%get3A_1581] : memref<128xf32, #tpu.memory_space<vmem>>[vector<16xi32>], vector<16xf32>,
      %mul3A_1583 = arith.constant 16 : i32
      %mul3A_1584 = arith.muli %scan3A_1575, %mul3A_1583 : i32
      %swap3A_1585 = arith.constant 3 : i32
      %swap3A_1586 = arith.index_cast %swap3A_1585 : i32 to index
      %swap3A_1587 = arith.index_cast %mul3A_1584 : i32 to index
      %swap3A_1588 = tpu.vector_load %arg9[%swap3A_1586, %swap3A_1587] {strides = array<i32>} : memref<5x8000xf32, #tpu.memory_space<vmem>>, vector<16xf32>,
      tpu.vector_store %arg9[%swap3A_1586, %swap3A_1587], %gather3A_1582 {strides = array<i32>} : memref<5x8000xf32, #tpu.memory_space<vmem>>, vector<16xf32>,
    }
    %scan3A_534 = arith.constant 496 : i32
    %scan3A_535 = arith.addi %scan3A_530, %scan3A_534 : i32
    %mul3A_536 = arith.constant 16 : i32
    %mul3A_537 = arith.muli %scan3A_535, %mul3A_536 : i32
    %get3A_538 = arith.constant 3 : i32
    %get3A_539 = arith.index_cast %get3A_538 : i32 to index
    %get3A_540 = arith.index_cast %mul3A_537 : i32 to index
    %get3A_541 = tpu.vector_load %arg7[%get3A_539, %get3A_540] {strides = array<i32>} : memref<5x8000xi32, #tpu.memory_space<vmem>>, vector<16xi32>,
    %gather3A_542 = tpu.vector_load_idx %arg6[%get3A_541] : memref<128xf32, #tpu.memory_space<vmem>>[vector<16xi32>], vector<16xf32>,
    %mul3A_543 = arith.constant 16 : i32
    %mul3A_544 = arith.muli %scan3A_535, %mul3A_543 : i32
    %swap3A_545 = arith.constant 3 : i32
    %swap3A_546 = arith.index_cast %swap3A_545 : i32 to index
    %swap3A_547 = arith.index_cast %mul3A_544 : i32 to index
    %swap3A_548 = tpu.vector_load %arg9[%swap3A_546, %swap3A_547] {strides = array<i32>} : memref<5x8000xf32, #tpu.memory_space<vmem>>, vector<16xf32>,
    tpu.vector_store %arg9[%swap3A_546, %swap3A_547], %gather3A_542 {strides = array<i32>} : memref<5x8000xf32, #tpu.memory_space<vmem>>, vector<16xf32>,
    %scan3A_549 = arith.constant 497 : i32
    %scan3A_550 = arith.addi %scan3A_530, %scan3A_549 : i32
    %mul3A_551 = arith.constant 16 : i32
    %mul3A_552 = arith.muli %scan3A_550, %mul3A_551 : i32
    %get3A_553 = arith.constant 3 : i32
    %get3A_554 = arith.index_cast %get3A_553 : i32 to index
    %get3A_555 = arith.index_cast %mul3A_552 : i32 to index
    %get3A_556 = tpu.vector_load %arg7[%get3A_554, %get3A_555] {strides = array<i32>} : memref<5x8000xi32, #tpu.memory_space<vmem>>, vector<16xi32>,
    %gather3A_557 = tpu.vector_load_idx %arg6[%get3A_556] : memref<128xf32, #tpu.memory_space<vmem>>[vector<16xi32>], vector<16xf32>,
    %mul3A_558 = arith.constant 16 : i32
    %mul3A_559 = arith.muli %scan3A_550, %mul3A_558 : i32
    %swap3A_560 = arith.constant 3 : i32
    %swap3A_561 = arith.index_cast %swap3A_560 : i32 to index
    %swap3A_562 = arith.index_cast %mul3A_559 : i32 to index
    %swap3A_563 = tpu.vector_load %arg9[%swap3A_561, %swap3A_562] {strides = array<i32>} : memref<5x8000xf32, #tpu.memory_space<vmem>>, vector<16xf32>,
    tpu.vector_store %arg9[%swap3A_561, %swap3A_562], %gather3A_557 {strides = array<i32>} : memref<5x8000xf32, #tpu.memory_space<vmem>>, vector<16xf32>,
    %scan3A_564 = arith.constant 498 : i32
    %scan3A_565 = arith.addi %scan3A_530, %scan3A_564 : i32
    %mul3A_566 = arith.constant 16 : i32
    %mul3A_567 = arith.muli %scan3A_565, %mul3A_566 : i32
    %get3A_568 = arith.constant 3 : i32
    %get3A_569 = arith.index_cast %get3A_568 : i32 to index
    %get3A_570 = arith.index_cast %mul3A_567 : i32 to index
    %get3A_571 = tpu.vector_load %arg7[%get3A_569, %get3A_570] {strides = array<i32>} : memref<5x8000xi32, #tpu.memory_space<vmem>>, vector<16xi32>,
    %gather3A_572 = tpu.vector_load_idx %arg6[%get3A_571] : memref<128xf32, #tpu.memory_space<vmem>>[vector<16xi32>], vector<16xf32>,
    %mul3A_573 = arith.constant 16 : i32
    %mul3A_574 = arith.muli %scan3A_565, %mul3A_573 : i32
    %swap3A_575 = arith.constant 3 : i32
    %swap3A_576 = arith.index_cast %swap3A_575 : i32 to index
    %swap3A_577 = arith.index_cast %mul3A_574 : i32 to index
    %swap3A_578 = tpu.vector_load %arg9[%swap3A_576, %swap3A_577] {strides = array<i32>} : memref<5x8000xf32, #tpu.memory_space<vmem>>, vector<16xf32>,
    tpu.vector_store %arg9[%swap3A_576, %swap3A_577], %gather3A_572 {strides = array<i32>} : memref<5x8000xf32, #tpu.memory_space<vmem>>, vector<16xf32>,
    %scan3A_579 = arith.constant 499 : i32
    %scan3A_580 = arith.addi %scan3A_530, %scan3A_579 : i32
    %mul3A_581 = arith.constant 16 : i32
    %mul3A_582 = arith.muli %scan3A_580, %mul3A_581 : i32
    %get3A_583 = arith.constant 3 : i32
    %get3A_584 = arith.index_cast %get3A_583 : i32 to index
    %get3A_585 = arith.index_cast %mul3A_582 : i32 to index
    %get3A_586 = tpu.vector_load %arg7[%get3A_584, %get3A_585] {strides = array<i32>} : memref<5x8000xi32, #tpu.memory_space<vmem>>, vector<16xi32>,
    %gather3A_587 = tpu.vector_load_idx %arg6[%get3A_586] : memref<128xf32, #tpu.memory_space<vmem>>[vector<16xi32>], vector<16xf32>,
    %mul3A_588 = arith.constant 16 : i32
    %mul3A_589 = arith.muli %scan3A_580, %mul3A_588 : i32
    %swap3A_590 = arith.constant 3 : i32
    %swap3A_591 = arith.index_cast %swap3A_590 : i32 to index
    %swap3A_592 = arith.index_cast %mul3A_589 : i32 to index
    %swap3A_593 = tpu.vector_load %arg9[%swap3A_591, %swap3A_592] {strides = array<i32>} : memref<5x8000xf32, #tpu.memory_space<vmem>>, vector<16xf32>,
    tpu.vector_store %arg9[%swap3A_591, %swap3A_592], %gather3A_587 {strides = array<i32>} : memref<5x8000xf32, #tpu.memory_space<vmem>>, vector<16xf32>,
    %scan3A_594 = arith.constant 500 : i32
    %dma_start3A_595 = arith.constant 3 : i32
    %dma_start3A_596 = arith.constant 3 : i32
    %dma_start3A_597 = arith.constant 3 : i32
    %dma_start3A_598 = arith.constant 0 : i32
    %dma_start3A_599 = tpu.memref_slice %arg9[%dma_start3A_595, %dma_start3A_598] : memref<5x8000xf32, #tpu.memory_space<vmem>> -> memref<1x8000xf32, #tpu.memory_space<vmem>>
    %dma_start3A_600 = tpu.memref_squeeze %dma_start3A_599 : memref<1x8000xf32, #tpu.memory_space<vmem>> -> memref<8000xf32, #tpu.memory_space<vmem>>
    %dma_start3A_601 = arith.constant 0 : i32
    %dma_start3A_602 = tpu.memref_slice %arg8[%dma_start3A_596, %dma_start3A_601] : memref<5x8000xi32, #tpu.memory_space<vmem>> -> memref<1x8000xi32, #tpu.memory_space<vmem>>
    %dma_start3A_603 = tpu.memref_squeeze %dma_start3A_602 : memref<1x8000xi32, #tpu.memory_space<vmem>> -> memref<8000xi32, #tpu.memory_space<vmem>>
    %dma_start3A_604 = arith.constant 0 : i32
    %dma_start3A_605 = tpu.memref_slice %arg11[%dma_start3A_604] : memref<102400xf32, #tpu.memory_space<vmem_shared>> -> memref<102400xf32, #tpu.memory_space<vmem_shared>>
    %dma_start3A_606 = tpu.memref_slice %arg13[%dma_start3A_597] : memref<5x!tpu.dma_semaphore, #tpu.memory_space<semaphore_mem>> -> memref<1x!tpu.dma_semaphore, #tpu.memory_space<semaphore_mem>>
    %dma_start3A_607 = tpu.memref_squeeze %dma_start3A_606 : memref<1x!tpu.dma_semaphore, #tpu.memory_space<semaphore_mem>> -> memref<!tpu.dma_semaphore, #tpu.memory_space<semaphore_mem>>
    tpu.enqueue_indirect_dma source(%dma_start3A_600 : memref<8000xf32, #tpu.memory_space<vmem>>) target(%dma_start3A_605 : memref<102400xf32, #tpu.memory_space<vmem_shared>>) offsets(%dma_start3A_603 : memref<8000xi32, #tpu.memory_space<vmem>>) semaphore(%dma_start3A_607 : memref<!tpu.dma_semaphore, #tpu.memory_space<semaphore_mem>>) {add = true}
    %dma_wait3A_608 = arith.constant 1 : i32
    %dma_wait3A_609 = arith.constant 1 : i32
    %dma_wait3A_610 = arith.constant 1 : i32
    %dma_wait3A_611 = arith.constant 0 : i32
    %dma_wait3A_612 = tpu.memref_slice %arg9[%dma_wait3A_608, %dma_wait3A_611] : memref<5x8000xf32, #tpu.memory_space<vmem>> -> memref<1x8000xf32, #tpu.memory_space<vmem>>
    %dma_wait3A_613 = tpu.memref_squeeze %dma_wait3A_612 : memref<1x8000xf32, #tpu.memory_space<vmem>> -> memref<8000xf32, #tpu.memory_space<vmem>>
    %dma_wait3A_614 = arith.constant 0 : i32
    %dma_wait3A_615 = tpu.memref_slice %arg8[%dma_wait3A_609, %dma_wait3A_614] : memref<5x8000xi32, #tpu.memory_space<vmem>> -> memref<1x8000xi32, #tpu.memory_space<vmem>>
    %dma_wait3A_616 = tpu.memref_squeeze %dma_wait3A_615 : memref<1x8000xi32, #tpu.memory_space<vmem>> -> memref<8000xi32, #tpu.memory_space<vmem>>
    %dma_wait3A_617 = arith.constant 0 : i32
    %dma_wait3A_618 = tpu.memref_slice %arg11[%dma_wait3A_617] : memref<102400xf32, #tpu.memory_space<vmem_shared>> -> memref<102400xf32, #tpu.memory_space<vmem_shared>>
    %dma_wait3A_619 = tpu.memref_slice %arg13[%dma_wait3A_610] : memref<5x!tpu.dma_semaphore, #tpu.memory_space<semaphore_mem>> -> memref<1x!tpu.dma_semaphore, #tpu.memory_space<semaphore_mem>>
    %dma_wait3A_620 = tpu.memref_squeeze %dma_wait3A_619 : memref<1x!tpu.dma_semaphore, #tpu.memory_space<semaphore_mem>> -> memref<!tpu.dma_semaphore, #tpu.memory_space<semaphore_mem>>
    tpu.wait_indirect_dma semaphore(%dma_wait3A_620 : memref<!tpu.dma_semaphore, #tpu.memory_space<semaphore_mem>>) src(%dma_wait3A_613 : memref<8000xf32, #tpu.memory_space<vmem>>) dst(%dma_wait3A_618 : memref<102400xf32, #tpu.memory_space<vmem_shared>>)
    %add3A_621 = arith.constant 48000 : i32
    %add3A_622 = arith.addi %mul3A_2, %add3A_621 : i32
    %dma_start3A_623 = arith.constant 1 : i32
    %dma_start3A_624 = arith.constant 1 : i32
    %dma_start3A_625 = arith.constant 0 : i32
    %dma_start3A_626 = tpu.memref_slice %arg7[%dma_start3A_623, %dma_start3A_625] : memref<5x8000xi32, #tpu.memory_space<vmem>> -> memref<1x8000xi32, #tpu.memory_space<vmem>>
    %dma_start3A_627 = tpu.memref_squeeze %dma_start3A_626 : memref<1x8000xi32, #tpu.memory_space<vmem>> -> memref<8000xi32, #tpu.memory_space<vmem>>
    %dma_start3A_628 = tpu.memref_slice %arg3[%add3A_622] : memref<6400000xi32, #tpu.memory_space<hbm>> -> memref<8000xi32, #tpu.memory_space<hbm>>
    %dma_start3A_629 = tpu.memref_slice %arg12[%dma_start3A_624] : memref<5x!tpu.dma_semaphore, #tpu.memory_space<semaphore_mem>> -> memref<1x!tpu.dma_semaphore, #tpu.memory_space<semaphore_mem>>
    %dma_start3A_630 = tpu.memref_squeeze %dma_start3A_629 : memref<1x!tpu.dma_semaphore, #tpu.memory_space<semaphore_mem>> -> memref<!tpu.dma_semaphore, #tpu.memory_space<semaphore_mem>>
    %dma_start3A_631 = arith.constant 0 : i32
    %dma_start3A_632 = tpu.memref_slice %arg7[%dma_start3A_623, %dma_start3A_631] : memref<5x8000xi32, #tpu.memory_space<vmem>> -> memref<1x8000xi32, #tpu.memory_space<vmem>>
    %dma_start3A_633 = tpu.memref_squeeze %dma_start3A_632 : memref<1x8000xi32, #tpu.memory_space<vmem>> -> memref<8000xi32, #tpu.memory_space<vmem>>
    %dma_start3A_634 = tpu.memref_slice %arg3[%add3A_622] : memref<6400000xi32, #tpu.memory_space<hbm>> -> memref<8000xi32, #tpu.memory_space<hbm>>
    tpu.enqueue_dma source(%dma_start3A_634 : memref<8000xi32, #tpu.memory_space<hbm>>) target(%dma_start3A_633 : memref<8000xi32, #tpu.memory_space<vmem>>) target_semaphore(%dma_start3A_630 : memref<!tpu.dma_semaphore, #tpu.memory_space<semaphore_mem>>)
    %dma_start3A_635 = arith.constant 1 : i32
    %dma_start3A_636 = arith.constant 1 : i32
    %dma_start3A_637 = arith.constant 0 : i32
    %dma_start3A_638 = tpu.memref_slice %arg8[%dma_start3A_635, %dma_start3A_637] : memref<5x8000xi32, #tpu.memory_space<vmem>> -> memref<1x8000xi32, #tpu.memory_space<vmem>>
    %dma_start3A_639 = tpu.memref_squeeze %dma_start3A_638 : memref<1x8000xi32, #tpu.memory_space<vmem>> -> memref<8000xi32, #tpu.memory_space<vmem>>
    %dma_start3A_640 = tpu.memref_slice %arg4[%add3A_622] : memref<6400000xi32, #tpu.memory_space<hbm>> -> memref<8000xi32, #tpu.memory_space<hbm>>
    %dma_start3A_641 = tpu.memref_slice %arg12[%dma_start3A_636] : memref<5x!tpu.dma_semaphore, #tpu.memory_space<semaphore_mem>> -> memref<1x!tpu.dma_semaphore, #tpu.memory_space<semaphore_mem>>
    %dma_start3A_642 = tpu.memref_squeeze %dma_start3A_641 : memref<1x!tpu.dma_semaphore, #tpu.memory_space<semaphore_mem>> -> memref<!tpu.dma_semaphore, #tpu.memory_space<semaphore_mem>>
    %dma_start3A_643 = arith.constant 0 : i32
    %dma_start3A_644 = tpu.memref_slice %arg8[%dma_start3A_635, %dma_start3A_643] : memref<5x8000xi32, #tpu.memory_space<vmem>> -> memref<1x8000xi32, #tpu.memory_space<vmem>>
    %dma_start3A_645 = tpu.memref_squeeze %dma_start3A_644 : memref<1x8000xi32, #tpu.memory_space<vmem>> -> memref<8000xi32, #tpu.memory_space<vmem>>
    %dma_start3A_646 = tpu.memref_slice %arg4[%add3A_622] : memref<6400000xi32, #tpu.memory_space<hbm>> -> memref<8000xi32, #tpu.memory_space<hbm>>
    tpu.enqueue_dma source(%dma_start3A_646 : memref<8000xi32, #tpu.memory_space<hbm>>) target(%dma_start3A_645 : memref<8000xi32, #tpu.memory_space<vmem>>) target_semaphore(%dma_start3A_642 : memref<!tpu.dma_semaphore, #tpu.memory_space<semaphore_mem>>)
    %add3A_647 = arith.constant 32000 : i32
    %add3A_648 = arith.addi %mul3A_2, %add3A_647 : i32
    %dma_wait3A_649 = arith.constant 4 : i32
    %dma_wait3A_650 = arith.constant 4 : i32
    %dma_wait3A_651 = arith.constant 0 : i32
    %dma_wait3A_652 = tpu.memref_slice %arg7[%dma_wait3A_649, %dma_wait3A_651] : memref<5x8000xi32, #tpu.memory_space<vmem>> -> memref<1x8000xi32, #tpu.memory_space<vmem>>
    %dma_wait3A_653 = tpu.memref_squeeze %dma_wait3A_652 : memref<1x8000xi32, #tpu.memory_space<vmem>> -> memref<8000xi32, #tpu.memory_space<vmem>>
    %dma_wait3A_654 = tpu.memref_slice %arg3[%add3A_648] : memref<6400000xi32, #tpu.memory_space<hbm>> -> memref<8000xi32, #tpu.memory_space<hbm>>
    %dma_wait3A_655 = tpu.memref_slice %arg12[%dma_wait3A_650] : memref<5x!tpu.dma_semaphore, #tpu.memory_space<semaphore_mem>> -> memref<1x!tpu.dma_semaphore, #tpu.memory_space<semaphore_mem>>
    %dma_wait3A_656 = tpu.memref_squeeze %dma_wait3A_655 : memref<1x!tpu.dma_semaphore, #tpu.memory_space<semaphore_mem>> -> memref<!tpu.dma_semaphore, #tpu.memory_space<semaphore_mem>>
    %dma_wait3A_657 = arith.constant 0 : i32
    %dma_wait3A_658 = tpu.memref_slice %arg7[%dma_wait3A_649, %dma_wait3A_657] : memref<5x8000xi32, #tpu.memory_space<vmem>> -> memref<1x8000xi32, #tpu.memory_space<vmem>>
    %dma_wait3A_659 = tpu.memref_squeeze %dma_wait3A_658 : memref<1x8000xi32, #tpu.memory_space<vmem>> -> memref<8000xi32, #tpu.memory_space<vmem>>
    %dma_wait3A_660 = tpu.memref_slice %arg3[%add3A_648] : memref<6400000xi32, #tpu.memory_space<hbm>> -> memref<8000xi32, #tpu.memory_space<hbm>>
    tpu.wait_dma2 semaphore(%dma_wait3A_656 : memref<!tpu.dma_semaphore, #tpu.memory_space<semaphore_mem>>) src(%dma_wait3A_660 : memref<8000xi32, #tpu.memory_space<hbm>>) dst(%dma_wait3A_659 : memref<8000xi32, #tpu.memory_space<vmem>>)
    %dma_wait3A_661 = arith.constant 4 : i32
    %dma_wait3A_662 = arith.constant 4 : i32
    %dma_wait3A_663 = arith.constant 0 : i32
    %dma_wait3A_664 = tpu.memref_slice %arg8[%dma_wait3A_661, %dma_wait3A_663] : memref<5x8000xi32, #tpu.memory_space<vmem>> -> memref<1x8000xi32, #tpu.memory_space<vmem>>
    %dma_wait3A_665 = tpu.memref_squeeze %dma_wait3A_664 : memref<1x8000xi32, #tpu.memory_space<vmem>> -> memref<8000xi32, #tpu.memory_space<vmem>>
    %dma_wait3A_666 = tpu.memref_slice %arg4[%add3A_648] : memref<6400000xi32, #tpu.memory_space<hbm>> -> memref<8000xi32, #tpu.memory_space<hbm>>
    %dma_wait3A_667 = tpu.memref_slice %arg12[%dma_wait3A_662] : memref<5x!tpu.dma_semaphore, #tpu.memory_space<semaphore_mem>> -> memref<1x!tpu.dma_semaphore, #tpu.memory_space<semaphore_mem>>
    %dma_wait3A_668 = tpu.memref_squeeze %dma_wait3A_667 : memref<1x!tpu.dma_semaphore, #tpu.memory_space<semaphore_mem>> -> memref<!tpu.dma_semaphore, #tpu.memory_space<semaphore_mem>>
    %dma_wait3A_669 = arith.constant 0 : i32
    %dma_wait3A_670 = tpu.memref_slice %arg8[%dma_wait3A_661, %dma_wait3A_669] : memref<5x8000xi32, #tpu.memory_space<vmem>> -> memref<1x8000xi32, #tpu.memory_space<vmem>>
    %dma_wait3A_671 = tpu.memref_squeeze %dma_wait3A_670 : memref<1x8000xi32, #tpu.memory_space<vmem>> -> memref<8000xi32, #tpu.memory_space<vmem>>
    %dma_wait3A_672 = tpu.memref_slice %arg4[%add3A_648] : memref<6400000xi32, #tpu.memory_space<hbm>> -> memref<8000xi32, #tpu.memory_space<hbm>>
    tpu.wait_dma2 semaphore(%dma_wait3A_668 : memref<!tpu.dma_semaphore, #tpu.memory_space<semaphore_mem>>) src(%dma_wait3A_672 : memref<8000xi32, #tpu.memory_space<hbm>>) dst(%dma_wait3A_671 : memref<8000xi32, #tpu.memory_space<vmem>>)
    %scan3A_673 = arith.constant 0 : i32
    %scan3A_674 = arith.constant 0 : i32
    %scan3A_675 = arith.constant 496 : i32
    %scan3A_676 = arith.addi %scan3A_674, %scan3A_675 : i32
    %scan3A_677 = arith.constant 8 : i32
    scf.for %scan3A_1470 = %scan3A_674 to %scan3A_676 step %scan3A_677  : i32 {
      %mul3A_1471 = arith.constant 16 : i32
      %mul3A_1472 = arith.muli %scan3A_1470, %mul3A_1471 : i32
      %get3A_1473 = arith.constant 4 : i32
      %get3A_1474 = arith.index_cast %get3A_1473 : i32 to index
      %get3A_1475 = arith.index_cast %mul3A_1472 : i32 to index
      %get3A_1476 = tpu.vector_load %arg7[%get3A_1474, %get3A_1475] {strides = array<i32>} : memref<5x8000xi32, #tpu.memory_space<vmem>>, vector<16xi32>,
      %gather3A_1477 = tpu.vector_load_idx %arg6[%get3A_1476] : memref<128xf32, #tpu.memory_space<vmem>>[vector<16xi32>], vector<16xf32>,
      %mul3A_1478 = arith.constant 16 : i32
      %mul3A_1479 = arith.muli %scan3A_1470, %mul3A_1478 : i32
      %swap3A_1480 = arith.constant 4 : i32
      %swap3A_1481 = arith.index_cast %swap3A_1480 : i32 to index
      %swap3A_1482 = arith.index_cast %mul3A_1479 : i32 to index
      %swap3A_1483 = tpu.vector_load %arg9[%swap3A_1481, %swap3A_1482] {strides = array<i32>} : memref<5x8000xf32, #tpu.memory_space<vmem>>, vector<16xf32>,
      tpu.vector_store %arg9[%swap3A_1481, %swap3A_1482], %gather3A_1477 {strides = array<i32>} : memref<5x8000xf32, #tpu.memory_space<vmem>>, vector<16xf32>,
      %scan3A_1484 = arith.constant 1 : i32
      %scan3A_1485 = arith.addi %scan3A_1470, %scan3A_1484 : i32
      %mul3A_1486 = arith.constant 16 : i32
      %mul3A_1487 = arith.muli %scan3A_1485, %mul3A_1486 : i32
      %get3A_1488 = arith.constant 4 : i32
      %get3A_1489 = arith.index_cast %get3A_1488 : i32 to index
      %get3A_1490 = arith.index_cast %mul3A_1487 : i32 to index
      %get3A_1491 = tpu.vector_load %arg7[%get3A_1489, %get3A_1490] {strides = array<i32>} : memref<5x8000xi32, #tpu.memory_space<vmem>>, vector<16xi32>,
      %gather3A_1492 = tpu.vector_load_idx %arg6[%get3A_1491] : memref<128xf32, #tpu.memory_space<vmem>>[vector<16xi32>], vector<16xf32>,
      %mul3A_1493 = arith.constant 16 : i32
      %mul3A_1494 = arith.muli %scan3A_1485, %mul3A_1493 : i32
      %swap3A_1495 = arith.constant 4 : i32
      %swap3A_1496 = arith.index_cast %swap3A_1495 : i32 to index
      %swap3A_1497 = arith.index_cast %mul3A_1494 : i32 to index
      %swap3A_1498 = tpu.vector_load %arg9[%swap3A_1496, %swap3A_1497] {strides = array<i32>} : memref<5x8000xf32, #tpu.memory_space<vmem>>, vector<16xf32>,
      tpu.vector_store %arg9[%swap3A_1496, %swap3A_1497], %gather3A_1492 {strides = array<i32>} : memref<5x8000xf32, #tpu.memory_space<vmem>>, vector<16xf32>,
      %scan3A_1499 = arith.constant 2 : i32
      %scan3A_1500 = arith.addi %scan3A_1470, %scan3A_1499 : i32
      %mul3A_1501 = arith.constant 16 : i32
      %mul3A_1502 = arith.muli %scan3A_1500, %mul3A_1501 : i32
      %get3A_1503 = arith.constant 4 : i32
      %get3A_1504 = arith.index_cast %get3A_1503 : i32 to index
      %get3A_1505 = arith.index_cast %mul3A_1502 : i32 to index
      %get3A_1506 = tpu.vector_load %arg7[%get3A_1504, %get3A_1505] {strides = array<i32>} : memref<5x8000xi32, #tpu.memory_space<vmem>>, vector<16xi32>,
      %gather3A_1507 = tpu.vector_load_idx %arg6[%get3A_1506] : memref<128xf32, #tpu.memory_space<vmem>>[vector<16xi32>], vector<16xf32>,
      %mul3A_1508 = arith.constant 16 : i32
      %mul3A_1509 = arith.muli %scan3A_1500, %mul3A_1508 : i32
      %swap3A_1510 = arith.constant 4 : i32
      %swap3A_1511 = arith.index_cast %swap3A_1510 : i32 to index
      %swap3A_1512 = arith.index_cast %mul3A_1509 : i32 to index
      %swap3A_1513 = tpu.vector_load %arg9[%swap3A_1511, %swap3A_1512] {strides = array<i32>} : memref<5x8000xf32, #tpu.memory_space<vmem>>, vector<16xf32>,
      tpu.vector_store %arg9[%swap3A_1511, %swap3A_1512], %gather3A_1507 {strides = array<i32>} : memref<5x8000xf32, #tpu.memory_space<vmem>>, vector<16xf32>,
      %scan3A_1514 = arith.constant 3 : i32
      %scan3A_1515 = arith.addi %scan3A_1470, %scan3A_1514 : i32
      %mul3A_1516 = arith.constant 16 : i32
      %mul3A_1517 = arith.muli %scan3A_1515, %mul3A_1516 : i32
      %get3A_1518 = arith.constant 4 : i32
      %get3A_1519 = arith.index_cast %get3A_1518 : i32 to index
      %get3A_1520 = arith.index_cast %mul3A_1517 : i32 to index
      %get3A_1521 = tpu.vector_load %arg7[%get3A_1519, %get3A_1520] {strides = array<i32>} : memref<5x8000xi32, #tpu.memory_space<vmem>>, vector<16xi32>,
      %gather3A_1522 = tpu.vector_load_idx %arg6[%get3A_1521] : memref<128xf32, #tpu.memory_space<vmem>>[vector<16xi32>], vector<16xf32>,
      %mul3A_1523 = arith.constant 16 : i32
      %mul3A_1524 = arith.muli %scan3A_1515, %mul3A_1523 : i32
      %swap3A_1525 = arith.constant 4 : i32
      %swap3A_1526 = arith.index_cast %swap3A_1525 : i32 to index
      %swap3A_1527 = arith.index_cast %mul3A_1524 : i32 to index
      %swap3A_1528 = tpu.vector_load %arg9[%swap3A_1526, %swap3A_1527] {strides = array<i32>} : memref<5x8000xf32, #tpu.memory_space<vmem>>, vector<16xf32>,
      tpu.vector_store %arg9[%swap3A_1526, %swap3A_1527], %gather3A_1522 {strides = array<i32>} : memref<5x8000xf32, #tpu.memory_space<vmem>>, vector<16xf32>,
      %scan3A_1529 = arith.constant 4 : i32
      %scan3A_1530 = arith.addi %scan3A_1470, %scan3A_1529 : i32
      %mul3A_1531 = arith.constant 16 : i32
      %mul3A_1532 = arith.muli %scan3A_1530, %mul3A_1531 : i32
      %get3A_1533 = arith.constant 4 : i32
      %get3A_1534 = arith.index_cast %get3A_1533 : i32 to index
      %get3A_1535 = arith.index_cast %mul3A_1532 : i32 to index
      %get3A_1536 = tpu.vector_load %arg7[%get3A_1534, %get3A_1535] {strides = array<i32>} : memref<5x8000xi32, #tpu.memory_space<vmem>>, vector<16xi32>,
      %gather3A_1537 = tpu.vector_load_idx %arg6[%get3A_1536] : memref<128xf32, #tpu.memory_space<vmem>>[vector<16xi32>], vector<16xf32>,
      %mul3A_1538 = arith.constant 16 : i32
      %mul3A_1539 = arith.muli %scan3A_1530, %mul3A_1538 : i32
      %swap3A_1540 = arith.constant 4 : i32
      %swap3A_1541 = arith.index_cast %swap3A_1540 : i32 to index
      %swap3A_1542 = arith.index_cast %mul3A_1539 : i32 to index
      %swap3A_1543 = tpu.vector_load %arg9[%swap3A_1541, %swap3A_1542] {strides = array<i32>} : memref<5x8000xf32, #tpu.memory_space<vmem>>, vector<16xf32>,
      tpu.vector_store %arg9[%swap3A_1541, %swap3A_1542], %gather3A_1537 {strides = array<i32>} : memref<5x8000xf32, #tpu.memory_space<vmem>>, vector<16xf32>,
      %scan3A_1544 = arith.constant 5 : i32
      %scan3A_1545 = arith.addi %scan3A_1470, %scan3A_1544 : i32
      %mul3A_1546 = arith.constant 16 : i32
      %mul3A_1547 = arith.muli %scan3A_1545, %mul3A_1546 : i32
      %get3A_1548 = arith.constant 4 : i32
      %get3A_1549 = arith.index_cast %get3A_1548 : i32 to index
      %get3A_1550 = arith.index_cast %mul3A_1547 : i32 to index
      %get3A_1551 = tpu.vector_load %arg7[%get3A_1549, %get3A_1550] {strides = array<i32>} : memref<5x8000xi32, #tpu.memory_space<vmem>>, vector<16xi32>,
      %gather3A_1552 = tpu.vector_load_idx %arg6[%get3A_1551] : memref<128xf32, #tpu.memory_space<vmem>>[vector<16xi32>], vector<16xf32>,
      %mul3A_1553 = arith.constant 16 : i32
      %mul3A_1554 = arith.muli %scan3A_1545, %mul3A_1553 : i32
      %swap3A_1555 = arith.constant 4 : i32
      %swap3A_1556 = arith.index_cast %swap3A_1555 : i32 to index
      %swap3A_1557 = arith.index_cast %mul3A_1554 : i32 to index
      %swap3A_1558 = tpu.vector_load %arg9[%swap3A_1556, %swap3A_1557] {strides = array<i32>} : memref<5x8000xf32, #tpu.memory_space<vmem>>, vector<16xf32>,
      tpu.vector_store %arg9[%swap3A_1556, %swap3A_1557], %gather3A_1552 {strides = array<i32>} : memref<5x8000xf32, #tpu.memory_space<vmem>>, vector<16xf32>,
      %scan3A_1559 = arith.constant 6 : i32
      %scan3A_1560 = arith.addi %scan3A_1470, %scan3A_1559 : i32
      %mul3A_1561 = arith.constant 16 : i32
      %mul3A_1562 = arith.muli %scan3A_1560, %mul3A_1561 : i32
      %get3A_1563 = arith.constant 4 : i32
      %get3A_1564 = arith.index_cast %get3A_1563 : i32 to index
      %get3A_1565 = arith.index_cast %mul3A_1562 : i32 to index
      %get3A_1566 = tpu.vector_load %arg7[%get3A_1564, %get3A_1565] {strides = array<i32>} : memref<5x8000xi32, #tpu.memory_space<vmem>>, vector<16xi32>,
      %gather3A_1567 = tpu.vector_load_idx %arg6[%get3A_1566] : memref<128xf32, #tpu.memory_space<vmem>>[vector<16xi32>], vector<16xf32>,
      %mul3A_1568 = arith.constant 16 : i32
      %mul3A_1569 = arith.muli %scan3A_1560, %mul3A_1568 : i32
      %swap3A_1570 = arith.constant 4 : i32
      %swap3A_1571 = arith.index_cast %swap3A_1570 : i32 to index
      %swap3A_1572 = arith.index_cast %mul3A_1569 : i32 to index
      %swap3A_1573 = tpu.vector_load %arg9[%swap3A_1571, %swap3A_1572] {strides = array<i32>} : memref<5x8000xf32, #tpu.memory_space<vmem>>, vector<16xf32>,
      tpu.vector_store %arg9[%swap3A_1571, %swap3A_1572], %gather3A_1567 {strides = array<i32>} : memref<5x8000xf32, #tpu.memory_space<vmem>>, vector<16xf32>,
      %scan3A_1574 = arith.constant 7 : i32
      %scan3A_1575 = arith.addi %scan3A_1470, %scan3A_1574 : i32
      %mul3A_1576 = arith.constant 16 : i32
      %mul3A_1577 = arith.muli %scan3A_1575, %mul3A_1576 : i32
      %get3A_1578 = arith.constant 4 : i32
      %get3A_1579 = arith.index_cast %get3A_1578 : i32 to index
      %get3A_1580 = arith.index_cast %mul3A_1577 : i32 to index
      %get3A_1581 = tpu.vector_load %arg7[%get3A_1579, %get3A_1580] {strides = array<i32>} : memref<5x8000xi32, #tpu.memory_space<vmem>>, vector<16xi32>,
      %gather3A_1582 = tpu.vector_load_idx %arg6[%get3A_1581] : memref<128xf32, #tpu.memory_space<vmem>>[vector<16xi32>], vector<16xf32>,
      %mul3A_1583 = arith.constant 16 : i32
      %mul3A_1584 = arith.muli %scan3A_1575, %mul3A_1583 : i32
      %swap3A_1585 = arith.constant 4 : i32
      %swap3A_1586 = arith.index_cast %swap3A_1585 : i32 to index
      %swap3A_1587 = arith.index_cast %mul3A_1584 : i32 to index
      %swap3A_1588 = tpu.vector_load %arg9[%swap3A_1586, %swap3A_1587] {strides = array<i32>} : memref<5x8000xf32, #tpu.memory_space<vmem>>, vector<16xf32>,
      tpu.vector_store %arg9[%swap3A_1586, %swap3A_1587], %gather3A_1582 {strides = array<i32>} : memref<5x8000xf32, #tpu.memory_space<vmem>>, vector<16xf32>,
    }
    %scan3A_678 = arith.constant 496 : i32
    %scan3A_679 = arith.addi %scan3A_674, %scan3A_678 : i32
    %mul3A_680 = arith.constant 16 : i32
    %mul3A_681 = arith.muli %scan3A_679, %mul3A_680 : i32
    %get3A_682 = arith.constant 4 : i32
    %get3A_683 = arith.index_cast %get3A_682 : i32 to index
    %get3A_684 = arith.index_cast %mul3A_681 : i32 to index
    %get3A_685 = tpu.vector_load %arg7[%get3A_683, %get3A_684] {strides = array<i32>} : memref<5x8000xi32, #tpu.memory_space<vmem>>, vector<16xi32>,
    %gather3A_686 = tpu.vector_load_idx %arg6[%get3A_685] : memref<128xf32, #tpu.memory_space<vmem>>[vector<16xi32>], vector<16xf32>,
    %mul3A_687 = arith.constant 16 : i32
    %mul3A_688 = arith.muli %scan3A_679, %mul3A_687 : i32
    %swap3A_689 = arith.constant 4 : i32
    %swap3A_690 = arith.index_cast %swap3A_689 : i32 to index
    %swap3A_691 = arith.index_cast %mul3A_688 : i32 to index
    %swap3A_692 = tpu.vector_load %arg9[%swap3A_690, %swap3A_691] {strides = array<i32>} : memref<5x8000xf32, #tpu.memory_space<vmem>>, vector<16xf32>,
    tpu.vector_store %arg9[%swap3A_690, %swap3A_691], %gather3A_686 {strides = array<i32>} : memref<5x8000xf32, #tpu.memory_space<vmem>>, vector<16xf32>,
    %scan3A_693 = arith.constant 497 : i32
    %scan3A_694 = arith.addi %scan3A_674, %scan3A_693 : i32
    %mul3A_695 = arith.constant 16 : i32
    %mul3A_696 = arith.muli %scan3A_694, %mul3A_695 : i32
    %get3A_697 = arith.constant 4 : i32
    %get3A_698 = arith.index_cast %get3A_697 : i32 to index
    %get3A_699 = arith.index_cast %mul3A_696 : i32 to index
    %get3A_700 = tpu.vector_load %arg7[%get3A_698, %get3A_699] {strides = array<i32>} : memref<5x8000xi32, #tpu.memory_space<vmem>>, vector<16xi32>,
    %gather3A_701 = tpu.vector_load_idx %arg6[%get3A_700] : memref<128xf32, #tpu.memory_space<vmem>>[vector<16xi32>], vector<16xf32>,
    %mul3A_702 = arith.constant 16 : i32
    %mul3A_703 = arith.muli %scan3A_694, %mul3A_702 : i32
    %swap3A_704 = arith.constant 4 : i32
    %swap3A_705 = arith.index_cast %swap3A_704 : i32 to index
    %swap3A_706 = arith.index_cast %mul3A_703 : i32 to index
    %swap3A_707 = tpu.vector_load %arg9[%swap3A_705, %swap3A_706] {strides = array<i32>} : memref<5x8000xf32, #tpu.memory_space<vmem>>, vector<16xf32>,
    tpu.vector_store %arg9[%swap3A_705, %swap3A_706], %gather3A_701 {strides = array<i32>} : memref<5x8000xf32, #tpu.memory_space<vmem>>, vector<16xf32>,
    %scan3A_708 = arith.constant 498 : i32
    %scan3A_709 = arith.addi %scan3A_674, %scan3A_708 : i32
    %mul3A_710 = arith.constant 16 : i32
    %mul3A_711 = arith.muli %scan3A_709, %mul3A_710 : i32
    %get3A_712 = arith.constant 4 : i32
    %get3A_713 = arith.index_cast %get3A_712 : i32 to index
    %get3A_714 = arith.index_cast %mul3A_711 : i32 to index
    %get3A_715 = tpu.vector_load %arg7[%get3A_713, %get3A_714] {strides = array<i32>} : memref<5x8000xi32, #tpu.memory_space<vmem>>, vector<16xi32>,
    %gather3A_716 = tpu.vector_load_idx %arg6[%get3A_715] : memref<128xf32, #tpu.memory_space<vmem>>[vector<16xi32>], vector<16xf32>,
    %mul3A_717 = arith.constant 16 : i32
    %mul3A_718 = arith.muli %scan3A_709, %mul3A_717 : i32
    %swap3A_719 = arith.constant 4 : i32
    %swap3A_720 = arith.index_cast %swap3A_719 : i32 to index
    %swap3A_721 = arith.index_cast %mul3A_718 : i32 to index
    %swap3A_722 = tpu.vector_load %arg9[%swap3A_720, %swap3A_721] {strides = array<i32>} : memref<5x8000xf32, #tpu.memory_space<vmem>>, vector<16xf32>,
    tpu.vector_store %arg9[%swap3A_720, %swap3A_721], %gather3A_716 {strides = array<i32>} : memref<5x8000xf32, #tpu.memory_space<vmem>>, vector<16xf32>,
    %scan3A_723 = arith.constant 499 : i32
    %scan3A_724 = arith.addi %scan3A_674, %scan3A_723 : i32
    %mul3A_725 = arith.constant 16 : i32
    %mul3A_726 = arith.muli %scan3A_724, %mul3A_725 : i32
    %get3A_727 = arith.constant 4 : i32
    %get3A_728 = arith.index_cast %get3A_727 : i32 to index
    %get3A_729 = arith.index_cast %mul3A_726 : i32 to index
    %get3A_730 = tpu.vector_load %arg7[%get3A_728, %get3A_729] {strides = array<i32>} : memref<5x8000xi32, #tpu.memory_space<vmem>>, vector<16xi32>,
    %gather3A_731 = tpu.vector_load_idx %arg6[%get3A_730] : memref<128xf32, #tpu.memory_space<vmem>>[vector<16xi32>], vector<16xf32>,
    %mul3A_732 = arith.constant 16 : i32
    %mul3A_733 = arith.muli %scan3A_724, %mul3A_732 : i32
    %swap3A_734 = arith.constant 4 : i32
    %swap3A_735 = arith.index_cast %swap3A_734 : i32 to index
    %swap3A_736 = arith.index_cast %mul3A_733 : i32 to index
    %swap3A_737 = tpu.vector_load %arg9[%swap3A_735, %swap3A_736] {strides = array<i32>} : memref<5x8000xf32, #tpu.memory_space<vmem>>, vector<16xf32>,
    tpu.vector_store %arg9[%swap3A_735, %swap3A_736], %gather3A_731 {strides = array<i32>} : memref<5x8000xf32, #tpu.memory_space<vmem>>, vector<16xf32>,
    %scan3A_738 = arith.constant 500 : i32
    %dma_start3A_739 = arith.constant 4 : i32
    %dma_start3A_740 = arith.constant 4 : i32
    %dma_start3A_741 = arith.constant 4 : i32
    %dma_start3A_742 = arith.constant 0 : i32
    %dma_start3A_743 = tpu.memref_slice %arg9[%dma_start3A_739, %dma_start3A_742] : memref<5x8000xf32, #tpu.memory_space<vmem>> -> memref<1x8000xf32, #tpu.memory_space<vmem>>
    %dma_start3A_744 = tpu.memref_squeeze %dma_start3A_743 : memref<1x8000xf32, #tpu.memory_space<vmem>> -> memref<8000xf32, #tpu.memory_space<vmem>>
    %dma_start3A_745 = arith.constant 0 : i32
    %dma_start3A_746 = tpu.memref_slice %arg8[%dma_start3A_740, %dma_start3A_745] : memref<5x8000xi32, #tpu.memory_space<vmem>> -> memref<1x8000xi32, #tpu.memory_space<vmem>>
    %dma_start3A_747 = tpu.memref_squeeze %dma_start3A_746 : memref<1x8000xi32, #tpu.memory_space<vmem>> -> memref<8000xi32, #tpu.memory_space<vmem>>
    %dma_start3A_748 = arith.constant 0 : i32
    %dma_start3A_749 = tpu.memref_slice %arg11[%dma_start3A_748] : memref<102400xf32, #tpu.memory_space<vmem_shared>> -> memref<102400xf32, #tpu.memory_space<vmem_shared>>
    %dma_start3A_750 = tpu.memref_slice %arg13[%dma_start3A_741] : memref<5x!tpu.dma_semaphore, #tpu.memory_space<semaphore_mem>> -> memref<1x!tpu.dma_semaphore, #tpu.memory_space<semaphore_mem>>
    %dma_start3A_751 = tpu.memref_squeeze %dma_start3A_750 : memref<1x!tpu.dma_semaphore, #tpu.memory_space<semaphore_mem>> -> memref<!tpu.dma_semaphore, #tpu.memory_space<semaphore_mem>>
    tpu.enqueue_indirect_dma source(%dma_start3A_744 : memref<8000xf32, #tpu.memory_space<vmem>>) target(%dma_start3A_749 : memref<102400xf32, #tpu.memory_space<vmem_shared>>) offsets(%dma_start3A_747 : memref<8000xi32, #tpu.memory_space<vmem>>) semaphore(%dma_start3A_751 : memref<!tpu.dma_semaphore, #tpu.memory_space<semaphore_mem>>) {add = true}
    %dma_wait3A_752 = arith.constant 2 : i32
    %dma_wait3A_753 = arith.constant 2 : i32
    %dma_wait3A_754 = arith.constant 2 : i32
    %dma_wait3A_755 = arith.constant 0 : i32
    %dma_wait3A_756 = tpu.memref_slice %arg9[%dma_wait3A_752, %dma_wait3A_755] : memref<5x8000xf32, #tpu.memory_space<vmem>> -> memref<1x8000xf32, #tpu.memory_space<vmem>>
    %dma_wait3A_757 = tpu.memref_squeeze %dma_wait3A_756 : memref<1x8000xf32, #tpu.memory_space<vmem>> -> memref<8000xf32, #tpu.memory_space<vmem>>
    %dma_wait3A_758 = arith.constant 0 : i32
    %dma_wait3A_759 = tpu.memref_slice %arg8[%dma_wait3A_753, %dma_wait3A_758] : memref<5x8000xi32, #tpu.memory_space<vmem>> -> memref<1x8000xi32, #tpu.memory_space<vmem>>
    %dma_wait3A_760 = tpu.memref_squeeze %dma_wait3A_759 : memref<1x8000xi32, #tpu.memory_space<vmem>> -> memref<8000xi32, #tpu.memory_space<vmem>>
    %dma_wait3A_761 = arith.constant 0 : i32
    %dma_wait3A_762 = tpu.memref_slice %arg11[%dma_wait3A_761] : memref<102400xf32, #tpu.memory_space<vmem_shared>> -> memref<102400xf32, #tpu.memory_space<vmem_shared>>
    %dma_wait3A_763 = tpu.memref_slice %arg13[%dma_wait3A_754] : memref<5x!tpu.dma_semaphore, #tpu.memory_space<semaphore_mem>> -> memref<1x!tpu.dma_semaphore, #tpu.memory_space<semaphore_mem>>
    %dma_wait3A_764 = tpu.memref_squeeze %dma_wait3A_763 : memref<1x!tpu.dma_semaphore, #tpu.memory_space<semaphore_mem>> -> memref<!tpu.dma_semaphore, #tpu.memory_space<semaphore_mem>>
    tpu.wait_indirect_dma semaphore(%dma_wait3A_764 : memref<!tpu.dma_semaphore, #tpu.memory_space<semaphore_mem>>) src(%dma_wait3A_757 : memref<8000xf32, #tpu.memory_space<vmem>>) dst(%dma_wait3A_762 : memref<102400xf32, #tpu.memory_space<vmem_shared>>)
    %add3A_765 = arith.constant 56000 : i32
    %add3A_766 = arith.addi %mul3A_2, %add3A_765 : i32
    %dma_start3A_767 = arith.constant 2 : i32
    %dma_start3A_768 = arith.constant 2 : i32
    %dma_start3A_769 = arith.constant 0 : i32
    %dma_start3A_770 = tpu.memref_slice %arg7[%dma_start3A_767, %dma_start3A_769] : memref<5x8000xi32, #tpu.memory_space<vmem>> -> memref<1x8000xi32, #tpu.memory_space<vmem>>
    %dma_start3A_771 = tpu.memref_squeeze %dma_start3A_770 : memref<1x8000xi32, #tpu.memory_space<vmem>> -> memref<8000xi32, #tpu.memory_space<vmem>>
    %dma_start3A_772 = tpu.memref_slice %arg3[%add3A_766] : memref<6400000xi32, #tpu.memory_space<hbm>> -> memref<8000xi32, #tpu.memory_space<hbm>>
    %dma_start3A_773 = tpu.memref_slice %arg12[%dma_start3A_768] : memref<5x!tpu.dma_semaphore, #tpu.memory_space<semaphore_mem>> -> memref<1x!tpu.dma_semaphore, #tpu.memory_space<semaphore_mem>>
    %dma_start3A_774 = tpu.memref_squeeze %dma_start3A_773 : memref<1x!tpu.dma_semaphore, #tpu.memory_space<semaphore_mem>> -> memref<!tpu.dma_semaphore, #tpu.memory_space<semaphore_mem>>
    %dma_start3A_775 = arith.constant 0 : i32
    %dma_start3A_776 = tpu.memref_slice %arg7[%dma_start3A_767, %dma_start3A_775] : memref<5x8000xi32, #tpu.memory_space<vmem>> -> memref<1x8000xi32, #tpu.memory_space<vmem>>
    %dma_start3A_777 = tpu.memref_squeeze %dma_start3A_776 : memref<1x8000xi32, #tpu.memory_space<vmem>> -> memref<8000xi32, #tpu.memory_space<vmem>>
    %dma_start3A_778 = tpu.memref_slice %arg3[%add3A_766] : memref<6400000xi32, #tpu.memory_space<hbm>> -> memref<8000xi32, #tpu.memory_space<hbm>>
    tpu.enqueue_dma source(%dma_start3A_778 : memref<8000xi32, #tpu.memory_space<hbm>>) target(%dma_start3A_777 : memref<8000xi32, #tpu.memory_space<vmem>>) target_semaphore(%dma_start3A_774 : memref<!tpu.dma_semaphore, #tpu.memory_space<semaphore_mem>>)
    %dma_start3A_779 = arith.constant 2 : i32
    %dma_start3A_780 = arith.constant 2 : i32
    %dma_start3A_781 = arith.constant 0 : i32
    %dma_start3A_782 = tpu.memref_slice %arg8[%dma_start3A_779, %dma_start3A_781] : memref<5x8000xi32, #tpu.memory_space<vmem>> -> memref<1x8000xi32, #tpu.memory_space<vmem>>
    %dma_start3A_783 = tpu.memref_squeeze %dma_start3A_782 : memref<1x8000xi32, #tpu.memory_space<vmem>> -> memref<8000xi32, #tpu.memory_space<vmem>>
    %dma_start3A_784 = tpu.memref_slice %arg4[%add3A_766] : memref<6400000xi32, #tpu.memory_space<hbm>> -> memref<8000xi32, #tpu.memory_space<hbm>>
    %dma_start3A_785 = tpu.memref_slice %arg12[%dma_start3A_780] : memref<5x!tpu.dma_semaphore, #tpu.memory_space<semaphore_mem>> -> memref<1x!tpu.dma_semaphore, #tpu.memory_space<semaphore_mem>>
    %dma_start3A_786 = tpu.memref_squeeze %dma_start3A_785 : memref<1x!tpu.dma_semaphore, #tpu.memory_space<semaphore_mem>> -> memref<!tpu.dma_semaphore, #tpu.memory_space<semaphore_mem>>
    %dma_start3A_787 = arith.constant 0 : i32
    %dma_start3A_788 = tpu.memref_slice %arg8[%dma_start3A_779, %dma_start3A_787] : memref<5x8000xi32, #tpu.memory_space<vmem>> -> memref<1x8000xi32, #tpu.memory_space<vmem>>
    %dma_start3A_789 = tpu.memref_squeeze %dma_start3A_788 : memref<1x8000xi32, #tpu.memory_space<vmem>> -> memref<8000xi32, #tpu.memory_space<vmem>>
    %dma_start3A_790 = tpu.memref_slice %arg4[%add3A_766] : memref<6400000xi32, #tpu.memory_space<hbm>> -> memref<8000xi32, #tpu.memory_space<hbm>>
    tpu.enqueue_dma source(%dma_start3A_790 : memref<8000xi32, #tpu.memory_space<hbm>>) target(%dma_start3A_789 : memref<8000xi32, #tpu.memory_space<vmem>>) target_semaphore(%dma_start3A_786 : memref<!tpu.dma_semaphore, #tpu.memory_space<semaphore_mem>>)
    %scan3A_791 = arith.constant 0 : i32
    %scan3A_792 = arith.constant 1 : i32
    %scan3A_793 = arith.constant 3 : i32
    %scan3A_794 = arith.addi %scan3A_792, %scan3A_793 : i32
    %scan3A_795 = arith.constant 1 : i32
    scf.for %scan3A_1470 = %scan3A_792 to %scan3A_794 step %scan3A_795  : i32 {
      %mul3A_1471 = arith.constant 5 : i32
      %mul3A_1472 = arith.muli %scan3A_1470, %mul3A_1471 : i32
      %add3A_1473 = arith.constant 0 : i32
      %add3A_1474 = arith.addi %mul3A_1472, %add3A_1473 : i32
      %mul3A_1475 = arith.constant 8000 : i32
      %mul3A_1476 = arith.muli %add3A_1474, %mul3A_1475 : i32
      %add3A_1477 = arith.addi %mul3A_2, %mul3A_1476 : i32
      %dma_wait3A_1478 = arith.constant 0 : i32
      %dma_wait3A_1479 = arith.constant 0 : i32
      %dma_wait3A_1480 = arith.constant 0 : i32
      %dma_wait3A_1481 = tpu.memref_slice %arg7[%dma_wait3A_1478, %dma_wait3A_1480] : memref<5x8000xi32, #tpu.memory_space<vmem>> -> memref<1x8000xi32, #tpu.memory_space<vmem>>
      %dma_wait3A_1482 = tpu.memref_squeeze %dma_wait3A_1481 : memref<1x8000xi32, #tpu.memory_space<vmem>> -> memref<8000xi32, #tpu.memory_space<vmem>>
      %dma_wait3A_1483 = tpu.memref_slice %arg3[%add3A_1477] : memref<6400000xi32, #tpu.memory_space<hbm>> -> memref<8000xi32, #tpu.memory_space<hbm>>
      %dma_wait3A_1484 = tpu.memref_slice %arg12[%dma_wait3A_1479] : memref<5x!tpu.dma_semaphore, #tpu.memory_space<semaphore_mem>> -> memref<1x!tpu.dma_semaphore, #tpu.memory_space<semaphore_mem>>
      %dma_wait3A_1485 = tpu.memref_squeeze %dma_wait3A_1484 : memref<1x!tpu.dma_semaphore, #tpu.memory_space<semaphore_mem>> -> memref<!tpu.dma_semaphore, #tpu.memory_space<semaphore_mem>>
      %dma_wait3A_1486 = arith.constant 0 : i32
      %dma_wait3A_1487 = tpu.memref_slice %arg7[%dma_wait3A_1478, %dma_wait3A_1486] : memref<5x8000xi32, #tpu.memory_space<vmem>> -> memref<1x8000xi32, #tpu.memory_space<vmem>>
      %dma_wait3A_1488 = tpu.memref_squeeze %dma_wait3A_1487 : memref<1x8000xi32, #tpu.memory_space<vmem>> -> memref<8000xi32, #tpu.memory_space<vmem>>
      %dma_wait3A_1489 = tpu.memref_slice %arg3[%add3A_1477] : memref<6400000xi32, #tpu.memory_space<hbm>> -> memref<8000xi32, #tpu.memory_space<hbm>>
      tpu.wait_dma2 semaphore(%dma_wait3A_1485 : memref<!tpu.dma_semaphore, #tpu.memory_space<semaphore_mem>>) src(%dma_wait3A_1489 : memref<8000xi32, #tpu.memory_space<hbm>>) dst(%dma_wait3A_1488 : memref<8000xi32, #tpu.memory_space<vmem>>)
      %dma_wait3A_1490 = arith.constant 0 : i32
      %dma_wait3A_1491 = arith.constant 0 : i32
      %dma_wait3A_1492 = arith.constant 0 : i32
      %dma_wait3A_1493 = tpu.memref_slice %arg8[%dma_wait3A_1490, %dma_wait3A_1492] : memref<5x8000xi32, #tpu.memory_space<vmem>> -> memref<1x8000xi32, #tpu.memory_space<vmem>>
      %dma_wait3A_1494 = tpu.memref_squeeze %dma_wait3A_1493 : memref<1x8000xi32, #tpu.memory_space<vmem>> -> memref<8000xi32, #tpu.memory_space<vmem>>
      %dma_wait3A_1495 = tpu.memref_slice %arg4[%add3A_1477] : memref<6400000xi32, #tpu.memory_space<hbm>> -> memref<8000xi32, #tpu.memory_space<hbm>>
      %dma_wait3A_1496 = tpu.memref_slice %arg12[%dma_wait3A_1491] : memref<5x!tpu.dma_semaphore, #tpu.memory_space<semaphore_mem>> -> memref<1x!tpu.dma_semaphore, #tpu.memory_space<semaphore_mem>>
      %dma_wait3A_1497 = tpu.memref_squeeze %dma_wait3A_1496 : memref<1x!tpu.dma_semaphore, #tpu.memory_space<semaphore_mem>> -> memref<!tpu.dma_semaphore, #tpu.memory_space<semaphore_mem>>
      %dma_wait3A_1498 = arith.constant 0 : i32
      %dma_wait3A_1499 = tpu.memref_slice %arg8[%dma_wait3A_1490, %dma_wait3A_1498] : memref<5x8000xi32, #tpu.memory_space<vmem>> -> memref<1x8000xi32, #tpu.memory_space<vmem>>
      %dma_wait3A_1500 = tpu.memref_squeeze %dma_wait3A_1499 : memref<1x8000xi32, #tpu.memory_space<vmem>> -> memref<8000xi32, #tpu.memory_space<vmem>>
      %dma_wait3A_1501 = tpu.memref_slice %arg4[%add3A_1477] : memref<6400000xi32, #tpu.memory_space<hbm>> -> memref<8000xi32, #tpu.memory_space<hbm>>
      tpu.wait_dma2 semaphore(%dma_wait3A_1497 : memref<!tpu.dma_semaphore, #tpu.memory_space<semaphore_mem>>) src(%dma_wait3A_1501 : memref<8000xi32, #tpu.memory_space<hbm>>) dst(%dma_wait3A_1500 : memref<8000xi32, #tpu.memory_space<vmem>>)
      %scan3A_1502 = arith.constant 0 : i32
      %scan3A_1503 = arith.constant 0 : i32
      %scan3A_1504 = arith.constant 496 : i32
      %scan3A_1505 = arith.addi %scan3A_1503, %scan3A_1504 : i32
      %scan3A_1506 = arith.constant 8 : i32
      scf.for %scan3A_2231 = %scan3A_1503 to %scan3A_1505 step %scan3A_1506  : i32 {
        %mul3A_2232 = arith.constant 16 : i32
        %mul3A_2233 = arith.muli %scan3A_2231, %mul3A_2232 : i32
        %get3A_2234 = arith.constant 0 : i32
        %get3A_2235 = arith.index_cast %get3A_2234 : i32 to index
        %get3A_2236 = arith.index_cast %mul3A_2233 : i32 to index
        %get3A_2237 = tpu.vector_load %arg7[%get3A_2235, %get3A_2236] {strides = array<i32>} : memref<5x8000xi32, #tpu.memory_space<vmem>>, vector<16xi32>,
        %gather3A_2238 = tpu.vector_load_idx %arg6[%get3A_2237] : memref<128xf32, #tpu.memory_space<vmem>>[vector<16xi32>], vector<16xf32>,
        %mul3A_2239 = arith.constant 16 : i32
        %mul3A_2240 = arith.muli %scan3A_2231, %mul3A_2239 : i32
        %swap3A_2241 = arith.constant 0 : i32
        %swap3A_2242 = arith.index_cast %swap3A_2241 : i32 to index
        %swap3A_2243 = arith.index_cast %mul3A_2240 : i32 to index
        %swap3A_2244 = tpu.vector_load %arg9[%swap3A_2242, %swap3A_2243] {strides = array<i32>} : memref<5x8000xf32, #tpu.memory_space<vmem>>, vector<16xf32>,
        tpu.vector_store %arg9[%swap3A_2242, %swap3A_2243], %gather3A_2238 {strides = array<i32>} : memref<5x8000xf32, #tpu.memory_space<vmem>>, vector<16xf32>,
        %scan3A_2245 = arith.constant 1 : i32
        %scan3A_2246 = arith.addi %scan3A_2231, %scan3A_2245 : i32
        %mul3A_2247 = arith.constant 16 : i32
        %mul3A_2248 = arith.muli %scan3A_2246, %mul3A_2247 : i32
        %get3A_2249 = arith.constant 0 : i32
        %get3A_2250 = arith.index_cast %get3A_2249 : i32 to index
        %get3A_2251 = arith.index_cast %mul3A_2248 : i32 to index
        %get3A_2252 = tpu.vector_load %arg7[%get3A_2250, %get3A_2251] {strides = array<i32>} : memref<5x8000xi32, #tpu.memory_space<vmem>>, vector<16xi32>,
        %gather3A_2253 = tpu.vector_load_idx %arg6[%get3A_2252] : memref<128xf32, #tpu.memory_space<vmem>>[vector<16xi32>], vector<16xf32>,
        %mul3A_2254 = arith.constant 16 : i32
        %mul3A_2255 = arith.muli %scan3A_2246, %mul3A_2254 : i32
        %swap3A_2256 = arith.constant 0 : i32
        %swap3A_2257 = arith.index_cast %swap3A_2256 : i32 to index
        %swap3A_2258 = arith.index_cast %mul3A_2255 : i32 to index
        %swap3A_2259 = tpu.vector_load %arg9[%swap3A_2257, %swap3A_2258] {strides = array<i32>} : memref<5x8000xf32, #tpu.memory_space<vmem>>, vector<16xf32>,
        tpu.vector_store %arg9[%swap3A_2257, %swap3A_2258], %gather3A_2253 {strides = array<i32>} : memref<5x8000xf32, #tpu.memory_space<vmem>>, vector<16xf32>,
        %scan3A_2260 = arith.constant 2 : i32
        %scan3A_2261 = arith.addi %scan3A_2231, %scan3A_2260 : i32
        %mul3A_2262 = arith.constant 16 : i32
        %mul3A_2263 = arith.muli %scan3A_2261, %mul3A_2262 : i32
        %get3A_2264 = arith.constant 0 : i32
        %get3A_2265 = arith.index_cast %get3A_2264 : i32 to index
        %get3A_2266 = arith.index_cast %mul3A_2263 : i32 to index
        %get3A_2267 = tpu.vector_load %arg7[%get3A_2265, %get3A_2266] {strides = array<i32>} : memref<5x8000xi32, #tpu.memory_space<vmem>>, vector<16xi32>,
        %gather3A_2268 = tpu.vector_load_idx %arg6[%get3A_2267] : memref<128xf32, #tpu.memory_space<vmem>>[vector<16xi32>], vector<16xf32>,
        %mul3A_2269 = arith.constant 16 : i32
        %mul3A_2270 = arith.muli %scan3A_2261, %mul3A_2269 : i32
        %swap3A_2271 = arith.constant 0 : i32
        %swap3A_2272 = arith.index_cast %swap3A_2271 : i32 to index
        %swap3A_2273 = arith.index_cast %mul3A_2270 : i32 to index
        %swap3A_2274 = tpu.vector_load %arg9[%swap3A_2272, %swap3A_2273] {strides = array<i32>} : memref<5x8000xf32, #tpu.memory_space<vmem>>, vector<16xf32>,
        tpu.vector_store %arg9[%swap3A_2272, %swap3A_2273], %gather3A_2268 {strides = array<i32>} : memref<5x8000xf32, #tpu.memory_space<vmem>>, vector<16xf32>,
        %scan3A_2275 = arith.constant 3 : i32
        %scan3A_2276 = arith.addi %scan3A_2231, %scan3A_2275 : i32
        %mul3A_2277 = arith.constant 16 : i32
        %mul3A_2278 = arith.muli %scan3A_2276, %mul3A_2277 : i32
        %get3A_2279 = arith.constant 0 : i32
        %get3A_2280 = arith.index_cast %get3A_2279 : i32 to index
        %get3A_2281 = arith.index_cast %mul3A_2278 : i32 to index
        %get3A_2282 = tpu.vector_load %arg7[%get3A_2280, %get3A_2281] {strides = array<i32>} : memref<5x8000xi32, #tpu.memory_space<vmem>>, vector<16xi32>,
        %gather3A_2283 = tpu.vector_load_idx %arg6[%get3A_2282] : memref<128xf32, #tpu.memory_space<vmem>>[vector<16xi32>], vector<16xf32>,
        %mul3A_2284 = arith.constant 16 : i32
        %mul3A_2285 = arith.muli %scan3A_2276, %mul3A_2284 : i32
        %swap3A_2286 = arith.constant 0 : i32
        %swap3A_2287 = arith.index_cast %swap3A_2286 : i32 to index
        %swap3A_2288 = arith.index_cast %mul3A_2285 : i32 to index
        %swap3A_2289 = tpu.vector_load %arg9[%swap3A_2287, %swap3A_2288] {strides = array<i32>} : memref<5x8000xf32, #tpu.memory_space<vmem>>, vector<16xf32>,
        tpu.vector_store %arg9[%swap3A_2287, %swap3A_2288], %gather3A_2283 {strides = array<i32>} : memref<5x8000xf32, #tpu.memory_space<vmem>>, vector<16xf32>,
        %scan3A_2290 = arith.constant 4 : i32
        %scan3A_2291 = arith.addi %scan3A_2231, %scan3A_2290 : i32
        %mul3A_2292 = arith.constant 16 : i32
        %mul3A_2293 = arith.muli %scan3A_2291, %mul3A_2292 : i32
        %get3A_2294 = arith.constant 0 : i32
        %get3A_2295 = arith.index_cast %get3A_2294 : i32 to index
        %get3A_2296 = arith.index_cast %mul3A_2293 : i32 to index
        %get3A_2297 = tpu.vector_load %arg7[%get3A_2295, %get3A_2296] {strides = array<i32>} : memref<5x8000xi32, #tpu.memory_space<vmem>>, vector<16xi32>,
        %gather3A_2298 = tpu.vector_load_idx %arg6[%get3A_2297] : memref<128xf32, #tpu.memory_space<vmem>>[vector<16xi32>], vector<16xf32>,
        %mul3A_2299 = arith.constant 16 : i32
        %mul3A_2300 = arith.muli %scan3A_2291, %mul3A_2299 : i32
        %swap3A_2301 = arith.constant 0 : i32
        %swap3A_2302 = arith.index_cast %swap3A_2301 : i32 to index
        %swap3A_2303 = arith.index_cast %mul3A_2300 : i32 to index
        %swap3A_2304 = tpu.vector_load %arg9[%swap3A_2302, %swap3A_2303] {strides = array<i32>} : memref<5x8000xf32, #tpu.memory_space<vmem>>, vector<16xf32>,
        tpu.vector_store %arg9[%swap3A_2302, %swap3A_2303], %gather3A_2298 {strides = array<i32>} : memref<5x8000xf32, #tpu.memory_space<vmem>>, vector<16xf32>,
        %scan3A_2305 = arith.constant 5 : i32
        %scan3A_2306 = arith.addi %scan3A_2231, %scan3A_2305 : i32
        %mul3A_2307 = arith.constant 16 : i32
        %mul3A_2308 = arith.muli %scan3A_2306, %mul3A_2307 : i32
        %get3A_2309 = arith.constant 0 : i32
        %get3A_2310 = arith.index_cast %get3A_2309 : i32 to index
        %get3A_2311 = arith.index_cast %mul3A_2308 : i32 to index
        %get3A_2312 = tpu.vector_load %arg7[%get3A_2310, %get3A_2311] {strides = array<i32>} : memref<5x8000xi32, #tpu.memory_space<vmem>>, vector<16xi32>,
        %gather3A_2313 = tpu.vector_load_idx %arg6[%get3A_2312] : memref<128xf32, #tpu.memory_space<vmem>>[vector<16xi32>], vector<16xf32>,
        %mul3A_2314 = arith.constant 16 : i32
        %mul3A_2315 = arith.muli %scan3A_2306, %mul3A_2314 : i32
        %swap3A_2316 = arith.constant 0 : i32
        %swap3A_2317 = arith.index_cast %swap3A_2316 : i32 to index
        %swap3A_2318 = arith.index_cast %mul3A_2315 : i32 to index
        %swap3A_2319 = tpu.vector_load %arg9[%swap3A_2317, %swap3A_2318] {strides = array<i32>} : memref<5x8000xf32, #tpu.memory_space<vmem>>, vector<16xf32>,
        tpu.vector_store %arg9[%swap3A_2317, %swap3A_2318], %gather3A_2313 {strides = array<i32>} : memref<5x8000xf32, #tpu.memory_space<vmem>>, vector<16xf32>,
        %scan3A_2320 = arith.constant 6 : i32
        %scan3A_2321 = arith.addi %scan3A_2231, %scan3A_2320 : i32
        %mul3A_2322 = arith.constant 16 : i32
        %mul3A_2323 = arith.muli %scan3A_2321, %mul3A_2322 : i32
        %get3A_2324 = arith.constant 0 : i32
        %get3A_2325 = arith.index_cast %get3A_2324 : i32 to index
        %get3A_2326 = arith.index_cast %mul3A_2323 : i32 to index
        %get3A_2327 = tpu.vector_load %arg7[%get3A_2325, %get3A_2326] {strides = array<i32>} : memref<5x8000xi32, #tpu.memory_space<vmem>>, vector<16xi32>,
        %gather3A_2328 = tpu.vector_load_idx %arg6[%get3A_2327] : memref<128xf32, #tpu.memory_space<vmem>>[vector<16xi32>], vector<16xf32>,
        %mul3A_2329 = arith.constant 16 : i32
        %mul3A_2330 = arith.muli %scan3A_2321, %mul3A_2329 : i32
        %swap3A_2331 = arith.constant 0 : i32
        %swap3A_2332 = arith.index_cast %swap3A_2331 : i32 to index
        %swap3A_2333 = arith.index_cast %mul3A_2330 : i32 to index
        %swap3A_2334 = tpu.vector_load %arg9[%swap3A_2332, %swap3A_2333] {strides = array<i32>} : memref<5x8000xf32, #tpu.memory_space<vmem>>, vector<16xf32>,
        tpu.vector_store %arg9[%swap3A_2332, %swap3A_2333], %gather3A_2328 {strides = array<i32>} : memref<5x8000xf32, #tpu.memory_space<vmem>>, vector<16xf32>,
        %scan3A_2335 = arith.constant 7 : i32
        %scan3A_2336 = arith.addi %scan3A_2231, %scan3A_2335 : i32
        %mul3A_2337 = arith.constant 16 : i32
        %mul3A_2338 = arith.muli %scan3A_2336, %mul3A_2337 : i32
        %get3A_2339 = arith.constant 0 : i32
        %get3A_2340 = arith.index_cast %get3A_2339 : i32 to index
        %get3A_2341 = arith.index_cast %mul3A_2338 : i32 to index
        %get3A_2342 = tpu.vector_load %arg7[%get3A_2340, %get3A_2341] {strides = array<i32>} : memref<5x8000xi32, #tpu.memory_space<vmem>>, vector<16xi32>,
        %gather3A_2343 = tpu.vector_load_idx %arg6[%get3A_2342] : memref<128xf32, #tpu.memory_space<vmem>>[vector<16xi32>], vector<16xf32>,
        %mul3A_2344 = arith.constant 16 : i32
        %mul3A_2345 = arith.muli %scan3A_2336, %mul3A_2344 : i32
        %swap3A_2346 = arith.constant 0 : i32
        %swap3A_2347 = arith.index_cast %swap3A_2346 : i32 to index
        %swap3A_2348 = arith.index_cast %mul3A_2345 : i32 to index
        %swap3A_2349 = tpu.vector_load %arg9[%swap3A_2347, %swap3A_2348] {strides = array<i32>} : memref<5x8000xf32, #tpu.memory_space<vmem>>, vector<16xf32>,
        tpu.vector_store %arg9[%swap3A_2347, %swap3A_2348], %gather3A_2343 {strides = array<i32>} : memref<5x8000xf32, #tpu.memory_space<vmem>>, vector<16xf32>,
      }
      %scan3A_1507 = arith.constant 496 : i32
      %scan3A_1508 = arith.addi %scan3A_1503, %scan3A_1507 : i32
      %mul3A_1509 = arith.constant 16 : i32
      %mul3A_1510 = arith.muli %scan3A_1508, %mul3A_1509 : i32
      %get3A_1511 = arith.constant 0 : i32
      %get3A_1512 = arith.index_cast %get3A_1511 : i32 to index
      %get3A_1513 = arith.index_cast %mul3A_1510 : i32 to index
      %get3A_1514 = tpu.vector_load %arg7[%get3A_1512, %get3A_1513] {strides = array<i32>} : memref<5x8000xi32, #tpu.memory_space<vmem>>, vector<16xi32>,
      %gather3A_1515 = tpu.vector_load_idx %arg6[%get3A_1514] : memref<128xf32, #tpu.memory_space<vmem>>[vector<16xi32>], vector<16xf32>,
      %mul3A_1516 = arith.constant 16 : i32
      %mul3A_1517 = arith.muli %scan3A_1508, %mul3A_1516 : i32
      %swap3A_1518 = arith.constant 0 : i32
      %swap3A_1519 = arith.index_cast %swap3A_1518 : i32 to index
      %swap3A_1520 = arith.index_cast %mul3A_1517 : i32 to index
      %swap3A_1521 = tpu.vector_load %arg9[%swap3A_1519, %swap3A_1520] {strides = array<i32>} : memref<5x8000xf32, #tpu.memory_space<vmem>>, vector<16xf32>,
      tpu.vector_store %arg9[%swap3A_1519, %swap3A_1520], %gather3A_1515 {strides = array<i32>} : memref<5x8000xf32, #tpu.memory_space<vmem>>, vector<16xf32>,
      %scan3A_1522 = arith.constant 497 : i32
      %scan3A_1523 = arith.addi %scan3A_1503, %scan3A_1522 : i32
      %mul3A_1524 = arith.constant 16 : i32
      %mul3A_1525 = arith.muli %scan3A_1523, %mul3A_1524 : i32
      %get3A_1526 = arith.constant 0 : i32
      %get3A_1527 = arith.index_cast %get3A_1526 : i32 to index
      %get3A_1528 = arith.index_cast %mul3A_1525 : i32 to index
      %get3A_1529 = tpu.vector_load %arg7[%get3A_1527, %get3A_1528] {strides = array<i32>} : memref<5x8000xi32, #tpu.memory_space<vmem>>, vector<16xi32>,
      %gather3A_1530 = tpu.vector_load_idx %arg6[%get3A_1529] : memref<128xf32, #tpu.memory_space<vmem>>[vector<16xi32>], vector<16xf32>,
      %mul3A_1531 = arith.constant 16 : i32
      %mul3A_1532 = arith.muli %scan3A_1523, %mul3A_1531 : i32
      %swap3A_1533 = arith.constant 0 : i32
      %swap3A_1534 = arith.index_cast %swap3A_1533 : i32 to index
      %swap3A_1535 = arith.index_cast %mul3A_1532 : i32 to index
      %swap3A_1536 = tpu.vector_load %arg9[%swap3A_1534, %swap3A_1535] {strides = array<i32>} : memref<5x8000xf32, #tpu.memory_space<vmem>>, vector<16xf32>,
      tpu.vector_store %arg9[%swap3A_1534, %swap3A_1535], %gather3A_1530 {strides = array<i32>} : memref<5x8000xf32, #tpu.memory_space<vmem>>, vector<16xf32>,
      %scan3A_1537 = arith.constant 498 : i32
      %scan3A_1538 = arith.addi %scan3A_1503, %scan3A_1537 : i32
      %mul3A_1539 = arith.constant 16 : i32
      %mul3A_1540 = arith.muli %scan3A_1538, %mul3A_1539 : i32
      %get3A_1541 = arith.constant 0 : i32
      %get3A_1542 = arith.index_cast %get3A_1541 : i32 to index
      %get3A_1543 = arith.index_cast %mul3A_1540 : i32 to index
      %get3A_1544 = tpu.vector_load %arg7[%get3A_1542, %get3A_1543] {strides = array<i32>} : memref<5x8000xi32, #tpu.memory_space<vmem>>, vector<16xi32>,
      %gather3A_1545 = tpu.vector_load_idx %arg6[%get3A_1544] : memref<128xf32, #tpu.memory_space<vmem>>[vector<16xi32>], vector<16xf32>,
      %mul3A_1546 = arith.constant 16 : i32
      %mul3A_1547 = arith.muli %scan3A_1538, %mul3A_1546 : i32
      %swap3A_1548 = arith.constant 0 : i32
      %swap3A_1549 = arith.index_cast %swap3A_1548 : i32 to index
      %swap3A_1550 = arith.index_cast %mul3A_1547 : i32 to index
      %swap3A_1551 = tpu.vector_load %arg9[%swap3A_1549, %swap3A_1550] {strides = array<i32>} : memref<5x8000xf32, #tpu.memory_space<vmem>>, vector<16xf32>,
      tpu.vector_store %arg9[%swap3A_1549, %swap3A_1550], %gather3A_1545 {strides = array<i32>} : memref<5x8000xf32, #tpu.memory_space<vmem>>, vector<16xf32>,
      %scan3A_1552 = arith.constant 499 : i32
      %scan3A_1553 = arith.addi %scan3A_1503, %scan3A_1552 : i32
      %mul3A_1554 = arith.constant 16 : i32
      %mul3A_1555 = arith.muli %scan3A_1553, %mul3A_1554 : i32
      %get3A_1556 = arith.constant 0 : i32
      %get3A_1557 = arith.index_cast %get3A_1556 : i32 to index
      %get3A_1558 = arith.index_cast %mul3A_1555 : i32 to index
      %get3A_1559 = tpu.vector_load %arg7[%get3A_1557, %get3A_1558] {strides = array<i32>} : memref<5x8000xi32, #tpu.memory_space<vmem>>, vector<16xi32>,
      %gather3A_1560 = tpu.vector_load_idx %arg6[%get3A_1559] : memref<128xf32, #tpu.memory_space<vmem>>[vector<16xi32>], vector<16xf32>,
      %mul3A_1561 = arith.constant 16 : i32
      %mul3A_1562 = arith.muli %scan3A_1553, %mul3A_1561 : i32
      %swap3A_1563 = arith.constant 0 : i32
      %swap3A_1564 = arith.index_cast %swap3A_1563 : i32 to index
      %swap3A_1565 = arith.index_cast %mul3A_1562 : i32 to index
      %swap3A_1566 = tpu.vector_load %arg9[%swap3A_1564, %swap3A_1565] {strides = array<i32>} : memref<5x8000xf32, #tpu.memory_space<vmem>>, vector<16xf32>,
      tpu.vector_store %arg9[%swap3A_1564, %swap3A_1565], %gather3A_1560 {strides = array<i32>} : memref<5x8000xf32, #tpu.memory_space<vmem>>, vector<16xf32>,
      %scan3A_1567 = arith.constant 500 : i32
      %dma_start3A_1568 = arith.constant 0 : i32
      %dma_start3A_1569 = arith.constant 0 : i32
      %dma_start3A_1570 = arith.constant 0 : i32
      %dma_start3A_1571 = arith.constant 0 : i32
      %dma_start3A_1572 = tpu.memref_slice %arg9[%dma_start3A_1568, %dma_start3A_1571] : memref<5x8000xf32, #tpu.memory_space<vmem>> -> memref<1x8000xf32, #tpu.memory_space<vmem>>
      %dma_start3A_1573 = tpu.memref_squeeze %dma_start3A_1572 : memref<1x8000xf32, #tpu.memory_space<vmem>> -> memref<8000xf32, #tpu.memory_space<vmem>>
      %dma_start3A_1574 = arith.constant 0 : i32
      %dma_start3A_1575 = tpu.memref_slice %arg8[%dma_start3A_1569, %dma_start3A_1574] : memref<5x8000xi32, #tpu.memory_space<vmem>> -> memref<1x8000xi32, #tpu.memory_space<vmem>>
      %dma_start3A_1576 = tpu.memref_squeeze %dma_start3A_1575 : memref<1x8000xi32, #tpu.memory_space<vmem>> -> memref<8000xi32, #tpu.memory_space<vmem>>
      %dma_start3A_1577 = arith.constant 0 : i32
      %dma_start3A_1578 = tpu.memref_slice %arg11[%dma_start3A_1577] : memref<102400xf32, #tpu.memory_space<vmem_shared>> -> memref<102400xf32, #tpu.memory_space<vmem_shared>>
      %dma_start3A_1579 = tpu.memref_slice %arg13[%dma_start3A_1570] : memref<5x!tpu.dma_semaphore, #tpu.memory_space<semaphore_mem>> -> memref<1x!tpu.dma_semaphore, #tpu.memory_space<semaphore_mem>>
      %dma_start3A_1580 = tpu.memref_squeeze %dma_start3A_1579 : memref<1x!tpu.dma_semaphore, #tpu.memory_space<semaphore_mem>> -> memref<!tpu.dma_semaphore, #tpu.memory_space<semaphore_mem>>
      tpu.enqueue_indirect_dma source(%dma_start3A_1573 : memref<8000xf32, #tpu.memory_space<vmem>>) target(%dma_start3A_1578 : memref<102400xf32, #tpu.memory_space<vmem_shared>>) offsets(%dma_start3A_1576 : memref<8000xi32, #tpu.memory_space<vmem>>) semaphore(%dma_start3A_1580 : memref<!tpu.dma_semaphore, #tpu.memory_space<semaphore_mem>>) {add = true}
      %dma_wait3A_1581 = arith.constant 3 : i32
      %dma_wait3A_1582 = arith.constant 3 : i32
      %dma_wait3A_1583 = arith.constant 3 : i32
      %dma_wait3A_1584 = arith.constant 0 : i32
      %dma_wait3A_1585 = tpu.memref_slice %arg9[%dma_wait3A_1581, %dma_wait3A_1584] : memref<5x8000xf32, #tpu.memory_space<vmem>> -> memref<1x8000xf32, #tpu.memory_space<vmem>>
      %dma_wait3A_1586 = tpu.memref_squeeze %dma_wait3A_1585 : memref<1x8000xf32, #tpu.memory_space<vmem>> -> memref<8000xf32, #tpu.memory_space<vmem>>
      %dma_wait3A_1587 = arith.constant 0 : i32
      %dma_wait3A_1588 = tpu.memref_slice %arg8[%dma_wait3A_1582, %dma_wait3A_1587] : memref<5x8000xi32, #tpu.memory_space<vmem>> -> memref<1x8000xi32, #tpu.memory_space<vmem>>
      %dma_wait3A_1589 = tpu.memref_squeeze %dma_wait3A_1588 : memref<1x8000xi32, #tpu.memory_space<vmem>> -> memref<8000xi32, #tpu.memory_space<vmem>>
      %dma_wait3A_1590 = arith.constant 0 : i32
      %dma_wait3A_1591 = tpu.memref_slice %arg11[%dma_wait3A_1590] : memref<102400xf32, #tpu.memory_space<vmem_shared>> -> memref<102400xf32, #tpu.memory_space<vmem_shared>>
      %dma_wait3A_1592 = tpu.memref_slice %arg13[%dma_wait3A_1583] : memref<5x!tpu.dma_semaphore, #tpu.memory_space<semaphore_mem>> -> memref<1x!tpu.dma_semaphore, #tpu.memory_space<semaphore_mem>>
      %dma_wait3A_1593 = tpu.memref_squeeze %dma_wait3A_1592 : memref<1x!tpu.dma_semaphore, #tpu.memory_space<semaphore_mem>> -> memref<!tpu.dma_semaphore, #tpu.memory_space<semaphore_mem>>
      tpu.wait_indirect_dma semaphore(%dma_wait3A_1593 : memref<!tpu.dma_semaphore, #tpu.memory_space<semaphore_mem>>) src(%dma_wait3A_1586 : memref<8000xf32, #tpu.memory_space<vmem>>) dst(%dma_wait3A_1591 : memref<102400xf32, #tpu.memory_space<vmem_shared>>)
      %add3A_1594 = arith.constant 3 : i32
      %add3A_1595 = arith.addi %add3A_1474, %add3A_1594 : i32
      %mul3A_1596 = arith.constant 8000 : i32
      %mul3A_1597 = arith.muli %add3A_1595, %mul3A_1596 : i32
      %add3A_1598 = arith.addi %mul3A_2, %mul3A_1597 : i32
      %dma_start3A_1599 = arith.constant 3 : i32
      %dma_start3A_1600 = arith.constant 3 : i32
      %dma_start3A_1601 = arith.constant 0 : i32
      %dma_start3A_1602 = tpu.memref_slice %arg7[%dma_start3A_1599, %dma_start3A_1601] : memref<5x8000xi32, #tpu.memory_space<vmem>> -> memref<1x8000xi32, #tpu.memory_space<vmem>>
      %dma_start3A_1603 = tpu.memref_squeeze %dma_start3A_1602 : memref<1x8000xi32, #tpu.memory_space<vmem>> -> memref<8000xi32, #tpu.memory_space<vmem>>
      %dma_start3A_1604 = tpu.memref_slice %arg3[%add3A_1598] : memref<6400000xi32, #tpu.memory_space<hbm>> -> memref<8000xi32, #tpu.memory_space<hbm>>
      %dma_start3A_1605 = tpu.memref_slice %arg12[%dma_start3A_1600] : memref<5x!tpu.dma_semaphore, #tpu.memory_space<semaphore_mem>> -> memref<1x!tpu.dma_semaphore, #tpu.memory_space<semaphore_mem>>
      %dma_start3A_1606 = tpu.memref_squeeze %dma_start3A_1605 : memref<1x!tpu.dma_semaphore, #tpu.memory_space<semaphore_mem>> -> memref<!tpu.dma_semaphore, #tpu.memory_space<semaphore_mem>>
      %dma_start3A_1607 = arith.constant 0 : i32
      %dma_start3A_1608 = tpu.memref_slice %arg7[%dma_start3A_1599, %dma_start3A_1607] : memref<5x8000xi32, #tpu.memory_space<vmem>> -> memref<1x8000xi32, #tpu.memory_space<vmem>>
      %dma_start3A_1609 = tpu.memref_squeeze %dma_start3A_1608 : memref<1x8000xi32, #tpu.memory_space<vmem>> -> memref<8000xi32, #tpu.memory_space<vmem>>
      %dma_start3A_1610 = tpu.memref_slice %arg3[%add3A_1598] : memref<6400000xi32, #tpu.memory_space<hbm>> -> memref<8000xi32, #tpu.memory_space<hbm>>
      tpu.enqueue_dma source(%dma_start3A_1610 : memref<8000xi32, #tpu.memory_space<hbm>>) target(%dma_start3A_1609 : memref<8000xi32, #tpu.memory_space<vmem>>) target_semaphore(%dma_start3A_1606 : memref<!tpu.dma_semaphore, #tpu.memory_space<semaphore_mem>>)
      %dma_start3A_1611 = arith.constant 3 : i32
      %dma_start3A_1612 = arith.constant 3 : i32
      %dma_start3A_1613 = arith.constant 0 : i32
      %dma_start3A_1614 = tpu.memref_slice %arg8[%dma_start3A_1611, %dma_start3A_1613] : memref<5x8000xi32, #tpu.memory_space<vmem>> -> memref<1x8000xi32, #tpu.memory_space<vmem>>
      %dma_start3A_1615 = tpu.memref_squeeze %dma_start3A_1614 : memref<1x8000xi32, #tpu.memory_space<vmem>> -> memref<8000xi32, #tpu.memory_space<vmem>>
      %dma_start3A_1616 = tpu.memref_slice %arg4[%add3A_1598] : memref<6400000xi32, #tpu.memory_space<hbm>> -> memref<8000xi32, #tpu.memory_space<hbm>>
      %dma_start3A_1617 = tpu.memref_slice %arg12[%dma_start3A_1612] : memref<5x!tpu.dma_semaphore, #tpu.memory_space<semaphore_mem>> -> memref<1x!tpu.dma_semaphore, #tpu.memory_space<semaphore_mem>>
      %dma_start3A_1618 = tpu.memref_squeeze %dma_start3A_1617 : memref<1x!tpu.dma_semaphore, #tpu.memory_space<semaphore_mem>> -> memref<!tpu.dma_semaphore, #tpu.memory_space<semaphore_mem>>
      %dma_start3A_1619 = arith.constant 0 : i32
      %dma_start3A_1620 = tpu.memref_slice %arg8[%dma_start3A_1611, %dma_start3A_1619] : memref<5x8000xi32, #tpu.memory_space<vmem>> -> memref<1x8000xi32, #tpu.memory_space<vmem>>
      %dma_start3A_1621 = tpu.memref_squeeze %dma_start3A_1620 : memref<1x8000xi32, #tpu.memory_space<vmem>> -> memref<8000xi32, #tpu.memory_space<vmem>>
      %dma_start3A_1622 = tpu.memref_slice %arg4[%add3A_1598] : memref<6400000xi32, #tpu.memory_space<hbm>> -> memref<8000xi32, #tpu.memory_space<hbm>>
      tpu.enqueue_dma source(%dma_start3A_1622 : memref<8000xi32, #tpu.memory_space<hbm>>) target(%dma_start3A_1621 : memref<8000xi32, #tpu.memory_space<vmem>>) target_semaphore(%dma_start3A_1618 : memref<!tpu.dma_semaphore, #tpu.memory_space<semaphore_mem>>)
      %mul3A_1623 = arith.constant 5 : i32
      %mul3A_1624 = arith.muli %scan3A_1470, %mul3A_1623 : i32
      %add3A_1625 = arith.constant 1 : i32
      %add3A_1626 = arith.addi %mul3A_1624, %add3A_1625 : i32
      %mul3A_1627 = arith.constant 8000 : i32
      %mul3A_1628 = arith.muli %add3A_1626, %mul3A_1627 : i32
      %add3A_1629 = arith.addi %mul3A_2, %mul3A_1628 : i32
      %dma_wait3A_1630 = arith.constant 1 : i32
      %dma_wait3A_1631 = arith.constant 1 : i32
      %dma_wait3A_1632 = arith.constant 0 : i32
      %dma_wait3A_1633 = tpu.memref_slice %arg7[%dma_wait3A_1630, %dma_wait3A_1632] : memref<5x8000xi32, #tpu.memory_space<vmem>> -> memref<1x8000xi32, #tpu.memory_space<vmem>>
      %dma_wait3A_1634 = tpu.memref_squeeze %dma_wait3A_1633 : memref<1x8000xi32, #tpu.memory_space<vmem>> -> memref<8000xi32, #tpu.memory_space<vmem>>
      %dma_wait3A_1635 = tpu.memref_slice %arg3[%add3A_1629] : memref<6400000xi32, #tpu.memory_space<hbm>> -> memref<8000xi32, #tpu.memory_space<hbm>>
      %dma_wait3A_1636 = tpu.memref_slice %arg12[%dma_wait3A_1631] : memref<5x!tpu.dma_semaphore, #tpu.memory_space<semaphore_mem>> -> memref<1x!tpu.dma_semaphore, #tpu.memory_space<semaphore_mem>>
      %dma_wait3A_1637 = tpu.memref_squeeze %dma_wait3A_1636 : memref<1x!tpu.dma_semaphore, #tpu.memory_space<semaphore_mem>> -> memref<!tpu.dma_semaphore, #tpu.memory_space<semaphore_mem>>
      %dma_wait3A_1638 = arith.constant 0 : i32
      %dma_wait3A_1639 = tpu.memref_slice %arg7[%dma_wait3A_1630, %dma_wait3A_1638] : memref<5x8000xi32, #tpu.memory_space<vmem>> -> memref<1x8000xi32, #tpu.memory_space<vmem>>
      %dma_wait3A_1640 = tpu.memref_squeeze %dma_wait3A_1639 : memref<1x8000xi32, #tpu.memory_space<vmem>> -> memref<8000xi32, #tpu.memory_space<vmem>>
      %dma_wait3A_1641 = tpu.memref_slice %arg3[%add3A_1629] : memref<6400000xi32, #tpu.memory_space<hbm>> -> memref<8000xi32, #tpu.memory_space<hbm>>
      tpu.wait_dma2 semaphore(%dma_wait3A_1637 : memref<!tpu.dma_semaphore, #tpu.memory_space<semaphore_mem>>) src(%dma_wait3A_1641 : memref<8000xi32, #tpu.memory_space<hbm>>) dst(%dma_wait3A_1640 : memref<8000xi32, #tpu.memory_space<vmem>>)
      %dma_wait3A_1642 = arith.constant 1 : i32
      %dma_wait3A_1643 = arith.constant 1 : i32
      %dma_wait3A_1644 = arith.constant 0 : i32
      %dma_wait3A_1645 = tpu.memref_slice %arg8[%dma_wait3A_1642, %dma_wait3A_1644] : memref<5x8000xi32, #tpu.memory_space<vmem>> -> memref<1x8000xi32, #tpu.memory_space<vmem>>
      %dma_wait3A_1646 = tpu.memref_squeeze %dma_wait3A_1645 : memref<1x8000xi32, #tpu.memory_space<vmem>> -> memref<8000xi32, #tpu.memory_space<vmem>>
      %dma_wait3A_1647 = tpu.memref_slice %arg4[%add3A_1629] : memref<6400000xi32, #tpu.memory_space<hbm>> -> memref<8000xi32, #tpu.memory_space<hbm>>
      %dma_wait3A_1648 = tpu.memref_slice %arg12[%dma_wait3A_1643] : memref<5x!tpu.dma_semaphore, #tpu.memory_space<semaphore_mem>> -> memref<1x!tpu.dma_semaphore, #tpu.memory_space<semaphore_mem>>
      %dma_wait3A_1649 = tpu.memref_squeeze %dma_wait3A_1648 : memref<1x!tpu.dma_semaphore, #tpu.memory_space<semaphore_mem>> -> memref<!tpu.dma_semaphore, #tpu.memory_space<semaphore_mem>>
      %dma_wait3A_1650 = arith.constant 0 : i32
      %dma_wait3A_1651 = tpu.memref_slice %arg8[%dma_wait3A_1642, %dma_wait3A_1650] : memref<5x8000xi32, #tpu.memory_space<vmem>> -> memref<1x8000xi32, #tpu.memory_space<vmem>>
      %dma_wait3A_1652 = tpu.memref_squeeze %dma_wait3A_1651 : memref<1x8000xi32, #tpu.memory_space<vmem>> -> memref<8000xi32, #tpu.memory_space<vmem>>
      %dma_wait3A_1653 = tpu.memref_slice %arg4[%add3A_1629] : memref<6400000xi32, #tpu.memory_space<hbm>> -> memref<8000xi32, #tpu.memory_space<hbm>>
      tpu.wait_dma2 semaphore(%dma_wait3A_1649 : memref<!tpu.dma_semaphore, #tpu.memory_space<semaphore_mem>>) src(%dma_wait3A_1653 : memref<8000xi32, #tpu.memory_space<hbm>>) dst(%dma_wait3A_1652 : memref<8000xi32, #tpu.memory_space<vmem>>)
      %scan3A_1654 = arith.constant 0 : i32
      %scan3A_1655 = arith.constant 0 : i32
      %scan3A_1656 = arith.constant 496 : i32
      %scan3A_1657 = arith.addi %scan3A_1655, %scan3A_1656 : i32
      %scan3A_1658 = arith.constant 8 : i32
      scf.for %scan3A_2231 = %scan3A_1655 to %scan3A_1657 step %scan3A_1658  : i32 {
        %mul3A_2232 = arith.constant 16 : i32
        %mul3A_2233 = arith.muli %scan3A_2231, %mul3A_2232 : i32
        %get3A_2234 = arith.constant 1 : i32
        %get3A_2235 = arith.index_cast %get3A_2234 : i32 to index
        %get3A_2236 = arith.index_cast %mul3A_2233 : i32 to index
        %get3A_2237 = tpu.vector_load %arg7[%get3A_2235, %get3A_2236] {strides = array<i32>} : memref<5x8000xi32, #tpu.memory_space<vmem>>, vector<16xi32>,
        %gather3A_2238 = tpu.vector_load_idx %arg6[%get3A_2237] : memref<128xf32, #tpu.memory_space<vmem>>[vector<16xi32>], vector<16xf32>,
        %mul3A_2239 = arith.constant 16 : i32
        %mul3A_2240 = arith.muli %scan3A_2231, %mul3A_2239 : i32
        %swap3A_2241 = arith.constant 1 : i32
        %swap3A_2242 = arith.index_cast %swap3A_2241 : i32 to index
        %swap3A_2243 = arith.index_cast %mul3A_2240 : i32 to index
        %swap3A_2244 = tpu.vector_load %arg9[%swap3A_2242, %swap3A_2243] {strides = array<i32>} : memref<5x8000xf32, #tpu.memory_space<vmem>>, vector<16xf32>,
        tpu.vector_store %arg9[%swap3A_2242, %swap3A_2243], %gather3A_2238 {strides = array<i32>} : memref<5x8000xf32, #tpu.memory_space<vmem>>, vector<16xf32>,
        %scan3A_2245 = arith.constant 1 : i32
        %scan3A_2246 = arith.addi %scan3A_2231, %scan3A_2245 : i32
        %mul3A_2247 = arith.constant 16 : i32
        %mul3A_2248 = arith.muli %scan3A_2246, %mul3A_2247 : i32
        %get3A_2249 = arith.constant 1 : i32
        %get3A_2250 = arith.index_cast %get3A_2249 : i32 to index
        %get3A_2251 = arith.index_cast %mul3A_2248 : i32 to index
        %get3A_2252 = tpu.vector_load %arg7[%get3A_2250, %get3A_2251] {strides = array<i32>} : memref<5x8000xi32, #tpu.memory_space<vmem>>, vector<16xi32>,
        %gather3A_2253 = tpu.vector_load_idx %arg6[%get3A_2252] : memref<128xf32, #tpu.memory_space<vmem>>[vector<16xi32>], vector<16xf32>,
        %mul3A_2254 = arith.constant 16 : i32
        %mul3A_2255 = arith.muli %scan3A_2246, %mul3A_2254 : i32
        %swap3A_2256 = arith.constant 1 : i32
        %swap3A_2257 = arith.index_cast %swap3A_2256 : i32 to index
        %swap3A_2258 = arith.index_cast %mul3A_2255 : i32 to index
        %swap3A_2259 = tpu.vector_load %arg9[%swap3A_2257, %swap3A_2258] {strides = array<i32>} : memref<5x8000xf32, #tpu.memory_space<vmem>>, vector<16xf32>,
        tpu.vector_store %arg9[%swap3A_2257, %swap3A_2258], %gather3A_2253 {strides = array<i32>} : memref<5x8000xf32, #tpu.memory_space<vmem>>, vector<16xf32>,
        %scan3A_2260 = arith.constant 2 : i32
        %scan3A_2261 = arith.addi %scan3A_2231, %scan3A_2260 : i32
        %mul3A_2262 = arith.constant 16 : i32
        %mul3A_2263 = arith.muli %scan3A_2261, %mul3A_2262 : i32
        %get3A_2264 = arith.constant 1 : i32
        %get3A_2265 = arith.index_cast %get3A_2264 : i32 to index
        %get3A_2266 = arith.index_cast %mul3A_2263 : i32 to index
        %get3A_2267 = tpu.vector_load %arg7[%get3A_2265, %get3A_2266] {strides = array<i32>} : memref<5x8000xi32, #tpu.memory_space<vmem>>, vector<16xi32>,
        %gather3A_2268 = tpu.vector_load_idx %arg6[%get3A_2267] : memref<128xf32, #tpu.memory_space<vmem>>[vector<16xi32>], vector<16xf32>,
        %mul3A_2269 = arith.constant 16 : i32
        %mul3A_2270 = arith.muli %scan3A_2261, %mul3A_2269 : i32
        %swap3A_2271 = arith.constant 1 : i32
        %swap3A_2272 = arith.index_cast %swap3A_2271 : i32 to index
        %swap3A_2273 = arith.index_cast %mul3A_2270 : i32 to index
        %swap3A_2274 = tpu.vector_load %arg9[%swap3A_2272, %swap3A_2273] {strides = array<i32>} : memref<5x8000xf32, #tpu.memory_space<vmem>>, vector<16xf32>,
        tpu.vector_store %arg9[%swap3A_2272, %swap3A_2273], %gather3A_2268 {strides = array<i32>} : memref<5x8000xf32, #tpu.memory_space<vmem>>, vector<16xf32>,
        %scan3A_2275 = arith.constant 3 : i32
        %scan3A_2276 = arith.addi %scan3A_2231, %scan3A_2275 : i32
        %mul3A_2277 = arith.constant 16 : i32
        %mul3A_2278 = arith.muli %scan3A_2276, %mul3A_2277 : i32
        %get3A_2279 = arith.constant 1 : i32
        %get3A_2280 = arith.index_cast %get3A_2279 : i32 to index
        %get3A_2281 = arith.index_cast %mul3A_2278 : i32 to index
        %get3A_2282 = tpu.vector_load %arg7[%get3A_2280, %get3A_2281] {strides = array<i32>} : memref<5x8000xi32, #tpu.memory_space<vmem>>, vector<16xi32>,
        %gather3A_2283 = tpu.vector_load_idx %arg6[%get3A_2282] : memref<128xf32, #tpu.memory_space<vmem>>[vector<16xi32>], vector<16xf32>,
        %mul3A_2284 = arith.constant 16 : i32
        %mul3A_2285 = arith.muli %scan3A_2276, %mul3A_2284 : i32
        %swap3A_2286 = arith.constant 1 : i32
        %swap3A_2287 = arith.index_cast %swap3A_2286 : i32 to index
        %swap3A_2288 = arith.index_cast %mul3A_2285 : i32 to index
        %swap3A_2289 = tpu.vector_load %arg9[%swap3A_2287, %swap3A_2288] {strides = array<i32>} : memref<5x8000xf32, #tpu.memory_space<vmem>>, vector<16xf32>,
        tpu.vector_store %arg9[%swap3A_2287, %swap3A_2288], %gather3A_2283 {strides = array<i32>} : memref<5x8000xf32, #tpu.memory_space<vmem>>, vector<16xf32>,
        %scan3A_2290 = arith.constant 4 : i32
        %scan3A_2291 = arith.addi %scan3A_2231, %scan3A_2290 : i32
        %mul3A_2292 = arith.constant 16 : i32
        %mul3A_2293 = arith.muli %scan3A_2291, %mul3A_2292 : i32
        %get3A_2294 = arith.constant 1 : i32
        %get3A_2295 = arith.index_cast %get3A_2294 : i32 to index
        %get3A_2296 = arith.index_cast %mul3A_2293 : i32 to index
        %get3A_2297 = tpu.vector_load %arg7[%get3A_2295, %get3A_2296] {strides = array<i32>} : memref<5x8000xi32, #tpu.memory_space<vmem>>, vector<16xi32>,
        %gather3A_2298 = tpu.vector_load_idx %arg6[%get3A_2297] : memref<128xf32, #tpu.memory_space<vmem>>[vector<16xi32>], vector<16xf32>,
        %mul3A_2299 = arith.constant 16 : i32
        %mul3A_2300 = arith.muli %scan3A_2291, %mul3A_2299 : i32
        %swap3A_2301 = arith.constant 1 : i32
        %swap3A_2302 = arith.index_cast %swap3A_2301 : i32 to index
        %swap3A_2303 = arith.index_cast %mul3A_2300 : i32 to index
        %swap3A_2304 = tpu.vector_load %arg9[%swap3A_2302, %swap3A_2303] {strides = array<i32>} : memref<5x8000xf32, #tpu.memory_space<vmem>>, vector<16xf32>,
        tpu.vector_store %arg9[%swap3A_2302, %swap3A_2303], %gather3A_2298 {strides = array<i32>} : memref<5x8000xf32, #tpu.memory_space<vmem>>, vector<16xf32>,
        %scan3A_2305 = arith.constant 5 : i32
        %scan3A_2306 = arith.addi %scan3A_2231, %scan3A_2305 : i32
        %mul3A_2307 = arith.constant 16 : i32
        %mul3A_2308 = arith.muli %scan3A_2306, %mul3A_2307 : i32
        %get3A_2309 = arith.constant 1 : i32
        %get3A_2310 = arith.index_cast %get3A_2309 : i32 to index
        %get3A_2311 = arith.index_cast %mul3A_2308 : i32 to index
        %get3A_2312 = tpu.vector_load %arg7[%get3A_2310, %get3A_2311] {strides = array<i32>} : memref<5x8000xi32, #tpu.memory_space<vmem>>, vector<16xi32>,
        %gather3A_2313 = tpu.vector_load_idx %arg6[%get3A_2312] : memref<128xf32, #tpu.memory_space<vmem>>[vector<16xi32>], vector<16xf32>,
        %mul3A_2314 = arith.constant 16 : i32
        %mul3A_2315 = arith.muli %scan3A_2306, %mul3A_2314 : i32
        %swap3A_2316 = arith.constant 1 : i32
        %swap3A_2317 = arith.index_cast %swap3A_2316 : i32 to index
        %swap3A_2318 = arith.index_cast %mul3A_2315 : i32 to index
        %swap3A_2319 = tpu.vector_load %arg9[%swap3A_2317, %swap3A_2318] {strides = array<i32>} : memref<5x8000xf32, #tpu.memory_space<vmem>>, vector<16xf32>,
        tpu.vector_store %arg9[%swap3A_2317, %swap3A_2318], %gather3A_2313 {strides = array<i32>} : memref<5x8000xf32, #tpu.memory_space<vmem>>, vector<16xf32>,
        %scan3A_2320 = arith.constant 6 : i32
        %scan3A_2321 = arith.addi %scan3A_2231, %scan3A_2320 : i32
        %mul3A_2322 = arith.constant 16 : i32
        %mul3A_2323 = arith.muli %scan3A_2321, %mul3A_2322 : i32
        %get3A_2324 = arith.constant 1 : i32
        %get3A_2325 = arith.index_cast %get3A_2324 : i32 to index
        %get3A_2326 = arith.index_cast %mul3A_2323 : i32 to index
        %get3A_2327 = tpu.vector_load %arg7[%get3A_2325, %get3A_2326] {strides = array<i32>} : memref<5x8000xi32, #tpu.memory_space<vmem>>, vector<16xi32>,
        %gather3A_2328 = tpu.vector_load_idx %arg6[%get3A_2327] : memref<128xf32, #tpu.memory_space<vmem>>[vector<16xi32>], vector<16xf32>,
        %mul3A_2329 = arith.constant 16 : i32
        %mul3A_2330 = arith.muli %scan3A_2321, %mul3A_2329 : i32
        %swap3A_2331 = arith.constant 1 : i32
        %swap3A_2332 = arith.index_cast %swap3A_2331 : i32 to index
        %swap3A_2333 = arith.index_cast %mul3A_2330 : i32 to index
        %swap3A_2334 = tpu.vector_load %arg9[%swap3A_2332, %swap3A_2333] {strides = array<i32>} : memref<5x8000xf32, #tpu.memory_space<vmem>>, vector<16xf32>,
        tpu.vector_store %arg9[%swap3A_2332, %swap3A_2333], %gather3A_2328 {strides = array<i32>} : memref<5x8000xf32, #tpu.memory_space<vmem>>, vector<16xf32>,
        %scan3A_2335 = arith.constant 7 : i32
        %scan3A_2336 = arith.addi %scan3A_2231, %scan3A_2335 : i32
        %mul3A_2337 = arith.constant 16 : i32
        %mul3A_2338 = arith.muli %scan3A_2336, %mul3A_2337 : i32
        %get3A_2339 = arith.constant 1 : i32
        %get3A_2340 = arith.index_cast %get3A_2339 : i32 to index
        %get3A_2341 = arith.index_cast %mul3A_2338 : i32 to index
        %get3A_2342 = tpu.vector_load %arg7[%get3A_2340, %get3A_2341] {strides = array<i32>} : memref<5x8000xi32, #tpu.memory_space<vmem>>, vector<16xi32>,
        %gather3A_2343 = tpu.vector_load_idx %arg6[%get3A_2342] : memref<128xf32, #tpu.memory_space<vmem>>[vector<16xi32>], vector<16xf32>,
        %mul3A_2344 = arith.constant 16 : i32
        %mul3A_2345 = arith.muli %scan3A_2336, %mul3A_2344 : i32
        %swap3A_2346 = arith.constant 1 : i32
        %swap3A_2347 = arith.index_cast %swap3A_2346 : i32 to index
        %swap3A_2348 = arith.index_cast %mul3A_2345 : i32 to index
        %swap3A_2349 = tpu.vector_load %arg9[%swap3A_2347, %swap3A_2348] {strides = array<i32>} : memref<5x8000xf32, #tpu.memory_space<vmem>>, vector<16xf32>,
        tpu.vector_store %arg9[%swap3A_2347, %swap3A_2348], %gather3A_2343 {strides = array<i32>} : memref<5x8000xf32, #tpu.memory_space<vmem>>, vector<16xf32>,
      }
      %scan3A_1659 = arith.constant 496 : i32
      %scan3A_1660 = arith.addi %scan3A_1655, %scan3A_1659 : i32
      %mul3A_1661 = arith.constant 16 : i32
      %mul3A_1662 = arith.muli %scan3A_1660, %mul3A_1661 : i32
      %get3A_1663 = arith.constant 1 : i32
      %get3A_1664 = arith.index_cast %get3A_1663 : i32 to index
      %get3A_1665 = arith.index_cast %mul3A_1662 : i32 to index
      %get3A_1666 = tpu.vector_load %arg7[%get3A_1664, %get3A_1665] {strides = array<i32>} : memref<5x8000xi32, #tpu.memory_space<vmem>>, vector<16xi32>,
      %gather3A_1667 = tpu.vector_load_idx %arg6[%get3A_1666] : memref<128xf32, #tpu.memory_space<vmem>>[vector<16xi32>], vector<16xf32>,
      %mul3A_1668 = arith.constant 16 : i32
      %mul3A_1669 = arith.muli %scan3A_1660, %mul3A_1668 : i32
      %swap3A_1670 = arith.constant 1 : i32
      %swap3A_1671 = arith.index_cast %swap3A_1670 : i32 to index
      %swap3A_1672 = arith.index_cast %mul3A_1669 : i32 to index
      %swap3A_1673 = tpu.vector_load %arg9[%swap3A_1671, %swap3A_1672] {strides = array<i32>} : memref<5x8000xf32, #tpu.memory_space<vmem>>, vector<16xf32>,
      tpu.vector_store %arg9[%swap3A_1671, %swap3A_1672], %gather3A_1667 {strides = array<i32>} : memref<5x8000xf32, #tpu.memory_space<vmem>>, vector<16xf32>,
      %scan3A_1674 = arith.constant 497 : i32
      %scan3A_1675 = arith.addi %scan3A_1655, %scan3A_1674 : i32
      %mul3A_1676 = arith.constant 16 : i32
      %mul3A_1677 = arith.muli %scan3A_1675, %mul3A_1676 : i32
      %get3A_1678 = arith.constant 1 : i32
      %get3A_1679 = arith.index_cast %get3A_1678 : i32 to index
      %get3A_1680 = arith.index_cast %mul3A_1677 : i32 to index
      %get3A_1681 = tpu.vector_load %arg7[%get3A_1679, %get3A_1680] {strides = array<i32>} : memref<5x8000xi32, #tpu.memory_space<vmem>>, vector<16xi32>,
      %gather3A_1682 = tpu.vector_load_idx %arg6[%get3A_1681] : memref<128xf32, #tpu.memory_space<vmem>>[vector<16xi32>], vector<16xf32>,
      %mul3A_1683 = arith.constant 16 : i32
      %mul3A_1684 = arith.muli %scan3A_1675, %mul3A_1683 : i32
      %swap3A_1685 = arith.constant 1 : i32
      %swap3A_1686 = arith.index_cast %swap3A_1685 : i32 to index
      %swap3A_1687 = arith.index_cast %mul3A_1684 : i32 to index
      %swap3A_1688 = tpu.vector_load %arg9[%swap3A_1686, %swap3A_1687] {strides = array<i32>} : memref<5x8000xf32, #tpu.memory_space<vmem>>, vector<16xf32>,
      tpu.vector_store %arg9[%swap3A_1686, %swap3A_1687], %gather3A_1682 {strides = array<i32>} : memref<5x8000xf32, #tpu.memory_space<vmem>>, vector<16xf32>,
      %scan3A_1689 = arith.constant 498 : i32
      %scan3A_1690 = arith.addi %scan3A_1655, %scan3A_1689 : i32
      %mul3A_1691 = arith.constant 16 : i32
      %mul3A_1692 = arith.muli %scan3A_1690, %mul3A_1691 : i32
      %get3A_1693 = arith.constant 1 : i32
      %get3A_1694 = arith.index_cast %get3A_1693 : i32 to index
      %get3A_1695 = arith.index_cast %mul3A_1692 : i32 to index
      %get3A_1696 = tpu.vector_load %arg7[%get3A_1694, %get3A_1695] {strides = array<i32>} : memref<5x8000xi32, #tpu.memory_space<vmem>>, vector<16xi32>,
      %gather3A_1697 = tpu.vector_load_idx %arg6[%get3A_1696] : memref<128xf32, #tpu.memory_space<vmem>>[vector<16xi32>], vector<16xf32>,
      %mul3A_1698 = arith.constant 16 : i32
      %mul3A_1699 = arith.muli %scan3A_1690, %mul3A_1698 : i32
      %swap3A_1700 = arith.constant 1 : i32
      %swap3A_1701 = arith.index_cast %swap3A_1700 : i32 to index
      %swap3A_1702 = arith.index_cast %mul3A_1699 : i32 to index
      %swap3A_1703 = tpu.vector_load %arg9[%swap3A_1701, %swap3A_1702] {strides = array<i32>} : memref<5x8000xf32, #tpu.memory_space<vmem>>, vector<16xf32>,
      tpu.vector_store %arg9[%swap3A_1701, %swap3A_1702], %gather3A_1697 {strides = array<i32>} : memref<5x8000xf32, #tpu.memory_space<vmem>>, vector<16xf32>,
      %scan3A_1704 = arith.constant 499 : i32
      %scan3A_1705 = arith.addi %scan3A_1655, %scan3A_1704 : i32
      %mul3A_1706 = arith.constant 16 : i32
      %mul3A_1707 = arith.muli %scan3A_1705, %mul3A_1706 : i32
      %get3A_1708 = arith.constant 1 : i32
      %get3A_1709 = arith.index_cast %get3A_1708 : i32 to index
      %get3A_1710 = arith.index_cast %mul3A_1707 : i32 to index
      %get3A_1711 = tpu.vector_load %arg7[%get3A_1709, %get3A_1710] {strides = array<i32>} : memref<5x8000xi32, #tpu.memory_space<vmem>>, vector<16xi32>,
      %gather3A_1712 = tpu.vector_load_idx %arg6[%get3A_1711] : memref<128xf32, #tpu.memory_space<vmem>>[vector<16xi32>], vector<16xf32>,
      %mul3A_1713 = arith.constant 16 : i32
      %mul3A_1714 = arith.muli %scan3A_1705, %mul3A_1713 : i32
      %swap3A_1715 = arith.constant 1 : i32
      %swap3A_1716 = arith.index_cast %swap3A_1715 : i32 to index
      %swap3A_1717 = arith.index_cast %mul3A_1714 : i32 to index
      %swap3A_1718 = tpu.vector_load %arg9[%swap3A_1716, %swap3A_1717] {strides = array<i32>} : memref<5x8000xf32, #tpu.memory_space<vmem>>, vector<16xf32>,
      tpu.vector_store %arg9[%swap3A_1716, %swap3A_1717], %gather3A_1712 {strides = array<i32>} : memref<5x8000xf32, #tpu.memory_space<vmem>>, vector<16xf32>,
      %scan3A_1719 = arith.constant 500 : i32
      %dma_start3A_1720 = arith.constant 1 : i32
      %dma_start3A_1721 = arith.constant 1 : i32
      %dma_start3A_1722 = arith.constant 1 : i32
      %dma_start3A_1723 = arith.constant 0 : i32
      %dma_start3A_1724 = tpu.memref_slice %arg9[%dma_start3A_1720, %dma_start3A_1723] : memref<5x8000xf32, #tpu.memory_space<vmem>> -> memref<1x8000xf32, #tpu.memory_space<vmem>>
      %dma_start3A_1725 = tpu.memref_squeeze %dma_start3A_1724 : memref<1x8000xf32, #tpu.memory_space<vmem>> -> memref<8000xf32, #tpu.memory_space<vmem>>
      %dma_start3A_1726 = arith.constant 0 : i32
      %dma_start3A_1727 = tpu.memref_slice %arg8[%dma_start3A_1721, %dma_start3A_1726] : memref<5x8000xi32, #tpu.memory_space<vmem>> -> memref<1x8000xi32, #tpu.memory_space<vmem>>
      %dma_start3A_1728 = tpu.memref_squeeze %dma_start3A_1727 : memref<1x8000xi32, #tpu.memory_space<vmem>> -> memref<8000xi32, #tpu.memory_space<vmem>>
      %dma_start3A_1729 = arith.constant 0 : i32
      %dma_start3A_1730 = tpu.memref_slice %arg11[%dma_start3A_1729] : memref<102400xf32, #tpu.memory_space<vmem_shared>> -> memref<102400xf32, #tpu.memory_space<vmem_shared>>
      %dma_start3A_1731 = tpu.memref_slice %arg13[%dma_start3A_1722] : memref<5x!tpu.dma_semaphore, #tpu.memory_space<semaphore_mem>> -> memref<1x!tpu.dma_semaphore, #tpu.memory_space<semaphore_mem>>
      %dma_start3A_1732 = tpu.memref_squeeze %dma_start3A_1731 : memref<1x!tpu.dma_semaphore, #tpu.memory_space<semaphore_mem>> -> memref<!tpu.dma_semaphore, #tpu.memory_space<semaphore_mem>>
      tpu.enqueue_indirect_dma source(%dma_start3A_1725 : memref<8000xf32, #tpu.memory_space<vmem>>) target(%dma_start3A_1730 : memref<102400xf32, #tpu.memory_space<vmem_shared>>) offsets(%dma_start3A_1728 : memref<8000xi32, #tpu.memory_space<vmem>>) semaphore(%dma_start3A_1732 : memref<!tpu.dma_semaphore, #tpu.memory_space<semaphore_mem>>) {add = true}
      %dma_wait3A_1733 = arith.constant 4 : i32
      %dma_wait3A_1734 = arith.constant 4 : i32
      %dma_wait3A_1735 = arith.constant 4 : i32
      %dma_wait3A_1736 = arith.constant 0 : i32
      %dma_wait3A_1737 = tpu.memref_slice %arg9[%dma_wait3A_1733, %dma_wait3A_1736] : memref<5x8000xf32, #tpu.memory_space<vmem>> -> memref<1x8000xf32, #tpu.memory_space<vmem>>
      %dma_wait3A_1738 = tpu.memref_squeeze %dma_wait3A_1737 : memref<1x8000xf32, #tpu.memory_space<vmem>> -> memref<8000xf32, #tpu.memory_space<vmem>>
      %dma_wait3A_1739 = arith.constant 0 : i32
      %dma_wait3A_1740 = tpu.memref_slice %arg8[%dma_wait3A_1734, %dma_wait3A_1739] : memref<5x8000xi32, #tpu.memory_space<vmem>> -> memref<1x8000xi32, #tpu.memory_space<vmem>>
      %dma_wait3A_1741 = tpu.memref_squeeze %dma_wait3A_1740 : memref<1x8000xi32, #tpu.memory_space<vmem>> -> memref<8000xi32, #tpu.memory_space<vmem>>
      %dma_wait3A_1742 = arith.constant 0 : i32
      %dma_wait3A_1743 = tpu.memref_slice %arg11[%dma_wait3A_1742] : memref<102400xf32, #tpu.memory_space<vmem_shared>> -> memref<102400xf32, #tpu.memory_space<vmem_shared>>
      %dma_wait3A_1744 = tpu.memref_slice %arg13[%dma_wait3A_1735] : memref<5x!tpu.dma_semaphore, #tpu.memory_space<semaphore_mem>> -> memref<1x!tpu.dma_semaphore, #tpu.memory_space<semaphore_mem>>
      %dma_wait3A_1745 = tpu.memref_squeeze %dma_wait3A_1744 : memref<1x!tpu.dma_semaphore, #tpu.memory_space<semaphore_mem>> -> memref<!tpu.dma_semaphore, #tpu.memory_space<semaphore_mem>>
      tpu.wait_indirect_dma semaphore(%dma_wait3A_1745 : memref<!tpu.dma_semaphore, #tpu.memory_space<semaphore_mem>>) src(%dma_wait3A_1738 : memref<8000xf32, #tpu.memory_space<vmem>>) dst(%dma_wait3A_1743 : memref<102400xf32, #tpu.memory_space<vmem_shared>>)
      %add3A_1746 = arith.constant 3 : i32
      %add3A_1747 = arith.addi %add3A_1626, %add3A_1746 : i32
      %mul3A_1748 = arith.constant 8000 : i32
      %mul3A_1749 = arith.muli %add3A_1747, %mul3A_1748 : i32
      %add3A_1750 = arith.addi %mul3A_2, %mul3A_1749 : i32
      %dma_start3A_1751 = arith.constant 4 : i32
      %dma_start3A_1752 = arith.constant 4 : i32
      %dma_start3A_1753 = arith.constant 0 : i32
      %dma_start3A_1754 = tpu.memref_slice %arg7[%dma_start3A_1751, %dma_start3A_1753] : memref<5x8000xi32, #tpu.memory_space<vmem>> -> memref<1x8000xi32, #tpu.memory_space<vmem>>
      %dma_start3A_1755 = tpu.memref_squeeze %dma_start3A_1754 : memref<1x8000xi32, #tpu.memory_space<vmem>> -> memref<8000xi32, #tpu.memory_space<vmem>>
      %dma_start3A_1756 = tpu.memref_slice %arg3[%add3A_1750] : memref<6400000xi32, #tpu.memory_space<hbm>> -> memref<8000xi32, #tpu.memory_space<hbm>>
      %dma_start3A_1757 = tpu.memref_slice %arg12[%dma_start3A_1752] : memref<5x!tpu.dma_semaphore, #tpu.memory_space<semaphore_mem>> -> memref<1x!tpu.dma_semaphore, #tpu.memory_space<semaphore_mem>>
      %dma_start3A_1758 = tpu.memref_squeeze %dma_start3A_1757 : memref<1x!tpu.dma_semaphore, #tpu.memory_space<semaphore_mem>> -> memref<!tpu.dma_semaphore, #tpu.memory_space<semaphore_mem>>
      %dma_start3A_1759 = arith.constant 0 : i32
      %dma_start3A_1760 = tpu.memref_slice %arg7[%dma_start3A_1751, %dma_start3A_1759] : memref<5x8000xi32, #tpu.memory_space<vmem>> -> memref<1x8000xi32, #tpu.memory_space<vmem>>
      %dma_start3A_1761 = tpu.memref_squeeze %dma_start3A_1760 : memref<1x8000xi32, #tpu.memory_space<vmem>> -> memref<8000xi32, #tpu.memory_space<vmem>>
      %dma_start3A_1762 = tpu.memref_slice %arg3[%add3A_1750] : memref<6400000xi32, #tpu.memory_space<hbm>> -> memref<8000xi32, #tpu.memory_space<hbm>>
      tpu.enqueue_dma source(%dma_start3A_1762 : memref<8000xi32, #tpu.memory_space<hbm>>) target(%dma_start3A_1761 : memref<8000xi32, #tpu.memory_space<vmem>>) target_semaphore(%dma_start3A_1758 : memref<!tpu.dma_semaphore, #tpu.memory_space<semaphore_mem>>)
      %dma_start3A_1763 = arith.constant 4 : i32
      %dma_start3A_1764 = arith.constant 4 : i32
      %dma_start3A_1765 = arith.constant 0 : i32
      %dma_start3A_1766 = tpu.memref_slice %arg8[%dma_start3A_1763, %dma_start3A_1765] : memref<5x8000xi32, #tpu.memory_space<vmem>> -> memref<1x8000xi32, #tpu.memory_space<vmem>>
      %dma_start3A_1767 = tpu.memref_squeeze %dma_start3A_1766 : memref<1x8000xi32, #tpu.memory_space<vmem>> -> memref<8000xi32, #tpu.memory_space<vmem>>
      %dma_start3A_1768 = tpu.memref_slice %arg4[%add3A_1750] : memref<6400000xi32, #tpu.memory_space<hbm>> -> memref<8000xi32, #tpu.memory_space<hbm>>
      %dma_start3A_1769 = tpu.memref_slice %arg12[%dma_start3A_1764] : memref<5x!tpu.dma_semaphore, #tpu.memory_space<semaphore_mem>> -> memref<1x!tpu.dma_semaphore, #tpu.memory_space<semaphore_mem>>
      %dma_start3A_1770 = tpu.memref_squeeze %dma_start3A_1769 : memref<1x!tpu.dma_semaphore, #tpu.memory_space<semaphore_mem>> -> memref<!tpu.dma_semaphore, #tpu.memory_space<semaphore_mem>>
      %dma_start3A_1771 = arith.constant 0 : i32
      %dma_start3A_1772 = tpu.memref_slice %arg8[%dma_start3A_1763, %dma_start3A_1771] : memref<5x8000xi32, #tpu.memory_space<vmem>> -> memref<1x8000xi32, #tpu.memory_space<vmem>>
      %dma_start3A_1773 = tpu.memref_squeeze %dma_start3A_1772 : memref<1x8000xi32, #tpu.memory_space<vmem>> -> memref<8000xi32, #tpu.memory_space<vmem>>
      %dma_start3A_1774 = tpu.memref_slice %arg4[%add3A_1750] : memref<6400000xi32, #tpu.memory_space<hbm>> -> memref<8000xi32, #tpu.memory_space<hbm>>
      tpu.enqueue_dma source(%dma_start3A_1774 : memref<8000xi32, #tpu.memory_space<hbm>>) target(%dma_start3A_1773 : memref<8000xi32, #tpu.memory_space<vmem>>) target_semaphore(%dma_start3A_1770 : memref<!tpu.dma_semaphore, #tpu.memory_space<semaphore_mem>>)
      %mul3A_1775 = arith.constant 5 : i32
      %mul3A_1776 = arith.muli %scan3A_1470, %mul3A_1775 : i32
      %add3A_1777 = arith.constant 2 : i32
      %add3A_1778 = arith.addi %mul3A_1776, %add3A_1777 : i32
      %mul3A_1779 = arith.constant 8000 : i32
      %mul3A_1780 = arith.muli %add3A_1778, %mul3A_1779 : i32
      %add3A_1781 = arith.addi %mul3A_2, %mul3A_1780 : i32
      %dma_wait3A_1782 = arith.constant 2 : i32
      %dma_wait3A_1783 = arith.constant 2 : i32
      %dma_wait3A_1784 = arith.constant 0 : i32
      %dma_wait3A_1785 = tpu.memref_slice %arg7[%dma_wait3A_1782, %dma_wait3A_1784] : memref<5x8000xi32, #tpu.memory_space<vmem>> -> memref<1x8000xi32, #tpu.memory_space<vmem>>
      %dma_wait3A_1786 = tpu.memref_squeeze %dma_wait3A_1785 : memref<1x8000xi32, #tpu.memory_space<vmem>> -> memref<8000xi32, #tpu.memory_space<vmem>>
      %dma_wait3A_1787 = tpu.memref_slice %arg3[%add3A_1781] : memref<6400000xi32, #tpu.memory_space<hbm>> -> memref<8000xi32, #tpu.memory_space<hbm>>
      %dma_wait3A_1788 = tpu.memref_slice %arg12[%dma_wait3A_1783] : memref<5x!tpu.dma_semaphore, #tpu.memory_space<semaphore_mem>> -> memref<1x!tpu.dma_semaphore, #tpu.memory_space<semaphore_mem>>
      %dma_wait3A_1789 = tpu.memref_squeeze %dma_wait3A_1788 : memref<1x!tpu.dma_semaphore, #tpu.memory_space<semaphore_mem>> -> memref<!tpu.dma_semaphore, #tpu.memory_space<semaphore_mem>>
      %dma_wait3A_1790 = arith.constant 0 : i32
      %dma_wait3A_1791 = tpu.memref_slice %arg7[%dma_wait3A_1782, %dma_wait3A_1790] : memref<5x8000xi32, #tpu.memory_space<vmem>> -> memref<1x8000xi32, #tpu.memory_space<vmem>>
      %dma_wait3A_1792 = tpu.memref_squeeze %dma_wait3A_1791 : memref<1x8000xi32, #tpu.memory_space<vmem>> -> memref<8000xi32, #tpu.memory_space<vmem>>
      %dma_wait3A_1793 = tpu.memref_slice %arg3[%add3A_1781] : memref<6400000xi32, #tpu.memory_space<hbm>> -> memref<8000xi32, #tpu.memory_space<hbm>>
      tpu.wait_dma2 semaphore(%dma_wait3A_1789 : memref<!tpu.dma_semaphore, #tpu.memory_space<semaphore_mem>>) src(%dma_wait3A_1793 : memref<8000xi32, #tpu.memory_space<hbm>>) dst(%dma_wait3A_1792 : memref<8000xi32, #tpu.memory_space<vmem>>)
      %dma_wait3A_1794 = arith.constant 2 : i32
      %dma_wait3A_1795 = arith.constant 2 : i32
      %dma_wait3A_1796 = arith.constant 0 : i32
      %dma_wait3A_1797 = tpu.memref_slice %arg8[%dma_wait3A_1794, %dma_wait3A_1796] : memref<5x8000xi32, #tpu.memory_space<vmem>> -> memref<1x8000xi32, #tpu.memory_space<vmem>>
      %dma_wait3A_1798 = tpu.memref_squeeze %dma_wait3A_1797 : memref<1x8000xi32, #tpu.memory_space<vmem>> -> memref<8000xi32, #tpu.memory_space<vmem>>
      %dma_wait3A_1799 = tpu.memref_slice %arg4[%add3A_1781] : memref<6400000xi32, #tpu.memory_space<hbm>> -> memref<8000xi32, #tpu.memory_space<hbm>>
      %dma_wait3A_1800 = tpu.memref_slice %arg12[%dma_wait3A_1795] : memref<5x!tpu.dma_semaphore, #tpu.memory_space<semaphore_mem>> -> memref<1x!tpu.dma_semaphore, #tpu.memory_space<semaphore_mem>>
      %dma_wait3A_1801 = tpu.memref_squeeze %dma_wait3A_1800 : memref<1x!tpu.dma_semaphore, #tpu.memory_space<semaphore_mem>> -> memref<!tpu.dma_semaphore, #tpu.memory_space<semaphore_mem>>
      %dma_wait3A_1802 = arith.constant 0 : i32
      %dma_wait3A_1803 = tpu.memref_slice %arg8[%dma_wait3A_1794, %dma_wait3A_1802] : memref<5x8000xi32, #tpu.memory_space<vmem>> -> memref<1x8000xi32, #tpu.memory_space<vmem>>
      %dma_wait3A_1804 = tpu.memref_squeeze %dma_wait3A_1803 : memref<1x8000xi32, #tpu.memory_space<vmem>> -> memref<8000xi32, #tpu.memory_space<vmem>>
      %dma_wait3A_1805 = tpu.memref_slice %arg4[%add3A_1781] : memref<6400000xi32, #tpu.memory_space<hbm>> -> memref<8000xi32, #tpu.memory_space<hbm>>
      tpu.wait_dma2 semaphore(%dma_wait3A_1801 : memref<!tpu.dma_semaphore, #tpu.memory_space<semaphore_mem>>) src(%dma_wait3A_1805 : memref<8000xi32, #tpu.memory_space<hbm>>) dst(%dma_wait3A_1804 : memref<8000xi32, #tpu.memory_space<vmem>>)
      %scan3A_1806 = arith.constant 0 : i32
      %scan3A_1807 = arith.constant 0 : i32
      %scan3A_1808 = arith.constant 496 : i32
      %scan3A_1809 = arith.addi %scan3A_1807, %scan3A_1808 : i32
      %scan3A_1810 = arith.constant 8 : i32
      scf.for %scan3A_2231 = %scan3A_1807 to %scan3A_1809 step %scan3A_1810  : i32 {
        %mul3A_2232 = arith.constant 16 : i32
        %mul3A_2233 = arith.muli %scan3A_2231, %mul3A_2232 : i32
        %get3A_2234 = arith.constant 2 : i32
        %get3A_2235 = arith.index_cast %get3A_2234 : i32 to index
        %get3A_2236 = arith.index_cast %mul3A_2233 : i32 to index
        %get3A_2237 = tpu.vector_load %arg7[%get3A_2235, %get3A_2236] {strides = array<i32>} : memref<5x8000xi32, #tpu.memory_space<vmem>>, vector<16xi32>,
        %gather3A_2238 = tpu.vector_load_idx %arg6[%get3A_2237] : memref<128xf32, #tpu.memory_space<vmem>>[vector<16xi32>], vector<16xf32>,
        %mul3A_2239 = arith.constant 16 : i32
        %mul3A_2240 = arith.muli %scan3A_2231, %mul3A_2239 : i32
        %swap3A_2241 = arith.constant 2 : i32
        %swap3A_2242 = arith.index_cast %swap3A_2241 : i32 to index
        %swap3A_2243 = arith.index_cast %mul3A_2240 : i32 to index
        %swap3A_2244 = tpu.vector_load %arg9[%swap3A_2242, %swap3A_2243] {strides = array<i32>} : memref<5x8000xf32, #tpu.memory_space<vmem>>, vector<16xf32>,
        tpu.vector_store %arg9[%swap3A_2242, %swap3A_2243], %gather3A_2238 {strides = array<i32>} : memref<5x8000xf32, #tpu.memory_space<vmem>>, vector<16xf32>,
        %scan3A_2245 = arith.constant 1 : i32
        %scan3A_2246 = arith.addi %scan3A_2231, %scan3A_2245 : i32
        %mul3A_2247 = arith.constant 16 : i32
        %mul3A_2248 = arith.muli %scan3A_2246, %mul3A_2247 : i32
        %get3A_2249 = arith.constant 2 : i32
        %get3A_2250 = arith.index_cast %get3A_2249 : i32 to index
        %get3A_2251 = arith.index_cast %mul3A_2248 : i32 to index
        %get3A_2252 = tpu.vector_load %arg7[%get3A_2250, %get3A_2251] {strides = array<i32>} : memref<5x8000xi32, #tpu.memory_space<vmem>>, vector<16xi32>,
        %gather3A_2253 = tpu.vector_load_idx %arg6[%get3A_2252] : memref<128xf32, #tpu.memory_space<vmem>>[vector<16xi32>], vector<16xf32>,
        %mul3A_2254 = arith.constant 16 : i32
        %mul3A_2255 = arith.muli %scan3A_2246, %mul3A_2254 : i32
        %swap3A_2256 = arith.constant 2 : i32
        %swap3A_2257 = arith.index_cast %swap3A_2256 : i32 to index
        %swap3A_2258 = arith.index_cast %mul3A_2255 : i32 to index
        %swap3A_2259 = tpu.vector_load %arg9[%swap3A_2257, %swap3A_2258] {strides = array<i32>} : memref<5x8000xf32, #tpu.memory_space<vmem>>, vector<16xf32>,
        tpu.vector_store %arg9[%swap3A_2257, %swap3A_2258], %gather3A_2253 {strides = array<i32>} : memref<5x8000xf32, #tpu.memory_space<vmem>>, vector<16xf32>,
        %scan3A_2260 = arith.constant 2 : i32
        %scan3A_2261 = arith.addi %scan3A_2231, %scan3A_2260 : i32
        %mul3A_2262 = arith.constant 16 : i32
        %mul3A_2263 = arith.muli %scan3A_2261, %mul3A_2262 : i32
        %get3A_2264 = arith.constant 2 : i32
        %get3A_2265 = arith.index_cast %get3A_2264 : i32 to index
        %get3A_2266 = arith.index_cast %mul3A_2263 : i32 to index
        %get3A_2267 = tpu.vector_load %arg7[%get3A_2265, %get3A_2266] {strides = array<i32>} : memref<5x8000xi32, #tpu.memory_space<vmem>>, vector<16xi32>,
        %gather3A_2268 = tpu.vector_load_idx %arg6[%get3A_2267] : memref<128xf32, #tpu.memory_space<vmem>>[vector<16xi32>], vector<16xf32>,
        %mul3A_2269 = arith.constant 16 : i32
        %mul3A_2270 = arith.muli %scan3A_2261, %mul3A_2269 : i32
        %swap3A_2271 = arith.constant 2 : i32
        %swap3A_2272 = arith.index_cast %swap3A_2271 : i32 to index
        %swap3A_2273 = arith.index_cast %mul3A_2270 : i32 to index
        %swap3A_2274 = tpu.vector_load %arg9[%swap3A_2272, %swap3A_2273] {strides = array<i32>} : memref<5x8000xf32, #tpu.memory_space<vmem>>, vector<16xf32>,
        tpu.vector_store %arg9[%swap3A_2272, %swap3A_2273], %gather3A_2268 {strides = array<i32>} : memref<5x8000xf32, #tpu.memory_space<vmem>>, vector<16xf32>,
        %scan3A_2275 = arith.constant 3 : i32
        %scan3A_2276 = arith.addi %scan3A_2231, %scan3A_2275 : i32
        %mul3A_2277 = arith.constant 16 : i32
        %mul3A_2278 = arith.muli %scan3A_2276, %mul3A_2277 : i32
        %get3A_2279 = arith.constant 2 : i32
        %get3A_2280 = arith.index_cast %get3A_2279 : i32 to index
        %get3A_2281 = arith.index_cast %mul3A_2278 : i32 to index
        %get3A_2282 = tpu.vector_load %arg7[%get3A_2280, %get3A_2281] {strides = array<i32>} : memref<5x8000xi32, #tpu.memory_space<vmem>>, vector<16xi32>,
        %gather3A_2283 = tpu.vector_load_idx %arg6[%get3A_2282] : memref<128xf32, #tpu.memory_space<vmem>>[vector<16xi32>], vector<16xf32>,
        %mul3A_2284 = arith.constant 16 : i32
        %mul3A_2285 = arith.muli %scan3A_2276, %mul3A_2284 : i32
        %swap3A_2286 = arith.constant 2 : i32
        %swap3A_2287 = arith.index_cast %swap3A_2286 : i32 to index
        %swap3A_2288 = arith.index_cast %mul3A_2285 : i32 to index
        %swap3A_2289 = tpu.vector_load %arg9[%swap3A_2287, %swap3A_2288] {strides = array<i32>} : memref<5x8000xf32, #tpu.memory_space<vmem>>, vector<16xf32>,
        tpu.vector_store %arg9[%swap3A_2287, %swap3A_2288], %gather3A_2283 {strides = array<i32>} : memref<5x8000xf32, #tpu.memory_space<vmem>>, vector<16xf32>,
        %scan3A_2290 = arith.constant 4 : i32
        %scan3A_2291 = arith.addi %scan3A_2231, %scan3A_2290 : i32
        %mul3A_2292 = arith.constant 16 : i32
        %mul3A_2293 = arith.muli %scan3A_2291, %mul3A_2292 : i32
        %get3A_2294 = arith.constant 2 : i32
        %get3A_2295 = arith.index_cast %get3A_2294 : i32 to index
        %get3A_2296 = arith.index_cast %mul3A_2293 : i32 to index
        %get3A_2297 = tpu.vector_load %arg7[%get3A_2295, %get3A_2296] {strides = array<i32>} : memref<5x8000xi32, #tpu.memory_space<vmem>>, vector<16xi32>,
        %gather3A_2298 = tpu.vector_load_idx %arg6[%get3A_2297] : memref<128xf32, #tpu.memory_space<vmem>>[vector<16xi32>], vector<16xf32>,
        %mul3A_2299 = arith.constant 16 : i32
        %mul3A_2300 = arith.muli %scan3A_2291, %mul3A_2299 : i32
        %swap3A_2301 = arith.constant 2 : i32
        %swap3A_2302 = arith.index_cast %swap3A_2301 : i32 to index
        %swap3A_2303 = arith.index_cast %mul3A_2300 : i32 to index
        %swap3A_2304 = tpu.vector_load %arg9[%swap3A_2302, %swap3A_2303] {strides = array<i32>} : memref<5x8000xf32, #tpu.memory_space<vmem>>, vector<16xf32>,
        tpu.vector_store %arg9[%swap3A_2302, %swap3A_2303], %gather3A_2298 {strides = array<i32>} : memref<5x8000xf32, #tpu.memory_space<vmem>>, vector<16xf32>,
        %scan3A_2305 = arith.constant 5 : i32
        %scan3A_2306 = arith.addi %scan3A_2231, %scan3A_2305 : i32
        %mul3A_2307 = arith.constant 16 : i32
        %mul3A_2308 = arith.muli %scan3A_2306, %mul3A_2307 : i32
        %get3A_2309 = arith.constant 2 : i32
        %get3A_2310 = arith.index_cast %get3A_2309 : i32 to index
        %get3A_2311 = arith.index_cast %mul3A_2308 : i32 to index
        %get3A_2312 = tpu.vector_load %arg7[%get3A_2310, %get3A_2311] {strides = array<i32>} : memref<5x8000xi32, #tpu.memory_space<vmem>>, vector<16xi32>,
        %gather3A_2313 = tpu.vector_load_idx %arg6[%get3A_2312] : memref<128xf32, #tpu.memory_space<vmem>>[vector<16xi32>], vector<16xf32>,
        %mul3A_2314 = arith.constant 16 : i32
        %mul3A_2315 = arith.muli %scan3A_2306, %mul3A_2314 : i32
        %swap3A_2316 = arith.constant 2 : i32
        %swap3A_2317 = arith.index_cast %swap3A_2316 : i32 to index
        %swap3A_2318 = arith.index_cast %mul3A_2315 : i32 to index
        %swap3A_2319 = tpu.vector_load %arg9[%swap3A_2317, %swap3A_2318] {strides = array<i32>} : memref<5x8000xf32, #tpu.memory_space<vmem>>, vector<16xf32>,
        tpu.vector_store %arg9[%swap3A_2317, %swap3A_2318], %gather3A_2313 {strides = array<i32>} : memref<5x8000xf32, #tpu.memory_space<vmem>>, vector<16xf32>,
        %scan3A_2320 = arith.constant 6 : i32
        %scan3A_2321 = arith.addi %scan3A_2231, %scan3A_2320 : i32
        %mul3A_2322 = arith.constant 16 : i32
        %mul3A_2323 = arith.muli %scan3A_2321, %mul3A_2322 : i32
        %get3A_2324 = arith.constant 2 : i32
        %get3A_2325 = arith.index_cast %get3A_2324 : i32 to index
        %get3A_2326 = arith.index_cast %mul3A_2323 : i32 to index
        %get3A_2327 = tpu.vector_load %arg7[%get3A_2325, %get3A_2326] {strides = array<i32>} : memref<5x8000xi32, #tpu.memory_space<vmem>>, vector<16xi32>,
        %gather3A_2328 = tpu.vector_load_idx %arg6[%get3A_2327] : memref<128xf32, #tpu.memory_space<vmem>>[vector<16xi32>], vector<16xf32>,
        %mul3A_2329 = arith.constant 16 : i32
        %mul3A_2330 = arith.muli %scan3A_2321, %mul3A_2329 : i32
        %swap3A_2331 = arith.constant 2 : i32
        %swap3A_2332 = arith.index_cast %swap3A_2331 : i32 to index
        %swap3A_2333 = arith.index_cast %mul3A_2330 : i32 to index
        %swap3A_2334 = tpu.vector_load %arg9[%swap3A_2332, %swap3A_2333] {strides = array<i32>} : memref<5x8000xf32, #tpu.memory_space<vmem>>, vector<16xf32>,
        tpu.vector_store %arg9[%swap3A_2332, %swap3A_2333], %gather3A_2328 {strides = array<i32>} : memref<5x8000xf32, #tpu.memory_space<vmem>>, vector<16xf32>,
        %scan3A_2335 = arith.constant 7 : i32
        %scan3A_2336 = arith.addi %scan3A_2231, %scan3A_2335 : i32
        %mul3A_2337 = arith.constant 16 : i32
        %mul3A_2338 = arith.muli %scan3A_2336, %mul3A_2337 : i32
        %get3A_2339 = arith.constant 2 : i32
        %get3A_2340 = arith.index_cast %get3A_2339 : i32 to index
        %get3A_2341 = arith.index_cast %mul3A_2338 : i32 to index
        %get3A_2342 = tpu.vector_load %arg7[%get3A_2340, %get3A_2341] {strides = array<i32>} : memref<5x8000xi32, #tpu.memory_space<vmem>>, vector<16xi32>,
        %gather3A_2343 = tpu.vector_load_idx %arg6[%get3A_2342] : memref<128xf32, #tpu.memory_space<vmem>>[vector<16xi32>], vector<16xf32>,
        %mul3A_2344 = arith.constant 16 : i32
        %mul3A_2345 = arith.muli %scan3A_2336, %mul3A_2344 : i32
        %swap3A_2346 = arith.constant 2 : i32
        %swap3A_2347 = arith.index_cast %swap3A_2346 : i32 to index
        %swap3A_2348 = arith.index_cast %mul3A_2345 : i32 to index
        %swap3A_2349 = tpu.vector_load %arg9[%swap3A_2347, %swap3A_2348] {strides = array<i32>} : memref<5x8000xf32, #tpu.memory_space<vmem>>, vector<16xf32>,
        tpu.vector_store %arg9[%swap3A_2347, %swap3A_2348], %gather3A_2343 {strides = array<i32>} : memref<5x8000xf32, #tpu.memory_space<vmem>>, vector<16xf32>,
      }
      %scan3A_1811 = arith.constant 496 : i32
      %scan3A_1812 = arith.addi %scan3A_1807, %scan3A_1811 : i32
      %mul3A_1813 = arith.constant 16 : i32
      %mul3A_1814 = arith.muli %scan3A_1812, %mul3A_1813 : i32
      %get3A_1815 = arith.constant 2 : i32
      %get3A_1816 = arith.index_cast %get3A_1815 : i32 to index
      %get3A_1817 = arith.index_cast %mul3A_1814 : i32 to index
      %get3A_1818 = tpu.vector_load %arg7[%get3A_1816, %get3A_1817] {strides = array<i32>} : memref<5x8000xi32, #tpu.memory_space<vmem>>, vector<16xi32>,
      %gather3A_1819 = tpu.vector_load_idx %arg6[%get3A_1818] : memref<128xf32, #tpu.memory_space<vmem>>[vector<16xi32>], vector<16xf32>,
      %mul3A_1820 = arith.constant 16 : i32
      %mul3A_1821 = arith.muli %scan3A_1812, %mul3A_1820 : i32
      %swap3A_1822 = arith.constant 2 : i32
      %swap3A_1823 = arith.index_cast %swap3A_1822 : i32 to index
      %swap3A_1824 = arith.index_cast %mul3A_1821 : i32 to index
      %swap3A_1825 = tpu.vector_load %arg9[%swap3A_1823, %swap3A_1824] {strides = array<i32>} : memref<5x8000xf32, #tpu.memory_space<vmem>>, vector<16xf32>,
      tpu.vector_store %arg9[%swap3A_1823, %swap3A_1824], %gather3A_1819 {strides = array<i32>} : memref<5x8000xf32, #tpu.memory_space<vmem>>, vector<16xf32>,
      %scan3A_1826 = arith.constant 497 : i32
      %scan3A_1827 = arith.addi %scan3A_1807, %scan3A_1826 : i32
      %mul3A_1828 = arith.constant 16 : i32
      %mul3A_1829 = arith.muli %scan3A_1827, %mul3A_1828 : i32
      %get3A_1830 = arith.constant 2 : i32
      %get3A_1831 = arith.index_cast %get3A_1830 : i32 to index
      %get3A_1832 = arith.index_cast %mul3A_1829 : i32 to index
      %get3A_1833 = tpu.vector_load %arg7[%get3A_1831, %get3A_1832] {strides = array<i32>} : memref<5x8000xi32, #tpu.memory_space<vmem>>, vector<16xi32>,
      %gather3A_1834 = tpu.vector_load_idx %arg6[%get3A_1833] : memref<128xf32, #tpu.memory_space<vmem>>[vector<16xi32>], vector<16xf32>,
      %mul3A_1835 = arith.constant 16 : i32
      %mul3A_1836 = arith.muli %scan3A_1827, %mul3A_1835 : i32
      %swap3A_1837 = arith.constant 2 : i32
      %swap3A_1838 = arith.index_cast %swap3A_1837 : i32 to index
      %swap3A_1839 = arith.index_cast %mul3A_1836 : i32 to index
      %swap3A_1840 = tpu.vector_load %arg9[%swap3A_1838, %swap3A_1839] {strides = array<i32>} : memref<5x8000xf32, #tpu.memory_space<vmem>>, vector<16xf32>,
      tpu.vector_store %arg9[%swap3A_1838, %swap3A_1839], %gather3A_1834 {strides = array<i32>} : memref<5x8000xf32, #tpu.memory_space<vmem>>, vector<16xf32>,
      %scan3A_1841 = arith.constant 498 : i32
      %scan3A_1842 = arith.addi %scan3A_1807, %scan3A_1841 : i32
      %mul3A_1843 = arith.constant 16 : i32
      %mul3A_1844 = arith.muli %scan3A_1842, %mul3A_1843 : i32
      %get3A_1845 = arith.constant 2 : i32
      %get3A_1846 = arith.index_cast %get3A_1845 : i32 to index
      %get3A_1847 = arith.index_cast %mul3A_1844 : i32 to index
      %get3A_1848 = tpu.vector_load %arg7[%get3A_1846, %get3A_1847] {strides = array<i32>} : memref<5x8000xi32, #tpu.memory_space<vmem>>, vector<16xi32>,
      %gather3A_1849 = tpu.vector_load_idx %arg6[%get3A_1848] : memref<128xf32, #tpu.memory_space<vmem>>[vector<16xi32>], vector<16xf32>,
      %mul3A_1850 = arith.constant 16 : i32
      %mul3A_1851 = arith.muli %scan3A_1842, %mul3A_1850 : i32
      %swap3A_1852 = arith.constant 2 : i32
      %swap3A_1853 = arith.index_cast %swap3A_1852 : i32 to index
      %swap3A_1854 = arith.index_cast %mul3A_1851 : i32 to index
      %swap3A_1855 = tpu.vector_load %arg9[%swap3A_1853, %swap3A_1854] {strides = array<i32>} : memref<5x8000xf32, #tpu.memory_space<vmem>>, vector<16xf32>,
      tpu.vector_store %arg9[%swap3A_1853, %swap3A_1854], %gather3A_1849 {strides = array<i32>} : memref<5x8000xf32, #tpu.memory_space<vmem>>, vector<16xf32>,
      %scan3A_1856 = arith.constant 499 : i32
      %scan3A_1857 = arith.addi %scan3A_1807, %scan3A_1856 : i32
      %mul3A_1858 = arith.constant 16 : i32
      %mul3A_1859 = arith.muli %scan3A_1857, %mul3A_1858 : i32
      %get3A_1860 = arith.constant 2 : i32
      %get3A_1861 = arith.index_cast %get3A_1860 : i32 to index
      %get3A_1862 = arith.index_cast %mul3A_1859 : i32 to index
      %get3A_1863 = tpu.vector_load %arg7[%get3A_1861, %get3A_1862] {strides = array<i32>} : memref<5x8000xi32, #tpu.memory_space<vmem>>, vector<16xi32>,
      %gather3A_1864 = tpu.vector_load_idx %arg6[%get3A_1863] : memref<128xf32, #tpu.memory_space<vmem>>[vector<16xi32>], vector<16xf32>,
      %mul3A_1865 = arith.constant 16 : i32
      %mul3A_1866 = arith.muli %scan3A_1857, %mul3A_1865 : i32
      %swap3A_1867 = arith.constant 2 : i32
      %swap3A_1868 = arith.index_cast %swap3A_1867 : i32 to index
      %swap3A_1869 = arith.index_cast %mul3A_1866 : i32 to index
      %swap3A_1870 = tpu.vector_load %arg9[%swap3A_1868, %swap3A_1869] {strides = array<i32>} : memref<5x8000xf32, #tpu.memory_space<vmem>>, vector<16xf32>,
      tpu.vector_store %arg9[%swap3A_1868, %swap3A_1869], %gather3A_1864 {strides = array<i32>} : memref<5x8000xf32, #tpu.memory_space<vmem>>, vector<16xf32>,
      %scan3A_1871 = arith.constant 500 : i32
      %dma_start3A_1872 = arith.constant 2 : i32
      %dma_start3A_1873 = arith.constant 2 : i32
      %dma_start3A_1874 = arith.constant 2 : i32
      %dma_start3A_1875 = arith.constant 0 : i32
      %dma_start3A_1876 = tpu.memref_slice %arg9[%dma_start3A_1872, %dma_start3A_1875] : memref<5x8000xf32, #tpu.memory_space<vmem>> -> memref<1x8000xf32, #tpu.memory_space<vmem>>
      %dma_start3A_1877 = tpu.memref_squeeze %dma_start3A_1876 : memref<1x8000xf32, #tpu.memory_space<vmem>> -> memref<8000xf32, #tpu.memory_space<vmem>>
      %dma_start3A_1878 = arith.constant 0 : i32
      %dma_start3A_1879 = tpu.memref_slice %arg8[%dma_start3A_1873, %dma_start3A_1878] : memref<5x8000xi32, #tpu.memory_space<vmem>> -> memref<1x8000xi32, #tpu.memory_space<vmem>>
      %dma_start3A_1880 = tpu.memref_squeeze %dma_start3A_1879 : memref<1x8000xi32, #tpu.memory_space<vmem>> -> memref<8000xi32, #tpu.memory_space<vmem>>
      %dma_start3A_1881 = arith.constant 0 : i32
      %dma_start3A_1882 = tpu.memref_slice %arg11[%dma_start3A_1881] : memref<102400xf32, #tpu.memory_space<vmem_shared>> -> memref<102400xf32, #tpu.memory_space<vmem_shared>>
      %dma_start3A_1883 = tpu.memref_slice %arg13[%dma_start3A_1874] : memref<5x!tpu.dma_semaphore, #tpu.memory_space<semaphore_mem>> -> memref<1x!tpu.dma_semaphore, #tpu.memory_space<semaphore_mem>>
      %dma_start3A_1884 = tpu.memref_squeeze %dma_start3A_1883 : memref<1x!tpu.dma_semaphore, #tpu.memory_space<semaphore_mem>> -> memref<!tpu.dma_semaphore, #tpu.memory_space<semaphore_mem>>
      tpu.enqueue_indirect_dma source(%dma_start3A_1877 : memref<8000xf32, #tpu.memory_space<vmem>>) target(%dma_start3A_1882 : memref<102400xf32, #tpu.memory_space<vmem_shared>>) offsets(%dma_start3A_1880 : memref<8000xi32, #tpu.memory_space<vmem>>) semaphore(%dma_start3A_1884 : memref<!tpu.dma_semaphore, #tpu.memory_space<semaphore_mem>>) {add = true}
      %dma_wait3A_1885 = arith.constant 0 : i32
      %dma_wait3A_1886 = arith.constant 0 : i32
      %dma_wait3A_1887 = arith.constant 0 : i32
      %dma_wait3A_1888 = arith.constant 0 : i32
      %dma_wait3A_1889 = tpu.memref_slice %arg9[%dma_wait3A_1885, %dma_wait3A_1888] : memref<5x8000xf32, #tpu.memory_space<vmem>> -> memref<1x8000xf32, #tpu.memory_space<vmem>>
      %dma_wait3A_1890 = tpu.memref_squeeze %dma_wait3A_1889 : memref<1x8000xf32, #tpu.memory_space<vmem>> -> memref<8000xf32, #tpu.memory_space<vmem>>
      %dma_wait3A_1891 = arith.constant 0 : i32
      %dma_wait3A_1892 = tpu.memref_slice %arg8[%dma_wait3A_1886, %dma_wait3A_1891] : memref<5x8000xi32, #tpu.memory_space<vmem>> -> memref<1x8000xi32, #tpu.memory_space<vmem>>
      %dma_wait3A_1893 = tpu.memref_squeeze %dma_wait3A_1892 : memref<1x8000xi32, #tpu.memory_space<vmem>> -> memref<8000xi32, #tpu.memory_space<vmem>>
      %dma_wait3A_1894 = arith.constant 0 : i32
      %dma_wait3A_1895 = tpu.memref_slice %arg11[%dma_wait3A_1894] : memref<102400xf32, #tpu.memory_space<vmem_shared>> -> memref<102400xf32, #tpu.memory_space<vmem_shared>>
      %dma_wait3A_1896 = tpu.memref_slice %arg13[%dma_wait3A_1887] : memref<5x!tpu.dma_semaphore, #tpu.memory_space<semaphore_mem>> -> memref<1x!tpu.dma_semaphore, #tpu.memory_space<semaphore_mem>>
      %dma_wait3A_1897 = tpu.memref_squeeze %dma_wait3A_1896 : memref<1x!tpu.dma_semaphore, #tpu.memory_space<semaphore_mem>> -> memref<!tpu.dma_semaphore, #tpu.memory_space<semaphore_mem>>
      tpu.wait_indirect_dma semaphore(%dma_wait3A_1897 : memref<!tpu.dma_semaphore, #tpu.memory_space<semaphore_mem>>) src(%dma_wait3A_1890 : memref<8000xf32, #tpu.memory_space<vmem>>) dst(%dma_wait3A_1895 : memref<102400xf32, #tpu.memory_space<vmem_shared>>)
      %add3A_1898 = arith.constant 3 : i32
      %add3A_1899 = arith.addi %add3A_1778, %add3A_1898 : i32
      %mul3A_1900 = arith.constant 8000 : i32
      %mul3A_1901 = arith.muli %add3A_1899, %mul3A_1900 : i32
      %add3A_1902 = arith.addi %mul3A_2, %mul3A_1901 : i32
      %dma_start3A_1903 = arith.constant 0 : i32
      %dma_start3A_1904 = arith.constant 0 : i32
      %dma_start3A_1905 = arith.constant 0 : i32
      %dma_start3A_1906 = tpu.memref_slice %arg7[%dma_start3A_1903, %dma_start3A_1905] : memref<5x8000xi32, #tpu.memory_space<vmem>> -> memref<1x8000xi32, #tpu.memory_space<vmem>>
      %dma_start3A_1907 = tpu.memref_squeeze %dma_start3A_1906 : memref<1x8000xi32, #tpu.memory_space<vmem>> -> memref<8000xi32, #tpu.memory_space<vmem>>
      %dma_start3A_1908 = tpu.memref_slice %arg3[%add3A_1902] : memref<6400000xi32, #tpu.memory_space<hbm>> -> memref<8000xi32, #tpu.memory_space<hbm>>
      %dma_start3A_1909 = tpu.memref_slice %arg12[%dma_start3A_1904] : memref<5x!tpu.dma_semaphore, #tpu.memory_space<semaphore_mem>> -> memref<1x!tpu.dma_semaphore, #tpu.memory_space<semaphore_mem>>
      %dma_start3A_1910 = tpu.memref_squeeze %dma_start3A_1909 : memref<1x!tpu.dma_semaphore, #tpu.memory_space<semaphore_mem>> -> memref<!tpu.dma_semaphore, #tpu.memory_space<semaphore_mem>>
      %dma_start3A_1911 = arith.constant 0 : i32
      %dma_start3A_1912 = tpu.memref_slice %arg7[%dma_start3A_1903, %dma_start3A_1911] : memref<5x8000xi32, #tpu.memory_space<vmem>> -> memref<1x8000xi32, #tpu.memory_space<vmem>>
      %dma_start3A_1913 = tpu.memref_squeeze %dma_start3A_1912 : memref<1x8000xi32, #tpu.memory_space<vmem>> -> memref<8000xi32, #tpu.memory_space<vmem>>
      %dma_start3A_1914 = tpu.memref_slice %arg3[%add3A_1902] : memref<6400000xi32, #tpu.memory_space<hbm>> -> memref<8000xi32, #tpu.memory_space<hbm>>
      tpu.enqueue_dma source(%dma_start3A_1914 : memref<8000xi32, #tpu.memory_space<hbm>>) target(%dma_start3A_1913 : memref<8000xi32, #tpu.memory_space<vmem>>) target_semaphore(%dma_start3A_1910 : memref<!tpu.dma_semaphore, #tpu.memory_space<semaphore_mem>>)
      %dma_start3A_1915 = arith.constant 0 : i32
      %dma_start3A_1916 = arith.constant 0 : i32
      %dma_start3A_1917 = arith.constant 0 : i32
      %dma_start3A_1918 = tpu.memref_slice %arg8[%dma_start3A_1915, %dma_start3A_1917] : memref<5x8000xi32, #tpu.memory_space<vmem>> -> memref<1x8000xi32, #tpu.memory_space<vmem>>
      %dma_start3A_1919 = tpu.memref_squeeze %dma_start3A_1918 : memref<1x8000xi32, #tpu.memory_space<vmem>> -> memref<8000xi32, #tpu.memory_space<vmem>>
      %dma_start3A_1920 = tpu.memref_slice %arg4[%add3A_1902] : memref<6400000xi32, #tpu.memory_space<hbm>> -> memref<8000xi32, #tpu.memory_space<hbm>>
      %dma_start3A_1921 = tpu.memref_slice %arg12[%dma_start3A_1916] : memref<5x!tpu.dma_semaphore, #tpu.memory_space<semaphore_mem>> -> memref<1x!tpu.dma_semaphore, #tpu.memory_space<semaphore_mem>>
      %dma_start3A_1922 = tpu.memref_squeeze %dma_start3A_1921 : memref<1x!tpu.dma_semaphore, #tpu.memory_space<semaphore_mem>> -> memref<!tpu.dma_semaphore, #tpu.memory_space<semaphore_mem>>
      %dma_start3A_1923 = arith.constant 0 : i32
      %dma_start3A_1924 = tpu.memref_slice %arg8[%dma_start3A_1915, %dma_start3A_1923] : memref<5x8000xi32, #tpu.memory_space<vmem>> -> memref<1x8000xi32, #tpu.memory_space<vmem>>
      %dma_start3A_1925 = tpu.memref_squeeze %dma_start3A_1924 : memref<1x8000xi32, #tpu.memory_space<vmem>> -> memref<8000xi32, #tpu.memory_space<vmem>>
      %dma_start3A_1926 = tpu.memref_slice %arg4[%add3A_1902] : memref<6400000xi32, #tpu.memory_space<hbm>> -> memref<8000xi32, #tpu.memory_space<hbm>>
      tpu.enqueue_dma source(%dma_start3A_1926 : memref<8000xi32, #tpu.memory_space<hbm>>) target(%dma_start3A_1925 : memref<8000xi32, #tpu.memory_space<vmem>>) target_semaphore(%dma_start3A_1922 : memref<!tpu.dma_semaphore, #tpu.memory_space<semaphore_mem>>)
      %mul3A_1927 = arith.constant 5 : i32
      %mul3A_1928 = arith.muli %scan3A_1470, %mul3A_1927 : i32
      %add3A_1929 = arith.constant 3 : i32
      %add3A_1930 = arith.addi %mul3A_1928, %add3A_1929 : i32
      %mul3A_1931 = arith.constant 8000 : i32
      %mul3A_1932 = arith.muli %add3A_1930, %mul3A_1931 : i32
      %add3A_1933 = arith.addi %mul3A_2, %mul3A_1932 : i32
      %dma_wait3A_1934 = arith.constant 3 : i32
      %dma_wait3A_1935 = arith.constant 3 : i32
      %dma_wait3A_1936 = arith.constant 0 : i32
      %dma_wait3A_1937 = tpu.memref_slice %arg7[%dma_wait3A_1934, %dma_wait3A_1936] : memref<5x8000xi32, #tpu.memory_space<vmem>> -> memref<1x8000xi32, #tpu.memory_space<vmem>>
      %dma_wait3A_1938 = tpu.memref_squeeze %dma_wait3A_1937 : memref<1x8000xi32, #tpu.memory_space<vmem>> -> memref<8000xi32, #tpu.memory_space<vmem>>
      %dma_wait3A_1939 = tpu.memref_slice %arg3[%add3A_1933] : memref<6400000xi32, #tpu.memory_space<hbm>> -> memref<8000xi32, #tpu.memory_space<hbm>>
      %dma_wait3A_1940 = tpu.memref_slice %arg12[%dma_wait3A_1935] : memref<5x!tpu.dma_semaphore, #tpu.memory_space<semaphore_mem>> -> memref<1x!tpu.dma_semaphore, #tpu.memory_space<semaphore_mem>>
      %dma_wait3A_1941 = tpu.memref_squeeze %dma_wait3A_1940 : memref<1x!tpu.dma_semaphore, #tpu.memory_space<semaphore_mem>> -> memref<!tpu.dma_semaphore, #tpu.memory_space<semaphore_mem>>
      %dma_wait3A_1942 = arith.constant 0 : i32
      %dma_wait3A_1943 = tpu.memref_slice %arg7[%dma_wait3A_1934, %dma_wait3A_1942] : memref<5x8000xi32, #tpu.memory_space<vmem>> -> memref<1x8000xi32, #tpu.memory_space<vmem>>
      %dma_wait3A_1944 = tpu.memref_squeeze %dma_wait3A_1943 : memref<1x8000xi32, #tpu.memory_space<vmem>> -> memref<8000xi32, #tpu.memory_space<vmem>>
      %dma_wait3A_1945 = tpu.memref_slice %arg3[%add3A_1933] : memref<6400000xi32, #tpu.memory_space<hbm>> -> memref<8000xi32, #tpu.memory_space<hbm>>
      tpu.wait_dma2 semaphore(%dma_wait3A_1941 : memref<!tpu.dma_semaphore, #tpu.memory_space<semaphore_mem>>) src(%dma_wait3A_1945 : memref<8000xi32, #tpu.memory_space<hbm>>) dst(%dma_wait3A_1944 : memref<8000xi32, #tpu.memory_space<vmem>>)
      %dma_wait3A_1946 = arith.constant 3 : i32
      %dma_wait3A_1947 = arith.constant 3 : i32
      %dma_wait3A_1948 = arith.constant 0 : i32
      %dma_wait3A_1949 = tpu.memref_slice %arg8[%dma_wait3A_1946, %dma_wait3A_1948] : memref<5x8000xi32, #tpu.memory_space<vmem>> -> memref<1x8000xi32, #tpu.memory_space<vmem>>
      %dma_wait3A_1950 = tpu.memref_squeeze %dma_wait3A_1949 : memref<1x8000xi32, #tpu.memory_space<vmem>> -> memref<8000xi32, #tpu.memory_space<vmem>>
      %dma_wait3A_1951 = tpu.memref_slice %arg4[%add3A_1933] : memref<6400000xi32, #tpu.memory_space<hbm>> -> memref<8000xi32, #tpu.memory_space<hbm>>
      %dma_wait3A_1952 = tpu.memref_slice %arg12[%dma_wait3A_1947] : memref<5x!tpu.dma_semaphore, #tpu.memory_space<semaphore_mem>> -> memref<1x!tpu.dma_semaphore, #tpu.memory_space<semaphore_mem>>
      %dma_wait3A_1953 = tpu.memref_squeeze %dma_wait3A_1952 : memref<1x!tpu.dma_semaphore, #tpu.memory_space<semaphore_mem>> -> memref<!tpu.dma_semaphore, #tpu.memory_space<semaphore_mem>>
      %dma_wait3A_1954 = arith.constant 0 : i32
      %dma_wait3A_1955 = tpu.memref_slice %arg8[%dma_wait3A_1946, %dma_wait3A_1954] : memref<5x8000xi32, #tpu.memory_space<vmem>> -> memref<1x8000xi32, #tpu.memory_space<vmem>>
      %dma_wait3A_1956 = tpu.memref_squeeze %dma_wait3A_1955 : memref<1x8000xi32, #tpu.memory_space<vmem>> -> memref<8000xi32, #tpu.memory_space<vmem>>
      %dma_wait3A_1957 = tpu.memref_slice %arg4[%add3A_1933] : memref<6400000xi32, #tpu.memory_space<hbm>> -> memref<8000xi32, #tpu.memory_space<hbm>>
      tpu.wait_dma2 semaphore(%dma_wait3A_1953 : memref<!tpu.dma_semaphore, #tpu.memory_space<semaphore_mem>>) src(%dma_wait3A_1957 : memref<8000xi32, #tpu.memory_space<hbm>>) dst(%dma_wait3A_1956 : memref<8000xi32, #tpu.memory_space<vmem>>)
      %scan3A_1958 = arith.constant 0 : i32
      %scan3A_1959 = arith.constant 0 : i32
      %scan3A_1960 = arith.constant 496 : i32
      %scan3A_1961 = arith.addi %scan3A_1959, %scan3A_1960 : i32
      %scan3A_1962 = arith.constant 8 : i32
      scf.for %scan3A_2231 = %scan3A_1959 to %scan3A_1961 step %scan3A_1962  : i32 {
        %mul3A_2232 = arith.constant 16 : i32
        %mul3A_2233 = arith.muli %scan3A_2231, %mul3A_2232 : i32
        %get3A_2234 = arith.constant 3 : i32
        %get3A_2235 = arith.index_cast %get3A_2234 : i32 to index
        %get3A_2236 = arith.index_cast %mul3A_2233 : i32 to index
        %get3A_2237 = tpu.vector_load %arg7[%get3A_2235, %get3A_2236] {strides = array<i32>} : memref<5x8000xi32, #tpu.memory_space<vmem>>, vector<16xi32>,
        %gather3A_2238 = tpu.vector_load_idx %arg6[%get3A_2237] : memref<128xf32, #tpu.memory_space<vmem>>[vector<16xi32>], vector<16xf32>,
        %mul3A_2239 = arith.constant 16 : i32
        %mul3A_2240 = arith.muli %scan3A_2231, %mul3A_2239 : i32
        %swap3A_2241 = arith.constant 3 : i32
        %swap3A_2242 = arith.index_cast %swap3A_2241 : i32 to index
        %swap3A_2243 = arith.index_cast %mul3A_2240 : i32 to index
        %swap3A_2244 = tpu.vector_load %arg9[%swap3A_2242, %swap3A_2243] {strides = array<i32>} : memref<5x8000xf32, #tpu.memory_space<vmem>>, vector<16xf32>,
        tpu.vector_store %arg9[%swap3A_2242, %swap3A_2243], %gather3A_2238 {strides = array<i32>} : memref<5x8000xf32, #tpu.memory_space<vmem>>, vector<16xf32>,
        %scan3A_2245 = arith.constant 1 : i32
        %scan3A_2246 = arith.addi %scan3A_2231, %scan3A_2245 : i32
        %mul3A_2247 = arith.constant 16 : i32
        %mul3A_2248 = arith.muli %scan3A_2246, %mul3A_2247 : i32
        %get3A_2249 = arith.constant 3 : i32
        %get3A_2250 = arith.index_cast %get3A_2249 : i32 to index
        %get3A_2251 = arith.index_cast %mul3A_2248 : i32 to index
        %get3A_2252 = tpu.vector_load %arg7[%get3A_2250, %get3A_2251] {strides = array<i32>} : memref<5x8000xi32, #tpu.memory_space<vmem>>, vector<16xi32>,
        %gather3A_2253 = tpu.vector_load_idx %arg6[%get3A_2252] : memref<128xf32, #tpu.memory_space<vmem>>[vector<16xi32>], vector<16xf32>,
        %mul3A_2254 = arith.constant 16 : i32
        %mul3A_2255 = arith.muli %scan3A_2246, %mul3A_2254 : i32
        %swap3A_2256 = arith.constant 3 : i32
        %swap3A_2257 = arith.index_cast %swap3A_2256 : i32 to index
        %swap3A_2258 = arith.index_cast %mul3A_2255 : i32 to index
        %swap3A_2259 = tpu.vector_load %arg9[%swap3A_2257, %swap3A_2258] {strides = array<i32>} : memref<5x8000xf32, #tpu.memory_space<vmem>>, vector<16xf32>,
        tpu.vector_store %arg9[%swap3A_2257, %swap3A_2258], %gather3A_2253 {strides = array<i32>} : memref<5x8000xf32, #tpu.memory_space<vmem>>, vector<16xf32>,
        %scan3A_2260 = arith.constant 2 : i32
        %scan3A_2261 = arith.addi %scan3A_2231, %scan3A_2260 : i32
        %mul3A_2262 = arith.constant 16 : i32
        %mul3A_2263 = arith.muli %scan3A_2261, %mul3A_2262 : i32
        %get3A_2264 = arith.constant 3 : i32
        %get3A_2265 = arith.index_cast %get3A_2264 : i32 to index
        %get3A_2266 = arith.index_cast %mul3A_2263 : i32 to index
        %get3A_2267 = tpu.vector_load %arg7[%get3A_2265, %get3A_2266] {strides = array<i32>} : memref<5x8000xi32, #tpu.memory_space<vmem>>, vector<16xi32>,
        %gather3A_2268 = tpu.vector_load_idx %arg6[%get3A_2267] : memref<128xf32, #tpu.memory_space<vmem>>[vector<16xi32>], vector<16xf32>,
        %mul3A_2269 = arith.constant 16 : i32
        %mul3A_2270 = arith.muli %scan3A_2261, %mul3A_2269 : i32
        %swap3A_2271 = arith.constant 3 : i32
        %swap3A_2272 = arith.index_cast %swap3A_2271 : i32 to index
        %swap3A_2273 = arith.index_cast %mul3A_2270 : i32 to index
        %swap3A_2274 = tpu.vector_load %arg9[%swap3A_2272, %swap3A_2273] {strides = array<i32>} : memref<5x8000xf32, #tpu.memory_space<vmem>>, vector<16xf32>,
        tpu.vector_store %arg9[%swap3A_2272, %swap3A_2273], %gather3A_2268 {strides = array<i32>} : memref<5x8000xf32, #tpu.memory_space<vmem>>, vector<16xf32>,
        %scan3A_2275 = arith.constant 3 : i32
        %scan3A_2276 = arith.addi %scan3A_2231, %scan3A_2275 : i32
        %mul3A_2277 = arith.constant 16 : i32
        %mul3A_2278 = arith.muli %scan3A_2276, %mul3A_2277 : i32
        %get3A_2279 = arith.constant 3 : i32
        %get3A_2280 = arith.index_cast %get3A_2279 : i32 to index
        %get3A_2281 = arith.index_cast %mul3A_2278 : i32 to index
        %get3A_2282 = tpu.vector_load %arg7[%get3A_2280, %get3A_2281] {strides = array<i32>} : memref<5x8000xi32, #tpu.memory_space<vmem>>, vector<16xi32>,
        %gather3A_2283 = tpu.vector_load_idx %arg6[%get3A_2282] : memref<128xf32, #tpu.memory_space<vmem>>[vector<16xi32>], vector<16xf32>,
        %mul3A_2284 = arith.constant 16 : i32
        %mul3A_2285 = arith.muli %scan3A_2276, %mul3A_2284 : i32
        %swap3A_2286 = arith.constant 3 : i32
        %swap3A_2287 = arith.index_cast %swap3A_2286 : i32 to index
        %swap3A_2288 = arith.index_cast %mul3A_2285 : i32 to index
        %swap3A_2289 = tpu.vector_load %arg9[%swap3A_2287, %swap3A_2288] {strides = array<i32>} : memref<5x8000xf32, #tpu.memory_space<vmem>>, vector<16xf32>,
        tpu.vector_store %arg9[%swap3A_2287, %swap3A_2288], %gather3A_2283 {strides = array<i32>} : memref<5x8000xf32, #tpu.memory_space<vmem>>, vector<16xf32>,
        %scan3A_2290 = arith.constant 4 : i32
        %scan3A_2291 = arith.addi %scan3A_2231, %scan3A_2290 : i32
        %mul3A_2292 = arith.constant 16 : i32
        %mul3A_2293 = arith.muli %scan3A_2291, %mul3A_2292 : i32
        %get3A_2294 = arith.constant 3 : i32
        %get3A_2295 = arith.index_cast %get3A_2294 : i32 to index
        %get3A_2296 = arith.index_cast %mul3A_2293 : i32 to index
        %get3A_2297 = tpu.vector_load %arg7[%get3A_2295, %get3A_2296] {strides = array<i32>} : memref<5x8000xi32, #tpu.memory_space<vmem>>, vector<16xi32>,
        %gather3A_2298 = tpu.vector_load_idx %arg6[%get3A_2297] : memref<128xf32, #tpu.memory_space<vmem>>[vector<16xi32>], vector<16xf32>,
        %mul3A_2299 = arith.constant 16 : i32
        %mul3A_2300 = arith.muli %scan3A_2291, %mul3A_2299 : i32
        %swap3A_2301 = arith.constant 3 : i32
        %swap3A_2302 = arith.index_cast %swap3A_2301 : i32 to index
        %swap3A_2303 = arith.index_cast %mul3A_2300 : i32 to index
        %swap3A_2304 = tpu.vector_load %arg9[%swap3A_2302, %swap3A_2303] {strides = array<i32>} : memref<5x8000xf32, #tpu.memory_space<vmem>>, vector<16xf32>,
        tpu.vector_store %arg9[%swap3A_2302, %swap3A_2303], %gather3A_2298 {strides = array<i32>} : memref<5x8000xf32, #tpu.memory_space<vmem>>, vector<16xf32>,
        %scan3A_2305 = arith.constant 5 : i32
        %scan3A_2306 = arith.addi %scan3A_2231, %scan3A_2305 : i32
        %mul3A_2307 = arith.constant 16 : i32
        %mul3A_2308 = arith.muli %scan3A_2306, %mul3A_2307 : i32
        %get3A_2309 = arith.constant 3 : i32
        %get3A_2310 = arith.index_cast %get3A_2309 : i32 to index
        %get3A_2311 = arith.index_cast %mul3A_2308 : i32 to index
        %get3A_2312 = tpu.vector_load %arg7[%get3A_2310, %get3A_2311] {strides = array<i32>} : memref<5x8000xi32, #tpu.memory_space<vmem>>, vector<16xi32>,
        %gather3A_2313 = tpu.vector_load_idx %arg6[%get3A_2312] : memref<128xf32, #tpu.memory_space<vmem>>[vector<16xi32>], vector<16xf32>,
        %mul3A_2314 = arith.constant 16 : i32
        %mul3A_2315 = arith.muli %scan3A_2306, %mul3A_2314 : i32
        %swap3A_2316 = arith.constant 3 : i32
        %swap3A_2317 = arith.index_cast %swap3A_2316 : i32 to index
        %swap3A_2318 = arith.index_cast %mul3A_2315 : i32 to index
        %swap3A_2319 = tpu.vector_load %arg9[%swap3A_2317, %swap3A_2318] {strides = array<i32>} : memref<5x8000xf32, #tpu.memory_space<vmem>>, vector<16xf32>,
        tpu.vector_store %arg9[%swap3A_2317, %swap3A_2318], %gather3A_2313 {strides = array<i32>} : memref<5x8000xf32, #tpu.memory_space<vmem>>, vector<16xf32>,
        %scan3A_2320 = arith.constant 6 : i32
        %scan3A_2321 = arith.addi %scan3A_2231, %scan3A_2320 : i32
        %mul3A_2322 = arith.constant 16 : i32
        %mul3A_2323 = arith.muli %scan3A_2321, %mul3A_2322 : i32
        %get3A_2324 = arith.constant 3 : i32
        %get3A_2325 = arith.index_cast %get3A_2324 : i32 to index
        %get3A_2326 = arith.index_cast %mul3A_2323 : i32 to index
        %get3A_2327 = tpu.vector_load %arg7[%get3A_2325, %get3A_2326] {strides = array<i32>} : memref<5x8000xi32, #tpu.memory_space<vmem>>, vector<16xi32>,
        %gather3A_2328 = tpu.vector_load_idx %arg6[%get3A_2327] : memref<128xf32, #tpu.memory_space<vmem>>[vector<16xi32>], vector<16xf32>,
        %mul3A_2329 = arith.constant 16 : i32
        %mul3A_2330 = arith.muli %scan3A_2321, %mul3A_2329 : i32
        %swap3A_2331 = arith.constant 3 : i32
        %swap3A_2332 = arith.index_cast %swap3A_2331 : i32 to index
        %swap3A_2333 = arith.index_cast %mul3A_2330 : i32 to index
        %swap3A_2334 = tpu.vector_load %arg9[%swap3A_2332, %swap3A_2333] {strides = array<i32>} : memref<5x8000xf32, #tpu.memory_space<vmem>>, vector<16xf32>,
        tpu.vector_store %arg9[%swap3A_2332, %swap3A_2333], %gather3A_2328 {strides = array<i32>} : memref<5x8000xf32, #tpu.memory_space<vmem>>, vector<16xf32>,
        %scan3A_2335 = arith.constant 7 : i32
        %scan3A_2336 = arith.addi %scan3A_2231, %scan3A_2335 : i32
        %mul3A_2337 = arith.constant 16 : i32
        %mul3A_2338 = arith.muli %scan3A_2336, %mul3A_2337 : i32
        %get3A_2339 = arith.constant 3 : i32
        %get3A_2340 = arith.index_cast %get3A_2339 : i32 to index
        %get3A_2341 = arith.index_cast %mul3A_2338 : i32 to index
        %get3A_2342 = tpu.vector_load %arg7[%get3A_2340, %get3A_2341] {strides = array<i32>} : memref<5x8000xi32, #tpu.memory_space<vmem>>, vector<16xi32>,
        %gather3A_2343 = tpu.vector_load_idx %arg6[%get3A_2342] : memref<128xf32, #tpu.memory_space<vmem>>[vector<16xi32>], vector<16xf32>,
        %mul3A_2344 = arith.constant 16 : i32
        %mul3A_2345 = arith.muli %scan3A_2336, %mul3A_2344 : i32
        %swap3A_2346 = arith.constant 3 : i32
        %swap3A_2347 = arith.index_cast %swap3A_2346 : i32 to index
        %swap3A_2348 = arith.index_cast %mul3A_2345 : i32 to index
        %swap3A_2349 = tpu.vector_load %arg9[%swap3A_2347, %swap3A_2348] {strides = array<i32>} : memref<5x8000xf32, #tpu.memory_space<vmem>>, vector<16xf32>,
        tpu.vector_store %arg9[%swap3A_2347, %swap3A_2348], %gather3A_2343 {strides = array<i32>} : memref<5x8000xf32, #tpu.memory_space<vmem>>, vector<16xf32>,
      }
      %scan3A_1963 = arith.constant 496 : i32
      %scan3A_1964 = arith.addi %scan3A_1959, %scan3A_1963 : i32
      %mul3A_1965 = arith.constant 16 : i32
      %mul3A_1966 = arith.muli %scan3A_1964, %mul3A_1965 : i32
      %get3A_1967 = arith.constant 3 : i32
      %get3A_1968 = arith.index_cast %get3A_1967 : i32 to index
      %get3A_1969 = arith.index_cast %mul3A_1966 : i32 to index
      %get3A_1970 = tpu.vector_load %arg7[%get3A_1968, %get3A_1969] {strides = array<i32>} : memref<5x8000xi32, #tpu.memory_space<vmem>>, vector<16xi32>,
      %gather3A_1971 = tpu.vector_load_idx %arg6[%get3A_1970] : memref<128xf32, #tpu.memory_space<vmem>>[vector<16xi32>], vector<16xf32>,
      %mul3A_1972 = arith.constant 16 : i32
      %mul3A_1973 = arith.muli %scan3A_1964, %mul3A_1972 : i32
      %swap3A_1974 = arith.constant 3 : i32
      %swap3A_1975 = arith.index_cast %swap3A_1974 : i32 to index
      %swap3A_1976 = arith.index_cast %mul3A_1973 : i32 to index
      %swap3A_1977 = tpu.vector_load %arg9[%swap3A_1975, %swap3A_1976] {strides = array<i32>} : memref<5x8000xf32, #tpu.memory_space<vmem>>, vector<16xf32>,
      tpu.vector_store %arg9[%swap3A_1975, %swap3A_1976], %gather3A_1971 {strides = array<i32>} : memref<5x8000xf32, #tpu.memory_space<vmem>>, vector<16xf32>,
      %scan3A_1978 = arith.constant 497 : i32
      %scan3A_1979 = arith.addi %scan3A_1959, %scan3A_1978 : i32
      %mul3A_1980 = arith.constant 16 : i32
      %mul3A_1981 = arith.muli %scan3A_1979, %mul3A_1980 : i32
      %get3A_1982 = arith.constant 3 : i32
      %get3A_1983 = arith.index_cast %get3A_1982 : i32 to index
      %get3A_1984 = arith.index_cast %mul3A_1981 : i32 to index
      %get3A_1985 = tpu.vector_load %arg7[%get3A_1983, %get3A_1984] {strides = array<i32>} : memref<5x8000xi32, #tpu.memory_space<vmem>>, vector<16xi32>,
      %gather3A_1986 = tpu.vector_load_idx %arg6[%get3A_1985] : memref<128xf32, #tpu.memory_space<vmem>>[vector<16xi32>], vector<16xf32>,
      %mul3A_1987 = arith.constant 16 : i32
      %mul3A_1988 = arith.muli %scan3A_1979, %mul3A_1987 : i32
      %swap3A_1989 = arith.constant 3 : i32
      %swap3A_1990 = arith.index_cast %swap3A_1989 : i32 to index
      %swap3A_1991 = arith.index_cast %mul3A_1988 : i32 to index
      %swap3A_1992 = tpu.vector_load %arg9[%swap3A_1990, %swap3A_1991] {strides = array<i32>} : memref<5x8000xf32, #tpu.memory_space<vmem>>, vector<16xf32>,
      tpu.vector_store %arg9[%swap3A_1990, %swap3A_1991], %gather3A_1986 {strides = array<i32>} : memref<5x8000xf32, #tpu.memory_space<vmem>>, vector<16xf32>,
      %scan3A_1993 = arith.constant 498 : i32
      %scan3A_1994 = arith.addi %scan3A_1959, %scan3A_1993 : i32
      %mul3A_1995 = arith.constant 16 : i32
      %mul3A_1996 = arith.muli %scan3A_1994, %mul3A_1995 : i32
      %get3A_1997 = arith.constant 3 : i32
      %get3A_1998 = arith.index_cast %get3A_1997 : i32 to index
      %get3A_1999 = arith.index_cast %mul3A_1996 : i32 to index
      %get3A_2000 = tpu.vector_load %arg7[%get3A_1998, %get3A_1999] {strides = array<i32>} : memref<5x8000xi32, #tpu.memory_space<vmem>>, vector<16xi32>,
      %gather3A_2001 = tpu.vector_load_idx %arg6[%get3A_2000] : memref<128xf32, #tpu.memory_space<vmem>>[vector<16xi32>], vector<16xf32>,
      %mul3A_2002 = arith.constant 16 : i32
      %mul3A_2003 = arith.muli %scan3A_1994, %mul3A_2002 : i32
      %swap3A_2004 = arith.constant 3 : i32
      %swap3A_2005 = arith.index_cast %swap3A_2004 : i32 to index
      %swap3A_2006 = arith.index_cast %mul3A_2003 : i32 to index
      %swap3A_2007 = tpu.vector_load %arg9[%swap3A_2005, %swap3A_2006] {strides = array<i32>} : memref<5x8000xf32, #tpu.memory_space<vmem>>, vector<16xf32>,
      tpu.vector_store %arg9[%swap3A_2005, %swap3A_2006], %gather3A_2001 {strides = array<i32>} : memref<5x8000xf32, #tpu.memory_space<vmem>>, vector<16xf32>,
      %scan3A_2008 = arith.constant 499 : i32
      %scan3A_2009 = arith.addi %scan3A_1959, %scan3A_2008 : i32
      %mul3A_2010 = arith.constant 16 : i32
      %mul3A_2011 = arith.muli %scan3A_2009, %mul3A_2010 : i32
      %get3A_2012 = arith.constant 3 : i32
      %get3A_2013 = arith.index_cast %get3A_2012 : i32 to index
      %get3A_2014 = arith.index_cast %mul3A_2011 : i32 to index
      %get3A_2015 = tpu.vector_load %arg7[%get3A_2013, %get3A_2014] {strides = array<i32>} : memref<5x8000xi32, #tpu.memory_space<vmem>>, vector<16xi32>,
      %gather3A_2016 = tpu.vector_load_idx %arg6[%get3A_2015] : memref<128xf32, #tpu.memory_space<vmem>>[vector<16xi32>], vector<16xf32>,
      %mul3A_2017 = arith.constant 16 : i32
      %mul3A_2018 = arith.muli %scan3A_2009, %mul3A_2017 : i32
      %swap3A_2019 = arith.constant 3 : i32
      %swap3A_2020 = arith.index_cast %swap3A_2019 : i32 to index
      %swap3A_2021 = arith.index_cast %mul3A_2018 : i32 to index
      %swap3A_2022 = tpu.vector_load %arg9[%swap3A_2020, %swap3A_2021] {strides = array<i32>} : memref<5x8000xf32, #tpu.memory_space<vmem>>, vector<16xf32>,
      tpu.vector_store %arg9[%swap3A_2020, %swap3A_2021], %gather3A_2016 {strides = array<i32>} : memref<5x8000xf32, #tpu.memory_space<vmem>>, vector<16xf32>,
      %scan3A_2023 = arith.constant 500 : i32
      %dma_start3A_2024 = arith.constant 3 : i32
      %dma_start3A_2025 = arith.constant 3 : i32
      %dma_start3A_2026 = arith.constant 3 : i32
      %dma_start3A_2027 = arith.constant 0 : i32
      %dma_start3A_2028 = tpu.memref_slice %arg9[%dma_start3A_2024, %dma_start3A_2027] : memref<5x8000xf32, #tpu.memory_space<vmem>> -> memref<1x8000xf32, #tpu.memory_space<vmem>>
      %dma_start3A_2029 = tpu.memref_squeeze %dma_start3A_2028 : memref<1x8000xf32, #tpu.memory_space<vmem>> -> memref<8000xf32, #tpu.memory_space<vmem>>
      %dma_start3A_2030 = arith.constant 0 : i32
      %dma_start3A_2031 = tpu.memref_slice %arg8[%dma_start3A_2025, %dma_start3A_2030] : memref<5x8000xi32, #tpu.memory_space<vmem>> -> memref<1x8000xi32, #tpu.memory_space<vmem>>
      %dma_start3A_2032 = tpu.memref_squeeze %dma_start3A_2031 : memref<1x8000xi32, #tpu.memory_space<vmem>> -> memref<8000xi32, #tpu.memory_space<vmem>>
      %dma_start3A_2033 = arith.constant 0 : i32
      %dma_start3A_2034 = tpu.memref_slice %arg11[%dma_start3A_2033] : memref<102400xf32, #tpu.memory_space<vmem_shared>> -> memref<102400xf32, #tpu.memory_space<vmem_shared>>
      %dma_start3A_2035 = tpu.memref_slice %arg13[%dma_start3A_2026] : memref<5x!tpu.dma_semaphore, #tpu.memory_space<semaphore_mem>> -> memref<1x!tpu.dma_semaphore, #tpu.memory_space<semaphore_mem>>
      %dma_start3A_2036 = tpu.memref_squeeze %dma_start3A_2035 : memref<1x!tpu.dma_semaphore, #tpu.memory_space<semaphore_mem>> -> memref<!tpu.dma_semaphore, #tpu.memory_space<semaphore_mem>>
      tpu.enqueue_indirect_dma source(%dma_start3A_2029 : memref<8000xf32, #tpu.memory_space<vmem>>) target(%dma_start3A_2034 : memref<102400xf32, #tpu.memory_space<vmem_shared>>) offsets(%dma_start3A_2032 : memref<8000xi32, #tpu.memory_space<vmem>>) semaphore(%dma_start3A_2036 : memref<!tpu.dma_semaphore, #tpu.memory_space<semaphore_mem>>) {add = true}
      %dma_wait3A_2037 = arith.constant 1 : i32
      %dma_wait3A_2038 = arith.constant 1 : i32
      %dma_wait3A_2039 = arith.constant 1 : i32
      %dma_wait3A_2040 = arith.constant 0 : i32
      %dma_wait3A_2041 = tpu.memref_slice %arg9[%dma_wait3A_2037, %dma_wait3A_2040] : memref<5x8000xf32, #tpu.memory_space<vmem>> -> memref<1x8000xf32, #tpu.memory_space<vmem>>
      %dma_wait3A_2042 = tpu.memref_squeeze %dma_wait3A_2041 : memref<1x8000xf32, #tpu.memory_space<vmem>> -> memref<8000xf32, #tpu.memory_space<vmem>>
      %dma_wait3A_2043 = arith.constant 0 : i32
      %dma_wait3A_2044 = tpu.memref_slice %arg8[%dma_wait3A_2038, %dma_wait3A_2043] : memref<5x8000xi32, #tpu.memory_space<vmem>> -> memref<1x8000xi32, #tpu.memory_space<vmem>>
      %dma_wait3A_2045 = tpu.memref_squeeze %dma_wait3A_2044 : memref<1x8000xi32, #tpu.memory_space<vmem>> -> memref<8000xi32, #tpu.memory_space<vmem>>
      %dma_wait3A_2046 = arith.constant 0 : i32
      %dma_wait3A_2047 = tpu.memref_slice %arg11[%dma_wait3A_2046] : memref<102400xf32, #tpu.memory_space<vmem_shared>> -> memref<102400xf32, #tpu.memory_space<vmem_shared>>
      %dma_wait3A_2048 = tpu.memref_slice %arg13[%dma_wait3A_2039] : memref<5x!tpu.dma_semaphore, #tpu.memory_space<semaphore_mem>> -> memref<1x!tpu.dma_semaphore, #tpu.memory_space<semaphore_mem>>
      %dma_wait3A_2049 = tpu.memref_squeeze %dma_wait3A_2048 : memref<1x!tpu.dma_semaphore, #tpu.memory_space<semaphore_mem>> -> memref<!tpu.dma_semaphore, #tpu.memory_space<semaphore_mem>>
      tpu.wait_indirect_dma semaphore(%dma_wait3A_2049 : memref<!tpu.dma_semaphore, #tpu.memory_space<semaphore_mem>>) src(%dma_wait3A_2042 : memref<8000xf32, #tpu.memory_space<vmem>>) dst(%dma_wait3A_2047 : memref<102400xf32, #tpu.memory_space<vmem_shared>>)
      %add3A_2050 = arith.constant 3 : i32
      %add3A_2051 = arith.addi %add3A_1930, %add3A_2050 : i32
      %mul3A_2052 = arith.constant 8000 : i32
      %mul3A_2053 = arith.muli %add3A_2051, %mul3A_2052 : i32
      %add3A_2054 = arith.addi %mul3A_2, %mul3A_2053 : i32
      %dma_start3A_2055 = arith.constant 1 : i32
      %dma_start3A_2056 = arith.constant 1 : i32
      %dma_start3A_2057 = arith.constant 0 : i32
      %dma_start3A_2058 = tpu.memref_slice %arg7[%dma_start3A_2055, %dma_start3A_2057] : memref<5x8000xi32, #tpu.memory_space<vmem>> -> memref<1x8000xi32, #tpu.memory_space<vmem>>
      %dma_start3A_2059 = tpu.memref_squeeze %dma_start3A_2058 : memref<1x8000xi32, #tpu.memory_space<vmem>> -> memref<8000xi32, #tpu.memory_space<vmem>>
      %dma_start3A_2060 = tpu.memref_slice %arg3[%add3A_2054] : memref<6400000xi32, #tpu.memory_space<hbm>> -> memref<8000xi32, #tpu.memory_space<hbm>>
      %dma_start3A_2061 = tpu.memref_slice %arg12[%dma_start3A_2056] : memref<5x!tpu.dma_semaphore, #tpu.memory_space<semaphore_mem>> -> memref<1x!tpu.dma_semaphore, #tpu.memory_space<semaphore_mem>>
      %dma_start3A_2062 = tpu.memref_squeeze %dma_start3A_2061 : memref<1x!tpu.dma_semaphore, #tpu.memory_space<semaphore_mem>> -> memref<!tpu.dma_semaphore, #tpu.memory_space<semaphore_mem>>
      %dma_start3A_2063 = arith.constant 0 : i32
      %dma_start3A_2064 = tpu.memref_slice %arg7[%dma_start3A_2055, %dma_start3A_2063] : memref<5x8000xi32, #tpu.memory_space<vmem>> -> memref<1x8000xi32, #tpu.memory_space<vmem>>
      %dma_start3A_2065 = tpu.memref_squeeze %dma_start3A_2064 : memref<1x8000xi32, #tpu.memory_space<vmem>> -> memref<8000xi32, #tpu.memory_space<vmem>>
      %dma_start3A_2066 = tpu.memref_slice %arg3[%add3A_2054] : memref<6400000xi32, #tpu.memory_space<hbm>> -> memref<8000xi32, #tpu.memory_space<hbm>>
      tpu.enqueue_dma source(%dma_start3A_2066 : memref<8000xi32, #tpu.memory_space<hbm>>) target(%dma_start3A_2065 : memref<8000xi32, #tpu.memory_space<vmem>>) target_semaphore(%dma_start3A_2062 : memref<!tpu.dma_semaphore, #tpu.memory_space<semaphore_mem>>)
      %dma_start3A_2067 = arith.constant 1 : i32
      %dma_start3A_2068 = arith.constant 1 : i32
      %dma_start3A_2069 = arith.constant 0 : i32
      %dma_start3A_2070 = tpu.memref_slice %arg8[%dma_start3A_2067, %dma_start3A_2069] : memref<5x8000xi32, #tpu.memory_space<vmem>> -> memref<1x8000xi32, #tpu.memory_space<vmem>>
      %dma_start3A_2071 = tpu.memref_squeeze %dma_start3A_2070 : memref<1x8000xi32, #tpu.memory_space<vmem>> -> memref<8000xi32, #tpu.memory_space<vmem>>
      %dma_start3A_2072 = tpu.memref_slice %arg4[%add3A_2054] : memref<6400000xi32, #tpu.memory_space<hbm>> -> memref<8000xi32, #tpu.memory_space<hbm>>
      %dma_start3A_2073 = tpu.memref_slice %arg12[%dma_start3A_2068] : memref<5x!tpu.dma_semaphore, #tpu.memory_space<semaphore_mem>> -> memref<1x!tpu.dma_semaphore, #tpu.memory_space<semaphore_mem>>
      %dma_start3A_2074 = tpu.memref_squeeze %dma_start3A_2073 : memref<1x!tpu.dma_semaphore, #tpu.memory_space<semaphore_mem>> -> memref<!tpu.dma_semaphore, #tpu.memory_space<semaphore_mem>>
      %dma_start3A_2075 = arith.constant 0 : i32
      %dma_start3A_2076 = tpu.memref_slice %arg8[%dma_start3A_2067, %dma_start3A_2075] : memref<5x8000xi32, #tpu.memory_space<vmem>> -> memref<1x8000xi32, #tpu.memory_space<vmem>>
      %dma_start3A_2077 = tpu.memref_squeeze %dma_start3A_2076 : memref<1x8000xi32, #tpu.memory_space<vmem>> -> memref<8000xi32, #tpu.memory_space<vmem>>
      %dma_start3A_2078 = tpu.memref_slice %arg4[%add3A_2054] : memref<6400000xi32, #tpu.memory_space<hbm>> -> memref<8000xi32, #tpu.memory_space<hbm>>
      tpu.enqueue_dma source(%dma_start3A_2078 : memref<8000xi32, #tpu.memory_space<hbm>>) target(%dma_start3A_2077 : memref<8000xi32, #tpu.memory_space<vmem>>) target_semaphore(%dma_start3A_2074 : memref<!tpu.dma_semaphore, #tpu.memory_space<semaphore_mem>>)
      %mul3A_2079 = arith.constant 5 : i32
      %mul3A_2080 = arith.muli %scan3A_1470, %mul3A_2079 : i32
      %add3A_2081 = arith.constant 4 : i32
      %add3A_2082 = arith.addi %mul3A_2080, %add3A_2081 : i32
      %mul3A_2083 = arith.constant 8000 : i32
      %mul3A_2084 = arith.muli %add3A_2082, %mul3A_2083 : i32
      %add3A_2085 = arith.addi %mul3A_2, %mul3A_2084 : i32
      %dma_wait3A_2086 = arith.constant 4 : i32
      %dma_wait3A_2087 = arith.constant 4 : i32
      %dma_wait3A_2088 = arith.constant 0 : i32
      %dma_wait3A_2089 = tpu.memref_slice %arg7[%dma_wait3A_2086, %dma_wait3A_2088] : memref<5x8000xi32, #tpu.memory_space<vmem>> -> memref<1x8000xi32, #tpu.memory_space<vmem>>
      %dma_wait3A_2090 = tpu.memref_squeeze %dma_wait3A_2089 : memref<1x8000xi32, #tpu.memory_space<vmem>> -> memref<8000xi32, #tpu.memory_space<vmem>>
      %dma_wait3A_2091 = tpu.memref_slice %arg3[%add3A_2085] : memref<6400000xi32, #tpu.memory_space<hbm>> -> memref<8000xi32, #tpu.memory_space<hbm>>
      %dma_wait3A_2092 = tpu.memref_slice %arg12[%dma_wait3A_2087] : memref<5x!tpu.dma_semaphore, #tpu.memory_space<semaphore_mem>> -> memref<1x!tpu.dma_semaphore, #tpu.memory_space<semaphore_mem>>
      %dma_wait3A_2093 = tpu.memref_squeeze %dma_wait3A_2092 : memref<1x!tpu.dma_semaphore, #tpu.memory_space<semaphore_mem>> -> memref<!tpu.dma_semaphore, #tpu.memory_space<semaphore_mem>>
      %dma_wait3A_2094 = arith.constant 0 : i32
      %dma_wait3A_2095 = tpu.memref_slice %arg7[%dma_wait3A_2086, %dma_wait3A_2094] : memref<5x8000xi32, #tpu.memory_space<vmem>> -> memref<1x8000xi32, #tpu.memory_space<vmem>>
      %dma_wait3A_2096 = tpu.memref_squeeze %dma_wait3A_2095 : memref<1x8000xi32, #tpu.memory_space<vmem>> -> memref<8000xi32, #tpu.memory_space<vmem>>
      %dma_wait3A_2097 = tpu.memref_slice %arg3[%add3A_2085] : memref<6400000xi32, #tpu.memory_space<hbm>> -> memref<8000xi32, #tpu.memory_space<hbm>>
      tpu.wait_dma2 semaphore(%dma_wait3A_2093 : memref<!tpu.dma_semaphore, #tpu.memory_space<semaphore_mem>>) src(%dma_wait3A_2097 : memref<8000xi32, #tpu.memory_space<hbm>>) dst(%dma_wait3A_2096 : memref<8000xi32, #tpu.memory_space<vmem>>)
      %dma_wait3A_2098 = arith.constant 4 : i32
      %dma_wait3A_2099 = arith.constant 4 : i32
      %dma_wait3A_2100 = arith.constant 0 : i32
      %dma_wait3A_2101 = tpu.memref_slice %arg8[%dma_wait3A_2098, %dma_wait3A_2100] : memref<5x8000xi32, #tpu.memory_space<vmem>> -> memref<1x8000xi32, #tpu.memory_space<vmem>>
      %dma_wait3A_2102 = tpu.memref_squeeze %dma_wait3A_2101 : memref<1x8000xi32, #tpu.memory_space<vmem>> -> memref<8000xi32, #tpu.memory_space<vmem>>
      %dma_wait3A_2103 = tpu.memref_slice %arg4[%add3A_2085] : memref<6400000xi32, #tpu.memory_space<hbm>> -> memref<8000xi32, #tpu.memory_space<hbm>>
      %dma_wait3A_2104 = tpu.memref_slice %arg12[%dma_wait3A_2099] : memref<5x!tpu.dma_semaphore, #tpu.memory_space<semaphore_mem>> -> memref<1x!tpu.dma_semaphore, #tpu.memory_space<semaphore_mem>>
      %dma_wait3A_2105 = tpu.memref_squeeze %dma_wait3A_2104 : memref<1x!tpu.dma_semaphore, #tpu.memory_space<semaphore_mem>> -> memref<!tpu.dma_semaphore, #tpu.memory_space<semaphore_mem>>
      %dma_wait3A_2106 = arith.constant 0 : i32
      %dma_wait3A_2107 = tpu.memref_slice %arg8[%dma_wait3A_2098, %dma_wait3A_2106] : memref<5x8000xi32, #tpu.memory_space<vmem>> -> memref<1x8000xi32, #tpu.memory_space<vmem>>
      %dma_wait3A_2108 = tpu.memref_squeeze %dma_wait3A_2107 : memref<1x8000xi32, #tpu.memory_space<vmem>> -> memref<8000xi32, #tpu.memory_space<vmem>>
      %dma_wait3A_2109 = tpu.memref_slice %arg4[%add3A_2085] : memref<6400000xi32, #tpu.memory_space<hbm>> -> memref<8000xi32, #tpu.memory_space<hbm>>
      tpu.wait_dma2 semaphore(%dma_wait3A_2105 : memref<!tpu.dma_semaphore, #tpu.memory_space<semaphore_mem>>) src(%dma_wait3A_2109 : memref<8000xi32, #tpu.memory_space<hbm>>) dst(%dma_wait3A_2108 : memref<8000xi32, #tpu.memory_space<vmem>>)
      %scan3A_2110 = arith.constant 0 : i32
      %scan3A_2111 = arith.constant 0 : i32
      %scan3A_2112 = arith.constant 496 : i32
      %scan3A_2113 = arith.addi %scan3A_2111, %scan3A_2112 : i32
      %scan3A_2114 = arith.constant 8 : i32
      scf.for %scan3A_2231 = %scan3A_2111 to %scan3A_2113 step %scan3A_2114  : i32 {
        %mul3A_2232 = arith.constant 16 : i32
        %mul3A_2233 = arith.muli %scan3A_2231, %mul3A_2232 : i32
        %get3A_2234 = arith.constant 4 : i32
        %get3A_2235 = arith.index_cast %get3A_2234 : i32 to index
        %get3A_2236 = arith.index_cast %mul3A_2233 : i32 to index
        %get3A_2237 = tpu.vector_load %arg7[%get3A_2235, %get3A_2236] {strides = array<i32>} : memref<5x8000xi32, #tpu.memory_space<vmem>>, vector<16xi32>,
        %gather3A_2238 = tpu.vector_load_idx %arg6[%get3A_2237] : memref<128xf32, #tpu.memory_space<vmem>>[vector<16xi32>], vector<16xf32>,
        %mul3A_2239 = arith.constant 16 : i32
        %mul3A_2240 = arith.muli %scan3A_2231, %mul3A_2239 : i32
        %swap3A_2241 = arith.constant 4 : i32
        %swap3A_2242 = arith.index_cast %swap3A_2241 : i32 to index
        %swap3A_2243 = arith.index_cast %mul3A_2240 : i32 to index
        %swap3A_2244 = tpu.vector_load %arg9[%swap3A_2242, %swap3A_2243] {strides = array<i32>} : memref<5x8000xf32, #tpu.memory_space<vmem>>, vector<16xf32>,
        tpu.vector_store %arg9[%swap3A_2242, %swap3A_2243], %gather3A_2238 {strides = array<i32>} : memref<5x8000xf32, #tpu.memory_space<vmem>>, vector<16xf32>,
        %scan3A_2245 = arith.constant 1 : i32
        %scan3A_2246 = arith.addi %scan3A_2231, %scan3A_2245 : i32
        %mul3A_2247 = arith.constant 16 : i32
        %mul3A_2248 = arith.muli %scan3A_2246, %mul3A_2247 : i32
        %get3A_2249 = arith.constant 4 : i32
        %get3A_2250 = arith.index_cast %get3A_2249 : i32 to index
        %get3A_2251 = arith.index_cast %mul3A_2248 : i32 to index
        %get3A_2252 = tpu.vector_load %arg7[%get3A_2250, %get3A_2251] {strides = array<i32>} : memref<5x8000xi32, #tpu.memory_space<vmem>>, vector<16xi32>,
        %gather3A_2253 = tpu.vector_load_idx %arg6[%get3A_2252] : memref<128xf32, #tpu.memory_space<vmem>>[vector<16xi32>], vector<16xf32>,
        %mul3A_2254 = arith.constant 16 : i32
        %mul3A_2255 = arith.muli %scan3A_2246, %mul3A_2254 : i32
        %swap3A_2256 = arith.constant 4 : i32
        %swap3A_2257 = arith.index_cast %swap3A_2256 : i32 to index
        %swap3A_2258 = arith.index_cast %mul3A_2255 : i32 to index
        %swap3A_2259 = tpu.vector_load %arg9[%swap3A_2257, %swap3A_2258] {strides = array<i32>} : memref<5x8000xf32, #tpu.memory_space<vmem>>, vector<16xf32>,
        tpu.vector_store %arg9[%swap3A_2257, %swap3A_2258], %gather3A_2253 {strides = array<i32>} : memref<5x8000xf32, #tpu.memory_space<vmem>>, vector<16xf32>,
        %scan3A_2260 = arith.constant 2 : i32
        %scan3A_2261 = arith.addi %scan3A_2231, %scan3A_2260 : i32
        %mul3A_2262 = arith.constant 16 : i32
        %mul3A_2263 = arith.muli %scan3A_2261, %mul3A_2262 : i32
        %get3A_2264 = arith.constant 4 : i32
        %get3A_2265 = arith.index_cast %get3A_2264 : i32 to index
        %get3A_2266 = arith.index_cast %mul3A_2263 : i32 to index
        %get3A_2267 = tpu.vector_load %arg7[%get3A_2265, %get3A_2266] {strides = array<i32>} : memref<5x8000xi32, #tpu.memory_space<vmem>>, vector<16xi32>,
        %gather3A_2268 = tpu.vector_load_idx %arg6[%get3A_2267] : memref<128xf32, #tpu.memory_space<vmem>>[vector<16xi32>], vector<16xf32>,
        %mul3A_2269 = arith.constant 16 : i32
        %mul3A_2270 = arith.muli %scan3A_2261, %mul3A_2269 : i32
        %swap3A_2271 = arith.constant 4 : i32
        %swap3A_2272 = arith.index_cast %swap3A_2271 : i32 to index
        %swap3A_2273 = arith.index_cast %mul3A_2270 : i32 to index
        %swap3A_2274 = tpu.vector_load %arg9[%swap3A_2272, %swap3A_2273] {strides = array<i32>} : memref<5x8000xf32, #tpu.memory_space<vmem>>, vector<16xf32>,
        tpu.vector_store %arg9[%swap3A_2272, %swap3A_2273], %gather3A_2268 {strides = array<i32>} : memref<5x8000xf32, #tpu.memory_space<vmem>>, vector<16xf32>,
        %scan3A_2275 = arith.constant 3 : i32
        %scan3A_2276 = arith.addi %scan3A_2231, %scan3A_2275 : i32
        %mul3A_2277 = arith.constant 16 : i32
        %mul3A_2278 = arith.muli %scan3A_2276, %mul3A_2277 : i32
        %get3A_2279 = arith.constant 4 : i32
        %get3A_2280 = arith.index_cast %get3A_2279 : i32 to index
        %get3A_2281 = arith.index_cast %mul3A_2278 : i32 to index
        %get3A_2282 = tpu.vector_load %arg7[%get3A_2280, %get3A_2281] {strides = array<i32>} : memref<5x8000xi32, #tpu.memory_space<vmem>>, vector<16xi32>,
        %gather3A_2283 = tpu.vector_load_idx %arg6[%get3A_2282] : memref<128xf32, #tpu.memory_space<vmem>>[vector<16xi32>], vector<16xf32>,
        %mul3A_2284 = arith.constant 16 : i32
        %mul3A_2285 = arith.muli %scan3A_2276, %mul3A_2284 : i32
        %swap3A_2286 = arith.constant 4 : i32
        %swap3A_2287 = arith.index_cast %swap3A_2286 : i32 to index
        %swap3A_2288 = arith.index_cast %mul3A_2285 : i32 to index
        %swap3A_2289 = tpu.vector_load %arg9[%swap3A_2287, %swap3A_2288] {strides = array<i32>} : memref<5x8000xf32, #tpu.memory_space<vmem>>, vector<16xf32>,
        tpu.vector_store %arg9[%swap3A_2287, %swap3A_2288], %gather3A_2283 {strides = array<i32>} : memref<5x8000xf32, #tpu.memory_space<vmem>>, vector<16xf32>,
        %scan3A_2290 = arith.constant 4 : i32
        %scan3A_2291 = arith.addi %scan3A_2231, %scan3A_2290 : i32
        %mul3A_2292 = arith.constant 16 : i32
        %mul3A_2293 = arith.muli %scan3A_2291, %mul3A_2292 : i32
        %get3A_2294 = arith.constant 4 : i32
        %get3A_2295 = arith.index_cast %get3A_2294 : i32 to index
        %get3A_2296 = arith.index_cast %mul3A_2293 : i32 to index
        %get3A_2297 = tpu.vector_load %arg7[%get3A_2295, %get3A_2296] {strides = array<i32>} : memref<5x8000xi32, #tpu.memory_space<vmem>>, vector<16xi32>,
        %gather3A_2298 = tpu.vector_load_idx %arg6[%get3A_2297] : memref<128xf32, #tpu.memory_space<vmem>>[vector<16xi32>], vector<16xf32>,
        %mul3A_2299 = arith.constant 16 : i32
        %mul3A_2300 = arith.muli %scan3A_2291, %mul3A_2299 : i32
        %swap3A_2301 = arith.constant 4 : i32
        %swap3A_2302 = arith.index_cast %swap3A_2301 : i32 to index
        %swap3A_2303 = arith.index_cast %mul3A_2300 : i32 to index
        %swap3A_2304 = tpu.vector_load %arg9[%swap3A_2302, %swap3A_2303] {strides = array<i32>} : memref<5x8000xf32, #tpu.memory_space<vmem>>, vector<16xf32>,
        tpu.vector_store %arg9[%swap3A_2302, %swap3A_2303], %gather3A_2298 {strides = array<i32>} : memref<5x8000xf32, #tpu.memory_space<vmem>>, vector<16xf32>,
        %scan3A_2305 = arith.constant 5 : i32
        %scan3A_2306 = arith.addi %scan3A_2231, %scan3A_2305 : i32
        %mul3A_2307 = arith.constant 16 : i32
        %mul3A_2308 = arith.muli %scan3A_2306, %mul3A_2307 : i32
        %get3A_2309 = arith.constant 4 : i32
        %get3A_2310 = arith.index_cast %get3A_2309 : i32 to index
        %get3A_2311 = arith.index_cast %mul3A_2308 : i32 to index
        %get3A_2312 = tpu.vector_load %arg7[%get3A_2310, %get3A_2311] {strides = array<i32>} : memref<5x8000xi32, #tpu.memory_space<vmem>>, vector<16xi32>,
        %gather3A_2313 = tpu.vector_load_idx %arg6[%get3A_2312] : memref<128xf32, #tpu.memory_space<vmem>>[vector<16xi32>], vector<16xf32>,
        %mul3A_2314 = arith.constant 16 : i32
        %mul3A_2315 = arith.muli %scan3A_2306, %mul3A_2314 : i32
        %swap3A_2316 = arith.constant 4 : i32
        %swap3A_2317 = arith.index_cast %swap3A_2316 : i32 to index
        %swap3A_2318 = arith.index_cast %mul3A_2315 : i32 to index
        %swap3A_2319 = tpu.vector_load %arg9[%swap3A_2317, %swap3A_2318] {strides = array<i32>} : memref<5x8000xf32, #tpu.memory_space<vmem>>, vector<16xf32>,
        tpu.vector_store %arg9[%swap3A_2317, %swap3A_2318], %gather3A_2313 {strides = array<i32>} : memref<5x8000xf32, #tpu.memory_space<vmem>>, vector<16xf32>,
        %scan3A_2320 = arith.constant 6 : i32
        %scan3A_2321 = arith.addi %scan3A_2231, %scan3A_2320 : i32
        %mul3A_2322 = arith.constant 16 : i32
        %mul3A_2323 = arith.muli %scan3A_2321, %mul3A_2322 : i32
        %get3A_2324 = arith.constant 4 : i32
        %get3A_2325 = arith.index_cast %get3A_2324 : i32 to index
        %get3A_2326 = arith.index_cast %mul3A_2323 : i32 to index
        %get3A_2327 = tpu.vector_load %arg7[%get3A_2325, %get3A_2326] {strides = array<i32>} : memref<5x8000xi32, #tpu.memory_space<vmem>>, vector<16xi32>,
        %gather3A_2328 = tpu.vector_load_idx %arg6[%get3A_2327] : memref<128xf32, #tpu.memory_space<vmem>>[vector<16xi32>], vector<16xf32>,
        %mul3A_2329 = arith.constant 16 : i32
        %mul3A_2330 = arith.muli %scan3A_2321, %mul3A_2329 : i32
        %swap3A_2331 = arith.constant 4 : i32
        %swap3A_2332 = arith.index_cast %swap3A_2331 : i32 to index
        %swap3A_2333 = arith.index_cast %mul3A_2330 : i32 to index
        %swap3A_2334 = tpu.vector_load %arg9[%swap3A_2332, %swap3A_2333] {strides = array<i32>} : memref<5x8000xf32, #tpu.memory_space<vmem>>, vector<16xf32>,
        tpu.vector_store %arg9[%swap3A_2332, %swap3A_2333], %gather3A_2328 {strides = array<i32>} : memref<5x8000xf32, #tpu.memory_space<vmem>>, vector<16xf32>,
        %scan3A_2335 = arith.constant 7 : i32
        %scan3A_2336 = arith.addi %scan3A_2231, %scan3A_2335 : i32
        %mul3A_2337 = arith.constant 16 : i32
        %mul3A_2338 = arith.muli %scan3A_2336, %mul3A_2337 : i32
        %get3A_2339 = arith.constant 4 : i32
        %get3A_2340 = arith.index_cast %get3A_2339 : i32 to index
        %get3A_2341 = arith.index_cast %mul3A_2338 : i32 to index
        %get3A_2342 = tpu.vector_load %arg7[%get3A_2340, %get3A_2341] {strides = array<i32>} : memref<5x8000xi32, #tpu.memory_space<vmem>>, vector<16xi32>,
        %gather3A_2343 = tpu.vector_load_idx %arg6[%get3A_2342] : memref<128xf32, #tpu.memory_space<vmem>>[vector<16xi32>], vector<16xf32>,
        %mul3A_2344 = arith.constant 16 : i32
        %mul3A_2345 = arith.muli %scan3A_2336, %mul3A_2344 : i32
        %swap3A_2346 = arith.constant 4 : i32
        %swap3A_2347 = arith.index_cast %swap3A_2346 : i32 to index
        %swap3A_2348 = arith.index_cast %mul3A_2345 : i32 to index
        %swap3A_2349 = tpu.vector_load %arg9[%swap3A_2347, %swap3A_2348] {strides = array<i32>} : memref<5x8000xf32, #tpu.memory_space<vmem>>, vector<16xf32>,
        tpu.vector_store %arg9[%swap3A_2347, %swap3A_2348], %gather3A_2343 {strides = array<i32>} : memref<5x8000xf32, #tpu.memory_space<vmem>>, vector<16xf32>,
      }
      %scan3A_2115 = arith.constant 496 : i32
      %scan3A_2116 = arith.addi %scan3A_2111, %scan3A_2115 : i32
      %mul3A_2117 = arith.constant 16 : i32
      %mul3A_2118 = arith.muli %scan3A_2116, %mul3A_2117 : i32
      %get3A_2119 = arith.constant 4 : i32
      %get3A_2120 = arith.index_cast %get3A_2119 : i32 to index
      %get3A_2121 = arith.index_cast %mul3A_2118 : i32 to index
      %get3A_2122 = tpu.vector_load %arg7[%get3A_2120, %get3A_2121] {strides = array<i32>} : memref<5x8000xi32, #tpu.memory_space<vmem>>, vector<16xi32>,
      %gather3A_2123 = tpu.vector_load_idx %arg6[%get3A_2122] : memref<128xf32, #tpu.memory_space<vmem>>[vector<16xi32>], vector<16xf32>,
      %mul3A_2124 = arith.constant 16 : i32
      %mul3A_2125 = arith.muli %scan3A_2116, %mul3A_2124 : i32
      %swap3A_2126 = arith.constant 4 : i32
      %swap3A_2127 = arith.index_cast %swap3A_2126 : i32 to index
      %swap3A_2128 = arith.index_cast %mul3A_2125 : i32 to index
      %swap3A_2129 = tpu.vector_load %arg9[%swap3A_2127, %swap3A_2128] {strides = array<i32>} : memref<5x8000xf32, #tpu.memory_space<vmem>>, vector<16xf32>,
      tpu.vector_store %arg9[%swap3A_2127, %swap3A_2128], %gather3A_2123 {strides = array<i32>} : memref<5x8000xf32, #tpu.memory_space<vmem>>, vector<16xf32>,
      %scan3A_2130 = arith.constant 497 : i32
      %scan3A_2131 = arith.addi %scan3A_2111, %scan3A_2130 : i32
      %mul3A_2132 = arith.constant 16 : i32
      %mul3A_2133 = arith.muli %scan3A_2131, %mul3A_2132 : i32
      %get3A_2134 = arith.constant 4 : i32
      %get3A_2135 = arith.index_cast %get3A_2134 : i32 to index
      %get3A_2136 = arith.index_cast %mul3A_2133 : i32 to index
      %get3A_2137 = tpu.vector_load %arg7[%get3A_2135, %get3A_2136] {strides = array<i32>} : memref<5x8000xi32, #tpu.memory_space<vmem>>, vector<16xi32>,
      %gather3A_2138 = tpu.vector_load_idx %arg6[%get3A_2137] : memref<128xf32, #tpu.memory_space<vmem>>[vector<16xi32>], vector<16xf32>,
      %mul3A_2139 = arith.constant 16 : i32
      %mul3A_2140 = arith.muli %scan3A_2131, %mul3A_2139 : i32
      %swap3A_2141 = arith.constant 4 : i32
      %swap3A_2142 = arith.index_cast %swap3A_2141 : i32 to index
      %swap3A_2143 = arith.index_cast %mul3A_2140 : i32 to index
      %swap3A_2144 = tpu.vector_load %arg9[%swap3A_2142, %swap3A_2143] {strides = array<i32>} : memref<5x8000xf32, #tpu.memory_space<vmem>>, vector<16xf32>,
      tpu.vector_store %arg9[%swap3A_2142, %swap3A_2143], %gather3A_2138 {strides = array<i32>} : memref<5x8000xf32, #tpu.memory_space<vmem>>, vector<16xf32>,
      %scan3A_2145 = arith.constant 498 : i32
      %scan3A_2146 = arith.addi %scan3A_2111, %scan3A_2145 : i32
      %mul3A_2147 = arith.constant 16 : i32
      %mul3A_2148 = arith.muli %scan3A_2146, %mul3A_2147 : i32
      %get3A_2149 = arith.constant 4 : i32
      %get3A_2150 = arith.index_cast %get3A_2149 : i32 to index
      %get3A_2151 = arith.index_cast %mul3A_2148 : i32 to index
      %get3A_2152 = tpu.vector_load %arg7[%get3A_2150, %get3A_2151] {strides = array<i32>} : memref<5x8000xi32, #tpu.memory_space<vmem>>, vector<16xi32>,
      %gather3A_2153 = tpu.vector_load_idx %arg6[%get3A_2152] : memref<128xf32, #tpu.memory_space<vmem>>[vector<16xi32>], vector<16xf32>,
      %mul3A_2154 = arith.constant 16 : i32
      %mul3A_2155 = arith.muli %scan3A_2146, %mul3A_2154 : i32
      %swap3A_2156 = arith.constant 4 : i32
      %swap3A_2157 = arith.index_cast %swap3A_2156 : i32 to index
      %swap3A_2158 = arith.index_cast %mul3A_2155 : i32 to index
      %swap3A_2159 = tpu.vector_load %arg9[%swap3A_2157, %swap3A_2158] {strides = array<i32>} : memref<5x8000xf32, #tpu.memory_space<vmem>>, vector<16xf32>,
      tpu.vector_store %arg9[%swap3A_2157, %swap3A_2158], %gather3A_2153 {strides = array<i32>} : memref<5x8000xf32, #tpu.memory_space<vmem>>, vector<16xf32>,
      %scan3A_2160 = arith.constant 499 : i32
      %scan3A_2161 = arith.addi %scan3A_2111, %scan3A_2160 : i32
      %mul3A_2162 = arith.constant 16 : i32
      %mul3A_2163 = arith.muli %scan3A_2161, %mul3A_2162 : i32
      %get3A_2164 = arith.constant 4 : i32
      %get3A_2165 = arith.index_cast %get3A_2164 : i32 to index
      %get3A_2166 = arith.index_cast %mul3A_2163 : i32 to index
      %get3A_2167 = tpu.vector_load %arg7[%get3A_2165, %get3A_2166] {strides = array<i32>} : memref<5x8000xi32, #tpu.memory_space<vmem>>, vector<16xi32>,
      %gather3A_2168 = tpu.vector_load_idx %arg6[%get3A_2167] : memref<128xf32, #tpu.memory_space<vmem>>[vector<16xi32>], vector<16xf32>,
      %mul3A_2169 = arith.constant 16 : i32
      %mul3A_2170 = arith.muli %scan3A_2161, %mul3A_2169 : i32
      %swap3A_2171 = arith.constant 4 : i32
      %swap3A_2172 = arith.index_cast %swap3A_2171 : i32 to index
      %swap3A_2173 = arith.index_cast %mul3A_2170 : i32 to index
      %swap3A_2174 = tpu.vector_load %arg9[%swap3A_2172, %swap3A_2173] {strides = array<i32>} : memref<5x8000xf32, #tpu.memory_space<vmem>>, vector<16xf32>,
      tpu.vector_store %arg9[%swap3A_2172, %swap3A_2173], %gather3A_2168 {strides = array<i32>} : memref<5x8000xf32, #tpu.memory_space<vmem>>, vector<16xf32>,
      %scan3A_2175 = arith.constant 500 : i32
      %dma_start3A_2176 = arith.constant 4 : i32
      %dma_start3A_2177 = arith.constant 4 : i32
      %dma_start3A_2178 = arith.constant 4 : i32
      %dma_start3A_2179 = arith.constant 0 : i32
      %dma_start3A_2180 = tpu.memref_slice %arg9[%dma_start3A_2176, %dma_start3A_2179] : memref<5x8000xf32, #tpu.memory_space<vmem>> -> memref<1x8000xf32, #tpu.memory_space<vmem>>
      %dma_start3A_2181 = tpu.memref_squeeze %dma_start3A_2180 : memref<1x8000xf32, #tpu.memory_space<vmem>> -> memref<8000xf32, #tpu.memory_space<vmem>>
      %dma_start3A_2182 = arith.constant 0 : i32
      %dma_start3A_2183 = tpu.memref_slice %arg8[%dma_start3A_2177, %dma_start3A_2182] : memref<5x8000xi32, #tpu.memory_space<vmem>> -> memref<1x8000xi32, #tpu.memory_space<vmem>>
      %dma_start3A_2184 = tpu.memref_squeeze %dma_start3A_2183 : memref<1x8000xi32, #tpu.memory_space<vmem>> -> memref<8000xi32, #tpu.memory_space<vmem>>
      %dma_start3A_2185 = arith.constant 0 : i32
      %dma_start3A_2186 = tpu.memref_slice %arg11[%dma_start3A_2185] : memref<102400xf32, #tpu.memory_space<vmem_shared>> -> memref<102400xf32, #tpu.memory_space<vmem_shared>>
      %dma_start3A_2187 = tpu.memref_slice %arg13[%dma_start3A_2178] : memref<5x!tpu.dma_semaphore, #tpu.memory_space<semaphore_mem>> -> memref<1x!tpu.dma_semaphore, #tpu.memory_space<semaphore_mem>>
      %dma_start3A_2188 = tpu.memref_squeeze %dma_start3A_2187 : memref<1x!tpu.dma_semaphore, #tpu.memory_space<semaphore_mem>> -> memref<!tpu.dma_semaphore, #tpu.memory_space<semaphore_mem>>
      tpu.enqueue_indirect_dma source(%dma_start3A_2181 : memref<8000xf32, #tpu.memory_space<vmem>>) target(%dma_start3A_2186 : memref<102400xf32, #tpu.memory_space<vmem_shared>>) offsets(%dma_start3A_2184 : memref<8000xi32, #tpu.memory_space<vmem>>) semaphore(%dma_start3A_2188 : memref<!tpu.dma_semaphore, #tpu.memory_space<semaphore_mem>>) {add = true}
      %dma_wait3A_2189 = arith.constant 2 : i32
      %dma_wait3A_2190 = arith.constant 2 : i32
      %dma_wait3A_2191 = arith.constant 2 : i32
      %dma_wait3A_2192 = arith.constant 0 : i32
      %dma_wait3A_2193 = tpu.memref_slice %arg9[%dma_wait3A_2189, %dma_wait3A_2192] : memref<5x8000xf32, #tpu.memory_space<vmem>> -> memref<1x8000xf32, #tpu.memory_space<vmem>>
      %dma_wait3A_2194 = tpu.memref_squeeze %dma_wait3A_2193 : memref<1x8000xf32, #tpu.memory_space<vmem>> -> memref<8000xf32, #tpu.memory_space<vmem>>
      %dma_wait3A_2195 = arith.constant 0 : i32
      %dma_wait3A_2196 = tpu.memref_slice %arg8[%dma_wait3A_2190, %dma_wait3A_2195] : memref<5x8000xi32, #tpu.memory_space<vmem>> -> memref<1x8000xi32, #tpu.memory_space<vmem>>
      %dma_wait3A_2197 = tpu.memref_squeeze %dma_wait3A_2196 : memref<1x8000xi32, #tpu.memory_space<vmem>> -> memref<8000xi32, #tpu.memory_space<vmem>>
      %dma_wait3A_2198 = arith.constant 0 : i32
      %dma_wait3A_2199 = tpu.memref_slice %arg11[%dma_wait3A_2198] : memref<102400xf32, #tpu.memory_space<vmem_shared>> -> memref<102400xf32, #tpu.memory_space<vmem_shared>>
      %dma_wait3A_2200 = tpu.memref_slice %arg13[%dma_wait3A_2191] : memref<5x!tpu.dma_semaphore, #tpu.memory_space<semaphore_mem>> -> memref<1x!tpu.dma_semaphore, #tpu.memory_space<semaphore_mem>>
      %dma_wait3A_2201 = tpu.memref_squeeze %dma_wait3A_2200 : memref<1x!tpu.dma_semaphore, #tpu.memory_space<semaphore_mem>> -> memref<!tpu.dma_semaphore, #tpu.memory_space<semaphore_mem>>
      tpu.wait_indirect_dma semaphore(%dma_wait3A_2201 : memref<!tpu.dma_semaphore, #tpu.memory_space<semaphore_mem>>) src(%dma_wait3A_2194 : memref<8000xf32, #tpu.memory_space<vmem>>) dst(%dma_wait3A_2199 : memref<102400xf32, #tpu.memory_space<vmem_shared>>)
      %add3A_2202 = arith.constant 3 : i32
      %add3A_2203 = arith.addi %add3A_2082, %add3A_2202 : i32
      %mul3A_2204 = arith.constant 8000 : i32
      %mul3A_2205 = arith.muli %add3A_2203, %mul3A_2204 : i32
      %add3A_2206 = arith.addi %mul3A_2, %mul3A_2205 : i32
      %dma_start3A_2207 = arith.constant 2 : i32
      %dma_start3A_2208 = arith.constant 2 : i32
      %dma_start3A_2209 = arith.constant 0 : i32
      %dma_start3A_2210 = tpu.memref_slice %arg7[%dma_start3A_2207, %dma_start3A_2209] : memref<5x8000xi32, #tpu.memory_space<vmem>> -> memref<1x8000xi32, #tpu.memory_space<vmem>>
      %dma_start3A_2211 = tpu.memref_squeeze %dma_start3A_2210 : memref<1x8000xi32, #tpu.memory_space<vmem>> -> memref<8000xi32, #tpu.memory_space<vmem>>
      %dma_start3A_2212 = tpu.memref_slice %arg3[%add3A_2206] : memref<6400000xi32, #tpu.memory_space<hbm>> -> memref<8000xi32, #tpu.memory_space<hbm>>
      %dma_start3A_2213 = tpu.memref_slice %arg12[%dma_start3A_2208] : memref<5x!tpu.dma_semaphore, #tpu.memory_space<semaphore_mem>> -> memref<1x!tpu.dma_semaphore, #tpu.memory_space<semaphore_mem>>
      %dma_start3A_2214 = tpu.memref_squeeze %dma_start3A_2213 : memref<1x!tpu.dma_semaphore, #tpu.memory_space<semaphore_mem>> -> memref<!tpu.dma_semaphore, #tpu.memory_space<semaphore_mem>>
      %dma_start3A_2215 = arith.constant 0 : i32
      %dma_start3A_2216 = tpu.memref_slice %arg7[%dma_start3A_2207, %dma_start3A_2215] : memref<5x8000xi32, #tpu.memory_space<vmem>> -> memref<1x8000xi32, #tpu.memory_space<vmem>>
      %dma_start3A_2217 = tpu.memref_squeeze %dma_start3A_2216 : memref<1x8000xi32, #tpu.memory_space<vmem>> -> memref<8000xi32, #tpu.memory_space<vmem>>
      %dma_start3A_2218 = tpu.memref_slice %arg3[%add3A_2206] : memref<6400000xi32, #tpu.memory_space<hbm>> -> memref<8000xi32, #tpu.memory_space<hbm>>
      tpu.enqueue_dma source(%dma_start3A_2218 : memref<8000xi32, #tpu.memory_space<hbm>>) target(%dma_start3A_2217 : memref<8000xi32, #tpu.memory_space<vmem>>) target_semaphore(%dma_start3A_2214 : memref<!tpu.dma_semaphore, #tpu.memory_space<semaphore_mem>>)
      %dma_start3A_2219 = arith.constant 2 : i32
      %dma_start3A_2220 = arith.constant 2 : i32
      %dma_start3A_2221 = arith.constant 0 : i32
      %dma_start3A_2222 = tpu.memref_slice %arg8[%dma_start3A_2219, %dma_start3A_2221] : memref<5x8000xi32, #tpu.memory_space<vmem>> -> memref<1x8000xi32, #tpu.memory_space<vmem>>
      %dma_start3A_2223 = tpu.memref_squeeze %dma_start3A_2222 : memref<1x8000xi32, #tpu.memory_space<vmem>> -> memref<8000xi32, #tpu.memory_space<vmem>>
      %dma_start3A_2224 = tpu.memref_slice %arg4[%add3A_2206] : memref<6400000xi32, #tpu.memory_space<hbm>> -> memref<8000xi32, #tpu.memory_space<hbm>>
      %dma_start3A_2225 = tpu.memref_slice %arg12[%dma_start3A_2220] : memref<5x!tpu.dma_semaphore, #tpu.memory_space<semaphore_mem>> -> memref<1x!tpu.dma_semaphore, #tpu.memory_space<semaphore_mem>>
      %dma_start3A_2226 = tpu.memref_squeeze %dma_start3A_2225 : memref<1x!tpu.dma_semaphore, #tpu.memory_space<semaphore_mem>> -> memref<!tpu.dma_semaphore, #tpu.memory_space<semaphore_mem>>
      %dma_start3A_2227 = arith.constant 0 : i32
      %dma_start3A_2228 = tpu.memref_slice %arg8[%dma_start3A_2219, %dma_start3A_2227] : memref<5x8000xi32, #tpu.memory_space<vmem>> -> memref<1x8000xi32, #tpu.memory_space<vmem>>
      %dma_start3A_2229 = tpu.memref_squeeze %dma_start3A_2228 : memref<1x8000xi32, #tpu.memory_space<vmem>> -> memref<8000xi32, #tpu.memory_space<vmem>>
      %dma_start3A_2230 = tpu.memref_slice %arg4[%add3A_2206] : memref<6400000xi32, #tpu.memory_space<hbm>> -> memref<8000xi32, #tpu.memory_space<hbm>>
      tpu.enqueue_dma source(%dma_start3A_2230 : memref<8000xi32, #tpu.memory_space<hbm>>) target(%dma_start3A_2229 : memref<8000xi32, #tpu.memory_space<vmem>>) target_semaphore(%dma_start3A_2226 : memref<!tpu.dma_semaphore, #tpu.memory_space<semaphore_mem>>)
    }
    %scan3A_796 = arith.constant 3 : i32
    %add3A_797 = arith.constant 160000 : i32
    %add3A_798 = arith.addi %mul3A_2, %add3A_797 : i32
    %dma_wait3A_799 = arith.constant 0 : i32
    %dma_wait3A_800 = arith.constant 0 : i32
    %dma_wait3A_801 = arith.constant 0 : i32
    %dma_wait3A_802 = tpu.memref_slice %arg7[%dma_wait3A_799, %dma_wait3A_801] : memref<5x8000xi32, #tpu.memory_space<vmem>> -> memref<1x8000xi32, #tpu.memory_space<vmem>>
    %dma_wait3A_803 = tpu.memref_squeeze %dma_wait3A_802 : memref<1x8000xi32, #tpu.memory_space<vmem>> -> memref<8000xi32, #tpu.memory_space<vmem>>
    %dma_wait3A_804 = tpu.memref_slice %arg3[%add3A_798] : memref<6400000xi32, #tpu.memory_space<hbm>> -> memref<8000xi32, #tpu.memory_space<hbm>>
    %dma_wait3A_805 = tpu.memref_slice %arg12[%dma_wait3A_800] : memref<5x!tpu.dma_semaphore, #tpu.memory_space<semaphore_mem>> -> memref<1x!tpu.dma_semaphore, #tpu.memory_space<semaphore_mem>>
    %dma_wait3A_806 = tpu.memref_squeeze %dma_wait3A_805 : memref<1x!tpu.dma_semaphore, #tpu.memory_space<semaphore_mem>> -> memref<!tpu.dma_semaphore, #tpu.memory_space<semaphore_mem>>
    %dma_wait3A_807 = arith.constant 0 : i32
    %dma_wait3A_808 = tpu.memref_slice %arg7[%dma_wait3A_799, %dma_wait3A_807] : memref<5x8000xi32, #tpu.memory_space<vmem>> -> memref<1x8000xi32, #tpu.memory_space<vmem>>
    %dma_wait3A_809 = tpu.memref_squeeze %dma_wait3A_808 : memref<1x8000xi32, #tpu.memory_space<vmem>> -> memref<8000xi32, #tpu.memory_space<vmem>>
    %dma_wait3A_810 = tpu.memref_slice %arg3[%add3A_798] : memref<6400000xi32, #tpu.memory_space<hbm>> -> memref<8000xi32, #tpu.memory_space<hbm>>
    tpu.wait_dma2 semaphore(%dma_wait3A_806 : memref<!tpu.dma_semaphore, #tpu.memory_space<semaphore_mem>>) src(%dma_wait3A_810 : memref<8000xi32, #tpu.memory_space<hbm>>) dst(%dma_wait3A_809 : memref<8000xi32, #tpu.memory_space<vmem>>)
    %dma_wait3A_811 = arith.constant 0 : i32
    %dma_wait3A_812 = arith.constant 0 : i32
    %dma_wait3A_813 = arith.constant 0 : i32
    %dma_wait3A_814 = tpu.memref_slice %arg8[%dma_wait3A_811, %dma_wait3A_813] : memref<5x8000xi32, #tpu.memory_space<vmem>> -> memref<1x8000xi32, #tpu.memory_space<vmem>>
    %dma_wait3A_815 = tpu.memref_squeeze %dma_wait3A_814 : memref<1x8000xi32, #tpu.memory_space<vmem>> -> memref<8000xi32, #tpu.memory_space<vmem>>
    %dma_wait3A_816 = tpu.memref_slice %arg4[%add3A_798] : memref<6400000xi32, #tpu.memory_space<hbm>> -> memref<8000xi32, #tpu.memory_space<hbm>>
    %dma_wait3A_817 = tpu.memref_slice %arg12[%dma_wait3A_812] : memref<5x!tpu.dma_semaphore, #tpu.memory_space<semaphore_mem>> -> memref<1x!tpu.dma_semaphore, #tpu.memory_space<semaphore_mem>>
    %dma_wait3A_818 = tpu.memref_squeeze %dma_wait3A_817 : memref<1x!tpu.dma_semaphore, #tpu.memory_space<semaphore_mem>> -> memref<!tpu.dma_semaphore, #tpu.memory_space<semaphore_mem>>
    %dma_wait3A_819 = arith.constant 0 : i32
    %dma_wait3A_820 = tpu.memref_slice %arg8[%dma_wait3A_811, %dma_wait3A_819] : memref<5x8000xi32, #tpu.memory_space<vmem>> -> memref<1x8000xi32, #tpu.memory_space<vmem>>
    %dma_wait3A_821 = tpu.memref_squeeze %dma_wait3A_820 : memref<1x8000xi32, #tpu.memory_space<vmem>> -> memref<8000xi32, #tpu.memory_space<vmem>>
    %dma_wait3A_822 = tpu.memref_slice %arg4[%add3A_798] : memref<6400000xi32, #tpu.memory_space<hbm>> -> memref<8000xi32, #tpu.memory_space<hbm>>
    tpu.wait_dma2 semaphore(%dma_wait3A_818 : memref<!tpu.dma_semaphore, #tpu.memory_space<semaphore_mem>>) src(%dma_wait3A_822 : memref<8000xi32, #tpu.memory_space<hbm>>) dst(%dma_wait3A_821 : memref<8000xi32, #tpu.memory_space<vmem>>)
    %scan3A_823 = arith.constant 0 : i32
    %scan3A_824 = arith.constant 0 : i32
    %scan3A_825 = arith.constant 496 : i32
    %scan3A_826 = arith.addi %scan3A_824, %scan3A_825 : i32
    %scan3A_827 = arith.constant 8 : i32
    scf.for %scan3A_1470 = %scan3A_824 to %scan3A_826 step %scan3A_827  : i32 {
      %mul3A_1471 = arith.constant 16 : i32
      %mul3A_1472 = arith.muli %scan3A_1470, %mul3A_1471 : i32
      %get3A_1473 = arith.constant 0 : i32
      %get3A_1474 = arith.index_cast %get3A_1473 : i32 to index
      %get3A_1475 = arith.index_cast %mul3A_1472 : i32 to index
      %get3A_1476 = tpu.vector_load %arg7[%get3A_1474, %get3A_1475] {strides = array<i32>} : memref<5x8000xi32, #tpu.memory_space<vmem>>, vector<16xi32>,
      %gather3A_1477 = tpu.vector_load_idx %arg6[%get3A_1476] : memref<128xf32, #tpu.memory_space<vmem>>[vector<16xi32>], vector<16xf32>,
      %mul3A_1478 = arith.constant 16 : i32
      %mul3A_1479 = arith.muli %scan3A_1470, %mul3A_1478 : i32
      %swap3A_1480 = arith.constant 0 : i32
      %swap3A_1481 = arith.index_cast %swap3A_1480 : i32 to index
      %swap3A_1482 = arith.index_cast %mul3A_1479 : i32 to index
      %swap3A_1483 = tpu.vector_load %arg9[%swap3A_1481, %swap3A_1482] {strides = array<i32>} : memref<5x8000xf32, #tpu.memory_space<vmem>>, vector<16xf32>,
      tpu.vector_store %arg9[%swap3A_1481, %swap3A_1482], %gather3A_1477 {strides = array<i32>} : memref<5x8000xf32, #tpu.memory_space<vmem>>, vector<16xf32>,
      %scan3A_1484 = arith.constant 1 : i32
      %scan3A_1485 = arith.addi %scan3A_1470, %scan3A_1484 : i32
      %mul3A_1486 = arith.constant 16 : i32
      %mul3A_1487 = arith.muli %scan3A_1485, %mul3A_1486 : i32
      %get3A_1488 = arith.constant 0 : i32
      %get3A_1489 = arith.index_cast %get3A_1488 : i32 to index
      %get3A_1490 = arith.index_cast %mul3A_1487 : i32 to index
      %get3A_1491 = tpu.vector_load %arg7[%get3A_1489, %get3A_1490] {strides = array<i32>} : memref<5x8000xi32, #tpu.memory_space<vmem>>, vector<16xi32>,
      %gather3A_1492 = tpu.vector_load_idx %arg6[%get3A_1491] : memref<128xf32, #tpu.memory_space<vmem>>[vector<16xi32>], vector<16xf32>,
      %mul3A_1493 = arith.constant 16 : i32
      %mul3A_1494 = arith.muli %scan3A_1485, %mul3A_1493 : i32
      %swap3A_1495 = arith.constant 0 : i32
      %swap3A_1496 = arith.index_cast %swap3A_1495 : i32 to index
      %swap3A_1497 = arith.index_cast %mul3A_1494 : i32 to index
      %swap3A_1498 = tpu.vector_load %arg9[%swap3A_1496, %swap3A_1497] {strides = array<i32>} : memref<5x8000xf32, #tpu.memory_space<vmem>>, vector<16xf32>,
      tpu.vector_store %arg9[%swap3A_1496, %swap3A_1497], %gather3A_1492 {strides = array<i32>} : memref<5x8000xf32, #tpu.memory_space<vmem>>, vector<16xf32>,
      %scan3A_1499 = arith.constant 2 : i32
      %scan3A_1500 = arith.addi %scan3A_1470, %scan3A_1499 : i32
      %mul3A_1501 = arith.constant 16 : i32
      %mul3A_1502 = arith.muli %scan3A_1500, %mul3A_1501 : i32
      %get3A_1503 = arith.constant 0 : i32
      %get3A_1504 = arith.index_cast %get3A_1503 : i32 to index
      %get3A_1505 = arith.index_cast %mul3A_1502 : i32 to index
      %get3A_1506 = tpu.vector_load %arg7[%get3A_1504, %get3A_1505] {strides = array<i32>} : memref<5x8000xi32, #tpu.memory_space<vmem>>, vector<16xi32>,
      %gather3A_1507 = tpu.vector_load_idx %arg6[%get3A_1506] : memref<128xf32, #tpu.memory_space<vmem>>[vector<16xi32>], vector<16xf32>,
      %mul3A_1508 = arith.constant 16 : i32
      %mul3A_1509 = arith.muli %scan3A_1500, %mul3A_1508 : i32
      %swap3A_1510 = arith.constant 0 : i32
      %swap3A_1511 = arith.index_cast %swap3A_1510 : i32 to index
      %swap3A_1512 = arith.index_cast %mul3A_1509 : i32 to index
      %swap3A_1513 = tpu.vector_load %arg9[%swap3A_1511, %swap3A_1512] {strides = array<i32>} : memref<5x8000xf32, #tpu.memory_space<vmem>>, vector<16xf32>,
      tpu.vector_store %arg9[%swap3A_1511, %swap3A_1512], %gather3A_1507 {strides = array<i32>} : memref<5x8000xf32, #tpu.memory_space<vmem>>, vector<16xf32>,
      %scan3A_1514 = arith.constant 3 : i32
      %scan3A_1515 = arith.addi %scan3A_1470, %scan3A_1514 : i32
      %mul3A_1516 = arith.constant 16 : i32
      %mul3A_1517 = arith.muli %scan3A_1515, %mul3A_1516 : i32
      %get3A_1518 = arith.constant 0 : i32
      %get3A_1519 = arith.index_cast %get3A_1518 : i32 to index
      %get3A_1520 = arith.index_cast %mul3A_1517 : i32 to index
      %get3A_1521 = tpu.vector_load %arg7[%get3A_1519, %get3A_1520] {strides = array<i32>} : memref<5x8000xi32, #tpu.memory_space<vmem>>, vector<16xi32>,
      %gather3A_1522 = tpu.vector_load_idx %arg6[%get3A_1521] : memref<128xf32, #tpu.memory_space<vmem>>[vector<16xi32>], vector<16xf32>,
      %mul3A_1523 = arith.constant 16 : i32
      %mul3A_1524 = arith.muli %scan3A_1515, %mul3A_1523 : i32
      %swap3A_1525 = arith.constant 0 : i32
      %swap3A_1526 = arith.index_cast %swap3A_1525 : i32 to index
      %swap3A_1527 = arith.index_cast %mul3A_1524 : i32 to index
      %swap3A_1528 = tpu.vector_load %arg9[%swap3A_1526, %swap3A_1527] {strides = array<i32>} : memref<5x8000xf32, #tpu.memory_space<vmem>>, vector<16xf32>,
      tpu.vector_store %arg9[%swap3A_1526, %swap3A_1527], %gather3A_1522 {strides = array<i32>} : memref<5x8000xf32, #tpu.memory_space<vmem>>, vector<16xf32>,
      %scan3A_1529 = arith.constant 4 : i32
      %scan3A_1530 = arith.addi %scan3A_1470, %scan3A_1529 : i32
      %mul3A_1531 = arith.constant 16 : i32
      %mul3A_1532 = arith.muli %scan3A_1530, %mul3A_1531 : i32
      %get3A_1533 = arith.constant 0 : i32
      %get3A_1534 = arith.index_cast %get3A_1533 : i32 to index
      %get3A_1535 = arith.index_cast %mul3A_1532 : i32 to index
      %get3A_1536 = tpu.vector_load %arg7[%get3A_1534, %get3A_1535] {strides = array<i32>} : memref<5x8000xi32, #tpu.memory_space<vmem>>, vector<16xi32>,
      %gather3A_1537 = tpu.vector_load_idx %arg6[%get3A_1536] : memref<128xf32, #tpu.memory_space<vmem>>[vector<16xi32>], vector<16xf32>,
      %mul3A_1538 = arith.constant 16 : i32
      %mul3A_1539 = arith.muli %scan3A_1530, %mul3A_1538 : i32
      %swap3A_1540 = arith.constant 0 : i32
      %swap3A_1541 = arith.index_cast %swap3A_1540 : i32 to index
      %swap3A_1542 = arith.index_cast %mul3A_1539 : i32 to index
      %swap3A_1543 = tpu.vector_load %arg9[%swap3A_1541, %swap3A_1542] {strides = array<i32>} : memref<5x8000xf32, #tpu.memory_space<vmem>>, vector<16xf32>,
      tpu.vector_store %arg9[%swap3A_1541, %swap3A_1542], %gather3A_1537 {strides = array<i32>} : memref<5x8000xf32, #tpu.memory_space<vmem>>, vector<16xf32>,
      %scan3A_1544 = arith.constant 5 : i32
      %scan3A_1545 = arith.addi %scan3A_1470, %scan3A_1544 : i32
      %mul3A_1546 = arith.constant 16 : i32
      %mul3A_1547 = arith.muli %scan3A_1545, %mul3A_1546 : i32
      %get3A_1548 = arith.constant 0 : i32
      %get3A_1549 = arith.index_cast %get3A_1548 : i32 to index
      %get3A_1550 = arith.index_cast %mul3A_1547 : i32 to index
      %get3A_1551 = tpu.vector_load %arg7[%get3A_1549, %get3A_1550] {strides = array<i32>} : memref<5x8000xi32, #tpu.memory_space<vmem>>, vector<16xi32>,
      %gather3A_1552 = tpu.vector_load_idx %arg6[%get3A_1551] : memref<128xf32, #tpu.memory_space<vmem>>[vector<16xi32>], vector<16xf32>,
      %mul3A_1553 = arith.constant 16 : i32
      %mul3A_1554 = arith.muli %scan3A_1545, %mul3A_1553 : i32
      %swap3A_1555 = arith.constant 0 : i32
      %swap3A_1556 = arith.index_cast %swap3A_1555 : i32 to index
      %swap3A_1557 = arith.index_cast %mul3A_1554 : i32 to index
      %swap3A_1558 = tpu.vector_load %arg9[%swap3A_1556, %swap3A_1557] {strides = array<i32>} : memref<5x8000xf32, #tpu.memory_space<vmem>>, vector<16xf32>,
      tpu.vector_store %arg9[%swap3A_1556, %swap3A_1557], %gather3A_1552 {strides = array<i32>} : memref<5x8000xf32, #tpu.memory_space<vmem>>, vector<16xf32>,
      %scan3A_1559 = arith.constant 6 : i32
      %scan3A_1560 = arith.addi %scan3A_1470, %scan3A_1559 : i32
      %mul3A_1561 = arith.constant 16 : i32
      %mul3A_1562 = arith.muli %scan3A_1560, %mul3A_1561 : i32
      %get3A_1563 = arith.constant 0 : i32
      %get3A_1564 = arith.index_cast %get3A_1563 : i32 to index
      %get3A_1565 = arith.index_cast %mul3A_1562 : i32 to index
      %get3A_1566 = tpu.vector_load %arg7[%get3A_1564, %get3A_1565] {strides = array<i32>} : memref<5x8000xi32, #tpu.memory_space<vmem>>, vector<16xi32>,
      %gather3A_1567 = tpu.vector_load_idx %arg6[%get3A_1566] : memref<128xf32, #tpu.memory_space<vmem>>[vector<16xi32>], vector<16xf32>,
      %mul3A_1568 = arith.constant 16 : i32
      %mul3A_1569 = arith.muli %scan3A_1560, %mul3A_1568 : i32
      %swap3A_1570 = arith.constant 0 : i32
      %swap3A_1571 = arith.index_cast %swap3A_1570 : i32 to index
      %swap3A_1572 = arith.index_cast %mul3A_1569 : i32 to index
      %swap3A_1573 = tpu.vector_load %arg9[%swap3A_1571, %swap3A_1572] {strides = array<i32>} : memref<5x8000xf32, #tpu.memory_space<vmem>>, vector<16xf32>,
      tpu.vector_store %arg9[%swap3A_1571, %swap3A_1572], %gather3A_1567 {strides = array<i32>} : memref<5x8000xf32, #tpu.memory_space<vmem>>, vector<16xf32>,
      %scan3A_1574 = arith.constant 7 : i32
      %scan3A_1575 = arith.addi %scan3A_1470, %scan3A_1574 : i32
      %mul3A_1576 = arith.constant 16 : i32
      %mul3A_1577 = arith.muli %scan3A_1575, %mul3A_1576 : i32
      %get3A_1578 = arith.constant 0 : i32
      %get3A_1579 = arith.index_cast %get3A_1578 : i32 to index
      %get3A_1580 = arith.index_cast %mul3A_1577 : i32 to index
      %get3A_1581 = tpu.vector_load %arg7[%get3A_1579, %get3A_1580] {strides = array<i32>} : memref<5x8000xi32, #tpu.memory_space<vmem>>, vector<16xi32>,
      %gather3A_1582 = tpu.vector_load_idx %arg6[%get3A_1581] : memref<128xf32, #tpu.memory_space<vmem>>[vector<16xi32>], vector<16xf32>,
      %mul3A_1583 = arith.constant 16 : i32
      %mul3A_1584 = arith.muli %scan3A_1575, %mul3A_1583 : i32
      %swap3A_1585 = arith.constant 0 : i32
      %swap3A_1586 = arith.index_cast %swap3A_1585 : i32 to index
      %swap3A_1587 = arith.index_cast %mul3A_1584 : i32 to index
      %swap3A_1588 = tpu.vector_load %arg9[%swap3A_1586, %swap3A_1587] {strides = array<i32>} : memref<5x8000xf32, #tpu.memory_space<vmem>>, vector<16xf32>,
      tpu.vector_store %arg9[%swap3A_1586, %swap3A_1587], %gather3A_1582 {strides = array<i32>} : memref<5x8000xf32, #tpu.memory_space<vmem>>, vector<16xf32>,
    }
    %scan3A_828 = arith.constant 496 : i32
    %scan3A_829 = arith.addi %scan3A_824, %scan3A_828 : i32
    %mul3A_830 = arith.constant 16 : i32
    %mul3A_831 = arith.muli %scan3A_829, %mul3A_830 : i32
    %get3A_832 = arith.constant 0 : i32
    %get3A_833 = arith.index_cast %get3A_832 : i32 to index
    %get3A_834 = arith.index_cast %mul3A_831 : i32 to index
    %get3A_835 = tpu.vector_load %arg7[%get3A_833, %get3A_834] {strides = array<i32>} : memref<5x8000xi32, #tpu.memory_space<vmem>>, vector<16xi32>,
    %gather3A_836 = tpu.vector_load_idx %arg6[%get3A_835] : memref<128xf32, #tpu.memory_space<vmem>>[vector<16xi32>], vector<16xf32>,
    %mul3A_837 = arith.constant 16 : i32
    %mul3A_838 = arith.muli %scan3A_829, %mul3A_837 : i32
    %swap3A_839 = arith.constant 0 : i32
    %swap3A_840 = arith.index_cast %swap3A_839 : i32 to index
    %swap3A_841 = arith.index_cast %mul3A_838 : i32 to index
    %swap3A_842 = tpu.vector_load %arg9[%swap3A_840, %swap3A_841] {strides = array<i32>} : memref<5x8000xf32, #tpu.memory_space<vmem>>, vector<16xf32>,
    tpu.vector_store %arg9[%swap3A_840, %swap3A_841], %gather3A_836 {strides = array<i32>} : memref<5x8000xf32, #tpu.memory_space<vmem>>, vector<16xf32>,
    %scan3A_843 = arith.constant 497 : i32
    %scan3A_844 = arith.addi %scan3A_824, %scan3A_843 : i32
    %mul3A_845 = arith.constant 16 : i32
    %mul3A_846 = arith.muli %scan3A_844, %mul3A_845 : i32
    %get3A_847 = arith.constant 0 : i32
    %get3A_848 = arith.index_cast %get3A_847 : i32 to index
    %get3A_849 = arith.index_cast %mul3A_846 : i32 to index
    %get3A_850 = tpu.vector_load %arg7[%get3A_848, %get3A_849] {strides = array<i32>} : memref<5x8000xi32, #tpu.memory_space<vmem>>, vector<16xi32>,
    %gather3A_851 = tpu.vector_load_idx %arg6[%get3A_850] : memref<128xf32, #tpu.memory_space<vmem>>[vector<16xi32>], vector<16xf32>,
    %mul3A_852 = arith.constant 16 : i32
    %mul3A_853 = arith.muli %scan3A_844, %mul3A_852 : i32
    %swap3A_854 = arith.constant 0 : i32
    %swap3A_855 = arith.index_cast %swap3A_854 : i32 to index
    %swap3A_856 = arith.index_cast %mul3A_853 : i32 to index
    %swap3A_857 = tpu.vector_load %arg9[%swap3A_855, %swap3A_856] {strides = array<i32>} : memref<5x8000xf32, #tpu.memory_space<vmem>>, vector<16xf32>,
    tpu.vector_store %arg9[%swap3A_855, %swap3A_856], %gather3A_851 {strides = array<i32>} : memref<5x8000xf32, #tpu.memory_space<vmem>>, vector<16xf32>,
    %scan3A_858 = arith.constant 498 : i32
    %scan3A_859 = arith.addi %scan3A_824, %scan3A_858 : i32
    %mul3A_860 = arith.constant 16 : i32
    %mul3A_861 = arith.muli %scan3A_859, %mul3A_860 : i32
    %get3A_862 = arith.constant 0 : i32
    %get3A_863 = arith.index_cast %get3A_862 : i32 to index
    %get3A_864 = arith.index_cast %mul3A_861 : i32 to index
    %get3A_865 = tpu.vector_load %arg7[%get3A_863, %get3A_864] {strides = array<i32>} : memref<5x8000xi32, #tpu.memory_space<vmem>>, vector<16xi32>,
    %gather3A_866 = tpu.vector_load_idx %arg6[%get3A_865] : memref<128xf32, #tpu.memory_space<vmem>>[vector<16xi32>], vector<16xf32>,
    %mul3A_867 = arith.constant 16 : i32
    %mul3A_868 = arith.muli %scan3A_859, %mul3A_867 : i32
    %swap3A_869 = arith.constant 0 : i32
    %swap3A_870 = arith.index_cast %swap3A_869 : i32 to index
    %swap3A_871 = arith.index_cast %mul3A_868 : i32 to index
    %swap3A_872 = tpu.vector_load %arg9[%swap3A_870, %swap3A_871] {strides = array<i32>} : memref<5x8000xf32, #tpu.memory_space<vmem>>, vector<16xf32>,
    tpu.vector_store %arg9[%swap3A_870, %swap3A_871], %gather3A_866 {strides = array<i32>} : memref<5x8000xf32, #tpu.memory_space<vmem>>, vector<16xf32>,
    %scan3A_873 = arith.constant 499 : i32
    %scan3A_874 = arith.addi %scan3A_824, %scan3A_873 : i32
    %mul3A_875 = arith.constant 16 : i32
    %mul3A_876 = arith.muli %scan3A_874, %mul3A_875 : i32
    %get3A_877 = arith.constant 0 : i32
    %get3A_878 = arith.index_cast %get3A_877 : i32 to index
    %get3A_879 = arith.index_cast %mul3A_876 : i32 to index
    %get3A_880 = tpu.vector_load %arg7[%get3A_878, %get3A_879] {strides = array<i32>} : memref<5x8000xi32, #tpu.memory_space<vmem>>, vector<16xi32>,
    %gather3A_881 = tpu.vector_load_idx %arg6[%get3A_880] : memref<128xf32, #tpu.memory_space<vmem>>[vector<16xi32>], vector<16xf32>,
    %mul3A_882 = arith.constant 16 : i32
    %mul3A_883 = arith.muli %scan3A_874, %mul3A_882 : i32
    %swap3A_884 = arith.constant 0 : i32
    %swap3A_885 = arith.index_cast %swap3A_884 : i32 to index
    %swap3A_886 = arith.index_cast %mul3A_883 : i32 to index
    %swap3A_887 = tpu.vector_load %arg9[%swap3A_885, %swap3A_886] {strides = array<i32>} : memref<5x8000xf32, #tpu.memory_space<vmem>>, vector<16xf32>,
    tpu.vector_store %arg9[%swap3A_885, %swap3A_886], %gather3A_881 {strides = array<i32>} : memref<5x8000xf32, #tpu.memory_space<vmem>>, vector<16xf32>,
    %scan3A_888 = arith.constant 500 : i32
    %dma_start3A_889 = arith.constant 0 : i32
    %dma_start3A_890 = arith.constant 0 : i32
    %dma_start3A_891 = arith.constant 0 : i32
    %dma_start3A_892 = arith.constant 0 : i32
    %dma_start3A_893 = tpu.memref_slice %arg9[%dma_start3A_889, %dma_start3A_892] : memref<5x8000xf32, #tpu.memory_space<vmem>> -> memref<1x8000xf32, #tpu.memory_space<vmem>>
    %dma_start3A_894 = tpu.memref_squeeze %dma_start3A_893 : memref<1x8000xf32, #tpu.memory_space<vmem>> -> memref<8000xf32, #tpu.memory_space<vmem>>
    %dma_start3A_895 = arith.constant 0 : i32
    %dma_start3A_896 = tpu.memref_slice %arg8[%dma_start3A_890, %dma_start3A_895] : memref<5x8000xi32, #tpu.memory_space<vmem>> -> memref<1x8000xi32, #tpu.memory_space<vmem>>
    %dma_start3A_897 = tpu.memref_squeeze %dma_start3A_896 : memref<1x8000xi32, #tpu.memory_space<vmem>> -> memref<8000xi32, #tpu.memory_space<vmem>>
    %dma_start3A_898 = arith.constant 0 : i32
    %dma_start3A_899 = tpu.memref_slice %arg11[%dma_start3A_898] : memref<102400xf32, #tpu.memory_space<vmem_shared>> -> memref<102400xf32, #tpu.memory_space<vmem_shared>>
    %dma_start3A_900 = tpu.memref_slice %arg13[%dma_start3A_891] : memref<5x!tpu.dma_semaphore, #tpu.memory_space<semaphore_mem>> -> memref<1x!tpu.dma_semaphore, #tpu.memory_space<semaphore_mem>>
    %dma_start3A_901 = tpu.memref_squeeze %dma_start3A_900 : memref<1x!tpu.dma_semaphore, #tpu.memory_space<semaphore_mem>> -> memref<!tpu.dma_semaphore, #tpu.memory_space<semaphore_mem>>
    tpu.enqueue_indirect_dma source(%dma_start3A_894 : memref<8000xf32, #tpu.memory_space<vmem>>) target(%dma_start3A_899 : memref<102400xf32, #tpu.memory_space<vmem_shared>>) offsets(%dma_start3A_897 : memref<8000xi32, #tpu.memory_space<vmem>>) semaphore(%dma_start3A_901 : memref<!tpu.dma_semaphore, #tpu.memory_space<semaphore_mem>>) {add = true}
    %dma_wait3A_902 = arith.constant 3 : i32
    %dma_wait3A_903 = arith.constant 3 : i32
    %dma_wait3A_904 = arith.constant 3 : i32
    %dma_wait3A_905 = arith.constant 0 : i32
    %dma_wait3A_906 = tpu.memref_slice %arg9[%dma_wait3A_902, %dma_wait3A_905] : memref<5x8000xf32, #tpu.memory_space<vmem>> -> memref<1x8000xf32, #tpu.memory_space<vmem>>
    %dma_wait3A_907 = tpu.memref_squeeze %dma_wait3A_906 : memref<1x8000xf32, #tpu.memory_space<vmem>> -> memref<8000xf32, #tpu.memory_space<vmem>>
    %dma_wait3A_908 = arith.constant 0 : i32
    %dma_wait3A_909 = tpu.memref_slice %arg8[%dma_wait3A_903, %dma_wait3A_908] : memref<5x8000xi32, #tpu.memory_space<vmem>> -> memref<1x8000xi32, #tpu.memory_space<vmem>>
    %dma_wait3A_910 = tpu.memref_squeeze %dma_wait3A_909 : memref<1x8000xi32, #tpu.memory_space<vmem>> -> memref<8000xi32, #tpu.memory_space<vmem>>
    %dma_wait3A_911 = arith.constant 0 : i32
    %dma_wait3A_912 = tpu.memref_slice %arg11[%dma_wait3A_911] : memref<102400xf32, #tpu.memory_space<vmem_shared>> -> memref<102400xf32, #tpu.memory_space<vmem_shared>>
    %dma_wait3A_913 = tpu.memref_slice %arg13[%dma_wait3A_904] : memref<5x!tpu.dma_semaphore, #tpu.memory_space<semaphore_mem>> -> memref<1x!tpu.dma_semaphore, #tpu.memory_space<semaphore_mem>>
    %dma_wait3A_914 = tpu.memref_squeeze %dma_wait3A_913 : memref<1x!tpu.dma_semaphore, #tpu.memory_space<semaphore_mem>> -> memref<!tpu.dma_semaphore, #tpu.memory_space<semaphore_mem>>
    tpu.wait_indirect_dma semaphore(%dma_wait3A_914 : memref<!tpu.dma_semaphore, #tpu.memory_space<semaphore_mem>>) src(%dma_wait3A_907 : memref<8000xf32, #tpu.memory_space<vmem>>) dst(%dma_wait3A_912 : memref<102400xf32, #tpu.memory_space<vmem_shared>>)
    %add3A_915 = arith.constant 184000 : i32
    %add3A_916 = arith.addi %mul3A_2, %add3A_915 : i32
    %dma_start3A_917 = arith.constant 3 : i32
    %dma_start3A_918 = arith.constant 3 : i32
    %dma_start3A_919 = arith.constant 0 : i32
    %dma_start3A_920 = tpu.memref_slice %arg7[%dma_start3A_917, %dma_start3A_919] : memref<5x8000xi32, #tpu.memory_space<vmem>> -> memref<1x8000xi32, #tpu.memory_space<vmem>>
    %dma_start3A_921 = tpu.memref_squeeze %dma_start3A_920 : memref<1x8000xi32, #tpu.memory_space<vmem>> -> memref<8000xi32, #tpu.memory_space<vmem>>
    %dma_start3A_922 = tpu.memref_slice %arg3[%add3A_916] : memref<6400000xi32, #tpu.memory_space<hbm>> -> memref<8000xi32, #tpu.memory_space<hbm>>
    %dma_start3A_923 = tpu.memref_slice %arg12[%dma_start3A_918] : memref<5x!tpu.dma_semaphore, #tpu.memory_space<semaphore_mem>> -> memref<1x!tpu.dma_semaphore, #tpu.memory_space<semaphore_mem>>
    %dma_start3A_924 = tpu.memref_squeeze %dma_start3A_923 : memref<1x!tpu.dma_semaphore, #tpu.memory_space<semaphore_mem>> -> memref<!tpu.dma_semaphore, #tpu.memory_space<semaphore_mem>>
    %dma_start3A_925 = arith.constant 0 : i32
    %dma_start3A_926 = tpu.memref_slice %arg7[%dma_start3A_917, %dma_start3A_925] : memref<5x8000xi32, #tpu.memory_space<vmem>> -> memref<1x8000xi32, #tpu.memory_space<vmem>>
    %dma_start3A_927 = tpu.memref_squeeze %dma_start3A_926 : memref<1x8000xi32, #tpu.memory_space<vmem>> -> memref<8000xi32, #tpu.memory_space<vmem>>
    %dma_start3A_928 = tpu.memref_slice %arg3[%add3A_916] : memref<6400000xi32, #tpu.memory_space<hbm>> -> memref<8000xi32, #tpu.memory_space<hbm>>
    tpu.enqueue_dma source(%dma_start3A_928 : memref<8000xi32, #tpu.memory_space<hbm>>) target(%dma_start3A_927 : memref<8000xi32, #tpu.memory_space<vmem>>) target_semaphore(%dma_start3A_924 : memref<!tpu.dma_semaphore, #tpu.memory_space<semaphore_mem>>)
    %dma_start3A_929 = arith.constant 3 : i32
    %dma_start3A_930 = arith.constant 3 : i32
    %dma_start3A_931 = arith.constant 0 : i32
    %dma_start3A_932 = tpu.memref_slice %arg8[%dma_start3A_929, %dma_start3A_931] : memref<5x8000xi32, #tpu.memory_space<vmem>> -> memref<1x8000xi32, #tpu.memory_space<vmem>>
    %dma_start3A_933 = tpu.memref_squeeze %dma_start3A_932 : memref<1x8000xi32, #tpu.memory_space<vmem>> -> memref<8000xi32, #tpu.memory_space<vmem>>
    %dma_start3A_934 = tpu.memref_slice %arg4[%add3A_916] : memref<6400000xi32, #tpu.memory_space<hbm>> -> memref<8000xi32, #tpu.memory_space<hbm>>
    %dma_start3A_935 = tpu.memref_slice %arg12[%dma_start3A_930] : memref<5x!tpu.dma_semaphore, #tpu.memory_space<semaphore_mem>> -> memref<1x!tpu.dma_semaphore, #tpu.memory_space<semaphore_mem>>
    %dma_start3A_936 = tpu.memref_squeeze %dma_start3A_935 : memref<1x!tpu.dma_semaphore, #tpu.memory_space<semaphore_mem>> -> memref<!tpu.dma_semaphore, #tpu.memory_space<semaphore_mem>>
    %dma_start3A_937 = arith.constant 0 : i32
    %dma_start3A_938 = tpu.memref_slice %arg8[%dma_start3A_929, %dma_start3A_937] : memref<5x8000xi32, #tpu.memory_space<vmem>> -> memref<1x8000xi32, #tpu.memory_space<vmem>>
    %dma_start3A_939 = tpu.memref_squeeze %dma_start3A_938 : memref<1x8000xi32, #tpu.memory_space<vmem>> -> memref<8000xi32, #tpu.memory_space<vmem>>
    %dma_start3A_940 = tpu.memref_slice %arg4[%add3A_916] : memref<6400000xi32, #tpu.memory_space<hbm>> -> memref<8000xi32, #tpu.memory_space<hbm>>
    tpu.enqueue_dma source(%dma_start3A_940 : memref<8000xi32, #tpu.memory_space<hbm>>) target(%dma_start3A_939 : memref<8000xi32, #tpu.memory_space<vmem>>) target_semaphore(%dma_start3A_936 : memref<!tpu.dma_semaphore, #tpu.memory_space<semaphore_mem>>)
    %add3A_941 = arith.constant 168000 : i32
    %add3A_942 = arith.addi %mul3A_2, %add3A_941 : i32
    %dma_wait3A_943 = arith.constant 1 : i32
    %dma_wait3A_944 = arith.constant 1 : i32
    %dma_wait3A_945 = arith.constant 0 : i32
    %dma_wait3A_946 = tpu.memref_slice %arg7[%dma_wait3A_943, %dma_wait3A_945] : memref<5x8000xi32, #tpu.memory_space<vmem>> -> memref<1x8000xi32, #tpu.memory_space<vmem>>
    %dma_wait3A_947 = tpu.memref_squeeze %dma_wait3A_946 : memref<1x8000xi32, #tpu.memory_space<vmem>> -> memref<8000xi32, #tpu.memory_space<vmem>>
    %dma_wait3A_948 = tpu.memref_slice %arg3[%add3A_942] : memref<6400000xi32, #tpu.memory_space<hbm>> -> memref<8000xi32, #tpu.memory_space<hbm>>
    %dma_wait3A_949 = tpu.memref_slice %arg12[%dma_wait3A_944] : memref<5x!tpu.dma_semaphore, #tpu.memory_space<semaphore_mem>> -> memref<1x!tpu.dma_semaphore, #tpu.memory_space<semaphore_mem>>
    %dma_wait3A_950 = tpu.memref_squeeze %dma_wait3A_949 : memref<1x!tpu.dma_semaphore, #tpu.memory_space<semaphore_mem>> -> memref<!tpu.dma_semaphore, #tpu.memory_space<semaphore_mem>>
    %dma_wait3A_951 = arith.constant 0 : i32
    %dma_wait3A_952 = tpu.memref_slice %arg7[%dma_wait3A_943, %dma_wait3A_951] : memref<5x8000xi32, #tpu.memory_space<vmem>> -> memref<1x8000xi32, #tpu.memory_space<vmem>>
    %dma_wait3A_953 = tpu.memref_squeeze %dma_wait3A_952 : memref<1x8000xi32, #tpu.memory_space<vmem>> -> memref<8000xi32, #tpu.memory_space<vmem>>
    %dma_wait3A_954 = tpu.memref_slice %arg3[%add3A_942] : memref<6400000xi32, #tpu.memory_space<hbm>> -> memref<8000xi32, #tpu.memory_space<hbm>>
    tpu.wait_dma2 semaphore(%dma_wait3A_950 : memref<!tpu.dma_semaphore, #tpu.memory_space<semaphore_mem>>) src(%dma_wait3A_954 : memref<8000xi32, #tpu.memory_space<hbm>>) dst(%dma_wait3A_953 : memref<8000xi32, #tpu.memory_space<vmem>>)
    %dma_wait3A_955 = arith.constant 1 : i32
    %dma_wait3A_956 = arith.constant 1 : i32
    %dma_wait3A_957 = arith.constant 0 : i32
    %dma_wait3A_958 = tpu.memref_slice %arg8[%dma_wait3A_955, %dma_wait3A_957] : memref<5x8000xi32, #tpu.memory_space<vmem>> -> memref<1x8000xi32, #tpu.memory_space<vmem>>
    %dma_wait3A_959 = tpu.memref_squeeze %dma_wait3A_958 : memref<1x8000xi32, #tpu.memory_space<vmem>> -> memref<8000xi32, #tpu.memory_space<vmem>>
    %dma_wait3A_960 = tpu.memref_slice %arg4[%add3A_942] : memref<6400000xi32, #tpu.memory_space<hbm>> -> memref<8000xi32, #tpu.memory_space<hbm>>
    %dma_wait3A_961 = tpu.memref_slice %arg12[%dma_wait3A_956] : memref<5x!tpu.dma_semaphore, #tpu.memory_space<semaphore_mem>> -> memref<1x!tpu.dma_semaphore, #tpu.memory_space<semaphore_mem>>
    %dma_wait3A_962 = tpu.memref_squeeze %dma_wait3A_961 : memref<1x!tpu.dma_semaphore, #tpu.memory_space<semaphore_mem>> -> memref<!tpu.dma_semaphore, #tpu.memory_space<semaphore_mem>>
    %dma_wait3A_963 = arith.constant 0 : i32
    %dma_wait3A_964 = tpu.memref_slice %arg8[%dma_wait3A_955, %dma_wait3A_963] : memref<5x8000xi32, #tpu.memory_space<vmem>> -> memref<1x8000xi32, #tpu.memory_space<vmem>>
    %dma_wait3A_965 = tpu.memref_squeeze %dma_wait3A_964 : memref<1x8000xi32, #tpu.memory_space<vmem>> -> memref<8000xi32, #tpu.memory_space<vmem>>
    %dma_wait3A_966 = tpu.memref_slice %arg4[%add3A_942] : memref<6400000xi32, #tpu.memory_space<hbm>> -> memref<8000xi32, #tpu.memory_space<hbm>>
    tpu.wait_dma2 semaphore(%dma_wait3A_962 : memref<!tpu.dma_semaphore, #tpu.memory_space<semaphore_mem>>) src(%dma_wait3A_966 : memref<8000xi32, #tpu.memory_space<hbm>>) dst(%dma_wait3A_965 : memref<8000xi32, #tpu.memory_space<vmem>>)
    %scan3A_967 = arith.constant 0 : i32
    %scan3A_968 = arith.constant 0 : i32
    %scan3A_969 = arith.constant 496 : i32
    %scan3A_970 = arith.addi %scan3A_968, %scan3A_969 : i32
    %scan3A_971 = arith.constant 8 : i32
    scf.for %scan3A_1470 = %scan3A_968 to %scan3A_970 step %scan3A_971  : i32 {
      %mul3A_1471 = arith.constant 16 : i32
      %mul3A_1472 = arith.muli %scan3A_1470, %mul3A_1471 : i32
      %get3A_1473 = arith.constant 1 : i32
      %get3A_1474 = arith.index_cast %get3A_1473 : i32 to index
      %get3A_1475 = arith.index_cast %mul3A_1472 : i32 to index
      %get3A_1476 = tpu.vector_load %arg7[%get3A_1474, %get3A_1475] {strides = array<i32>} : memref<5x8000xi32, #tpu.memory_space<vmem>>, vector<16xi32>,
      %gather3A_1477 = tpu.vector_load_idx %arg6[%get3A_1476] : memref<128xf32, #tpu.memory_space<vmem>>[vector<16xi32>], vector<16xf32>,
      %mul3A_1478 = arith.constant 16 : i32
      %mul3A_1479 = arith.muli %scan3A_1470, %mul3A_1478 : i32
      %swap3A_1480 = arith.constant 1 : i32
      %swap3A_1481 = arith.index_cast %swap3A_1480 : i32 to index
      %swap3A_1482 = arith.index_cast %mul3A_1479 : i32 to index
      %swap3A_1483 = tpu.vector_load %arg9[%swap3A_1481, %swap3A_1482] {strides = array<i32>} : memref<5x8000xf32, #tpu.memory_space<vmem>>, vector<16xf32>,
      tpu.vector_store %arg9[%swap3A_1481, %swap3A_1482], %gather3A_1477 {strides = array<i32>} : memref<5x8000xf32, #tpu.memory_space<vmem>>, vector<16xf32>,
      %scan3A_1484 = arith.constant 1 : i32
      %scan3A_1485 = arith.addi %scan3A_1470, %scan3A_1484 : i32
      %mul3A_1486 = arith.constant 16 : i32
      %mul3A_1487 = arith.muli %scan3A_1485, %mul3A_1486 : i32
      %get3A_1488 = arith.constant 1 : i32
      %get3A_1489 = arith.index_cast %get3A_1488 : i32 to index
      %get3A_1490 = arith.index_cast %mul3A_1487 : i32 to index
      %get3A_1491 = tpu.vector_load %arg7[%get3A_1489, %get3A_1490] {strides = array<i32>} : memref<5x8000xi32, #tpu.memory_space<vmem>>, vector<16xi32>,
      %gather3A_1492 = tpu.vector_load_idx %arg6[%get3A_1491] : memref<128xf32, #tpu.memory_space<vmem>>[vector<16xi32>], vector<16xf32>,
      %mul3A_1493 = arith.constant 16 : i32
      %mul3A_1494 = arith.muli %scan3A_1485, %mul3A_1493 : i32
      %swap3A_1495 = arith.constant 1 : i32
      %swap3A_1496 = arith.index_cast %swap3A_1495 : i32 to index
      %swap3A_1497 = arith.index_cast %mul3A_1494 : i32 to index
      %swap3A_1498 = tpu.vector_load %arg9[%swap3A_1496, %swap3A_1497] {strides = array<i32>} : memref<5x8000xf32, #tpu.memory_space<vmem>>, vector<16xf32>,
      tpu.vector_store %arg9[%swap3A_1496, %swap3A_1497], %gather3A_1492 {strides = array<i32>} : memref<5x8000xf32, #tpu.memory_space<vmem>>, vector<16xf32>,
      %scan3A_1499 = arith.constant 2 : i32
      %scan3A_1500 = arith.addi %scan3A_1470, %scan3A_1499 : i32
      %mul3A_1501 = arith.constant 16 : i32
      %mul3A_1502 = arith.muli %scan3A_1500, %mul3A_1501 : i32
      %get3A_1503 = arith.constant 1 : i32
      %get3A_1504 = arith.index_cast %get3A_1503 : i32 to index
      %get3A_1505 = arith.index_cast %mul3A_1502 : i32 to index
      %get3A_1506 = tpu.vector_load %arg7[%get3A_1504, %get3A_1505] {strides = array<i32>} : memref<5x8000xi32, #tpu.memory_space<vmem>>, vector<16xi32>,
      %gather3A_1507 = tpu.vector_load_idx %arg6[%get3A_1506] : memref<128xf32, #tpu.memory_space<vmem>>[vector<16xi32>], vector<16xf32>,
      %mul3A_1508 = arith.constant 16 : i32
      %mul3A_1509 = arith.muli %scan3A_1500, %mul3A_1508 : i32
      %swap3A_1510 = arith.constant 1 : i32
      %swap3A_1511 = arith.index_cast %swap3A_1510 : i32 to index
      %swap3A_1512 = arith.index_cast %mul3A_1509 : i32 to index
      %swap3A_1513 = tpu.vector_load %arg9[%swap3A_1511, %swap3A_1512] {strides = array<i32>} : memref<5x8000xf32, #tpu.memory_space<vmem>>, vector<16xf32>,
      tpu.vector_store %arg9[%swap3A_1511, %swap3A_1512], %gather3A_1507 {strides = array<i32>} : memref<5x8000xf32, #tpu.memory_space<vmem>>, vector<16xf32>,
      %scan3A_1514 = arith.constant 3 : i32
      %scan3A_1515 = arith.addi %scan3A_1470, %scan3A_1514 : i32
      %mul3A_1516 = arith.constant 16 : i32
      %mul3A_1517 = arith.muli %scan3A_1515, %mul3A_1516 : i32
      %get3A_1518 = arith.constant 1 : i32
      %get3A_1519 = arith.index_cast %get3A_1518 : i32 to index
      %get3A_1520 = arith.index_cast %mul3A_1517 : i32 to index
      %get3A_1521 = tpu.vector_load %arg7[%get3A_1519, %get3A_1520] {strides = array<i32>} : memref<5x8000xi32, #tpu.memory_space<vmem>>, vector<16xi32>,
      %gather3A_1522 = tpu.vector_load_idx %arg6[%get3A_1521] : memref<128xf32, #tpu.memory_space<vmem>>[vector<16xi32>], vector<16xf32>,
      %mul3A_1523 = arith.constant 16 : i32
      %mul3A_1524 = arith.muli %scan3A_1515, %mul3A_1523 : i32
      %swap3A_1525 = arith.constant 1 : i32
      %swap3A_1526 = arith.index_cast %swap3A_1525 : i32 to index
      %swap3A_1527 = arith.index_cast %mul3A_1524 : i32 to index
      %swap3A_1528 = tpu.vector_load %arg9[%swap3A_1526, %swap3A_1527] {strides = array<i32>} : memref<5x8000xf32, #tpu.memory_space<vmem>>, vector<16xf32>,
      tpu.vector_store %arg9[%swap3A_1526, %swap3A_1527], %gather3A_1522 {strides = array<i32>} : memref<5x8000xf32, #tpu.memory_space<vmem>>, vector<16xf32>,
      %scan3A_1529 = arith.constant 4 : i32
      %scan3A_1530 = arith.addi %scan3A_1470, %scan3A_1529 : i32
      %mul3A_1531 = arith.constant 16 : i32
      %mul3A_1532 = arith.muli %scan3A_1530, %mul3A_1531 : i32
      %get3A_1533 = arith.constant 1 : i32
      %get3A_1534 = arith.index_cast %get3A_1533 : i32 to index
      %get3A_1535 = arith.index_cast %mul3A_1532 : i32 to index
      %get3A_1536 = tpu.vector_load %arg7[%get3A_1534, %get3A_1535] {strides = array<i32>} : memref<5x8000xi32, #tpu.memory_space<vmem>>, vector<16xi32>,
      %gather3A_1537 = tpu.vector_load_idx %arg6[%get3A_1536] : memref<128xf32, #tpu.memory_space<vmem>>[vector<16xi32>], vector<16xf32>,
      %mul3A_1538 = arith.constant 16 : i32
      %mul3A_1539 = arith.muli %scan3A_1530, %mul3A_1538 : i32
      %swap3A_1540 = arith.constant 1 : i32
      %swap3A_1541 = arith.index_cast %swap3A_1540 : i32 to index
      %swap3A_1542 = arith.index_cast %mul3A_1539 : i32 to index
      %swap3A_1543 = tpu.vector_load %arg9[%swap3A_1541, %swap3A_1542] {strides = array<i32>} : memref<5x8000xf32, #tpu.memory_space<vmem>>, vector<16xf32>,
      tpu.vector_store %arg9[%swap3A_1541, %swap3A_1542], %gather3A_1537 {strides = array<i32>} : memref<5x8000xf32, #tpu.memory_space<vmem>>, vector<16xf32>,
      %scan3A_1544 = arith.constant 5 : i32
      %scan3A_1545 = arith.addi %scan3A_1470, %scan3A_1544 : i32
      %mul3A_1546 = arith.constant 16 : i32
      %mul3A_1547 = arith.muli %scan3A_1545, %mul3A_1546 : i32
      %get3A_1548 = arith.constant 1 : i32
      %get3A_1549 = arith.index_cast %get3A_1548 : i32 to index
      %get3A_1550 = arith.index_cast %mul3A_1547 : i32 to index
      %get3A_1551 = tpu.vector_load %arg7[%get3A_1549, %get3A_1550] {strides = array<i32>} : memref<5x8000xi32, #tpu.memory_space<vmem>>, vector<16xi32>,
      %gather3A_1552 = tpu.vector_load_idx %arg6[%get3A_1551] : memref<128xf32, #tpu.memory_space<vmem>>[vector<16xi32>], vector<16xf32>,
      %mul3A_1553 = arith.constant 16 : i32
      %mul3A_1554 = arith.muli %scan3A_1545, %mul3A_1553 : i32
      %swap3A_1555 = arith.constant 1 : i32
      %swap3A_1556 = arith.index_cast %swap3A_1555 : i32 to index
      %swap3A_1557 = arith.index_cast %mul3A_1554 : i32 to index
      %swap3A_1558 = tpu.vector_load %arg9[%swap3A_1556, %swap3A_1557] {strides = array<i32>} : memref<5x8000xf32, #tpu.memory_space<vmem>>, vector<16xf32>,
      tpu.vector_store %arg9[%swap3A_1556, %swap3A_1557], %gather3A_1552 {strides = array<i32>} : memref<5x8000xf32, #tpu.memory_space<vmem>>, vector<16xf32>,
      %scan3A_1559 = arith.constant 6 : i32
      %scan3A_1560 = arith.addi %scan3A_1470, %scan3A_1559 : i32
      %mul3A_1561 = arith.constant 16 : i32
      %mul3A_1562 = arith.muli %scan3A_1560, %mul3A_1561 : i32
      %get3A_1563 = arith.constant 1 : i32
      %get3A_1564 = arith.index_cast %get3A_1563 : i32 to index
      %get3A_1565 = arith.index_cast %mul3A_1562 : i32 to index
      %get3A_1566 = tpu.vector_load %arg7[%get3A_1564, %get3A_1565] {strides = array<i32>} : memref<5x8000xi32, #tpu.memory_space<vmem>>, vector<16xi32>,
      %gather3A_1567 = tpu.vector_load_idx %arg6[%get3A_1566] : memref<128xf32, #tpu.memory_space<vmem>>[vector<16xi32>], vector<16xf32>,
      %mul3A_1568 = arith.constant 16 : i32
      %mul3A_1569 = arith.muli %scan3A_1560, %mul3A_1568 : i32
      %swap3A_1570 = arith.constant 1 : i32
      %swap3A_1571 = arith.index_cast %swap3A_1570 : i32 to index
      %swap3A_1572 = arith.index_cast %mul3A_1569 : i32 to index
      %swap3A_1573 = tpu.vector_load %arg9[%swap3A_1571, %swap3A_1572] {strides = array<i32>} : memref<5x8000xf32, #tpu.memory_space<vmem>>, vector<16xf32>,
      tpu.vector_store %arg9[%swap3A_1571, %swap3A_1572], %gather3A_1567 {strides = array<i32>} : memref<5x8000xf32, #tpu.memory_space<vmem>>, vector<16xf32>,
      %scan3A_1574 = arith.constant 7 : i32
      %scan3A_1575 = arith.addi %scan3A_1470, %scan3A_1574 : i32
      %mul3A_1576 = arith.constant 16 : i32
      %mul3A_1577 = arith.muli %scan3A_1575, %mul3A_1576 : i32
      %get3A_1578 = arith.constant 1 : i32
      %get3A_1579 = arith.index_cast %get3A_1578 : i32 to index
      %get3A_1580 = arith.index_cast %mul3A_1577 : i32 to index
      %get3A_1581 = tpu.vector_load %arg7[%get3A_1579, %get3A_1580] {strides = array<i32>} : memref<5x8000xi32, #tpu.memory_space<vmem>>, vector<16xi32>,
      %gather3A_1582 = tpu.vector_load_idx %arg6[%get3A_1581] : memref<128xf32, #tpu.memory_space<vmem>>[vector<16xi32>], vector<16xf32>,
      %mul3A_1583 = arith.constant 16 : i32
      %mul3A_1584 = arith.muli %scan3A_1575, %mul3A_1583 : i32
      %swap3A_1585 = arith.constant 1 : i32
      %swap3A_1586 = arith.index_cast %swap3A_1585 : i32 to index
      %swap3A_1587 = arith.index_cast %mul3A_1584 : i32 to index
      %swap3A_1588 = tpu.vector_load %arg9[%swap3A_1586, %swap3A_1587] {strides = array<i32>} : memref<5x8000xf32, #tpu.memory_space<vmem>>, vector<16xf32>,
      tpu.vector_store %arg9[%swap3A_1586, %swap3A_1587], %gather3A_1582 {strides = array<i32>} : memref<5x8000xf32, #tpu.memory_space<vmem>>, vector<16xf32>,
    }
    %scan3A_972 = arith.constant 496 : i32
    %scan3A_973 = arith.addi %scan3A_968, %scan3A_972 : i32
    %mul3A_974 = arith.constant 16 : i32
    %mul3A_975 = arith.muli %scan3A_973, %mul3A_974 : i32
    %get3A_976 = arith.constant 1 : i32
    %get3A_977 = arith.index_cast %get3A_976 : i32 to index
    %get3A_978 = arith.index_cast %mul3A_975 : i32 to index
    %get3A_979 = tpu.vector_load %arg7[%get3A_977, %get3A_978] {strides = array<i32>} : memref<5x8000xi32, #tpu.memory_space<vmem>>, vector<16xi32>,
    %gather3A_980 = tpu.vector_load_idx %arg6[%get3A_979] : memref<128xf32, #tpu.memory_space<vmem>>[vector<16xi32>], vector<16xf32>,
    %mul3A_981 = arith.constant 16 : i32
    %mul3A_982 = arith.muli %scan3A_973, %mul3A_981 : i32
    %swap3A_983 = arith.constant 1 : i32
    %swap3A_984 = arith.index_cast %swap3A_983 : i32 to index
    %swap3A_985 = arith.index_cast %mul3A_982 : i32 to index
    %swap3A_986 = tpu.vector_load %arg9[%swap3A_984, %swap3A_985] {strides = array<i32>} : memref<5x8000xf32, #tpu.memory_space<vmem>>, vector<16xf32>,
    tpu.vector_store %arg9[%swap3A_984, %swap3A_985], %gather3A_980 {strides = array<i32>} : memref<5x8000xf32, #tpu.memory_space<vmem>>, vector<16xf32>,
    %scan3A_987 = arith.constant 497 : i32
    %scan3A_988 = arith.addi %scan3A_968, %scan3A_987 : i32
    %mul3A_989 = arith.constant 16 : i32
    %mul3A_990 = arith.muli %scan3A_988, %mul3A_989 : i32
    %get3A_991 = arith.constant 1 : i32
    %get3A_992 = arith.index_cast %get3A_991 : i32 to index
    %get3A_993 = arith.index_cast %mul3A_990 : i32 to index
    %get3A_994 = tpu.vector_load %arg7[%get3A_992, %get3A_993] {strides = array<i32>} : memref<5x8000xi32, #tpu.memory_space<vmem>>, vector<16xi32>,
    %gather3A_995 = tpu.vector_load_idx %arg6[%get3A_994] : memref<128xf32, #tpu.memory_space<vmem>>[vector<16xi32>], vector<16xf32>,
    %mul3A_996 = arith.constant 16 : i32
    %mul3A_997 = arith.muli %scan3A_988, %mul3A_996 : i32
    %swap3A_998 = arith.constant 1 : i32
    %swap3A_999 = arith.index_cast %swap3A_998 : i32 to index
    %swap3A_1000 = arith.index_cast %mul3A_997 : i32 to index
    %swap3A_1001 = tpu.vector_load %arg9[%swap3A_999, %swap3A_1000] {strides = array<i32>} : memref<5x8000xf32, #tpu.memory_space<vmem>>, vector<16xf32>,
    tpu.vector_store %arg9[%swap3A_999, %swap3A_1000], %gather3A_995 {strides = array<i32>} : memref<5x8000xf32, #tpu.memory_space<vmem>>, vector<16xf32>,
    %scan3A_1002 = arith.constant 498 : i32
    %scan3A_1003 = arith.addi %scan3A_968, %scan3A_1002 : i32
    %mul3A_1004 = arith.constant 16 : i32
    %mul3A_1005 = arith.muli %scan3A_1003, %mul3A_1004 : i32
    %get3A_1006 = arith.constant 1 : i32
    %get3A_1007 = arith.index_cast %get3A_1006 : i32 to index
    %get3A_1008 = arith.index_cast %mul3A_1005 : i32 to index
    %get3A_1009 = tpu.vector_load %arg7[%get3A_1007, %get3A_1008] {strides = array<i32>} : memref<5x8000xi32, #tpu.memory_space<vmem>>, vector<16xi32>,
    %gather3A_1010 = tpu.vector_load_idx %arg6[%get3A_1009] : memref<128xf32, #tpu.memory_space<vmem>>[vector<16xi32>], vector<16xf32>,
    %mul3A_1011 = arith.constant 16 : i32
    %mul3A_1012 = arith.muli %scan3A_1003, %mul3A_1011 : i32
    %swap3A_1013 = arith.constant 1 : i32
    %swap3A_1014 = arith.index_cast %swap3A_1013 : i32 to index
    %swap3A_1015 = arith.index_cast %mul3A_1012 : i32 to index
    %swap3A_1016 = tpu.vector_load %arg9[%swap3A_1014, %swap3A_1015] {strides = array<i32>} : memref<5x8000xf32, #tpu.memory_space<vmem>>, vector<16xf32>,
    tpu.vector_store %arg9[%swap3A_1014, %swap3A_1015], %gather3A_1010 {strides = array<i32>} : memref<5x8000xf32, #tpu.memory_space<vmem>>, vector<16xf32>,
    %scan3A_1017 = arith.constant 499 : i32
    %scan3A_1018 = arith.addi %scan3A_968, %scan3A_1017 : i32
    %mul3A_1019 = arith.constant 16 : i32
    %mul3A_1020 = arith.muli %scan3A_1018, %mul3A_1019 : i32
    %get3A_1021 = arith.constant 1 : i32
    %get3A_1022 = arith.index_cast %get3A_1021 : i32 to index
    %get3A_1023 = arith.index_cast %mul3A_1020 : i32 to index
    %get3A_1024 = tpu.vector_load %arg7[%get3A_1022, %get3A_1023] {strides = array<i32>} : memref<5x8000xi32, #tpu.memory_space<vmem>>, vector<16xi32>,
    %gather3A_1025 = tpu.vector_load_idx %arg6[%get3A_1024] : memref<128xf32, #tpu.memory_space<vmem>>[vector<16xi32>], vector<16xf32>,
    %mul3A_1026 = arith.constant 16 : i32
    %mul3A_1027 = arith.muli %scan3A_1018, %mul3A_1026 : i32
    %swap3A_1028 = arith.constant 1 : i32
    %swap3A_1029 = arith.index_cast %swap3A_1028 : i32 to index
    %swap3A_1030 = arith.index_cast %mul3A_1027 : i32 to index
    %swap3A_1031 = tpu.vector_load %arg9[%swap3A_1029, %swap3A_1030] {strides = array<i32>} : memref<5x8000xf32, #tpu.memory_space<vmem>>, vector<16xf32>,
    tpu.vector_store %arg9[%swap3A_1029, %swap3A_1030], %gather3A_1025 {strides = array<i32>} : memref<5x8000xf32, #tpu.memory_space<vmem>>, vector<16xf32>,
    %scan3A_1032 = arith.constant 500 : i32
    %dma_start3A_1033 = arith.constant 1 : i32
    %dma_start3A_1034 = arith.constant 1 : i32
    %dma_start3A_1035 = arith.constant 1 : i32
    %dma_start3A_1036 = arith.constant 0 : i32
    %dma_start3A_1037 = tpu.memref_slice %arg9[%dma_start3A_1033, %dma_start3A_1036] : memref<5x8000xf32, #tpu.memory_space<vmem>> -> memref<1x8000xf32, #tpu.memory_space<vmem>>
    %dma_start3A_1038 = tpu.memref_squeeze %dma_start3A_1037 : memref<1x8000xf32, #tpu.memory_space<vmem>> -> memref<8000xf32, #tpu.memory_space<vmem>>
    %dma_start3A_1039 = arith.constant 0 : i32
    %dma_start3A_1040 = tpu.memref_slice %arg8[%dma_start3A_1034, %dma_start3A_1039] : memref<5x8000xi32, #tpu.memory_space<vmem>> -> memref<1x8000xi32, #tpu.memory_space<vmem>>
    %dma_start3A_1041 = tpu.memref_squeeze %dma_start3A_1040 : memref<1x8000xi32, #tpu.memory_space<vmem>> -> memref<8000xi32, #tpu.memory_space<vmem>>
    %dma_start3A_1042 = arith.constant 0 : i32
    %dma_start3A_1043 = tpu.memref_slice %arg11[%dma_start3A_1042] : memref<102400xf32, #tpu.memory_space<vmem_shared>> -> memref<102400xf32, #tpu.memory_space<vmem_shared>>
    %dma_start3A_1044 = tpu.memref_slice %arg13[%dma_start3A_1035] : memref<5x!tpu.dma_semaphore, #tpu.memory_space<semaphore_mem>> -> memref<1x!tpu.dma_semaphore, #tpu.memory_space<semaphore_mem>>
    %dma_start3A_1045 = tpu.memref_squeeze %dma_start3A_1044 : memref<1x!tpu.dma_semaphore, #tpu.memory_space<semaphore_mem>> -> memref<!tpu.dma_semaphore, #tpu.memory_space<semaphore_mem>>
    tpu.enqueue_indirect_dma source(%dma_start3A_1038 : memref<8000xf32, #tpu.memory_space<vmem>>) target(%dma_start3A_1043 : memref<102400xf32, #tpu.memory_space<vmem_shared>>) offsets(%dma_start3A_1041 : memref<8000xi32, #tpu.memory_space<vmem>>) semaphore(%dma_start3A_1045 : memref<!tpu.dma_semaphore, #tpu.memory_space<semaphore_mem>>) {add = true}
    %dma_wait3A_1046 = arith.constant 4 : i32
    %dma_wait3A_1047 = arith.constant 4 : i32
    %dma_wait3A_1048 = arith.constant 4 : i32
    %dma_wait3A_1049 = arith.constant 0 : i32
    %dma_wait3A_1050 = tpu.memref_slice %arg9[%dma_wait3A_1046, %dma_wait3A_1049] : memref<5x8000xf32, #tpu.memory_space<vmem>> -> memref<1x8000xf32, #tpu.memory_space<vmem>>
    %dma_wait3A_1051 = tpu.memref_squeeze %dma_wait3A_1050 : memref<1x8000xf32, #tpu.memory_space<vmem>> -> memref<8000xf32, #tpu.memory_space<vmem>>
    %dma_wait3A_1052 = arith.constant 0 : i32
    %dma_wait3A_1053 = tpu.memref_slice %arg8[%dma_wait3A_1047, %dma_wait3A_1052] : memref<5x8000xi32, #tpu.memory_space<vmem>> -> memref<1x8000xi32, #tpu.memory_space<vmem>>
    %dma_wait3A_1054 = tpu.memref_squeeze %dma_wait3A_1053 : memref<1x8000xi32, #tpu.memory_space<vmem>> -> memref<8000xi32, #tpu.memory_space<vmem>>
    %dma_wait3A_1055 = arith.constant 0 : i32
    %dma_wait3A_1056 = tpu.memref_slice %arg11[%dma_wait3A_1055] : memref<102400xf32, #tpu.memory_space<vmem_shared>> -> memref<102400xf32, #tpu.memory_space<vmem_shared>>
    %dma_wait3A_1057 = tpu.memref_slice %arg13[%dma_wait3A_1048] : memref<5x!tpu.dma_semaphore, #tpu.memory_space<semaphore_mem>> -> memref<1x!tpu.dma_semaphore, #tpu.memory_space<semaphore_mem>>
    %dma_wait3A_1058 = tpu.memref_squeeze %dma_wait3A_1057 : memref<1x!tpu.dma_semaphore, #tpu.memory_space<semaphore_mem>> -> memref<!tpu.dma_semaphore, #tpu.memory_space<semaphore_mem>>
    tpu.wait_indirect_dma semaphore(%dma_wait3A_1058 : memref<!tpu.dma_semaphore, #tpu.memory_space<semaphore_mem>>) src(%dma_wait3A_1051 : memref<8000xf32, #tpu.memory_space<vmem>>) dst(%dma_wait3A_1056 : memref<102400xf32, #tpu.memory_space<vmem_shared>>)
    %add3A_1059 = arith.constant 192000 : i32
    %add3A_1060 = arith.addi %mul3A_2, %add3A_1059 : i32
    %dma_start3A_1061 = arith.constant 4 : i32
    %dma_start3A_1062 = arith.constant 4 : i32
    %dma_start3A_1063 = arith.constant 0 : i32
    %dma_start3A_1064 = tpu.memref_slice %arg7[%dma_start3A_1061, %dma_start3A_1063] : memref<5x8000xi32, #tpu.memory_space<vmem>> -> memref<1x8000xi32, #tpu.memory_space<vmem>>
    %dma_start3A_1065 = tpu.memref_squeeze %dma_start3A_1064 : memref<1x8000xi32, #tpu.memory_space<vmem>> -> memref<8000xi32, #tpu.memory_space<vmem>>
    %dma_start3A_1066 = tpu.memref_slice %arg3[%add3A_1060] : memref<6400000xi32, #tpu.memory_space<hbm>> -> memref<8000xi32, #tpu.memory_space<hbm>>
    %dma_start3A_1067 = tpu.memref_slice %arg12[%dma_start3A_1062] : memref<5x!tpu.dma_semaphore, #tpu.memory_space<semaphore_mem>> -> memref<1x!tpu.dma_semaphore, #tpu.memory_space<semaphore_mem>>
    %dma_start3A_1068 = tpu.memref_squeeze %dma_start3A_1067 : memref<1x!tpu.dma_semaphore, #tpu.memory_space<semaphore_mem>> -> memref<!tpu.dma_semaphore, #tpu.memory_space<semaphore_mem>>
    %dma_start3A_1069 = arith.constant 0 : i32
    %dma_start3A_1070 = tpu.memref_slice %arg7[%dma_start3A_1061, %dma_start3A_1069] : memref<5x8000xi32, #tpu.memory_space<vmem>> -> memref<1x8000xi32, #tpu.memory_space<vmem>>
    %dma_start3A_1071 = tpu.memref_squeeze %dma_start3A_1070 : memref<1x8000xi32, #tpu.memory_space<vmem>> -> memref<8000xi32, #tpu.memory_space<vmem>>
    %dma_start3A_1072 = tpu.memref_slice %arg3[%add3A_1060] : memref<6400000xi32, #tpu.memory_space<hbm>> -> memref<8000xi32, #tpu.memory_space<hbm>>
    tpu.enqueue_dma source(%dma_start3A_1072 : memref<8000xi32, #tpu.memory_space<hbm>>) target(%dma_start3A_1071 : memref<8000xi32, #tpu.memory_space<vmem>>) target_semaphore(%dma_start3A_1068 : memref<!tpu.dma_semaphore, #tpu.memory_space<semaphore_mem>>)
    %dma_start3A_1073 = arith.constant 4 : i32
    %dma_start3A_1074 = arith.constant 4 : i32
    %dma_start3A_1075 = arith.constant 0 : i32
    %dma_start3A_1076 = tpu.memref_slice %arg8[%dma_start3A_1073, %dma_start3A_1075] : memref<5x8000xi32, #tpu.memory_space<vmem>> -> memref<1x8000xi32, #tpu.memory_space<vmem>>
    %dma_start3A_1077 = tpu.memref_squeeze %dma_start3A_1076 : memref<1x8000xi32, #tpu.memory_space<vmem>> -> memref<8000xi32, #tpu.memory_space<vmem>>
    %dma_start3A_1078 = tpu.memref_slice %arg4[%add3A_1060] : memref<6400000xi32, #tpu.memory_space<hbm>> -> memref<8000xi32, #tpu.memory_space<hbm>>
    %dma_start3A_1079 = tpu.memref_slice %arg12[%dma_start3A_1074] : memref<5x!tpu.dma_semaphore, #tpu.memory_space<semaphore_mem>> -> memref<1x!tpu.dma_semaphore, #tpu.memory_space<semaphore_mem>>
    %dma_start3A_1080 = tpu.memref_squeeze %dma_start3A_1079 : memref<1x!tpu.dma_semaphore, #tpu.memory_space<semaphore_mem>> -> memref<!tpu.dma_semaphore, #tpu.memory_space<semaphore_mem>>
    %dma_start3A_1081 = arith.constant 0 : i32
    %dma_start3A_1082 = tpu.memref_slice %arg8[%dma_start3A_1073, %dma_start3A_1081] : memref<5x8000xi32, #tpu.memory_space<vmem>> -> memref<1x8000xi32, #tpu.memory_space<vmem>>
    %dma_start3A_1083 = tpu.memref_squeeze %dma_start3A_1082 : memref<1x8000xi32, #tpu.memory_space<vmem>> -> memref<8000xi32, #tpu.memory_space<vmem>>
    %dma_start3A_1084 = tpu.memref_slice %arg4[%add3A_1060] : memref<6400000xi32, #tpu.memory_space<hbm>> -> memref<8000xi32, #tpu.memory_space<hbm>>
    tpu.enqueue_dma source(%dma_start3A_1084 : memref<8000xi32, #tpu.memory_space<hbm>>) target(%dma_start3A_1083 : memref<8000xi32, #tpu.memory_space<vmem>>) target_semaphore(%dma_start3A_1080 : memref<!tpu.dma_semaphore, #tpu.memory_space<semaphore_mem>>)
    %add3A_1085 = arith.constant 176000 : i32
    %add3A_1086 = arith.addi %mul3A_2, %add3A_1085 : i32
    %dma_wait3A_1087 = arith.constant 2 : i32
    %dma_wait3A_1088 = arith.constant 2 : i32
    %dma_wait3A_1089 = arith.constant 0 : i32
    %dma_wait3A_1090 = tpu.memref_slice %arg7[%dma_wait3A_1087, %dma_wait3A_1089] : memref<5x8000xi32, #tpu.memory_space<vmem>> -> memref<1x8000xi32, #tpu.memory_space<vmem>>
    %dma_wait3A_1091 = tpu.memref_squeeze %dma_wait3A_1090 : memref<1x8000xi32, #tpu.memory_space<vmem>> -> memref<8000xi32, #tpu.memory_space<vmem>>
    %dma_wait3A_1092 = tpu.memref_slice %arg3[%add3A_1086] : memref<6400000xi32, #tpu.memory_space<hbm>> -> memref<8000xi32, #tpu.memory_space<hbm>>
    %dma_wait3A_1093 = tpu.memref_slice %arg12[%dma_wait3A_1088] : memref<5x!tpu.dma_semaphore, #tpu.memory_space<semaphore_mem>> -> memref<1x!tpu.dma_semaphore, #tpu.memory_space<semaphore_mem>>
    %dma_wait3A_1094 = tpu.memref_squeeze %dma_wait3A_1093 : memref<1x!tpu.dma_semaphore, #tpu.memory_space<semaphore_mem>> -> memref<!tpu.dma_semaphore, #tpu.memory_space<semaphore_mem>>
    %dma_wait3A_1095 = arith.constant 0 : i32
    %dma_wait3A_1096 = tpu.memref_slice %arg7[%dma_wait3A_1087, %dma_wait3A_1095] : memref<5x8000xi32, #tpu.memory_space<vmem>> -> memref<1x8000xi32, #tpu.memory_space<vmem>>
    %dma_wait3A_1097 = tpu.memref_squeeze %dma_wait3A_1096 : memref<1x8000xi32, #tpu.memory_space<vmem>> -> memref<8000xi32, #tpu.memory_space<vmem>>
    %dma_wait3A_1098 = tpu.memref_slice %arg3[%add3A_1086] : memref<6400000xi32, #tpu.memory_space<hbm>> -> memref<8000xi32, #tpu.memory_space<hbm>>
    tpu.wait_dma2 semaphore(%dma_wait3A_1094 : memref<!tpu.dma_semaphore, #tpu.memory_space<semaphore_mem>>) src(%dma_wait3A_1098 : memref<8000xi32, #tpu.memory_space<hbm>>) dst(%dma_wait3A_1097 : memref<8000xi32, #tpu.memory_space<vmem>>)
    %dma_wait3A_1099 = arith.constant 2 : i32
    %dma_wait3A_1100 = arith.constant 2 : i32
    %dma_wait3A_1101 = arith.constant 0 : i32
    %dma_wait3A_1102 = tpu.memref_slice %arg8[%dma_wait3A_1099, %dma_wait3A_1101] : memref<5x8000xi32, #tpu.memory_space<vmem>> -> memref<1x8000xi32, #tpu.memory_space<vmem>>
    %dma_wait3A_1103 = tpu.memref_squeeze %dma_wait3A_1102 : memref<1x8000xi32, #tpu.memory_space<vmem>> -> memref<8000xi32, #tpu.memory_space<vmem>>
    %dma_wait3A_1104 = tpu.memref_slice %arg4[%add3A_1086] : memref<6400000xi32, #tpu.memory_space<hbm>> -> memref<8000xi32, #tpu.memory_space<hbm>>
    %dma_wait3A_1105 = tpu.memref_slice %arg12[%dma_wait3A_1100] : memref<5x!tpu.dma_semaphore, #tpu.memory_space<semaphore_mem>> -> memref<1x!tpu.dma_semaphore, #tpu.memory_space<semaphore_mem>>
    %dma_wait3A_1106 = tpu.memref_squeeze %dma_wait3A_1105 : memref<1x!tpu.dma_semaphore, #tpu.memory_space<semaphore_mem>> -> memref<!tpu.dma_semaphore, #tpu.memory_space<semaphore_mem>>
    %dma_wait3A_1107 = arith.constant 0 : i32
    %dma_wait3A_1108 = tpu.memref_slice %arg8[%dma_wait3A_1099, %dma_wait3A_1107] : memref<5x8000xi32, #tpu.memory_space<vmem>> -> memref<1x8000xi32, #tpu.memory_space<vmem>>
    %dma_wait3A_1109 = tpu.memref_squeeze %dma_wait3A_1108 : memref<1x8000xi32, #tpu.memory_space<vmem>> -> memref<8000xi32, #tpu.memory_space<vmem>>
    %dma_wait3A_1110 = tpu.memref_slice %arg4[%add3A_1086] : memref<6400000xi32, #tpu.memory_space<hbm>> -> memref<8000xi32, #tpu.memory_space<hbm>>
    tpu.wait_dma2 semaphore(%dma_wait3A_1106 : memref<!tpu.dma_semaphore, #tpu.memory_space<semaphore_mem>>) src(%dma_wait3A_1110 : memref<8000xi32, #tpu.memory_space<hbm>>) dst(%dma_wait3A_1109 : memref<8000xi32, #tpu.memory_space<vmem>>)
    %scan3A_1111 = arith.constant 0 : i32
    %scan3A_1112 = arith.constant 0 : i32
    %scan3A_1113 = arith.constant 496 : i32
    %scan3A_1114 = arith.addi %scan3A_1112, %scan3A_1113 : i32
    %scan3A_1115 = arith.constant 8 : i32
    scf.for %scan3A_1470 = %scan3A_1112 to %scan3A_1114 step %scan3A_1115  : i32 {
      %mul3A_1471 = arith.constant 16 : i32
      %mul3A_1472 = arith.muli %scan3A_1470, %mul3A_1471 : i32
      %get3A_1473 = arith.constant 2 : i32
      %get3A_1474 = arith.index_cast %get3A_1473 : i32 to index
      %get3A_1475 = arith.index_cast %mul3A_1472 : i32 to index
      %get3A_1476 = tpu.vector_load %arg7[%get3A_1474, %get3A_1475] {strides = array<i32>} : memref<5x8000xi32, #tpu.memory_space<vmem>>, vector<16xi32>,
      %gather3A_1477 = tpu.vector_load_idx %arg6[%get3A_1476] : memref<128xf32, #tpu.memory_space<vmem>>[vector<16xi32>], vector<16xf32>,
      %mul3A_1478 = arith.constant 16 : i32
      %mul3A_1479 = arith.muli %scan3A_1470, %mul3A_1478 : i32
      %swap3A_1480 = arith.constant 2 : i32
      %swap3A_1481 = arith.index_cast %swap3A_1480 : i32 to index
      %swap3A_1482 = arith.index_cast %mul3A_1479 : i32 to index
      %swap3A_1483 = tpu.vector_load %arg9[%swap3A_1481, %swap3A_1482] {strides = array<i32>} : memref<5x8000xf32, #tpu.memory_space<vmem>>, vector<16xf32>,
      tpu.vector_store %arg9[%swap3A_1481, %swap3A_1482], %gather3A_1477 {strides = array<i32>} : memref<5x8000xf32, #tpu.memory_space<vmem>>, vector<16xf32>,
      %scan3A_1484 = arith.constant 1 : i32
      %scan3A_1485 = arith.addi %scan3A_1470, %scan3A_1484 : i32
      %mul3A_1486 = arith.constant 16 : i32
      %mul3A_1487 = arith.muli %scan3A_1485, %mul3A_1486 : i32
      %get3A_1488 = arith.constant 2 : i32
      %get3A_1489 = arith.index_cast %get3A_1488 : i32 to index
      %get3A_1490 = arith.index_cast %mul3A_1487 : i32 to index
      %get3A_1491 = tpu.vector_load %arg7[%get3A_1489, %get3A_1490] {strides = array<i32>} : memref<5x8000xi32, #tpu.memory_space<vmem>>, vector<16xi32>,
      %gather3A_1492 = tpu.vector_load_idx %arg6[%get3A_1491] : memref<128xf32, #tpu.memory_space<vmem>>[vector<16xi32>], vector<16xf32>,
      %mul3A_1493 = arith.constant 16 : i32
      %mul3A_1494 = arith.muli %scan3A_1485, %mul3A_1493 : i32
      %swap3A_1495 = arith.constant 2 : i32
      %swap3A_1496 = arith.index_cast %swap3A_1495 : i32 to index
      %swap3A_1497 = arith.index_cast %mul3A_1494 : i32 to index
      %swap3A_1498 = tpu.vector_load %arg9[%swap3A_1496, %swap3A_1497] {strides = array<i32>} : memref<5x8000xf32, #tpu.memory_space<vmem>>, vector<16xf32>,
      tpu.vector_store %arg9[%swap3A_1496, %swap3A_1497], %gather3A_1492 {strides = array<i32>} : memref<5x8000xf32, #tpu.memory_space<vmem>>, vector<16xf32>,
      %scan3A_1499 = arith.constant 2 : i32
      %scan3A_1500 = arith.addi %scan3A_1470, %scan3A_1499 : i32
      %mul3A_1501 = arith.constant 16 : i32
      %mul3A_1502 = arith.muli %scan3A_1500, %mul3A_1501 : i32
      %get3A_1503 = arith.constant 2 : i32
      %get3A_1504 = arith.index_cast %get3A_1503 : i32 to index
      %get3A_1505 = arith.index_cast %mul3A_1502 : i32 to index
      %get3A_1506 = tpu.vector_load %arg7[%get3A_1504, %get3A_1505] {strides = array<i32>} : memref<5x8000xi32, #tpu.memory_space<vmem>>, vector<16xi32>,
      %gather3A_1507 = tpu.vector_load_idx %arg6[%get3A_1506] : memref<128xf32, #tpu.memory_space<vmem>>[vector<16xi32>], vector<16xf32>,
      %mul3A_1508 = arith.constant 16 : i32
      %mul3A_1509 = arith.muli %scan3A_1500, %mul3A_1508 : i32
      %swap3A_1510 = arith.constant 2 : i32
      %swap3A_1511 = arith.index_cast %swap3A_1510 : i32 to index
      %swap3A_1512 = arith.index_cast %mul3A_1509 : i32 to index
      %swap3A_1513 = tpu.vector_load %arg9[%swap3A_1511, %swap3A_1512] {strides = array<i32>} : memref<5x8000xf32, #tpu.memory_space<vmem>>, vector<16xf32>,
      tpu.vector_store %arg9[%swap3A_1511, %swap3A_1512], %gather3A_1507 {strides = array<i32>} : memref<5x8000xf32, #tpu.memory_space<vmem>>, vector<16xf32>,
      %scan3A_1514 = arith.constant 3 : i32
      %scan3A_1515 = arith.addi %scan3A_1470, %scan3A_1514 : i32
      %mul3A_1516 = arith.constant 16 : i32
      %mul3A_1517 = arith.muli %scan3A_1515, %mul3A_1516 : i32
      %get3A_1518 = arith.constant 2 : i32
      %get3A_1519 = arith.index_cast %get3A_1518 : i32 to index
      %get3A_1520 = arith.index_cast %mul3A_1517 : i32 to index
      %get3A_1521 = tpu.vector_load %arg7[%get3A_1519, %get3A_1520] {strides = array<i32>} : memref<5x8000xi32, #tpu.memory_space<vmem>>, vector<16xi32>,
      %gather3A_1522 = tpu.vector_load_idx %arg6[%get3A_1521] : memref<128xf32, #tpu.memory_space<vmem>>[vector<16xi32>], vector<16xf32>,
      %mul3A_1523 = arith.constant 16 : i32
      %mul3A_1524 = arith.muli %scan3A_1515, %mul3A_1523 : i32
      %swap3A_1525 = arith.constant 2 : i32
      %swap3A_1526 = arith.index_cast %swap3A_1525 : i32 to index
      %swap3A_1527 = arith.index_cast %mul3A_1524 : i32 to index
      %swap3A_1528 = tpu.vector_load %arg9[%swap3A_1526, %swap3A_1527] {strides = array<i32>} : memref<5x8000xf32, #tpu.memory_space<vmem>>, vector<16xf32>,
      tpu.vector_store %arg9[%swap3A_1526, %swap3A_1527], %gather3A_1522 {strides = array<i32>} : memref<5x8000xf32, #tpu.memory_space<vmem>>, vector<16xf32>,
      %scan3A_1529 = arith.constant 4 : i32
      %scan3A_1530 = arith.addi %scan3A_1470, %scan3A_1529 : i32
      %mul3A_1531 = arith.constant 16 : i32
      %mul3A_1532 = arith.muli %scan3A_1530, %mul3A_1531 : i32
      %get3A_1533 = arith.constant 2 : i32
      %get3A_1534 = arith.index_cast %get3A_1533 : i32 to index
      %get3A_1535 = arith.index_cast %mul3A_1532 : i32 to index
      %get3A_1536 = tpu.vector_load %arg7[%get3A_1534, %get3A_1535] {strides = array<i32>} : memref<5x8000xi32, #tpu.memory_space<vmem>>, vector<16xi32>,
      %gather3A_1537 = tpu.vector_load_idx %arg6[%get3A_1536] : memref<128xf32, #tpu.memory_space<vmem>>[vector<16xi32>], vector<16xf32>,
      %mul3A_1538 = arith.constant 16 : i32
      %mul3A_1539 = arith.muli %scan3A_1530, %mul3A_1538 : i32
      %swap3A_1540 = arith.constant 2 : i32
      %swap3A_1541 = arith.index_cast %swap3A_1540 : i32 to index
      %swap3A_1542 = arith.index_cast %mul3A_1539 : i32 to index
      %swap3A_1543 = tpu.vector_load %arg9[%swap3A_1541, %swap3A_1542] {strides = array<i32>} : memref<5x8000xf32, #tpu.memory_space<vmem>>, vector<16xf32>,
      tpu.vector_store %arg9[%swap3A_1541, %swap3A_1542], %gather3A_1537 {strides = array<i32>} : memref<5x8000xf32, #tpu.memory_space<vmem>>, vector<16xf32>,
      %scan3A_1544 = arith.constant 5 : i32
      %scan3A_1545 = arith.addi %scan3A_1470, %scan3A_1544 : i32
      %mul3A_1546 = arith.constant 16 : i32
      %mul3A_1547 = arith.muli %scan3A_1545, %mul3A_1546 : i32
      %get3A_1548 = arith.constant 2 : i32
      %get3A_1549 = arith.index_cast %get3A_1548 : i32 to index
      %get3A_1550 = arith.index_cast %mul3A_1547 : i32 to index
      %get3A_1551 = tpu.vector_load %arg7[%get3A_1549, %get3A_1550] {strides = array<i32>} : memref<5x8000xi32, #tpu.memory_space<vmem>>, vector<16xi32>,
      %gather3A_1552 = tpu.vector_load_idx %arg6[%get3A_1551] : memref<128xf32, #tpu.memory_space<vmem>>[vector<16xi32>], vector<16xf32>,
      %mul3A_1553 = arith.constant 16 : i32
      %mul3A_1554 = arith.muli %scan3A_1545, %mul3A_1553 : i32
      %swap3A_1555 = arith.constant 2 : i32
      %swap3A_1556 = arith.index_cast %swap3A_1555 : i32 to index
      %swap3A_1557 = arith.index_cast %mul3A_1554 : i32 to index
      %swap3A_1558 = tpu.vector_load %arg9[%swap3A_1556, %swap3A_1557] {strides = array<i32>} : memref<5x8000xf32, #tpu.memory_space<vmem>>, vector<16xf32>,
      tpu.vector_store %arg9[%swap3A_1556, %swap3A_1557], %gather3A_1552 {strides = array<i32>} : memref<5x8000xf32, #tpu.memory_space<vmem>>, vector<16xf32>,
      %scan3A_1559 = arith.constant 6 : i32
      %scan3A_1560 = arith.addi %scan3A_1470, %scan3A_1559 : i32
      %mul3A_1561 = arith.constant 16 : i32
      %mul3A_1562 = arith.muli %scan3A_1560, %mul3A_1561 : i32
      %get3A_1563 = arith.constant 2 : i32
      %get3A_1564 = arith.index_cast %get3A_1563 : i32 to index
      %get3A_1565 = arith.index_cast %mul3A_1562 : i32 to index
      %get3A_1566 = tpu.vector_load %arg7[%get3A_1564, %get3A_1565] {strides = array<i32>} : memref<5x8000xi32, #tpu.memory_space<vmem>>, vector<16xi32>,
      %gather3A_1567 = tpu.vector_load_idx %arg6[%get3A_1566] : memref<128xf32, #tpu.memory_space<vmem>>[vector<16xi32>], vector<16xf32>,
      %mul3A_1568 = arith.constant 16 : i32
      %mul3A_1569 = arith.muli %scan3A_1560, %mul3A_1568 : i32
      %swap3A_1570 = arith.constant 2 : i32
      %swap3A_1571 = arith.index_cast %swap3A_1570 : i32 to index
      %swap3A_1572 = arith.index_cast %mul3A_1569 : i32 to index
      %swap3A_1573 = tpu.vector_load %arg9[%swap3A_1571, %swap3A_1572] {strides = array<i32>} : memref<5x8000xf32, #tpu.memory_space<vmem>>, vector<16xf32>,
      tpu.vector_store %arg9[%swap3A_1571, %swap3A_1572], %gather3A_1567 {strides = array<i32>} : memref<5x8000xf32, #tpu.memory_space<vmem>>, vector<16xf32>,
      %scan3A_1574 = arith.constant 7 : i32
      %scan3A_1575 = arith.addi %scan3A_1470, %scan3A_1574 : i32
      %mul3A_1576 = arith.constant 16 : i32
      %mul3A_1577 = arith.muli %scan3A_1575, %mul3A_1576 : i32
      %get3A_1578 = arith.constant 2 : i32
      %get3A_1579 = arith.index_cast %get3A_1578 : i32 to index
      %get3A_1580 = arith.index_cast %mul3A_1577 : i32 to index
      %get3A_1581 = tpu.vector_load %arg7[%get3A_1579, %get3A_1580] {strides = array<i32>} : memref<5x8000xi32, #tpu.memory_space<vmem>>, vector<16xi32>,
      %gather3A_1582 = tpu.vector_load_idx %arg6[%get3A_1581] : memref<128xf32, #tpu.memory_space<vmem>>[vector<16xi32>], vector<16xf32>,
      %mul3A_1583 = arith.constant 16 : i32
      %mul3A_1584 = arith.muli %scan3A_1575, %mul3A_1583 : i32
      %swap3A_1585 = arith.constant 2 : i32
      %swap3A_1586 = arith.index_cast %swap3A_1585 : i32 to index
      %swap3A_1587 = arith.index_cast %mul3A_1584 : i32 to index
      %swap3A_1588 = tpu.vector_load %arg9[%swap3A_1586, %swap3A_1587] {strides = array<i32>} : memref<5x8000xf32, #tpu.memory_space<vmem>>, vector<16xf32>,
      tpu.vector_store %arg9[%swap3A_1586, %swap3A_1587], %gather3A_1582 {strides = array<i32>} : memref<5x8000xf32, #tpu.memory_space<vmem>>, vector<16xf32>,
    }
    %scan3A_1116 = arith.constant 496 : i32
    %scan3A_1117 = arith.addi %scan3A_1112, %scan3A_1116 : i32
    %mul3A_1118 = arith.constant 16 : i32
    %mul3A_1119 = arith.muli %scan3A_1117, %mul3A_1118 : i32
    %get3A_1120 = arith.constant 2 : i32
    %get3A_1121 = arith.index_cast %get3A_1120 : i32 to index
    %get3A_1122 = arith.index_cast %mul3A_1119 : i32 to index
    %get3A_1123 = tpu.vector_load %arg7[%get3A_1121, %get3A_1122] {strides = array<i32>} : memref<5x8000xi32, #tpu.memory_space<vmem>>, vector<16xi32>,
    %gather3A_1124 = tpu.vector_load_idx %arg6[%get3A_1123] : memref<128xf32, #tpu.memory_space<vmem>>[vector<16xi32>], vector<16xf32>,
    %mul3A_1125 = arith.constant 16 : i32
    %mul3A_1126 = arith.muli %scan3A_1117, %mul3A_1125 : i32
    %swap3A_1127 = arith.constant 2 : i32
    %swap3A_1128 = arith.index_cast %swap3A_1127 : i32 to index
    %swap3A_1129 = arith.index_cast %mul3A_1126 : i32 to index
    %swap3A_1130 = tpu.vector_load %arg9[%swap3A_1128, %swap3A_1129] {strides = array<i32>} : memref<5x8000xf32, #tpu.memory_space<vmem>>, vector<16xf32>,
    tpu.vector_store %arg9[%swap3A_1128, %swap3A_1129], %gather3A_1124 {strides = array<i32>} : memref<5x8000xf32, #tpu.memory_space<vmem>>, vector<16xf32>,
    %scan3A_1131 = arith.constant 497 : i32
    %scan3A_1132 = arith.addi %scan3A_1112, %scan3A_1131 : i32
    %mul3A_1133 = arith.constant 16 : i32
    %mul3A_1134 = arith.muli %scan3A_1132, %mul3A_1133 : i32
    %get3A_1135 = arith.constant 2 : i32
    %get3A_1136 = arith.index_cast %get3A_1135 : i32 to index
    %get3A_1137 = arith.index_cast %mul3A_1134 : i32 to index
    %get3A_1138 = tpu.vector_load %arg7[%get3A_1136, %get3A_1137] {strides = array<i32>} : memref<5x8000xi32, #tpu.memory_space<vmem>>, vector<16xi32>,
    %gather3A_1139 = tpu.vector_load_idx %arg6[%get3A_1138] : memref<128xf32, #tpu.memory_space<vmem>>[vector<16xi32>], vector<16xf32>,
    %mul3A_1140 = arith.constant 16 : i32
    %mul3A_1141 = arith.muli %scan3A_1132, %mul3A_1140 : i32
    %swap3A_1142 = arith.constant 2 : i32
    %swap3A_1143 = arith.index_cast %swap3A_1142 : i32 to index
    %swap3A_1144 = arith.index_cast %mul3A_1141 : i32 to index
    %swap3A_1145 = tpu.vector_load %arg9[%swap3A_1143, %swap3A_1144] {strides = array<i32>} : memref<5x8000xf32, #tpu.memory_space<vmem>>, vector<16xf32>,
    tpu.vector_store %arg9[%swap3A_1143, %swap3A_1144], %gather3A_1139 {strides = array<i32>} : memref<5x8000xf32, #tpu.memory_space<vmem>>, vector<16xf32>,
    %scan3A_1146 = arith.constant 498 : i32
    %scan3A_1147 = arith.addi %scan3A_1112, %scan3A_1146 : i32
    %mul3A_1148 = arith.constant 16 : i32
    %mul3A_1149 = arith.muli %scan3A_1147, %mul3A_1148 : i32
    %get3A_1150 = arith.constant 2 : i32
    %get3A_1151 = arith.index_cast %get3A_1150 : i32 to index
    %get3A_1152 = arith.index_cast %mul3A_1149 : i32 to index
    %get3A_1153 = tpu.vector_load %arg7[%get3A_1151, %get3A_1152] {strides = array<i32>} : memref<5x8000xi32, #tpu.memory_space<vmem>>, vector<16xi32>,
    %gather3A_1154 = tpu.vector_load_idx %arg6[%get3A_1153] : memref<128xf32, #tpu.memory_space<vmem>>[vector<16xi32>], vector<16xf32>,
    %mul3A_1155 = arith.constant 16 : i32
    %mul3A_1156 = arith.muli %scan3A_1147, %mul3A_1155 : i32
    %swap3A_1157 = arith.constant 2 : i32
    %swap3A_1158 = arith.index_cast %swap3A_1157 : i32 to index
    %swap3A_1159 = arith.index_cast %mul3A_1156 : i32 to index
    %swap3A_1160 = tpu.vector_load %arg9[%swap3A_1158, %swap3A_1159] {strides = array<i32>} : memref<5x8000xf32, #tpu.memory_space<vmem>>, vector<16xf32>,
    tpu.vector_store %arg9[%swap3A_1158, %swap3A_1159], %gather3A_1154 {strides = array<i32>} : memref<5x8000xf32, #tpu.memory_space<vmem>>, vector<16xf32>,
    %scan3A_1161 = arith.constant 499 : i32
    %scan3A_1162 = arith.addi %scan3A_1112, %scan3A_1161 : i32
    %mul3A_1163 = arith.constant 16 : i32
    %mul3A_1164 = arith.muli %scan3A_1162, %mul3A_1163 : i32
    %get3A_1165 = arith.constant 2 : i32
    %get3A_1166 = arith.index_cast %get3A_1165 : i32 to index
    %get3A_1167 = arith.index_cast %mul3A_1164 : i32 to index
    %get3A_1168 = tpu.vector_load %arg7[%get3A_1166, %get3A_1167] {strides = array<i32>} : memref<5x8000xi32, #tpu.memory_space<vmem>>, vector<16xi32>,
    %gather3A_1169 = tpu.vector_load_idx %arg6[%get3A_1168] : memref<128xf32, #tpu.memory_space<vmem>>[vector<16xi32>], vector<16xf32>,
    %mul3A_1170 = arith.constant 16 : i32
    %mul3A_1171 = arith.muli %scan3A_1162, %mul3A_1170 : i32
    %swap3A_1172 = arith.constant 2 : i32
    %swap3A_1173 = arith.index_cast %swap3A_1172 : i32 to index
    %swap3A_1174 = arith.index_cast %mul3A_1171 : i32 to index
    %swap3A_1175 = tpu.vector_load %arg9[%swap3A_1173, %swap3A_1174] {strides = array<i32>} : memref<5x8000xf32, #tpu.memory_space<vmem>>, vector<16xf32>,
    tpu.vector_store %arg9[%swap3A_1173, %swap3A_1174], %gather3A_1169 {strides = array<i32>} : memref<5x8000xf32, #tpu.memory_space<vmem>>, vector<16xf32>,
    %scan3A_1176 = arith.constant 500 : i32
    %dma_start3A_1177 = arith.constant 2 : i32
    %dma_start3A_1178 = arith.constant 2 : i32
    %dma_start3A_1179 = arith.constant 2 : i32
    %dma_start3A_1180 = arith.constant 0 : i32
    %dma_start3A_1181 = tpu.memref_slice %arg9[%dma_start3A_1177, %dma_start3A_1180] : memref<5x8000xf32, #tpu.memory_space<vmem>> -> memref<1x8000xf32, #tpu.memory_space<vmem>>
    %dma_start3A_1182 = tpu.memref_squeeze %dma_start3A_1181 : memref<1x8000xf32, #tpu.memory_space<vmem>> -> memref<8000xf32, #tpu.memory_space<vmem>>
    %dma_start3A_1183 = arith.constant 0 : i32
    %dma_start3A_1184 = tpu.memref_slice %arg8[%dma_start3A_1178, %dma_start3A_1183] : memref<5x8000xi32, #tpu.memory_space<vmem>> -> memref<1x8000xi32, #tpu.memory_space<vmem>>
    %dma_start3A_1185 = tpu.memref_squeeze %dma_start3A_1184 : memref<1x8000xi32, #tpu.memory_space<vmem>> -> memref<8000xi32, #tpu.memory_space<vmem>>
    %dma_start3A_1186 = arith.constant 0 : i32
    %dma_start3A_1187 = tpu.memref_slice %arg11[%dma_start3A_1186] : memref<102400xf32, #tpu.memory_space<vmem_shared>> -> memref<102400xf32, #tpu.memory_space<vmem_shared>>
    %dma_start3A_1188 = tpu.memref_slice %arg13[%dma_start3A_1179] : memref<5x!tpu.dma_semaphore, #tpu.memory_space<semaphore_mem>> -> memref<1x!tpu.dma_semaphore, #tpu.memory_space<semaphore_mem>>
    %dma_start3A_1189 = tpu.memref_squeeze %dma_start3A_1188 : memref<1x!tpu.dma_semaphore, #tpu.memory_space<semaphore_mem>> -> memref<!tpu.dma_semaphore, #tpu.memory_space<semaphore_mem>>
    tpu.enqueue_indirect_dma source(%dma_start3A_1182 : memref<8000xf32, #tpu.memory_space<vmem>>) target(%dma_start3A_1187 : memref<102400xf32, #tpu.memory_space<vmem_shared>>) offsets(%dma_start3A_1185 : memref<8000xi32, #tpu.memory_space<vmem>>) semaphore(%dma_start3A_1189 : memref<!tpu.dma_semaphore, #tpu.memory_space<semaphore_mem>>) {add = true}
    %dma_wait3A_1190 = arith.constant 0 : i32
    %dma_wait3A_1191 = arith.constant 0 : i32
    %dma_wait3A_1192 = arith.constant 0 : i32
    %dma_wait3A_1193 = arith.constant 0 : i32
    %dma_wait3A_1194 = tpu.memref_slice %arg9[%dma_wait3A_1190, %dma_wait3A_1193] : memref<5x8000xf32, #tpu.memory_space<vmem>> -> memref<1x8000xf32, #tpu.memory_space<vmem>>
    %dma_wait3A_1195 = tpu.memref_squeeze %dma_wait3A_1194 : memref<1x8000xf32, #tpu.memory_space<vmem>> -> memref<8000xf32, #tpu.memory_space<vmem>>
    %dma_wait3A_1196 = arith.constant 0 : i32
    %dma_wait3A_1197 = tpu.memref_slice %arg8[%dma_wait3A_1191, %dma_wait3A_1196] : memref<5x8000xi32, #tpu.memory_space<vmem>> -> memref<1x8000xi32, #tpu.memory_space<vmem>>
    %dma_wait3A_1198 = tpu.memref_squeeze %dma_wait3A_1197 : memref<1x8000xi32, #tpu.memory_space<vmem>> -> memref<8000xi32, #tpu.memory_space<vmem>>
    %dma_wait3A_1199 = arith.constant 0 : i32
    %dma_wait3A_1200 = tpu.memref_slice %arg11[%dma_wait3A_1199] : memref<102400xf32, #tpu.memory_space<vmem_shared>> -> memref<102400xf32, #tpu.memory_space<vmem_shared>>
    %dma_wait3A_1201 = tpu.memref_slice %arg13[%dma_wait3A_1192] : memref<5x!tpu.dma_semaphore, #tpu.memory_space<semaphore_mem>> -> memref<1x!tpu.dma_semaphore, #tpu.memory_space<semaphore_mem>>
    %dma_wait3A_1202 = tpu.memref_squeeze %dma_wait3A_1201 : memref<1x!tpu.dma_semaphore, #tpu.memory_space<semaphore_mem>> -> memref<!tpu.dma_semaphore, #tpu.memory_space<semaphore_mem>>
    tpu.wait_indirect_dma semaphore(%dma_wait3A_1202 : memref<!tpu.dma_semaphore, #tpu.memory_space<semaphore_mem>>) src(%dma_wait3A_1195 : memref<8000xf32, #tpu.memory_space<vmem>>) dst(%dma_wait3A_1200 : memref<102400xf32, #tpu.memory_space<vmem_shared>>)
    %add3A_1203 = arith.constant 184000 : i32
    %add3A_1204 = arith.addi %mul3A_2, %add3A_1203 : i32
    %dma_wait3A_1205 = arith.constant 3 : i32
    %dma_wait3A_1206 = arith.constant 3 : i32
    %dma_wait3A_1207 = arith.constant 0 : i32
    %dma_wait3A_1208 = tpu.memref_slice %arg7[%dma_wait3A_1205, %dma_wait3A_1207] : memref<5x8000xi32, #tpu.memory_space<vmem>> -> memref<1x8000xi32, #tpu.memory_space<vmem>>
    %dma_wait3A_1209 = tpu.memref_squeeze %dma_wait3A_1208 : memref<1x8000xi32, #tpu.memory_space<vmem>> -> memref<8000xi32, #tpu.memory_space<vmem>>
    %dma_wait3A_1210 = tpu.memref_slice %arg3[%add3A_1204] : memref<6400000xi32, #tpu.memory_space<hbm>> -> memref<8000xi32, #tpu.memory_space<hbm>>
    %dma_wait3A_1211 = tpu.memref_slice %arg12[%dma_wait3A_1206] : memref<5x!tpu.dma_semaphore, #tpu.memory_space<semaphore_mem>> -> memref<1x!tpu.dma_semaphore, #tpu.memory_space<semaphore_mem>>
    %dma_wait3A_1212 = tpu.memref_squeeze %dma_wait3A_1211 : memref<1x!tpu.dma_semaphore, #tpu.memory_space<semaphore_mem>> -> memref<!tpu.dma_semaphore, #tpu.memory_space<semaphore_mem>>
    %dma_wait3A_1213 = arith.constant 0 : i32
    %dma_wait3A_1214 = tpu.memref_slice %arg7[%dma_wait3A_1205, %dma_wait3A_1213] : memref<5x8000xi32, #tpu.memory_space<vmem>> -> memref<1x8000xi32, #tpu.memory_space<vmem>>
    %dma_wait3A_1215 = tpu.memref_squeeze %dma_wait3A_1214 : memref<1x8000xi32, #tpu.memory_space<vmem>> -> memref<8000xi32, #tpu.memory_space<vmem>>
    %dma_wait3A_1216 = tpu.memref_slice %arg3[%add3A_1204] : memref<6400000xi32, #tpu.memory_space<hbm>> -> memref<8000xi32, #tpu.memory_space<hbm>>
    tpu.wait_dma2 semaphore(%dma_wait3A_1212 : memref<!tpu.dma_semaphore, #tpu.memory_space<semaphore_mem>>) src(%dma_wait3A_1216 : memref<8000xi32, #tpu.memory_space<hbm>>) dst(%dma_wait3A_1215 : memref<8000xi32, #tpu.memory_space<vmem>>)
    %dma_wait3A_1217 = arith.constant 3 : i32
    %dma_wait3A_1218 = arith.constant 3 : i32
    %dma_wait3A_1219 = arith.constant 0 : i32
    %dma_wait3A_1220 = tpu.memref_slice %arg8[%dma_wait3A_1217, %dma_wait3A_1219] : memref<5x8000xi32, #tpu.memory_space<vmem>> -> memref<1x8000xi32, #tpu.memory_space<vmem>>
    %dma_wait3A_1221 = tpu.memref_squeeze %dma_wait3A_1220 : memref<1x8000xi32, #tpu.memory_space<vmem>> -> memref<8000xi32, #tpu.memory_space<vmem>>
    %dma_wait3A_1222 = tpu.memref_slice %arg4[%add3A_1204] : memref<6400000xi32, #tpu.memory_space<hbm>> -> memref<8000xi32, #tpu.memory_space<hbm>>
    %dma_wait3A_1223 = tpu.memref_slice %arg12[%dma_wait3A_1218] : memref<5x!tpu.dma_semaphore, #tpu.memory_space<semaphore_mem>> -> memref<1x!tpu.dma_semaphore, #tpu.memory_space<semaphore_mem>>
    %dma_wait3A_1224 = tpu.memref_squeeze %dma_wait3A_1223 : memref<1x!tpu.dma_semaphore, #tpu.memory_space<semaphore_mem>> -> memref<!tpu.dma_semaphore, #tpu.memory_space<semaphore_mem>>
    %dma_wait3A_1225 = arith.constant 0 : i32
    %dma_wait3A_1226 = tpu.memref_slice %arg8[%dma_wait3A_1217, %dma_wait3A_1225] : memref<5x8000xi32, #tpu.memory_space<vmem>> -> memref<1x8000xi32, #tpu.memory_space<vmem>>
    %dma_wait3A_1227 = tpu.memref_squeeze %dma_wait3A_1226 : memref<1x8000xi32, #tpu.memory_space<vmem>> -> memref<8000xi32, #tpu.memory_space<vmem>>
    %dma_wait3A_1228 = tpu.memref_slice %arg4[%add3A_1204] : memref<6400000xi32, #tpu.memory_space<hbm>> -> memref<8000xi32, #tpu.memory_space<hbm>>
    tpu.wait_dma2 semaphore(%dma_wait3A_1224 : memref<!tpu.dma_semaphore, #tpu.memory_space<semaphore_mem>>) src(%dma_wait3A_1228 : memref<8000xi32, #tpu.memory_space<hbm>>) dst(%dma_wait3A_1227 : memref<8000xi32, #tpu.memory_space<vmem>>)
    %scan3A_1229 = arith.constant 0 : i32
    %scan3A_1230 = arith.constant 0 : i32
    %scan3A_1231 = arith.constant 496 : i32
    %scan3A_1232 = arith.addi %scan3A_1230, %scan3A_1231 : i32
    %scan3A_1233 = arith.constant 8 : i32
    scf.for %scan3A_1470 = %scan3A_1230 to %scan3A_1232 step %scan3A_1233  : i32 {
      %mul3A_1471 = arith.constant 16 : i32
      %mul3A_1472 = arith.muli %scan3A_1470, %mul3A_1471 : i32
      %get3A_1473 = arith.constant 3 : i32
      %get3A_1474 = arith.index_cast %get3A_1473 : i32 to index
      %get3A_1475 = arith.index_cast %mul3A_1472 : i32 to index
      %get3A_1476 = tpu.vector_load %arg7[%get3A_1474, %get3A_1475] {strides = array<i32>} : memref<5x8000xi32, #tpu.memory_space<vmem>>, vector<16xi32>,
      %gather3A_1477 = tpu.vector_load_idx %arg6[%get3A_1476] : memref<128xf32, #tpu.memory_space<vmem>>[vector<16xi32>], vector<16xf32>,
      %mul3A_1478 = arith.constant 16 : i32
      %mul3A_1479 = arith.muli %scan3A_1470, %mul3A_1478 : i32
      %swap3A_1480 = arith.constant 3 : i32
      %swap3A_1481 = arith.index_cast %swap3A_1480 : i32 to index
      %swap3A_1482 = arith.index_cast %mul3A_1479 : i32 to index
      %swap3A_1483 = tpu.vector_load %arg9[%swap3A_1481, %swap3A_1482] {strides = array<i32>} : memref<5x8000xf32, #tpu.memory_space<vmem>>, vector<16xf32>,
      tpu.vector_store %arg9[%swap3A_1481, %swap3A_1482], %gather3A_1477 {strides = array<i32>} : memref<5x8000xf32, #tpu.memory_space<vmem>>, vector<16xf32>,
      %scan3A_1484 = arith.constant 1 : i32
      %scan3A_1485 = arith.addi %scan3A_1470, %scan3A_1484 : i32
      %mul3A_1486 = arith.constant 16 : i32
      %mul3A_1487 = arith.muli %scan3A_1485, %mul3A_1486 : i32
      %get3A_1488 = arith.constant 3 : i32
      %get3A_1489 = arith.index_cast %get3A_1488 : i32 to index
      %get3A_1490 = arith.index_cast %mul3A_1487 : i32 to index
      %get3A_1491 = tpu.vector_load %arg7[%get3A_1489, %get3A_1490] {strides = array<i32>} : memref<5x8000xi32, #tpu.memory_space<vmem>>, vector<16xi32>,
      %gather3A_1492 = tpu.vector_load_idx %arg6[%get3A_1491] : memref<128xf32, #tpu.memory_space<vmem>>[vector<16xi32>], vector<16xf32>,
      %mul3A_1493 = arith.constant 16 : i32
      %mul3A_1494 = arith.muli %scan3A_1485, %mul3A_1493 : i32
      %swap3A_1495 = arith.constant 3 : i32
      %swap3A_1496 = arith.index_cast %swap3A_1495 : i32 to index
      %swap3A_1497 = arith.index_cast %mul3A_1494 : i32 to index
      %swap3A_1498 = tpu.vector_load %arg9[%swap3A_1496, %swap3A_1497] {strides = array<i32>} : memref<5x8000xf32, #tpu.memory_space<vmem>>, vector<16xf32>,
      tpu.vector_store %arg9[%swap3A_1496, %swap3A_1497], %gather3A_1492 {strides = array<i32>} : memref<5x8000xf32, #tpu.memory_space<vmem>>, vector<16xf32>,
      %scan3A_1499 = arith.constant 2 : i32
      %scan3A_1500 = arith.addi %scan3A_1470, %scan3A_1499 : i32
      %mul3A_1501 = arith.constant 16 : i32
      %mul3A_1502 = arith.muli %scan3A_1500, %mul3A_1501 : i32
      %get3A_1503 = arith.constant 3 : i32
      %get3A_1504 = arith.index_cast %get3A_1503 : i32 to index
      %get3A_1505 = arith.index_cast %mul3A_1502 : i32 to index
      %get3A_1506 = tpu.vector_load %arg7[%get3A_1504, %get3A_1505] {strides = array<i32>} : memref<5x8000xi32, #tpu.memory_space<vmem>>, vector<16xi32>,
      %gather3A_1507 = tpu.vector_load_idx %arg6[%get3A_1506] : memref<128xf32, #tpu.memory_space<vmem>>[vector<16xi32>], vector<16xf32>,
      %mul3A_1508 = arith.constant 16 : i32
      %mul3A_1509 = arith.muli %scan3A_1500, %mul3A_1508 : i32
      %swap3A_1510 = arith.constant 3 : i32
      %swap3A_1511 = arith.index_cast %swap3A_1510 : i32 to index
      %swap3A_1512 = arith.index_cast %mul3A_1509 : i32 to index
      %swap3A_1513 = tpu.vector_load %arg9[%swap3A_1511, %swap3A_1512] {strides = array<i32>} : memref<5x8000xf32, #tpu.memory_space<vmem>>, vector<16xf32>,
      tpu.vector_store %arg9[%swap3A_1511, %swap3A_1512], %gather3A_1507 {strides = array<i32>} : memref<5x8000xf32, #tpu.memory_space<vmem>>, vector<16xf32>,
      %scan3A_1514 = arith.constant 3 : i32
      %scan3A_1515 = arith.addi %scan3A_1470, %scan3A_1514 : i32
      %mul3A_1516 = arith.constant 16 : i32
      %mul3A_1517 = arith.muli %scan3A_1515, %mul3A_1516 : i32
      %get3A_1518 = arith.constant 3 : i32
      %get3A_1519 = arith.index_cast %get3A_1518 : i32 to index
      %get3A_1520 = arith.index_cast %mul3A_1517 : i32 to index
      %get3A_1521 = tpu.vector_load %arg7[%get3A_1519, %get3A_1520] {strides = array<i32>} : memref<5x8000xi32, #tpu.memory_space<vmem>>, vector<16xi32>,
      %gather3A_1522 = tpu.vector_load_idx %arg6[%get3A_1521] : memref<128xf32, #tpu.memory_space<vmem>>[vector<16xi32>], vector<16xf32>,
      %mul3A_1523 = arith.constant 16 : i32
      %mul3A_1524 = arith.muli %scan3A_1515, %mul3A_1523 : i32
      %swap3A_1525 = arith.constant 3 : i32
      %swap3A_1526 = arith.index_cast %swap3A_1525 : i32 to index
      %swap3A_1527 = arith.index_cast %mul3A_1524 : i32 to index
      %swap3A_1528 = tpu.vector_load %arg9[%swap3A_1526, %swap3A_1527] {strides = array<i32>} : memref<5x8000xf32, #tpu.memory_space<vmem>>, vector<16xf32>,
      tpu.vector_store %arg9[%swap3A_1526, %swap3A_1527], %gather3A_1522 {strides = array<i32>} : memref<5x8000xf32, #tpu.memory_space<vmem>>, vector<16xf32>,
      %scan3A_1529 = arith.constant 4 : i32
      %scan3A_1530 = arith.addi %scan3A_1470, %scan3A_1529 : i32
      %mul3A_1531 = arith.constant 16 : i32
      %mul3A_1532 = arith.muli %scan3A_1530, %mul3A_1531 : i32
      %get3A_1533 = arith.constant 3 : i32
      %get3A_1534 = arith.index_cast %get3A_1533 : i32 to index
      %get3A_1535 = arith.index_cast %mul3A_1532 : i32 to index
      %get3A_1536 = tpu.vector_load %arg7[%get3A_1534, %get3A_1535] {strides = array<i32>} : memref<5x8000xi32, #tpu.memory_space<vmem>>, vector<16xi32>,
      %gather3A_1537 = tpu.vector_load_idx %arg6[%get3A_1536] : memref<128xf32, #tpu.memory_space<vmem>>[vector<16xi32>], vector<16xf32>,
      %mul3A_1538 = arith.constant 16 : i32
      %mul3A_1539 = arith.muli %scan3A_1530, %mul3A_1538 : i32
      %swap3A_1540 = arith.constant 3 : i32
      %swap3A_1541 = arith.index_cast %swap3A_1540 : i32 to index
      %swap3A_1542 = arith.index_cast %mul3A_1539 : i32 to index
      %swap3A_1543 = tpu.vector_load %arg9[%swap3A_1541, %swap3A_1542] {strides = array<i32>} : memref<5x8000xf32, #tpu.memory_space<vmem>>, vector<16xf32>,
      tpu.vector_store %arg9[%swap3A_1541, %swap3A_1542], %gather3A_1537 {strides = array<i32>} : memref<5x8000xf32, #tpu.memory_space<vmem>>, vector<16xf32>,
      %scan3A_1544 = arith.constant 5 : i32
      %scan3A_1545 = arith.addi %scan3A_1470, %scan3A_1544 : i32
      %mul3A_1546 = arith.constant 16 : i32
      %mul3A_1547 = arith.muli %scan3A_1545, %mul3A_1546 : i32
      %get3A_1548 = arith.constant 3 : i32
      %get3A_1549 = arith.index_cast %get3A_1548 : i32 to index
      %get3A_1550 = arith.index_cast %mul3A_1547 : i32 to index
      %get3A_1551 = tpu.vector_load %arg7[%get3A_1549, %get3A_1550] {strides = array<i32>} : memref<5x8000xi32, #tpu.memory_space<vmem>>, vector<16xi32>,
      %gather3A_1552 = tpu.vector_load_idx %arg6[%get3A_1551] : memref<128xf32, #tpu.memory_space<vmem>>[vector<16xi32>], vector<16xf32>,
      %mul3A_1553 = arith.constant 16 : i32
      %mul3A_1554 = arith.muli %scan3A_1545, %mul3A_1553 : i32
      %swap3A_1555 = arith.constant 3 : i32
      %swap3A_1556 = arith.index_cast %swap3A_1555 : i32 to index
      %swap3A_1557 = arith.index_cast %mul3A_1554 : i32 to index
      %swap3A_1558 = tpu.vector_load %arg9[%swap3A_1556, %swap3A_1557] {strides = array<i32>} : memref<5x8000xf32, #tpu.memory_space<vmem>>, vector<16xf32>,
      tpu.vector_store %arg9[%swap3A_1556, %swap3A_1557], %gather3A_1552 {strides = array<i32>} : memref<5x8000xf32, #tpu.memory_space<vmem>>, vector<16xf32>,
      %scan3A_1559 = arith.constant 6 : i32
      %scan3A_1560 = arith.addi %scan3A_1470, %scan3A_1559 : i32
      %mul3A_1561 = arith.constant 16 : i32
      %mul3A_1562 = arith.muli %scan3A_1560, %mul3A_1561 : i32
      %get3A_1563 = arith.constant 3 : i32
      %get3A_1564 = arith.index_cast %get3A_1563 : i32 to index
      %get3A_1565 = arith.index_cast %mul3A_1562 : i32 to index
      %get3A_1566 = tpu.vector_load %arg7[%get3A_1564, %get3A_1565] {strides = array<i32>} : memref<5x8000xi32, #tpu.memory_space<vmem>>, vector<16xi32>,
      %gather3A_1567 = tpu.vector_load_idx %arg6[%get3A_1566] : memref<128xf32, #tpu.memory_space<vmem>>[vector<16xi32>], vector<16xf32>,
      %mul3A_1568 = arith.constant 16 : i32
      %mul3A_1569 = arith.muli %scan3A_1560, %mul3A_1568 : i32
      %swap3A_1570 = arith.constant 3 : i32
      %swap3A_1571 = arith.index_cast %swap3A_1570 : i32 to index
      %swap3A_1572 = arith.index_cast %mul3A_1569 : i32 to index
      %swap3A_1573 = tpu.vector_load %arg9[%swap3A_1571, %swap3A_1572] {strides = array<i32>} : memref<5x8000xf32, #tpu.memory_space<vmem>>, vector<16xf32>,
      tpu.vector_store %arg9[%swap3A_1571, %swap3A_1572], %gather3A_1567 {strides = array<i32>} : memref<5x8000xf32, #tpu.memory_space<vmem>>, vector<16xf32>,
      %scan3A_1574 = arith.constant 7 : i32
      %scan3A_1575 = arith.addi %scan3A_1470, %scan3A_1574 : i32
      %mul3A_1576 = arith.constant 16 : i32
      %mul3A_1577 = arith.muli %scan3A_1575, %mul3A_1576 : i32
      %get3A_1578 = arith.constant 3 : i32
      %get3A_1579 = arith.index_cast %get3A_1578 : i32 to index
      %get3A_1580 = arith.index_cast %mul3A_1577 : i32 to index
      %get3A_1581 = tpu.vector_load %arg7[%get3A_1579, %get3A_1580] {strides = array<i32>} : memref<5x8000xi32, #tpu.memory_space<vmem>>, vector<16xi32>,
      %gather3A_1582 = tpu.vector_load_idx %arg6[%get3A_1581] : memref<128xf32, #tpu.memory_space<vmem>>[vector<16xi32>], vector<16xf32>,
      %mul3A_1583 = arith.constant 16 : i32
      %mul3A_1584 = arith.muli %scan3A_1575, %mul3A_1583 : i32
      %swap3A_1585 = arith.constant 3 : i32
      %swap3A_1586 = arith.index_cast %swap3A_1585 : i32 to index
      %swap3A_1587 = arith.index_cast %mul3A_1584 : i32 to index
      %swap3A_1588 = tpu.vector_load %arg9[%swap3A_1586, %swap3A_1587] {strides = array<i32>} : memref<5x8000xf32, #tpu.memory_space<vmem>>, vector<16xf32>,
      tpu.vector_store %arg9[%swap3A_1586, %swap3A_1587], %gather3A_1582 {strides = array<i32>} : memref<5x8000xf32, #tpu.memory_space<vmem>>, vector<16xf32>,
    }
    %scan3A_1234 = arith.constant 496 : i32
    %scan3A_1235 = arith.addi %scan3A_1230, %scan3A_1234 : i32
    %mul3A_1236 = arith.constant 16 : i32
    %mul3A_1237 = arith.muli %scan3A_1235, %mul3A_1236 : i32
    %get3A_1238 = arith.constant 3 : i32
    %get3A_1239 = arith.index_cast %get3A_1238 : i32 to index
    %get3A_1240 = arith.index_cast %mul3A_1237 : i32 to index
    %get3A_1241 = tpu.vector_load %arg7[%get3A_1239, %get3A_1240] {strides = array<i32>} : memref<5x8000xi32, #tpu.memory_space<vmem>>, vector<16xi32>,
    %gather3A_1242 = tpu.vector_load_idx %arg6[%get3A_1241] : memref<128xf32, #tpu.memory_space<vmem>>[vector<16xi32>], vector<16xf32>,
    %mul3A_1243 = arith.constant 16 : i32
    %mul3A_1244 = arith.muli %scan3A_1235, %mul3A_1243 : i32
    %swap3A_1245 = arith.constant 3 : i32
    %swap3A_1246 = arith.index_cast %swap3A_1245 : i32 to index
    %swap3A_1247 = arith.index_cast %mul3A_1244 : i32 to index
    %swap3A_1248 = tpu.vector_load %arg9[%swap3A_1246, %swap3A_1247] {strides = array<i32>} : memref<5x8000xf32, #tpu.memory_space<vmem>>, vector<16xf32>,
    tpu.vector_store %arg9[%swap3A_1246, %swap3A_1247], %gather3A_1242 {strides = array<i32>} : memref<5x8000xf32, #tpu.memory_space<vmem>>, vector<16xf32>,
    %scan3A_1249 = arith.constant 497 : i32
    %scan3A_1250 = arith.addi %scan3A_1230, %scan3A_1249 : i32
    %mul3A_1251 = arith.constant 16 : i32
    %mul3A_1252 = arith.muli %scan3A_1250, %mul3A_1251 : i32
    %get3A_1253 = arith.constant 3 : i32
    %get3A_1254 = arith.index_cast %get3A_1253 : i32 to index
    %get3A_1255 = arith.index_cast %mul3A_1252 : i32 to index
    %get3A_1256 = tpu.vector_load %arg7[%get3A_1254, %get3A_1255] {strides = array<i32>} : memref<5x8000xi32, #tpu.memory_space<vmem>>, vector<16xi32>,
    %gather3A_1257 = tpu.vector_load_idx %arg6[%get3A_1256] : memref<128xf32, #tpu.memory_space<vmem>>[vector<16xi32>], vector<16xf32>,
    %mul3A_1258 = arith.constant 16 : i32
    %mul3A_1259 = arith.muli %scan3A_1250, %mul3A_1258 : i32
    %swap3A_1260 = arith.constant 3 : i32
    %swap3A_1261 = arith.index_cast %swap3A_1260 : i32 to index
    %swap3A_1262 = arith.index_cast %mul3A_1259 : i32 to index
    %swap3A_1263 = tpu.vector_load %arg9[%swap3A_1261, %swap3A_1262] {strides = array<i32>} : memref<5x8000xf32, #tpu.memory_space<vmem>>, vector<16xf32>,
    tpu.vector_store %arg9[%swap3A_1261, %swap3A_1262], %gather3A_1257 {strides = array<i32>} : memref<5x8000xf32, #tpu.memory_space<vmem>>, vector<16xf32>,
    %scan3A_1264 = arith.constant 498 : i32
    %scan3A_1265 = arith.addi %scan3A_1230, %scan3A_1264 : i32
    %mul3A_1266 = arith.constant 16 : i32
    %mul3A_1267 = arith.muli %scan3A_1265, %mul3A_1266 : i32
    %get3A_1268 = arith.constant 3 : i32
    %get3A_1269 = arith.index_cast %get3A_1268 : i32 to index
    %get3A_1270 = arith.index_cast %mul3A_1267 : i32 to index
    %get3A_1271 = tpu.vector_load %arg7[%get3A_1269, %get3A_1270] {strides = array<i32>} : memref<5x8000xi32, #tpu.memory_space<vmem>>, vector<16xi32>,
    %gather3A_1272 = tpu.vector_load_idx %arg6[%get3A_1271] : memref<128xf32, #tpu.memory_space<vmem>>[vector<16xi32>], vector<16xf32>,
    %mul3A_1273 = arith.constant 16 : i32
    %mul3A_1274 = arith.muli %scan3A_1265, %mul3A_1273 : i32
    %swap3A_1275 = arith.constant 3 : i32
    %swap3A_1276 = arith.index_cast %swap3A_1275 : i32 to index
    %swap3A_1277 = arith.index_cast %mul3A_1274 : i32 to index
    %swap3A_1278 = tpu.vector_load %arg9[%swap3A_1276, %swap3A_1277] {strides = array<i32>} : memref<5x8000xf32, #tpu.memory_space<vmem>>, vector<16xf32>,
    tpu.vector_store %arg9[%swap3A_1276, %swap3A_1277], %gather3A_1272 {strides = array<i32>} : memref<5x8000xf32, #tpu.memory_space<vmem>>, vector<16xf32>,
    %scan3A_1279 = arith.constant 499 : i32
    %scan3A_1280 = arith.addi %scan3A_1230, %scan3A_1279 : i32
    %mul3A_1281 = arith.constant 16 : i32
    %mul3A_1282 = arith.muli %scan3A_1280, %mul3A_1281 : i32
    %get3A_1283 = arith.constant 3 : i32
    %get3A_1284 = arith.index_cast %get3A_1283 : i32 to index
    %get3A_1285 = arith.index_cast %mul3A_1282 : i32 to index
    %get3A_1286 = tpu.vector_load %arg7[%get3A_1284, %get3A_1285] {strides = array<i32>} : memref<5x8000xi32, #tpu.memory_space<vmem>>, vector<16xi32>,
    %gather3A_1287 = tpu.vector_load_idx %arg6[%get3A_1286] : memref<128xf32, #tpu.memory_space<vmem>>[vector<16xi32>], vector<16xf32>,
    %mul3A_1288 = arith.constant 16 : i32
    %mul3A_1289 = arith.muli %scan3A_1280, %mul3A_1288 : i32
    %swap3A_1290 = arith.constant 3 : i32
    %swap3A_1291 = arith.index_cast %swap3A_1290 : i32 to index
    %swap3A_1292 = arith.index_cast %mul3A_1289 : i32 to index
    %swap3A_1293 = tpu.vector_load %arg9[%swap3A_1291, %swap3A_1292] {strides = array<i32>} : memref<5x8000xf32, #tpu.memory_space<vmem>>, vector<16xf32>,
    tpu.vector_store %arg9[%swap3A_1291, %swap3A_1292], %gather3A_1287 {strides = array<i32>} : memref<5x8000xf32, #tpu.memory_space<vmem>>, vector<16xf32>,
    %scan3A_1294 = arith.constant 500 : i32
    %dma_start3A_1295 = arith.constant 3 : i32
    %dma_start3A_1296 = arith.constant 3 : i32
    %dma_start3A_1297 = arith.constant 3 : i32
    %dma_start3A_1298 = arith.constant 0 : i32
    %dma_start3A_1299 = tpu.memref_slice %arg9[%dma_start3A_1295, %dma_start3A_1298] : memref<5x8000xf32, #tpu.memory_space<vmem>> -> memref<1x8000xf32, #tpu.memory_space<vmem>>
    %dma_start3A_1300 = tpu.memref_squeeze %dma_start3A_1299 : memref<1x8000xf32, #tpu.memory_space<vmem>> -> memref<8000xf32, #tpu.memory_space<vmem>>
    %dma_start3A_1301 = arith.constant 0 : i32
    %dma_start3A_1302 = tpu.memref_slice %arg8[%dma_start3A_1296, %dma_start3A_1301] : memref<5x8000xi32, #tpu.memory_space<vmem>> -> memref<1x8000xi32, #tpu.memory_space<vmem>>
    %dma_start3A_1303 = tpu.memref_squeeze %dma_start3A_1302 : memref<1x8000xi32, #tpu.memory_space<vmem>> -> memref<8000xi32, #tpu.memory_space<vmem>>
    %dma_start3A_1304 = arith.constant 0 : i32
    %dma_start3A_1305 = tpu.memref_slice %arg11[%dma_start3A_1304] : memref<102400xf32, #tpu.memory_space<vmem_shared>> -> memref<102400xf32, #tpu.memory_space<vmem_shared>>
    %dma_start3A_1306 = tpu.memref_slice %arg13[%dma_start3A_1297] : memref<5x!tpu.dma_semaphore, #tpu.memory_space<semaphore_mem>> -> memref<1x!tpu.dma_semaphore, #tpu.memory_space<semaphore_mem>>
    %dma_start3A_1307 = tpu.memref_squeeze %dma_start3A_1306 : memref<1x!tpu.dma_semaphore, #tpu.memory_space<semaphore_mem>> -> memref<!tpu.dma_semaphore, #tpu.memory_space<semaphore_mem>>
    tpu.enqueue_indirect_dma source(%dma_start3A_1300 : memref<8000xf32, #tpu.memory_space<vmem>>) target(%dma_start3A_1305 : memref<102400xf32, #tpu.memory_space<vmem_shared>>) offsets(%dma_start3A_1303 : memref<8000xi32, #tpu.memory_space<vmem>>) semaphore(%dma_start3A_1307 : memref<!tpu.dma_semaphore, #tpu.memory_space<semaphore_mem>>) {add = true}
    %dma_wait3A_1308 = arith.constant 1 : i32
    %dma_wait3A_1309 = arith.constant 1 : i32
    %dma_wait3A_1310 = arith.constant 1 : i32
    %dma_wait3A_1311 = arith.constant 0 : i32
    %dma_wait3A_1312 = tpu.memref_slice %arg9[%dma_wait3A_1308, %dma_wait3A_1311] : memref<5x8000xf32, #tpu.memory_space<vmem>> -> memref<1x8000xf32, #tpu.memory_space<vmem>>
    %dma_wait3A_1313 = tpu.memref_squeeze %dma_wait3A_1312 : memref<1x8000xf32, #tpu.memory_space<vmem>> -> memref<8000xf32, #tpu.memory_space<vmem>>
    %dma_wait3A_1314 = arith.constant 0 : i32
    %dma_wait3A_1315 = tpu.memref_slice %arg8[%dma_wait3A_1309, %dma_wait3A_1314] : memref<5x8000xi32, #tpu.memory_space<vmem>> -> memref<1x8000xi32, #tpu.memory_space<vmem>>
    %dma_wait3A_1316 = tpu.memref_squeeze %dma_wait3A_1315 : memref<1x8000xi32, #tpu.memory_space<vmem>> -> memref<8000xi32, #tpu.memory_space<vmem>>
    %dma_wait3A_1317 = arith.constant 0 : i32
    %dma_wait3A_1318 = tpu.memref_slice %arg11[%dma_wait3A_1317] : memref<102400xf32, #tpu.memory_space<vmem_shared>> -> memref<102400xf32, #tpu.memory_space<vmem_shared>>
    %dma_wait3A_1319 = tpu.memref_slice %arg13[%dma_wait3A_1310] : memref<5x!tpu.dma_semaphore, #tpu.memory_space<semaphore_mem>> -> memref<1x!tpu.dma_semaphore, #tpu.memory_space<semaphore_mem>>
    %dma_wait3A_1320 = tpu.memref_squeeze %dma_wait3A_1319 : memref<1x!tpu.dma_semaphore, #tpu.memory_space<semaphore_mem>> -> memref<!tpu.dma_semaphore, #tpu.memory_space<semaphore_mem>>
    tpu.wait_indirect_dma semaphore(%dma_wait3A_1320 : memref<!tpu.dma_semaphore, #tpu.memory_space<semaphore_mem>>) src(%dma_wait3A_1313 : memref<8000xf32, #tpu.memory_space<vmem>>) dst(%dma_wait3A_1318 : memref<102400xf32, #tpu.memory_space<vmem_shared>>)
    %add3A_1321 = arith.constant 192000 : i32
    %add3A_1322 = arith.addi %mul3A_2, %add3A_1321 : i32
    %dma_wait3A_1323 = arith.constant 4 : i32
    %dma_wait3A_1324 = arith.constant 4 : i32
    %dma_wait3A_1325 = arith.constant 0 : i32
    %dma_wait3A_1326 = tpu.memref_slice %arg7[%dma_wait3A_1323, %dma_wait3A_1325] : memref<5x8000xi32, #tpu.memory_space<vmem>> -> memref<1x8000xi32, #tpu.memory_space<vmem>>
    %dma_wait3A_1327 = tpu.memref_squeeze %dma_wait3A_1326 : memref<1x8000xi32, #tpu.memory_space<vmem>> -> memref<8000xi32, #tpu.memory_space<vmem>>
    %dma_wait3A_1328 = tpu.memref_slice %arg3[%add3A_1322] : memref<6400000xi32, #tpu.memory_space<hbm>> -> memref<8000xi32, #tpu.memory_space<hbm>>
    %dma_wait3A_1329 = tpu.memref_slice %arg12[%dma_wait3A_1324] : memref<5x!tpu.dma_semaphore, #tpu.memory_space<semaphore_mem>> -> memref<1x!tpu.dma_semaphore, #tpu.memory_space<semaphore_mem>>
    %dma_wait3A_1330 = tpu.memref_squeeze %dma_wait3A_1329 : memref<1x!tpu.dma_semaphore, #tpu.memory_space<semaphore_mem>> -> memref<!tpu.dma_semaphore, #tpu.memory_space<semaphore_mem>>
    %dma_wait3A_1331 = arith.constant 0 : i32
    %dma_wait3A_1332 = tpu.memref_slice %arg7[%dma_wait3A_1323, %dma_wait3A_1331] : memref<5x8000xi32, #tpu.memory_space<vmem>> -> memref<1x8000xi32, #tpu.memory_space<vmem>>
    %dma_wait3A_1333 = tpu.memref_squeeze %dma_wait3A_1332 : memref<1x8000xi32, #tpu.memory_space<vmem>> -> memref<8000xi32, #tpu.memory_space<vmem>>
    %dma_wait3A_1334 = tpu.memref_slice %arg3[%add3A_1322] : memref<6400000xi32, #tpu.memory_space<hbm>> -> memref<8000xi32, #tpu.memory_space<hbm>>
    tpu.wait_dma2 semaphore(%dma_wait3A_1330 : memref<!tpu.dma_semaphore, #tpu.memory_space<semaphore_mem>>) src(%dma_wait3A_1334 : memref<8000xi32, #tpu.memory_space<hbm>>) dst(%dma_wait3A_1333 : memref<8000xi32, #tpu.memory_space<vmem>>)
    %dma_wait3A_1335 = arith.constant 4 : i32
    %dma_wait3A_1336 = arith.constant 4 : i32
    %dma_wait3A_1337 = arith.constant 0 : i32
    %dma_wait3A_1338 = tpu.memref_slice %arg8[%dma_wait3A_1335, %dma_wait3A_1337] : memref<5x8000xi32, #tpu.memory_space<vmem>> -> memref<1x8000xi32, #tpu.memory_space<vmem>>
    %dma_wait3A_1339 = tpu.memref_squeeze %dma_wait3A_1338 : memref<1x8000xi32, #tpu.memory_space<vmem>> -> memref<8000xi32, #tpu.memory_space<vmem>>
    %dma_wait3A_1340 = tpu.memref_slice %arg4[%add3A_1322] : memref<6400000xi32, #tpu.memory_space<hbm>> -> memref<8000xi32, #tpu.memory_space<hbm>>
    %dma_wait3A_1341 = tpu.memref_slice %arg12[%dma_wait3A_1336] : memref<5x!tpu.dma_semaphore, #tpu.memory_space<semaphore_mem>> -> memref<1x!tpu.dma_semaphore, #tpu.memory_space<semaphore_mem>>
    %dma_wait3A_1342 = tpu.memref_squeeze %dma_wait3A_1341 : memref<1x!tpu.dma_semaphore, #tpu.memory_space<semaphore_mem>> -> memref<!tpu.dma_semaphore, #tpu.memory_space<semaphore_mem>>
    %dma_wait3A_1343 = arith.constant 0 : i32
    %dma_wait3A_1344 = tpu.memref_slice %arg8[%dma_wait3A_1335, %dma_wait3A_1343] : memref<5x8000xi32, #tpu.memory_space<vmem>> -> memref<1x8000xi32, #tpu.memory_space<vmem>>
    %dma_wait3A_1345 = tpu.memref_squeeze %dma_wait3A_1344 : memref<1x8000xi32, #tpu.memory_space<vmem>> -> memref<8000xi32, #tpu.memory_space<vmem>>
    %dma_wait3A_1346 = tpu.memref_slice %arg4[%add3A_1322] : memref<6400000xi32, #tpu.memory_space<hbm>> -> memref<8000xi32, #tpu.memory_space<hbm>>
    tpu.wait_dma2 semaphore(%dma_wait3A_1342 : memref<!tpu.dma_semaphore, #tpu.memory_space<semaphore_mem>>) src(%dma_wait3A_1346 : memref<8000xi32, #tpu.memory_space<hbm>>) dst(%dma_wait3A_1345 : memref<8000xi32, #tpu.memory_space<vmem>>)
    %scan3A_1347 = arith.constant 0 : i32
    %scan3A_1348 = arith.constant 0 : i32
    %scan3A_1349 = arith.constant 496 : i32
    %scan3A_1350 = arith.addi %scan3A_1348, %scan3A_1349 : i32
    %scan3A_1351 = arith.constant 8 : i32
    scf.for %scan3A_1470 = %scan3A_1348 to %scan3A_1350 step %scan3A_1351  : i32 {
      %mul3A_1471 = arith.constant 16 : i32
      %mul3A_1472 = arith.muli %scan3A_1470, %mul3A_1471 : i32
      %get3A_1473 = arith.constant 4 : i32
      %get3A_1474 = arith.index_cast %get3A_1473 : i32 to index
      %get3A_1475 = arith.index_cast %mul3A_1472 : i32 to index
      %get3A_1476 = tpu.vector_load %arg7[%get3A_1474, %get3A_1475] {strides = array<i32>} : memref<5x8000xi32, #tpu.memory_space<vmem>>, vector<16xi32>,
      %gather3A_1477 = tpu.vector_load_idx %arg6[%get3A_1476] : memref<128xf32, #tpu.memory_space<vmem>>[vector<16xi32>], vector<16xf32>,
      %mul3A_1478 = arith.constant 16 : i32
      %mul3A_1479 = arith.muli %scan3A_1470, %mul3A_1478 : i32
      %swap3A_1480 = arith.constant 4 : i32
      %swap3A_1481 = arith.index_cast %swap3A_1480 : i32 to index
      %swap3A_1482 = arith.index_cast %mul3A_1479 : i32 to index
      %swap3A_1483 = tpu.vector_load %arg9[%swap3A_1481, %swap3A_1482] {strides = array<i32>} : memref<5x8000xf32, #tpu.memory_space<vmem>>, vector<16xf32>,
      tpu.vector_store %arg9[%swap3A_1481, %swap3A_1482], %gather3A_1477 {strides = array<i32>} : memref<5x8000xf32, #tpu.memory_space<vmem>>, vector<16xf32>,
      %scan3A_1484 = arith.constant 1 : i32
      %scan3A_1485 = arith.addi %scan3A_1470, %scan3A_1484 : i32
      %mul3A_1486 = arith.constant 16 : i32
      %mul3A_1487 = arith.muli %scan3A_1485, %mul3A_1486 : i32
      %get3A_1488 = arith.constant 4 : i32
      %get3A_1489 = arith.index_cast %get3A_1488 : i32 to index
      %get3A_1490 = arith.index_cast %mul3A_1487 : i32 to index
      %get3A_1491 = tpu.vector_load %arg7[%get3A_1489, %get3A_1490] {strides = array<i32>} : memref<5x8000xi32, #tpu.memory_space<vmem>>, vector<16xi32>,
      %gather3A_1492 = tpu.vector_load_idx %arg6[%get3A_1491] : memref<128xf32, #tpu.memory_space<vmem>>[vector<16xi32>], vector<16xf32>,
      %mul3A_1493 = arith.constant 16 : i32
      %mul3A_1494 = arith.muli %scan3A_1485, %mul3A_1493 : i32
      %swap3A_1495 = arith.constant 4 : i32
      %swap3A_1496 = arith.index_cast %swap3A_1495 : i32 to index
      %swap3A_1497 = arith.index_cast %mul3A_1494 : i32 to index
      %swap3A_1498 = tpu.vector_load %arg9[%swap3A_1496, %swap3A_1497] {strides = array<i32>} : memref<5x8000xf32, #tpu.memory_space<vmem>>, vector<16xf32>,
      tpu.vector_store %arg9[%swap3A_1496, %swap3A_1497], %gather3A_1492 {strides = array<i32>} : memref<5x8000xf32, #tpu.memory_space<vmem>>, vector<16xf32>,
      %scan3A_1499 = arith.constant 2 : i32
      %scan3A_1500 = arith.addi %scan3A_1470, %scan3A_1499 : i32
      %mul3A_1501 = arith.constant 16 : i32
      %mul3A_1502 = arith.muli %scan3A_1500, %mul3A_1501 : i32
      %get3A_1503 = arith.constant 4 : i32
      %get3A_1504 = arith.index_cast %get3A_1503 : i32 to index
      %get3A_1505 = arith.index_cast %mul3A_1502 : i32 to index
      %get3A_1506 = tpu.vector_load %arg7[%get3A_1504, %get3A_1505] {strides = array<i32>} : memref<5x8000xi32, #tpu.memory_space<vmem>>, vector<16xi32>,
      %gather3A_1507 = tpu.vector_load_idx %arg6[%get3A_1506] : memref<128xf32, #tpu.memory_space<vmem>>[vector<16xi32>], vector<16xf32>,
      %mul3A_1508 = arith.constant 16 : i32
      %mul3A_1509 = arith.muli %scan3A_1500, %mul3A_1508 : i32
      %swap3A_1510 = arith.constant 4 : i32
      %swap3A_1511 = arith.index_cast %swap3A_1510 : i32 to index
      %swap3A_1512 = arith.index_cast %mul3A_1509 : i32 to index
      %swap3A_1513 = tpu.vector_load %arg9[%swap3A_1511, %swap3A_1512] {strides = array<i32>} : memref<5x8000xf32, #tpu.memory_space<vmem>>, vector<16xf32>,
      tpu.vector_store %arg9[%swap3A_1511, %swap3A_1512], %gather3A_1507 {strides = array<i32>} : memref<5x8000xf32, #tpu.memory_space<vmem>>, vector<16xf32>,
      %scan3A_1514 = arith.constant 3 : i32
      %scan3A_1515 = arith.addi %scan3A_1470, %scan3A_1514 : i32
      %mul3A_1516 = arith.constant 16 : i32
      %mul3A_1517 = arith.muli %scan3A_1515, %mul3A_1516 : i32
      %get3A_1518 = arith.constant 4 : i32
      %get3A_1519 = arith.index_cast %get3A_1518 : i32 to index
      %get3A_1520 = arith.index_cast %mul3A_1517 : i32 to index
      %get3A_1521 = tpu.vector_load %arg7[%get3A_1519, %get3A_1520] {strides = array<i32>} : memref<5x8000xi32, #tpu.memory_space<vmem>>, vector<16xi32>,
      %gather3A_1522 = tpu.vector_load_idx %arg6[%get3A_1521] : memref<128xf32, #tpu.memory_space<vmem>>[vector<16xi32>], vector<16xf32>,
      %mul3A_1523 = arith.constant 16 : i32
      %mul3A_1524 = arith.muli %scan3A_1515, %mul3A_1523 : i32
      %swap3A_1525 = arith.constant 4 : i32
      %swap3A_1526 = arith.index_cast %swap3A_1525 : i32 to index
      %swap3A_1527 = arith.index_cast %mul3A_1524 : i32 to index
      %swap3A_1528 = tpu.vector_load %arg9[%swap3A_1526, %swap3A_1527] {strides = array<i32>} : memref<5x8000xf32, #tpu.memory_space<vmem>>, vector<16xf32>,
      tpu.vector_store %arg9[%swap3A_1526, %swap3A_1527], %gather3A_1522 {strides = array<i32>} : memref<5x8000xf32, #tpu.memory_space<vmem>>, vector<16xf32>,
      %scan3A_1529 = arith.constant 4 : i32
      %scan3A_1530 = arith.addi %scan3A_1470, %scan3A_1529 : i32
      %mul3A_1531 = arith.constant 16 : i32
      %mul3A_1532 = arith.muli %scan3A_1530, %mul3A_1531 : i32
      %get3A_1533 = arith.constant 4 : i32
      %get3A_1534 = arith.index_cast %get3A_1533 : i32 to index
      %get3A_1535 = arith.index_cast %mul3A_1532 : i32 to index
      %get3A_1536 = tpu.vector_load %arg7[%get3A_1534, %get3A_1535] {strides = array<i32>} : memref<5x8000xi32, #tpu.memory_space<vmem>>, vector<16xi32>,
      %gather3A_1537 = tpu.vector_load_idx %arg6[%get3A_1536] : memref<128xf32, #tpu.memory_space<vmem>>[vector<16xi32>], vector<16xf32>,
      %mul3A_1538 = arith.constant 16 : i32
      %mul3A_1539 = arith.muli %scan3A_1530, %mul3A_1538 : i32
      %swap3A_1540 = arith.constant 4 : i32
      %swap3A_1541 = arith.index_cast %swap3A_1540 : i32 to index
      %swap3A_1542 = arith.index_cast %mul3A_1539 : i32 to index
      %swap3A_1543 = tpu.vector_load %arg9[%swap3A_1541, %swap3A_1542] {strides = array<i32>} : memref<5x8000xf32, #tpu.memory_space<vmem>>, vector<16xf32>,
      tpu.vector_store %arg9[%swap3A_1541, %swap3A_1542], %gather3A_1537 {strides = array<i32>} : memref<5x8000xf32, #tpu.memory_space<vmem>>, vector<16xf32>,
      %scan3A_1544 = arith.constant 5 : i32
      %scan3A_1545 = arith.addi %scan3A_1470, %scan3A_1544 : i32
      %mul3A_1546 = arith.constant 16 : i32
      %mul3A_1547 = arith.muli %scan3A_1545, %mul3A_1546 : i32
      %get3A_1548 = arith.constant 4 : i32
      %get3A_1549 = arith.index_cast %get3A_1548 : i32 to index
      %get3A_1550 = arith.index_cast %mul3A_1547 : i32 to index
      %get3A_1551 = tpu.vector_load %arg7[%get3A_1549, %get3A_1550] {strides = array<i32>} : memref<5x8000xi32, #tpu.memory_space<vmem>>, vector<16xi32>,
      %gather3A_1552 = tpu.vector_load_idx %arg6[%get3A_1551] : memref<128xf32, #tpu.memory_space<vmem>>[vector<16xi32>], vector<16xf32>,
      %mul3A_1553 = arith.constant 16 : i32
      %mul3A_1554 = arith.muli %scan3A_1545, %mul3A_1553 : i32
      %swap3A_1555 = arith.constant 4 : i32
      %swap3A_1556 = arith.index_cast %swap3A_1555 : i32 to index
      %swap3A_1557 = arith.index_cast %mul3A_1554 : i32 to index
      %swap3A_1558 = tpu.vector_load %arg9[%swap3A_1556, %swap3A_1557] {strides = array<i32>} : memref<5x8000xf32, #tpu.memory_space<vmem>>, vector<16xf32>,
      tpu.vector_store %arg9[%swap3A_1556, %swap3A_1557], %gather3A_1552 {strides = array<i32>} : memref<5x8000xf32, #tpu.memory_space<vmem>>, vector<16xf32>,
      %scan3A_1559 = arith.constant 6 : i32
      %scan3A_1560 = arith.addi %scan3A_1470, %scan3A_1559 : i32
      %mul3A_1561 = arith.constant 16 : i32
      %mul3A_1562 = arith.muli %scan3A_1560, %mul3A_1561 : i32
      %get3A_1563 = arith.constant 4 : i32
      %get3A_1564 = arith.index_cast %get3A_1563 : i32 to index
      %get3A_1565 = arith.index_cast %mul3A_1562 : i32 to index
      %get3A_1566 = tpu.vector_load %arg7[%get3A_1564, %get3A_1565] {strides = array<i32>} : memref<5x8000xi32, #tpu.memory_space<vmem>>, vector<16xi32>,
      %gather3A_1567 = tpu.vector_load_idx %arg6[%get3A_1566] : memref<128xf32, #tpu.memory_space<vmem>>[vector<16xi32>], vector<16xf32>,
      %mul3A_1568 = arith.constant 16 : i32
      %mul3A_1569 = arith.muli %scan3A_1560, %mul3A_1568 : i32
      %swap3A_1570 = arith.constant 4 : i32
      %swap3A_1571 = arith.index_cast %swap3A_1570 : i32 to index
      %swap3A_1572 = arith.index_cast %mul3A_1569 : i32 to index
      %swap3A_1573 = tpu.vector_load %arg9[%swap3A_1571, %swap3A_1572] {strides = array<i32>} : memref<5x8000xf32, #tpu.memory_space<vmem>>, vector<16xf32>,
      tpu.vector_store %arg9[%swap3A_1571, %swap3A_1572], %gather3A_1567 {strides = array<i32>} : memref<5x8000xf32, #tpu.memory_space<vmem>>, vector<16xf32>,
      %scan3A_1574 = arith.constant 7 : i32
      %scan3A_1575 = arith.addi %scan3A_1470, %scan3A_1574 : i32
      %mul3A_1576 = arith.constant 16 : i32
      %mul3A_1577 = arith.muli %scan3A_1575, %mul3A_1576 : i32
      %get3A_1578 = arith.constant 4 : i32
      %get3A_1579 = arith.index_cast %get3A_1578 : i32 to index
      %get3A_1580 = arith.index_cast %mul3A_1577 : i32 to index
      %get3A_1581 = tpu.vector_load %arg7[%get3A_1579, %get3A_1580] {strides = array<i32>} : memref<5x8000xi32, #tpu.memory_space<vmem>>, vector<16xi32>,
      %gather3A_1582 = tpu.vector_load_idx %arg6[%get3A_1581] : memref<128xf32, #tpu.memory_space<vmem>>[vector<16xi32>], vector<16xf32>,
      %mul3A_1583 = arith.constant 16 : i32
      %mul3A_1584 = arith.muli %scan3A_1575, %mul3A_1583 : i32
      %swap3A_1585 = arith.constant 4 : i32
      %swap3A_1586 = arith.index_cast %swap3A_1585 : i32 to index
      %swap3A_1587 = arith.index_cast %mul3A_1584 : i32 to index
      %swap3A_1588 = tpu.vector_load %arg9[%swap3A_1586, %swap3A_1587] {strides = array<i32>} : memref<5x8000xf32, #tpu.memory_space<vmem>>, vector<16xf32>,
      tpu.vector_store %arg9[%swap3A_1586, %swap3A_1587], %gather3A_1582 {strides = array<i32>} : memref<5x8000xf32, #tpu.memory_space<vmem>>, vector<16xf32>,
    }
    %scan3A_1352 = arith.constant 496 : i32
    %scan3A_1353 = arith.addi %scan3A_1348, %scan3A_1352 : i32
    %mul3A_1354 = arith.constant 16 : i32
    %mul3A_1355 = arith.muli %scan3A_1353, %mul3A_1354 : i32
    %get3A_1356 = arith.constant 4 : i32
    %get3A_1357 = arith.index_cast %get3A_1356 : i32 to index
    %get3A_1358 = arith.index_cast %mul3A_1355 : i32 to index
    %get3A_1359 = tpu.vector_load %arg7[%get3A_1357, %get3A_1358] {strides = array<i32>} : memref<5x8000xi32, #tpu.memory_space<vmem>>, vector<16xi32>,
    %gather3A_1360 = tpu.vector_load_idx %arg6[%get3A_1359] : memref<128xf32, #tpu.memory_space<vmem>>[vector<16xi32>], vector<16xf32>,
    %mul3A_1361 = arith.constant 16 : i32
    %mul3A_1362 = arith.muli %scan3A_1353, %mul3A_1361 : i32
    %swap3A_1363 = arith.constant 4 : i32
    %swap3A_1364 = arith.index_cast %swap3A_1363 : i32 to index
    %swap3A_1365 = arith.index_cast %mul3A_1362 : i32 to index
    %swap3A_1366 = tpu.vector_load %arg9[%swap3A_1364, %swap3A_1365] {strides = array<i32>} : memref<5x8000xf32, #tpu.memory_space<vmem>>, vector<16xf32>,
    tpu.vector_store %arg9[%swap3A_1364, %swap3A_1365], %gather3A_1360 {strides = array<i32>} : memref<5x8000xf32, #tpu.memory_space<vmem>>, vector<16xf32>,
    %scan3A_1367 = arith.constant 497 : i32
    %scan3A_1368 = arith.addi %scan3A_1348, %scan3A_1367 : i32
    %mul3A_1369 = arith.constant 16 : i32
    %mul3A_1370 = arith.muli %scan3A_1368, %mul3A_1369 : i32
    %get3A_1371 = arith.constant 4 : i32
    %get3A_1372 = arith.index_cast %get3A_1371 : i32 to index
    %get3A_1373 = arith.index_cast %mul3A_1370 : i32 to index
    %get3A_1374 = tpu.vector_load %arg7[%get3A_1372, %get3A_1373] {strides = array<i32>} : memref<5x8000xi32, #tpu.memory_space<vmem>>, vector<16xi32>,
    %gather3A_1375 = tpu.vector_load_idx %arg6[%get3A_1374] : memref<128xf32, #tpu.memory_space<vmem>>[vector<16xi32>], vector<16xf32>,
    %mul3A_1376 = arith.constant 16 : i32
    %mul3A_1377 = arith.muli %scan3A_1368, %mul3A_1376 : i32
    %swap3A_1378 = arith.constant 4 : i32
    %swap3A_1379 = arith.index_cast %swap3A_1378 : i32 to index
    %swap3A_1380 = arith.index_cast %mul3A_1377 : i32 to index
    %swap3A_1381 = tpu.vector_load %arg9[%swap3A_1379, %swap3A_1380] {strides = array<i32>} : memref<5x8000xf32, #tpu.memory_space<vmem>>, vector<16xf32>,
    tpu.vector_store %arg9[%swap3A_1379, %swap3A_1380], %gather3A_1375 {strides = array<i32>} : memref<5x8000xf32, #tpu.memory_space<vmem>>, vector<16xf32>,
    %scan3A_1382 = arith.constant 498 : i32
    %scan3A_1383 = arith.addi %scan3A_1348, %scan3A_1382 : i32
    %mul3A_1384 = arith.constant 16 : i32
    %mul3A_1385 = arith.muli %scan3A_1383, %mul3A_1384 : i32
    %get3A_1386 = arith.constant 4 : i32
    %get3A_1387 = arith.index_cast %get3A_1386 : i32 to index
    %get3A_1388 = arith.index_cast %mul3A_1385 : i32 to index
    %get3A_1389 = tpu.vector_load %arg7[%get3A_1387, %get3A_1388] {strides = array<i32>} : memref<5x8000xi32, #tpu.memory_space<vmem>>, vector<16xi32>,
    %gather3A_1390 = tpu.vector_load_idx %arg6[%get3A_1389] : memref<128xf32, #tpu.memory_space<vmem>>[vector<16xi32>], vector<16xf32>,
    %mul3A_1391 = arith.constant 16 : i32
    %mul3A_1392 = arith.muli %scan3A_1383, %mul3A_1391 : i32
    %swap3A_1393 = arith.constant 4 : i32
    %swap3A_1394 = arith.index_cast %swap3A_1393 : i32 to index
    %swap3A_1395 = arith.index_cast %mul3A_1392 : i32 to index
    %swap3A_1396 = tpu.vector_load %arg9[%swap3A_1394, %swap3A_1395] {strides = array<i32>} : memref<5x8000xf32, #tpu.memory_space<vmem>>, vector<16xf32>,
    tpu.vector_store %arg9[%swap3A_1394, %swap3A_1395], %gather3A_1390 {strides = array<i32>} : memref<5x8000xf32, #tpu.memory_space<vmem>>, vector<16xf32>,
    %scan3A_1397 = arith.constant 499 : i32
    %scan3A_1398 = arith.addi %scan3A_1348, %scan3A_1397 : i32
    %mul3A_1399 = arith.constant 16 : i32
    %mul3A_1400 = arith.muli %scan3A_1398, %mul3A_1399 : i32
    %get3A_1401 = arith.constant 4 : i32
    %get3A_1402 = arith.index_cast %get3A_1401 : i32 to index
    %get3A_1403 = arith.index_cast %mul3A_1400 : i32 to index
    %get3A_1404 = tpu.vector_load %arg7[%get3A_1402, %get3A_1403] {strides = array<i32>} : memref<5x8000xi32, #tpu.memory_space<vmem>>, vector<16xi32>,
    %gather3A_1405 = tpu.vector_load_idx %arg6[%get3A_1404] : memref<128xf32, #tpu.memory_space<vmem>>[vector<16xi32>], vector<16xf32>,
    %mul3A_1406 = arith.constant 16 : i32
    %mul3A_1407 = arith.muli %scan3A_1398, %mul3A_1406 : i32
    %swap3A_1408 = arith.constant 4 : i32
    %swap3A_1409 = arith.index_cast %swap3A_1408 : i32 to index
    %swap3A_1410 = arith.index_cast %mul3A_1407 : i32 to index
    %swap3A_1411 = tpu.vector_load %arg9[%swap3A_1409, %swap3A_1410] {strides = array<i32>} : memref<5x8000xf32, #tpu.memory_space<vmem>>, vector<16xf32>,
    tpu.vector_store %arg9[%swap3A_1409, %swap3A_1410], %gather3A_1405 {strides = array<i32>} : memref<5x8000xf32, #tpu.memory_space<vmem>>, vector<16xf32>,
    %scan3A_1412 = arith.constant 500 : i32
    %dma_start3A_1413 = arith.constant 4 : i32
    %dma_start3A_1414 = arith.constant 4 : i32
    %dma_start3A_1415 = arith.constant 4 : i32
    %dma_start3A_1416 = arith.constant 0 : i32
    %dma_start3A_1417 = tpu.memref_slice %arg9[%dma_start3A_1413, %dma_start3A_1416] : memref<5x8000xf32, #tpu.memory_space<vmem>> -> memref<1x8000xf32, #tpu.memory_space<vmem>>
    %dma_start3A_1418 = tpu.memref_squeeze %dma_start3A_1417 : memref<1x8000xf32, #tpu.memory_space<vmem>> -> memref<8000xf32, #tpu.memory_space<vmem>>
    %dma_start3A_1419 = arith.constant 0 : i32
    %dma_start3A_1420 = tpu.memref_slice %arg8[%dma_start3A_1414, %dma_start3A_1419] : memref<5x8000xi32, #tpu.memory_space<vmem>> -> memref<1x8000xi32, #tpu.memory_space<vmem>>
    %dma_start3A_1421 = tpu.memref_squeeze %dma_start3A_1420 : memref<1x8000xi32, #tpu.memory_space<vmem>> -> memref<8000xi32, #tpu.memory_space<vmem>>
    %dma_start3A_1422 = arith.constant 0 : i32
    %dma_start3A_1423 = tpu.memref_slice %arg11[%dma_start3A_1422] : memref<102400xf32, #tpu.memory_space<vmem_shared>> -> memref<102400xf32, #tpu.memory_space<vmem_shared>>
    %dma_start3A_1424 = tpu.memref_slice %arg13[%dma_start3A_1415] : memref<5x!tpu.dma_semaphore, #tpu.memory_space<semaphore_mem>> -> memref<1x!tpu.dma_semaphore, #tpu.memory_space<semaphore_mem>>
    %dma_start3A_1425 = tpu.memref_squeeze %dma_start3A_1424 : memref<1x!tpu.dma_semaphore, #tpu.memory_space<semaphore_mem>> -> memref<!tpu.dma_semaphore, #tpu.memory_space<semaphore_mem>>
    tpu.enqueue_indirect_dma source(%dma_start3A_1418 : memref<8000xf32, #tpu.memory_space<vmem>>) target(%dma_start3A_1423 : memref<102400xf32, #tpu.memory_space<vmem_shared>>) offsets(%dma_start3A_1421 : memref<8000xi32, #tpu.memory_space<vmem>>) semaphore(%dma_start3A_1425 : memref<!tpu.dma_semaphore, #tpu.memory_space<semaphore_mem>>) {add = true}
    %dma_wait3A_1426 = arith.constant 2 : i32
    %dma_wait3A_1427 = arith.constant 2 : i32
    %dma_wait3A_1428 = arith.constant 2 : i32
    %dma_wait3A_1429 = arith.constant 0 : i32
    %dma_wait3A_1430 = tpu.memref_slice %arg9[%dma_wait3A_1426, %dma_wait3A_1429] : memref<5x8000xf32, #tpu.memory_space<vmem>> -> memref<1x8000xf32, #tpu.memory_space<vmem>>
    %dma_wait3A_1431 = tpu.memref_squeeze %dma_wait3A_1430 : memref<1x8000xf32, #tpu.memory_space<vmem>> -> memref<8000xf32, #tpu.memory_space<vmem>>
    %dma_wait3A_1432 = arith.constant 0 : i32
    %dma_wait3A_1433 = tpu.memref_slice %arg8[%dma_wait3A_1427, %dma_wait3A_1432] : memref<5x8000xi32, #tpu.memory_space<vmem>> -> memref<1x8000xi32, #tpu.memory_space<vmem>>
    %dma_wait3A_1434 = tpu.memref_squeeze %dma_wait3A_1433 : memref<1x8000xi32, #tpu.memory_space<vmem>> -> memref<8000xi32, #tpu.memory_space<vmem>>
    %dma_wait3A_1435 = arith.constant 0 : i32
    %dma_wait3A_1436 = tpu.memref_slice %arg11[%dma_wait3A_1435] : memref<102400xf32, #tpu.memory_space<vmem_shared>> -> memref<102400xf32, #tpu.memory_space<vmem_shared>>
    %dma_wait3A_1437 = tpu.memref_slice %arg13[%dma_wait3A_1428] : memref<5x!tpu.dma_semaphore, #tpu.memory_space<semaphore_mem>> -> memref<1x!tpu.dma_semaphore, #tpu.memory_space<semaphore_mem>>
    %dma_wait3A_1438 = tpu.memref_squeeze %dma_wait3A_1437 : memref<1x!tpu.dma_semaphore, #tpu.memory_space<semaphore_mem>> -> memref<!tpu.dma_semaphore, #tpu.memory_space<semaphore_mem>>
    tpu.wait_indirect_dma semaphore(%dma_wait3A_1438 : memref<!tpu.dma_semaphore, #tpu.memory_space<semaphore_mem>>) src(%dma_wait3A_1431 : memref<8000xf32, #tpu.memory_space<vmem>>) dst(%dma_wait3A_1436 : memref<102400xf32, #tpu.memory_space<vmem_shared>>)
    %dma_wait3A_1439 = arith.constant 3 : i32
    %dma_wait3A_1440 = arith.constant 3 : i32
    %dma_wait3A_1441 = arith.constant 3 : i32
    %dma_wait3A_1442 = arith.constant 0 : i32
    %dma_wait3A_1443 = tpu.memref_slice %arg9[%dma_wait3A_1439, %dma_wait3A_1442] : memref<5x8000xf32, #tpu.memory_space<vmem>> -> memref<1x8000xf32, #tpu.memory_space<vmem>>
    %dma_wait3A_1444 = tpu.memref_squeeze %dma_wait3A_1443 : memref<1x8000xf32, #tpu.memory_space<vmem>> -> memref<8000xf32, #tpu.memory_space<vmem>>
    %dma_wait3A_1445 = arith.constant 0 : i32
    %dma_wait3A_1446 = tpu.memref_slice %arg8[%dma_wait3A_1440, %dma_wait3A_1445] : memref<5x8000xi32, #tpu.memory_space<vmem>> -> memref<1x8000xi32, #tpu.memory_space<vmem>>
    %dma_wait3A_1447 = tpu.memref_squeeze %dma_wait3A_1446 : memref<1x8000xi32, #tpu.memory_space<vmem>> -> memref<8000xi32, #tpu.memory_space<vmem>>
    %dma_wait3A_1448 = arith.constant 0 : i32
    %dma_wait3A_1449 = tpu.memref_slice %arg11[%dma_wait3A_1448] : memref<102400xf32, #tpu.memory_space<vmem_shared>> -> memref<102400xf32, #tpu.memory_space<vmem_shared>>
    %dma_wait3A_1450 = tpu.memref_slice %arg13[%dma_wait3A_1441] : memref<5x!tpu.dma_semaphore, #tpu.memory_space<semaphore_mem>> -> memref<1x!tpu.dma_semaphore, #tpu.memory_space<semaphore_mem>>
    %dma_wait3A_1451 = tpu.memref_squeeze %dma_wait3A_1450 : memref<1x!tpu.dma_semaphore, #tpu.memory_space<semaphore_mem>> -> memref<!tpu.dma_semaphore, #tpu.memory_space<semaphore_mem>>
    tpu.wait_indirect_dma semaphore(%dma_wait3A_1451 : memref<!tpu.dma_semaphore, #tpu.memory_space<semaphore_mem>>) src(%dma_wait3A_1444 : memref<8000xf32, #tpu.memory_space<vmem>>) dst(%dma_wait3A_1449 : memref<102400xf32, #tpu.memory_space<vmem_shared>>)
    %dma_wait3A_1452 = arith.constant 4 : i32
    %dma_wait3A_1453 = arith.constant 4 : i32
    %dma_wait3A_1454 = arith.constant 4 : i32
    %dma_wait3A_1455 = arith.constant 0 : i32
    %dma_wait3A_1456 = tpu.memref_slice %arg9[%dma_wait3A_1452, %dma_wait3A_1455] : memref<5x8000xf32, #tpu.memory_space<vmem>> -> memref<1x8000xf32, #tpu.memory_space<vmem>>
    %dma_wait3A_1457 = tpu.memref_squeeze %dma_wait3A_1456 : memref<1x8000xf32, #tpu.memory_space<vmem>> -> memref<8000xf32, #tpu.memory_space<vmem>>
    %dma_wait3A_1458 = arith.constant 0 : i32
    %dma_wait3A_1459 = tpu.memref_slice %arg8[%dma_wait3A_1453, %dma_wait3A_1458] : memref<5x8000xi32, #tpu.memory_space<vmem>> -> memref<1x8000xi32, #tpu.memory_space<vmem>>
    %dma_wait3A_1460 = tpu.memref_squeeze %dma_wait3A_1459 : memref<1x8000xi32, #tpu.memory_space<vmem>> -> memref<8000xi32, #tpu.memory_space<vmem>>
    %dma_wait3A_1461 = arith.constant 0 : i32
    %dma_wait3A_1462 = tpu.memref_slice %arg11[%dma_wait3A_1461] : memref<102400xf32, #tpu.memory_space<vmem_shared>> -> memref<102400xf32, #tpu.memory_space<vmem_shared>>
    %dma_wait3A_1463 = tpu.memref_slice %arg13[%dma_wait3A_1454] : memref<5x!tpu.dma_semaphore, #tpu.memory_space<semaphore_mem>> -> memref<1x!tpu.dma_semaphore, #tpu.memory_space<semaphore_mem>>
    %dma_wait3A_1464 = tpu.memref_squeeze %dma_wait3A_1463 : memref<1x!tpu.dma_semaphore, #tpu.memory_space<semaphore_mem>> -> memref<!tpu.dma_semaphore, #tpu.memory_space<semaphore_mem>>
    tpu.wait_indirect_dma semaphore(%dma_wait3A_1464 : memref<!tpu.dma_semaphore, #tpu.memory_space<semaphore_mem>>) src(%dma_wait3A_1457 : memref<8000xf32, #tpu.memory_space<vmem>>) dst(%dma_wait3A_1462 : memref<102400xf32, #tpu.memory_space<vmem_shared>>)
    %barrier3A_1465 = arith.constant 0 : index
    tpu.barrier barrier_id(%barrier3A_1465)
    %mul3A_1466 = arith.constant 6400 : i32
    %mul3A_1467 = arith.muli %arg1, %mul3A_1466 : i32
    %mul3A_1468 = arith.constant 6400 : i32
    %mul3A_1469 = arith.muli %arg1, %mul3A_1468 : i32
    "tpu.region"() ({
      %run_scoped3A = tpu.sem_alloc : memref<!tpu.dma_semaphore, #tpu.memory_space<semaphore_mem>>
      %dma_start3A_1470 = tpu.memref_slice %arg5[%arg0, %mul3A_1469] : memref<2x102400xf32, #tpu.memory_space<hbm>> -> memref<1x6400xf32, #tpu.memory_space<hbm>>
      %dma_start3A_1471 = tpu.memref_squeeze %dma_start3A_1470 : memref<1x6400xf32, #tpu.memory_space<hbm>> -> memref<6400xf32, #tpu.memory_space<hbm>>
      %dma_start3A_1472 = tpu.memref_slice %arg11[%mul3A_1467] : memref<102400xf32, #tpu.memory_space<vmem_shared>> -> memref<6400xf32, #tpu.memory_space<vmem_shared>>
      tpu.enqueue_dma source(%dma_start3A_1472 : memref<6400xf32, #tpu.memory_space<vmem_shared>>) target(%dma_start3A_1471 : memref<6400xf32, #tpu.memory_space<hbm>>) target_semaphore(%run_scoped3A : memref<!tpu.dma_semaphore, #tpu.memory_space<semaphore_mem>>)
      %dma_wait3A_1473 = tpu.memref_slice %arg5[%arg0, %mul3A_1469] : memref<2x102400xf32, #tpu.memory_space<hbm>> -> memref<1x6400xf32, #tpu.memory_space<hbm>>
      %dma_wait3A_1474 = tpu.memref_squeeze %dma_wait3A_1473 : memref<1x6400xf32, #tpu.memory_space<hbm>> -> memref<6400xf32, #tpu.memory_space<hbm>>
      %dma_wait3A_1475 = tpu.memref_slice %arg11[%mul3A_1467] : memref<102400xf32, #tpu.memory_space<vmem_shared>> -> memref<6400xf32, #tpu.memory_space<vmem_shared>>
      tpu.wait_dma2 semaphore(%run_scoped3A : memref<!tpu.dma_semaphore, #tpu.memory_space<semaphore_mem>>) src(%dma_wait3A_1475 : memref<6400xf32, #tpu.memory_space<vmem_shared>>) dst(%dma_wait3A_1474 : memref<6400xf32, #tpu.memory_space<hbm>>)
      tpu.yield
    }) : () -> ()
    return
  }
}

module attributes {stable_mosaic.version = 14 : i64} {
  func.func @_combine_body(%arg0: memref<800x128xf32, #tpu.memory_space<vmem>>, %arg1: memref<2x800x128xf32, #tpu.memory_space<vmem>>, %arg2: memref<800x128xf32, #tpu.memory_space<vmem>>) attributes {dimension_semantics = [], scalar_prefetch = 0 : i64, scratch_operands = 0 : i64, tpu.core_type = #tpu.core_type<tc>} {
    %get3A = arith.constant 0 : index
    %get3A_0 = arith.constant 0 : index
    %get3A_1 = vector.load %arg0[%get3A, %get3A_0] : memref<800x128xf32, #tpu.memory_space<vmem>>, vector<800x128xf32>
    %get3A_2 = arith.constant 0 : index
    %get3A_3 = arith.constant 0 : index
    %get3A_4 = arith.constant 0 : index
    %get3A_5 = vector.load %arg1[%get3A_2, %get3A_3, %get3A_4] : memref<2x800x128xf32, #tpu.memory_space<vmem>>, vector<1x800x128xf32>
    %get3A_6 = vector.shape_cast %get3A_5 : vector<1x800x128xf32> to vector<800x128xf32>
    %add3A = arith.addf %get3A_1, %get3A_6 : vector<800x128xf32>
    %get3A_7 = arith.constant 1 : index
    %get3A_8 = arith.constant 0 : index
    %get3A_9 = arith.constant 0 : index
    %get3A_10 = vector.load %arg1[%get3A_7, %get3A_8, %get3A_9] : memref<2x800x128xf32, #tpu.memory_space<vmem>>, vector<1x800x128xf32>
    %get3A_11 = vector.shape_cast %get3A_10 : vector<1x800x128xf32> to vector<800x128xf32>
    %add3A_12 = arith.addf %add3A, %get3A_11 : vector<800x128xf32>
    %swap3A = arith.constant 0 : index
    %swap3A_13 = arith.constant 0 : index
    %swap3A_14 = vector.load %arg2[%swap3A, %swap3A_13] : memref<800x128xf32, #tpu.memory_space<vmem>>, vector<800x128xf32>
    tpu.vector_store %arg2[%swap3A, %swap3A_13], %add3A_12 {strides = array<i32>} : memref<800x128xf32, #tpu.memory_space<vmem>>, vector<800x128xf32>,
    return
  }
}

</mosaic_0001>

<sc_bundles>
// kernel: kernel.4.cloned.1.call-start
scs
__scs_entry_jumppad:
0x0: {  	(pc) =	sbr.rel $0x88, $3  }
0x1: {  	(tag) =	ssettag $0x0;
	lr =	simm.s32 $0x1  }
0x2: {  	[smem:$0x3F9E] =	sst lr;
	_ =	strace $0xD0000000  }
0x3: {  	_ = 	snop  }
0x4: {  	_ = 	snop  }
0x5: {  	_ = 	snop  }
0x6: {  	_ = 	snop  }
0x7: {  	_ = 	snop  }
__scs_overlays_trampoline_lowered:
0x8: {  	[smem:$0x3FAD] =	sst s0  }
0x9: {  	[smem:$0x3FAE] =	sst s1  }
0xa: {  	[smem:$0x3FAF] =	sst s2  }
0xb: {  	[smem:$0x3FB0] =	sst s3  }
0xc: {  	[smem:$0x3FB1] =	sst s4  }
0xd: {  	[smem:$0x3FB2] =	sst s5  }
0xe: {  	[smem:$0x3FB3] =	sst s6  }
0xf: {  	[smem:$0x3FB4] =	sst s7  }
0x10: {  	[smem:$0x3FB5] =	sst s8  }
0x11: {  	[smem:$0x3FB6] =	sst s9;
	s0 =	simm.s32 @!p0 $0x0  }
0x12: {  	s1 =	sld [smem:$0x3F9C];
	s0 =	simm.s32 @p0 $0x1  }
0x13: {  	[smem:$0x3FB7] =	sst s0;
	s0 =	simm.s32 @!p1 $0x0  }
0x14: {  	s2 =	sld [smem:$0x3F9B];
	s0 =	simm.s32 @p1 $0x1  }
0x15: {  	[smem:$0x3FB8] =	sst s0;
	s0 =	simm.s32 @!p2 $0x0  }
0x16: {  	s3 =	sld [smem:$0x3FDB];
	s0 =	simm.s32 @p2 $0x1  }
0x17: {  	s4 =	simm.s32 $0x1BF5;
	[smem:$0x3FBA] =	sst s0  }
0x18: {  	s0 =	sld [smem:$0x3F9D];
	_ =	swait.ge [sflag:s4], $0x0  }
0x19: {  	s7 =	sld [smem:$0x3F9E]  }
0x1a: {  	s8 =	sadd.s32 $0xFFFFE003, lr  }
0x1b: {  	s9 =	sadd.s32 $0xFFFFFEF7, lr;
	s5 =	simm.s32 $0xFFFFFFFF;
	p2 =	slt.u32 s8, $0xFFFFF086  }
0x1c: {  	p1 =	slt.u32 s9, $0xF7A;
	s5 =	simm.s32 @!p2 $0x0  }
0x1d: {  	s5 =	simm.s32 @p1 $0x1;
	p0 =	seq.s32 s7, s2  }
0x1e: {  	s7 =	smul.u32 @!p0 $0xF7A, s2;
	p2 =	seq.s32 @!p0 s5, $0x0  }
0x1f: {  	s9 =	smul.u32 $0xF7A, s1;
	s8 =	simm.s32 @!p0 $0x1BF5;
	p2 =	por !p2, p0  }
0x20: {  	[sflag:s8] =	ssyncset.s32 @!p0 $0xFFFFF086;
	s6 =	sadd.s32 @!p0 s3, s7;
	s7 =	simm.s32 @!p0 $0x108  }
0x21: {  	s3 =	sadd.s32 s3, s9;
	s6 =	sadd.s32 @!p0 $0x88, s6;
	s7 =	simm.s32 @p2 $0x1082  }
0x22: {  	[simem:s7], [sflag:s8] =	dma.local @!p0 [hbm:s6], $0xF7A  }
0x23: {  	s9 =	sor.u32 $0xD0000000, s2;
	s6 =	simm.s32 $0x108;
	_ =	swait.ge @!p0 [sflag:s8], $0x0  }
0x24: {  	s3 =	sadd.s32 $0x88, s3;
	s6 =	simm.s32 @!p1 $0x1082;
	[sflag:s4] =	ssyncset.s32 $0xFFFFF086  }
0x25: {  	[simem:s6], [sflag:s4] =	dma.local [hbm:s3], $0xF7A  }
0x26: {  	[smem:$0x3F9E] =	sst s1;
	(tag) =	ssettag s2;
	_ =	strace s9  }
0x27: {  	s1 =	sld [smem:$0x3FAE]  }
0x28: {  	s2 =	sld [smem:$0x3FAF]  }
0x29: {  	s4 =	sld [smem:$0x3FB1]  }
0x2a: {  	p0 =	seq.s32 s5, $0x0;
	s5 =	sld [smem:$0x3FB2]  }
0x2b: {  	s6 =	sld [smem:$0x3FB3]  }
0x2c: {  	s7 =	sld [smem:$0x3FB4]  }
0x2d: {  	s3 =	simm.s32 $0x108;
	s8 =	sld [smem:$0x3FB5]  }
0x2e: {  	s3 =	simm.s32 @!p0 $0x1082;
	s9 =	sld [smem:$0x3FB6]  }
0x2f: {  	lr =	sadd.s32 s0, s3;
	s0 =	sld [smem:$0x3FAD]  }
0x30: {  	s3 =	sld [smem:$0x3FB0]  }
0x31: {  	[smem:$0x3FB9] =	sst s10  }
0x32: {  	s10 =	sld [smem:$0x3FB7];
	_ =	sdelay $0x3  }
0x33: {  	p0 =	seq.s32 s10, $0x1;
	s10 =	sld [smem:$0x3FB9];
	_ =	sdelay $0x3  }
0x34: {  	[smem:$0x3FB9] =	sst s10  }
0x35: {  	s10 =	sld [smem:$0x3FB8];
	_ =	sdelay $0x3  }
0x36: {  	p1 =	seq.s32 s10, $0x1;
	s10 =	sld [smem:$0x3FB9];
	_ =	sdelay $0x3  }
0x37: {  	[smem:$0x3FB9] =	sst s10  }
0x38: {  	s10 =	sld [smem:$0x3FBA]  }
0x39: {  	_ = 	snop;
	(pc) =	sbr.ind lr, $3  }
0x3a: {  	_ = 	snop  }
0x3b: {  	_ = 	snop  }
0x3c: {  	p2 =	seq.s32 s10, $0x1;
	s10 =	sld [smem:$0x3FB9]  }
0x3d: {  	_ =	shalt  }
0x3e: {  	_ =	shalt  }
0x3f: {  	_ =	shalt  }
0x40: {  	_ =	shalt  }
0x41: {  	_ =	shalt  }
0x42: {  	_ =	shalt  }
0x43: {  	_ =	shalt  }
0x44: {  	_ =	shalt  }
0x45: {  	_ =	shalt  }
0x46: {  	_ =	shalt  }
0x47: {  	_ =	shalt  }
0x48: {  	_ =	shalt  }
0x49: {  	_ =	shalt  }
0x4a: {  	_ =	shalt  }
0x4b: {  	_ =	shalt  }
0x4c: {  	_ =	shalt  }
0x4d: {  	_ =	shalt  }
0x4e: {  	_ =	shalt  }
0x4f: {  	_ =	shalt  }
0x50: {  	_ =	shalt  }
0x51: {  	_ =	shalt  }
0x52: {  	_ =	shalt  }
0x53: {  	_ =	shalt  }
0x54: {  	_ =	shalt  }
0x55: {  	_ =	shalt  }
0x56: {  	_ =	shalt  }
0x57: {  	_ =	shalt  }
0x58: {  	_ =	shalt  }
0x59: {  	_ =	shalt  }
0x5a: {  	_ =	shalt  }
0x5b: {  	_ =	shalt  }
0x5c: {  	_ =	shalt  }
0x5d: {  	_ =	shalt  }
0x5e: {  	_ =	shalt  }
0x5f: {  	_ =	shalt  }
0x60: {  	_ =	shalt  }
0x61: {  	_ =	shalt  }
0x62: {  	_ =	shalt  }
0x63: {  	_ =	shalt  }
0x64: {  	_ =	shalt  }
0x65: {  	_ =	shalt  }
0x66: {  	_ =	shalt  }
0x67: {  	_ =	shalt  }
0x68: {  	_ =	shalt  }
0x69: {  	_ =	shalt  }
0x6a: {  	_ =	shalt  }
0x6b: {  	_ =	shalt  }
0x6c: {  	_ =	shalt  }
0x6d: {  	_ =	shalt  }
0x6e: {  	_ =	shalt  }
0x6f: {  	_ =	shalt  }
0x70: {  	_ =	shalt  }
0x71: {  	_ =	shalt  }
0x72: {  	_ =	shalt  }
0x73: {  	_ =	shalt  }
0x74: {  	_ =	shalt  }
0x75: {  	_ =	shalt  }
0x76: {  	_ =	shalt  }
0x77: {  	_ =	shalt  }
0x78: {  	_ =	shalt  }
0x79: {  	_ =	shalt  }
0x7a: {  	_ =	shalt  }
0x7b: {  	_ =	shalt  }
0x7c: {  	_ =	shalt  }
0x7d: {  	_ =	shalt  }
0x7e: {  	_ =	shalt  }
0x7f: {  	_ =	shalt  }
0x80: {  	_ =	shalt  }
0x81: {  	_ =	shalt  }
0x82: {  	_ =	shalt  }
0x83: {  	_ =	shalt  }
0x84: {  	_ =	shalt  }
0x85: {  	_ =	shalt  }
0x86: {  	_ =	shalt  }
0x87: {  	_ =	shalt  }
.Lfunc_end0:
.L_simem_size_0:
called_computation_lowered:
.L_overlay_start_0:
0x88: {  	s2 =	sld [smem:$0x3FD9]  }
0x89: {  	s3 =	sld [smem:$0x3FFE];
	_ =	sdelay $0x1  }
0x8a: {  	s1 =	srdreg.scid  }
0x8b: {  	s0 =	sand.u32 $0x1, s1  }
0x8c: {  	s17 =	sshll.u32 s0, $0xA;
	s2 =	sadd.s32 s3, s2  }
0x8d: {  	s2 =	sadd.s32 s2, s17  }
0x8e: {  	[smem:$0x3FC5] =	sst s2  }
0x8f: {  	_ = 	snop  }
0x90: {  	s2 =	sld [smem:$0x3FC8]  }
0x91: {  	s18 =	sld [smem:$0x3FC7]  }
0x92: {  	s4 =	sld [smem:$0x3FD0];
	(tm) =	ssettm $0x1  }
0x93: {  	s5 =	sld [smem:$0x3FFB];
	_ =	sdelay $0x3  }
0x94: {  	_ =	strace s5  }
0x95: {  	s5 =	sld [smem:$0x3FFC];
	_ =	sdelay $0x3  }
0x96: {  	_ =	strace s5  }
0x97: {  	s5 =	sld [smem:$0x3FFD];
	_ =	sdelay $0x3  }
0x98: {  	_ =	strace s5  }
0x99: {  	_ =	strace $0x8FFFFFFF  }
0x9a: {  	s19 =	sld [smem:$0x3FDB];
	_ =	sdelay $0x1  }
0x9b: {  	s6 =	simm.s32 $_scs_section_size  }
0x9c: {  	s7 =	simm.s32 $_size__tile_overlayer_lowered;
	s8 =	simm.s32 $_tile_overlayer_lowered  }
0x9d: {  	s22 =	simm.s32 $0x1BFF;
	s21 =	sshll.u32 s8, $0x1;
	s5 =	sadd.s32 s6, s19  }
0x9e: {  	s9 =	simm.s32 $0x0;
	s20 =	sshll.u32 s7, $0x1;
	s7 =	sadd.s32 s21, s5  }
0x9f: {  	[timem:s9], [sflag:s22] =	dma.local [hbm:s7], s20  }
0xa0: {  	_ =	swait.ge [sflag:s22], s20  }
0xa1: {  	s6 =	ssub.s32 $0x0, s20;
	[sflag:s22] =	ssyncset.done $0x0  }
0xa2: {  	[sflag:s22] =	ssyncadd.s32 s6;
	_ =	sdelay $0x1  }
0xa3: {  	s23 =	simm.s32 $0x1B8B  }
0xa4: {  	_ =	swait.ge [sflag:s23], $0x1  }
0xa5: {  	[sflag:s23] =	ssyncset.done $0x0  }
0xa6: {  	s25 =	simm.s32 $0x1B8E;
	s24 =	sld [smem:$0x3FFE];
	[sflag:s23] =	ssyncadd.s32 $0xFFFFFFFF  }
0xa7: {  	s26 =	simm.s32 $execute0_lowered;
	[smem:$0x3FD2] =	sst s25  }
0xa8: {  	s7 =	sshll.u32 s26, $0x1;
	_ =	strace $0x80000046;
	[dreg:$0x1] =	wrdreg $0xFFFFFFFF  }
0xa9: {  	s28 =	simm.s32 $_size_execute0_lowered;
	s5 =	sadd.s32 s5, s7;
	[dreg:$0x0] =	wrdreg $0x0  }
0xaa: {  	s7 =	sshll.u32 s28, $0x1;
	[dreg:$0x2] =	wrdreg s5  }
0xab: {  	[dreg:$0x3] =	wrdreg s7  }
0xac: {  	[dreg:$0x4] =	wrdreg $0xC0  }
0xad: {  	_ =	task [dreg:s9], $0x5FFFF  }
0xae: {  	[dreg:$0x1] =	wrdreg $0xFFFFFFFF  }
0xaf: {  	[dreg:$0x0] =	wrdreg $0x60  }
0xb0: {  	[dreg:$0x2] =	wrdreg s4  }
0xb1: {  	[dreg:$0x3] =	wrdreg s2  }
0xb2: {  	[dreg:$0x4] =	wrdreg s18  }
0xb3: {  	[dreg:$0x5] =	wrdreg s24  }
0xb4: {  	[dreg:$0x6] =	wrdreg $0x1DB800  }
0xb5: {  	[dreg:$0x7] =	wrdreg $0x9  }
0xb6: {  	_ =	task.clear_ibuf [dreg:s9], $0x8FFFF;
	_ =	strace $0x90000046  }
0xb7: {  	s29 =	simm.s32 $0x9;
	_ =	strace $0x80000048  }
0xb8: {  	_ =	swait.ge [sflag:s29], $0x1  }
0xb9: {  	[sflag:s29] =	ssyncadd.s32 $0xFFFFFFFF  }
0xba: {  	_ =	strace $0x90000048  }
0xbb: {  	_ =	sfence  }
0xbc: {  	s30 =	sld [smem:$0x0];
	_ =	sdelay $0x2  }
0xbd: {  	s31 =	sshll.u32 s1, $0xD;
	s1 =	sshrl.u32 s1, $0x2  }
0xbe: {  	s3 =	sand.u32 $0x4000, s31;
	s1 =	sadd.s32 s1, s30  }
0xbf: {  	s0 =	sor.u32 s3, s0;
	s1 =	sshll.u32 s1, $0x11  }
0xc0: {  	s0 =	sor.u32 s1, s0  }
0xc1: {  	s0 =	sadd.s32 $0x8F2B, s0  }
0xc2: {  	[sflag:s0] =	ssyncadd.remote.s32 $0x1  }
0xc3: {  	_ =	sfence.sel $0xFFFF  }
0xc4: {  	[dreg:$0x0] =	wrdreg $0xFFFFFFFF;
	(pc) =	sbr.abs _section_cstart, $3  }
0xc5: {  	[dreg:$0x1] =	wrdreg $0xFFFFFFFF  }
0xc6: {  	_ =	task.clear_ibuf [dreg:s9], $0x2FFFF;
	_ =	strace $0x9FFFFFFF  }
0xc7: {  	(tm) =	ssettm $0x7FFFFFFF  }
tec
execute0_lowered:
.L_overlay_start_1:
0x0: {  	(tag) =	ssettag $0x1  }
0x1: {  	s2 =	rddreg [dreg:$0x1]  }
0x2: {  	s3 =	rddreg [dreg:$0x2]  }
0x3: {  	s0 =	rddreg [dreg:$0x3]  }
0x4: {  	s5 =	rddreg [dreg:$0x4]  }
0x5: {  	s1 =	srdreg.scid;
	s6 =	stileid.u32;
	s30 =	simm.s32 $0xFA80  }
0x6: {  	s31 =	simm.s32 $0x2;
	s28 =	simm.s32 $0xA;
	s1 =	sand.u32 $0x1, s1  }
0x7: {  	s4 =	smul.u32 $0x1900, s6;
	s7 =	sshll.u32 s6, $0x1;
	s6 =	simm.s32 $0x0  }
0x8: {  	s8 =	smul.u32 $0x19000, s1;
	s7 =	sor.u32 s1, s7;
	s1 =	ssub.s32 $0x2, s1  }
0x9: {  	[smem:$0x7FF] =	sst s6;
	s7 =	smul.u32 $0x30D40, s7;
	s15 =	sshrl.u32 s1, $0x1  }
0xa: {  	_ =	strace $0x80000047;
	s8 =	sadd.s32 s4, s8;
	s1 =	ssub.s32 s1, s15  }
0xb: {  	s15 =	sadd.s32 s4, s5;
	s8 =	sshrl.u32 s8, $0x3;
	s9 =	sshrl.u32 s7, $0x3  }
0xc: {  	s12 =	sadd.s32 $0x7D00, s7;
	[dreg:$0x6] =	wrdreg s15;
	s10 =	sadd.s32 $0x3E8, s9  }
0xd: {  	s0 =	sadd.s32 s8, s0;
	s18 =	sadd.s32 $0x7D0, s9;
	s16 =	sadd.s32 s2, s10  }
0xe: {  	s22 =	sshrl.u32 s12, $0x3;
	s17 =	sadd.s32 s3, s10;
	[dreg:$0x7] =	wrdreg s16  }
0xf: {  	s13 =	sadd.s32 $0x59D8, s9;
	s19 =	sadd.s32 s2, s18;
	[dreg:$0x8] =	wrdreg s17  }
0x10: {  	s10 =	sadd.s32 $0x5DC0, s7;
	s4 =	sadd.s32 s3, s18;
	[dreg:$0x9] =	wrdreg s19  }
0x11: {  	s23 =	sadd.s32 s2, s22;
	s14 =	sadd.s32 s2, s13;
	[dreg:$0xa] =	wrdreg s4  }
0x12: {  	s18 =	sadd.s32 s2, s9;
	s0 =	sadd.s32 $0x800, s0;
	[dreg:$0xd] =	wrdreg s23  }
0x13: {  	s20 =	sshrl.u32 s10, $0x3;
	s17 =	sadd.s32 $0x9C40, s7;
	[dreg:$0x15] =	wrdreg s14  }
0x14: {  	s4 =	sadd.s32 s3, s22;
	s19 =	sadd.s32 $0xBB80, s7;
	[dreg:$0x17] =	wrdreg s18  }
0x15: {  	s16 =	sadd.s32 s3, s13;
	s22 =	sadd.s32 $0x5DC0, s9;
	[dreg:$0x1b] =	wrdreg s0  }
0x16: {  	s18 =	simm.s32 $0x9CC0;
	s13 =	simm.s32 $0x4;
	[dreg:$0xe] =	wrdreg s4  }
0x17: {  	s14 =	simm.s32 $0x5;
	s21 =	sadd.s32 s2, s20;
	[dreg:$0x16] =	wrdreg s16  }
0x18: {  	s8 =	sadd.s32 s3, s20;
	s24 =	sshrl.u32 s17, $0x3;
	[dreg:$0xb] =	wrdreg s21  }
0x19: {  	s26 =	sshrl.u32 s19, $0x3;
	s20 =	sadd.s32 s3, s9;
	[dreg:$0xc] =	wrdreg s8  }
0x1a: {  	s23 =	sadd.s32 s2, s22;
	s9 =	simm.s32 $0xB;
	[dreg:$0x18] =	wrdreg s20  }
0x1b: {  	s25 =	sadd.s32 s2, s24;
	s21 =	sadd.s32 $0xDAC0, s7;
	[dreg:$0x19] =	wrdreg s23  }
0x1c: {  	s4 =	sadd.s32 s3, s24;
	s29 =	sadd.s32 s2, s26;
	[dreg:$0xf] =	wrdreg s25  }
0x1d: {  	s7 =	sadd.s32 s3, s26;
	s24 =	smax.u32 s1, $0x1;
	[dreg:$0x10] =	wrdreg s4  }
0x1e: {  	s26 =	sadd.s32 $0xC80, s15;
	s20 =	simm.s32 $0x8;
	[dreg:$0x11] =	wrdreg s29  }
0x1f: {  	s23 =	simm.s32 $0x9;
	s1 =	simm.s32 $0x0;
	[dreg:$0x12] =	wrdreg s7  }
0x20: {  	s8 =	sshrl.u32 s21, $0x3;
	[dreg:$0x1c] =	wrdreg s24;
	s25 =	sadd.s32 $0x640, s15  }
0x21: {  	[dreg:$0x1e] =	wrdreg s26;
	s29 =	sadd.s32 $0x12C0, s15;
	s24 =	simm.s32 $0xDB40  }
0x22: {  	s26 =	simm.s32 $0x1F40;
	s7 =	simm.s32 $0x7;
	[dreg:$0x1d] =	wrdreg s25  }
0x23: {  	s11 =	sadd.s32 s2, s8;
	s4 =	sadd.s32 s3, s8;
	[dreg:$0x1f] =	wrdreg s29  }
0x24: {  	s25 =	simm.s32 $0x1;
	s8 =	simm.s32 $0x3;
	[dreg:$0x13] =	wrdreg s11  }
0x25: {  	[dreg:$0x14] =	wrdreg s4;
	s4 =	sadd.s32 s3, s22;
	s22 =	simm.s32 $0xBC00  }
0x26: {  	v0 =	vimm.f32 $0.0e+00;
	s11 =	simm.s32 $0x6;
	[dreg:$0x1a] =	wrdreg s4;
	s4 =	simm.s32 $0x119C0  }
.LBB2_1:
0x27: {  	[smem:$0x7FD] =	sst s1  }
0x28: {  	s0 =	rddreg [dreg:$0x0]  }
0x29: {  	[tilespmem:s6], [sflag:$0xB] =	stream.linear.gather [hbm4b:s0+s6], $0x80, $0x38;
	[tilespmem:$0x1F480] =	vst v63  }
0x2a: {  	_ =	swait.ge [sflag:s9], $0x80  }
0x2b: {  	[sflag:s9] =	ssyncset.done $0x0  }
0x2c: {  	s1 =	simm.s32 $0x0;
	s0 =	simm.s32 $0x40;
	[sflag:s9] =	ssyncadd.s32 $0xFFFFFF80  }
.LBB2_2:
0x2d: {  	p0 =	sne.s32 s0, $0x18C0;
	[tilespmem:s1+$0x1D540] =	vst v0;
	s1 =	smov.u32 s0;
	s0 =	sadd.s32 $0x40, s0  }
.Ltmp0:
0x2e: {  	(pc) =	sbr.rel @p0 .LBB2_2-.Ltmp0, $2  }
0x2f: {  	_ =	sdelay $0x2  }
0x30: {  	s1 =	sshra.s32 s1, $0x2  }
0x31: {  	[tilespmem:s1+$0x1D540] =	vst v0;
	s1 =	simm.s32 $0x1D540  }
0x32: {  	[spmem:s15] =	stream.linear.scatter [tilespmem:s1], [sflag:$0xB], $0x640, $0x38;
	[tilespmem:$0x1F480] =	vst v63  }
0x33: {  	_ =	swait.ge [sflag:s9], $0x640  }
0x34: {  	[sflag:s9] =	ssyncset.done $0x0  }
0x35: {  	s0 =	rddreg [dreg:$0x1d];
	[sflag:s9] =	ssyncadd.s32 $0xFFFFF9C0  }
0x36: {  	[spmem:s0] =	stream.linear.scatter [tilespmem:s1], [sflag:$0xB], $0x640, $0x38;
	[tilespmem:$0x1F480] =	vst v63  }
0x37: {  	_ =	swait.ge [sflag:s9], $0x640  }
0x38: {  	[sflag:s9] =	ssyncset.done $0x0  }
0x39: {  	s16 =	rddreg [dreg:$0x1e];
	[sflag:s9] =	ssyncadd.s32 $0xFFFFF9C0  }
0x3a: {  	[spmem:s16] =	stream.linear.scatter [tilespmem:s1], [sflag:$0xB], $0x640, $0x38;
	[tilespmem:$0x1F480] =	vst v63  }
0x3b: {  	_ =	swait.ge [sflag:s9], $0x640  }
0x3c: {  	[sflag:s9] =	ssyncset.done $0x0  }
0x3d: {  	s29 =	rddreg [dreg:$0x1f];
	[sflag:s9] =	ssyncadd.s32 $0xFFFFF9C0  }
0x3e: {  	[spmem:s29] =	stream.linear.scatter [tilespmem:s1], [sflag:$0xB], $0x640, $0x38;
	[tilespmem:$0x1F480] =	vst v63  }
0x3f: {  	_ =	swait.ge [sflag:s9], $0x640  }
0x40: {  	[sflag:s9] =	ssyncset.done $0x0  }
0x41: {  	[sflag:s9] =	ssyncadd.s32 $0xFFFFF9C0  }
0x42: {  	[bflag:$0x0] =	sbarrier.arrive $0xFFFF  }
0x43: {  	s9 =	simm.s32 $0x80;
	s1 =	rddreg [dreg:$0x17]  }
0x44: {  	[tilespmem:s9], [sflag:$0x1] =	stream.linear.gather [hbm4b:s1+s6], $0x1F40, $0x38;
	[tilespmem:$0x1F480] =	vst v63  }
0x45: {  	s15 =	rddreg [dreg:$0x18]  }
0x46: {  	[tilespmem:s18], [sflag:$0x1] =	stream.linear.gather [hbm4b:s15+s6], $0x1F40, $0x38;
	[tilespmem:$0x1F480] =	vst v63  }
0x47: {  	s29 =	simm.s32 $0x1FC0;
	s16 =	rddreg [dreg:$0x7]  }
0x48: {  	[tilespmem:s29], [sflag:$0x2] =	stream.linear.gather [hbm4b:s16+s6], $0x1F40, $0x38;
	[tilespmem:$0x1F480] =	vst v63  }
0x49: {  	s9 =	rddreg [dreg:$0x8]  }
0x4a: {  	[tilespmem:s22], [sflag:$0x2] =	stream.linear.gather [hbm4b:s9+s6], $0x1F40, $0x38;
	[tilespmem:$0x1F480] =	vst v63  }
0x4b: {  	s15 =	rddreg [dreg:$0x9];
	s16 =	simm.s32 $0x3F00  }
0x4c: {  	[tilespmem:s16], [sflag:$0x3] =	stream.linear.gather [hbm4b:s15+s6], $0x1F40, $0x38;
	[tilespmem:$0x1F480] =	vst v63  }
0x4d: {  	s29 =	rddreg [dreg:$0xa]  }
0x4e: {  	[tilespmem:s24], [sflag:$0x3] =	stream.linear.gather [hbm4b:s29+s6], $0x1F40, $0x38;
	[tilespmem:$0x1F480] =	vst v63  }
0x4f: {  	_ =	swait.ge [sflag:s25], $0x1F40  }
0x50: {  	[sflag:s25] =	ssyncset.done $0x0  }
0x51: {  	[sflag:s25] =	ssyncadd.s32 $0xFFFFE0C0  }
0x52: {  	_ =	swait.ge [sflag:s25], $0x1F40  }
0x53: {  	s0 =	simm.s32 $0xFFFFFFF8;
	[sflag:s25] =	ssyncset.done $0x0  }
0x54: {  	s1 =	simm.s32 $0xC0;
	s9 =	simm.s32 $0x13940;
	[sflag:s25] =	ssyncadd.s32 $0xFFFFE0C0  }
.LBB2_4:
0x55: {  	v1 =	vld [tilespmem:s1+$0xFFFFFFC0];
	_ =	sdelay $0x7  }
0x56: {  	v1 =	vld.idx.msk [tilespmem:v1+s6+$0x0], $0xffff;
	_ =	sdelay $0x4  }
0x57: {  	[tilespmem:s9+$0xFFFFFFC0] =	vst v1  }
0x58: {  	v1 =	vld [tilespmem:s1+$0xFFFFFFD0];
	_ =	sdelay $0x7  }
0x59: {  	v1 =	vld.idx.msk [tilespmem:v1+s6+$0x0], $0xffff;
	_ =	sdelay $0x4  }
0x5a: {  	[tilespmem:s9+$0xFFFFFFD0] =	vst v1  }
0x5b: {  	v1 =	vld [tilespmem:s1+$0xFFFFFFE0];
	_ =	sdelay $0x7  }
0x5c: {  	v1 =	vld.idx.msk [tilespmem:v1+s6+$0x0], $0xffff;
	_ =	sdelay $0x4  }
0x5d: {  	[tilespmem:s9+$0xFFFFFFE0] =	vst v1  }
0x5e: {  	v1 =	vld [tilespmem:s1+$0xFFFFFFF0];
	_ =	sdelay $0x7  }
0x5f: {  	v1 =	vld.idx.msk [tilespmem:v1+s6+$0x0], $0xffff;
	_ =	sdelay $0x4  }
0x60: {  	[tilespmem:s9+$0xFFFFFFF0] =	vst v1  }
0x61: {  	v1 =	vld [tilespmem:s1+$0x0];
	_ =	sdelay $0x7  }
0x62: {  	v1 =	vld.idx.msk [tilespmem:v1+s6+$0x0], $0xffff;
	_ =	sdelay $0x4  }
0x63: {  	[tilespmem:s9+$0x0] =	vst v1  }
0x64: {  	v1 =	vld [tilespmem:s1+$0x10];
	_ =	sdelay $0x7  }
0x65: {  	v1 =	vld.idx.msk [tilespmem:v1+s6+$0x0], $0xffff;
	_ =	sdelay $0x4  }
0x66: {  	[tilespmem:s9+$0x10] =	vst v1  }
0x67: {  	v1 =	vld [tilespmem:s1+$0x20];
	_ =	sdelay $0x7  }
0x68: {  	v1 =	vld.idx.msk [tilespmem:v1+s6+$0x0], $0xffff;
	_ =	sdelay $0x4  }
0x69: {  	[tilespmem:s9+$0x20] =	vst v1  }
0x6a: {  	v1 =	vld [tilespmem:s1+$0x30];
	_ =	sdelay $0x6  }
0x6b: {  	s0 =	sadd.s32 $0x8, s0  }
0x6c: {  	p0 =	slt.u32 s0, $0x1E8;
	v1 =	vld.idx.msk [tilespmem:v1+s6+$0x0], $0xffff  }
.Ltmp1:
0x6d: {  	_ = 	snop;
	(pc) =	sbr.rel @p0 .LBB2_4-.Ltmp1, $2  }
0x6e: {  	_ =	sdelay $0x2  }
0x6f: {  	s1 =	sadd.s32 $0x80, s1;
	[tilespmem:s9+$0x30] =	vst v1;
	s9 =	sadd.s32 $0x80, s9  }
0x70: {  	v1 =	vld [tilespmem:$0x1F80];
	_ =	sdelay $0x5  }
0x71: {  	v2 =	vld [tilespmem:$0x1F90];
	_ =	sdelay $0x1  }
0x72: {  	v1 =	vld.idx.msk [tilespmem:v1+s6+$0x0], $0xffff;
	_ =	sdelay $0x3  }
0x73: {  	v3 =	vld [tilespmem:$0x1FA0]  }
0x74: {  	[tilespmem:$0x15800] =	vst v1  }
0x75: {  	v1 =	vld.idx.msk [tilespmem:v2+s6+$0x0], $0xffff;
	_ =	sdelay $0x3  }
0x76: {  	v2 =	vld [tilespmem:$0x1FB0]  }
0x77: {  	[tilespmem:$0x15810] =	vst v1  }
0x78: {  	v1 =	vld.idx.msk [tilespmem:v3+s6+$0x0], $0xffff;
	_ =	sdelay $0x4  }
0x79: {  	[tilespmem:$0x15820] =	vst v1  }
0x7a: {  	v1 =	vld.idx.msk [tilespmem:v2+s6+$0x0], $0xffff;
	_ =	sdelay $0x4  }
0x7b: {  	s0 =	simm.s32 $0x13900;
	[tilespmem:$0x15830] =	vst v1  }
0x7c: {  	[spmem:s5] =	stream.indirect.scatter.add.f32 [tilespmem:s0], [sflag:$0x6], $0x1, s18, s26, $0xb8;
	[tilespmem:$0x1F480] =	vst v63  }
0x7d: {  	s16 =	rddreg [dreg:$0xb];
	s1 =	simm.s32 $0x5E40  }
0x7e: {  	[tilespmem:s1], [sflag:$0x4] =	stream.linear.gather [hbm4b:s16+s6], $0x1F40, $0x38;
	[tilespmem:$0x1F480] =	vst v63  }
0x7f: {  	s29 =	rddreg [dreg:$0xc]  }
0x80: {  	[tilespmem:s30], [sflag:$0x4] =	stream.linear.gather [hbm4b:s29+s6], $0x1F40, $0x38;
	[tilespmem:$0x1F480] =	vst v63  }
0x81: {  	_ =	swait.ge [sflag:s31], $0x1F40  }
0x82: {  	[sflag:s31] =	ssyncset.done $0x0  }
0x83: {  	[sflag:s31] =	ssyncadd.s32 $0xFFFFE0C0  }
0x84: {  	_ =	swait.ge [sflag:s31], $0x1F40  }
0x85: {  	s9 =	simm.s32 $0x158B0;
	[sflag:s31] =	ssyncset.done $0x0  }
0x86: {  	s0 =	simm.s32 $0xFFFFFFF8;
	s1 =	simm.s32 $0x2030;
	[sflag:s31] =	ssyncadd.s32 $0xFFFFE0C0  }
.LBB2_6:
0x87: {  	v1 =	vld [tilespmem:s1+$0xFFFFFF90];
	_ =	sdelay $0x7  }
0x88: {  	v1 =	vld.idx.msk [tilespmem:v1+s6+$0x0], $0xffff;
	_ =	sdelay $0x4  }
0x89: {  	[tilespmem:s9+$0xFFFFFF90] =	vst v1  }
0x8a: {  	v1 =	vld [tilespmem:s1+$0xFFFFFFA0];
	_ =	sdelay $0x7  }
0x8b: {  	v1 =	vld.idx.msk [tilespmem:v1+s6+$0x0], $0xffff;
	_ =	sdelay $0x4  }
0x8c: {  	[tilespmem:s9+$0xFFFFFFA0] =	vst v1  }
0x8d: {  	v1 =	vld [tilespmem:s1+$0xFFFFFFB0];
	_ =	sdelay $0x7  }
0x8e: {  	v1 =	vld.idx.msk [tilespmem:v1+s6+$0x0], $0xffff;
	_ =	sdelay $0x4  }
0x8f: {  	[tilespmem:s9+$0xFFFFFFB0] =	vst v1  }
0x90: {  	v1 =	vld [tilespmem:s1+$0xFFFFFFC0];
	_ =	sdelay $0x7  }
0x91: {  	v1 =	vld.idx.msk [tilespmem:v1+s6+$0x0], $0xffff;
	_ =	sdelay $0x4  }
0x92: {  	[tilespmem:s9+$0xFFFFFFC0] =	vst v1  }
0x93: {  	v1 =	vld [tilespmem:s1+$0xFFFFFFD0];
	_ =	sdelay $0x7  }
0x94: {  	v1 =	vld.idx.msk [tilespmem:v1+s6+$0x0], $0xffff;
	_ =	sdelay $0x4  }
0x95: {  	[tilespmem:s9+$0xFFFFFFD0] =	vst v1  }
0x96: {  	v1 =	vld [tilespmem:s1+$0xFFFFFFE0];
	_ =	sdelay $0x7  }
0x97: {  	v1 =	vld.idx.msk [tilespmem:v1+s6+$0x0], $0xffff;
	_ =	sdelay $0x4  }
0x98: {  	[tilespmem:s9+$0xFFFFFFE0] =	vst v1  }
0x99: {  	v1 =	vld [tilespmem:s1+$0xFFFFFFF0];
	_ =	sdelay $0x7  }
0x9a: {  	v1 =	vld.idx.msk [tilespmem:v1+s6+$0x0], $0xffff;
	_ =	sdelay $0x4  }
0x9b: {  	[tilespmem:s9+$0xFFFFFFF0] =	vst v1  }
0x9c: {  	v1 =	vld [tilespmem:s1+$0x0];
	_ =	sdelay $0x6  }
0x9d: {  	s0 =	sadd.s32 $0x8, s0  }
0x9e: {  	p0 =	slt.u32 s0, $0x1E8;
	v1 =	vld.idx.msk [tilespmem:v1+s6+$0x0], $0xffff  }
.Ltmp2:
0x9f: {  	_ = 	snop;
	(pc) =	sbr.rel @p0 .LBB2_6-.Ltmp2, $2  }
0xa0: {  	_ =	sdelay $0x2  }
0xa1: {  	s1 =	sadd.s32 $0x80, s1;
	[tilespmem:s9+$0x0] =	vst v1;
	s9 =	sadd.s32 $0x80, s9  }
0xa2: {  	v1 =	vld [tilespmem:$0x3EC0];
	_ =	sdelay $0x5  }
0xa3: {  	v2 =	vld [tilespmem:$0x3ED0];
	_ =	sdelay $0x1  }
0xa4: {  	v1 =	vld.idx.msk [tilespmem:v1+s6+$0x0], $0xffff;
	_ =	sdelay $0x3  }
0xa5: {  	v3 =	vld [tilespmem:$0x3EE0]  }
0xa6: {  	[tilespmem:$0x17740] =	vst v1  }
0xa7: {  	v1 =	vld.idx.msk [tilespmem:v2+s6+$0x0], $0xffff;
	_ =	sdelay $0x3  }
0xa8: {  	v2 =	vld [tilespmem:$0x3EF0]  }
0xa9: {  	[tilespmem:$0x17750] =	vst v1  }
0xaa: {  	v1 =	vld.idx.msk [tilespmem:v3+s6+$0x0], $0xffff;
	_ =	sdelay $0x4  }
0xab: {  	[tilespmem:$0x17760] =	vst v1  }
0xac: {  	v1 =	vld.idx.msk [tilespmem:v2+s6+$0x0], $0xffff;
	_ =	sdelay $0x4  }
0xad: {  	s0 =	simm.s32 $0x15840;
	[tilespmem:$0x17770] =	vst v1  }
0xae: {  	[spmem:s5] =	stream.indirect.scatter.add.f32 [tilespmem:s0], [sflag:$0x7], $0x1, s22, s26, $0xb8;
	[tilespmem:$0x1F480] =	vst v63  }
0xaf: {  	s16 =	rddreg [dreg:$0xd];
	s1 =	simm.s32 $0x7D80  }
0xb0: {  	[tilespmem:s1], [sflag:$0x5] =	stream.linear.gather [hbm4b:s16+s6], $0x1F40, $0x38;
	[tilespmem:$0x1F480] =	vst v63  }
0xb1: {  	s29 =	rddreg [dreg:$0xe]  }
0xb2: {  	[tilespmem:s4], [sflag:$0x5] =	stream.linear.gather [hbm4b:s29+s6], $0x1F40, $0x38;
	[tilespmem:$0x1F480] =	vst v63  }
0xb3: {  	_ =	swait.ge [sflag:s8], $0x1F40  }
0xb4: {  	[sflag:s8] =	ssyncset.done $0x0  }
0xb5: {  	[sflag:s8] =	ssyncadd.s32 $0xFFFFE0C0  }
0xb6: {  	_ =	swait.ge [sflag:s8], $0x1F40  }
0xb7: {  	s9 =	simm.s32 $0x177F0;
	[sflag:s8] =	ssyncset.done $0x0  }
0xb8: {  	s0 =	simm.s32 $0xFFFFFFF8;
	s1 =	simm.s32 $0x3F70;
	[sflag:s8] =	ssyncadd.s32 $0xFFFFE0C0  }
.LBB2_8:
0xb9: {  	v1 =	vld [tilespmem:s1+$0xFFFFFF90];
	_ =	sdelay $0x7  }
0xba: {  	v1 =	vld.idx.msk [tilespmem:v1+s6+$0x0], $0xffff;
	_ =	sdelay $0x4  }
0xbb: {  	[tilespmem:s9+$0xFFFFFF90] =	vst v1  }
0xbc: {  	v1 =	vld [tilespmem:s1+$0xFFFFFFA0];
	_ =	sdelay $0x7  }
0xbd: {  	v1 =	vld.idx.msk [tilespmem:v1+s6+$0x0], $0xffff;
	_ =	sdelay $0x4  }
0xbe: {  	[tilespmem:s9+$0xFFFFFFA0] =	vst v1  }
0xbf: {  	v1 =	vld [tilespmem:s1+$0xFFFFFFB0];
	_ =	sdelay $0x7  }
0xc0: {  	v1 =	vld.idx.msk [tilespmem:v1+s6+$0x0], $0xffff;
	_ =	sdelay $0x4  }
0xc1: {  	[tilespmem:s9+$0xFFFFFFB0] =	vst v1  }
0xc2: {  	v1 =	vld [tilespmem:s1+$0xFFFFFFC0];
	_ =	sdelay $0x7  }
0xc3: {  	v1 =	vld.idx.msk [tilespmem:v1+s6+$0x0], $0xffff;
	_ =	sdelay $0x4  }
0xc4: {  	[tilespmem:s9+$0xFFFFFFC0] =	vst v1  }
0xc5: {  	v1 =	vld [tilespmem:s1+$0xFFFFFFD0];
	_ =	sdelay $0x7  }
0xc6: {  	v1 =	vld.idx.msk [tilespmem:v1+s6+$0x0], $0xffff;
	_ =	sdelay $0x4  }
0xc7: {  	[tilespmem:s9+$0xFFFFFFD0] =	vst v1  }
0xc8: {  	v1 =	vld [tilespmem:s1+$0xFFFFFFE0];
	_ =	sdelay $0x7  }
0xc9: {  	v1 =	vld.idx.msk [tilespmem:v1+s6+$0x0], $0xffff;
	_ =	sdelay $0x4  }
0xca: {  	[tilespmem:s9+$0xFFFFFFE0] =	vst v1  }
0xcb: {  	v1 =	vld [tilespmem:s1+$0xFFFFFFF0];
	_ =	sdelay $0x7  }
0xcc: {  	v1 =	vld.idx.msk [tilespmem:v1+s6+$0x0], $0xffff;
	_ =	sdelay $0x4  }
0xcd: {  	[tilespmem:s9+$0xFFFFFFF0] =	vst v1  }
0xce: {  	v1 =	vld [tilespmem:s1+$0x0];
	_ =	sdelay $0x6  }
0xcf: {  	s0 =	sadd.s32 $0x8, s0  }
0xd0: {  	p0 =	slt.u32 s0, $0x1E8;
	v1 =	vld.idx.msk [tilespmem:v1+s6+$0x0], $0xffff  }
.Ltmp3:
0xd1: {  	_ = 	snop;
	(pc) =	sbr.rel @p0 .LBB2_8-.Ltmp3, $2  }
0xd2: {  	_ =	sdelay $0x2  }
0xd3: {  	s1 =	sadd.s32 $0x80, s1;
	[tilespmem:s9+$0x0] =	vst v1;
	s9 =	sadd.s32 $0x80, s9  }
0xd4: {  	v1 =	vld [tilespmem:$0x5E00];
	_ =	sdelay $0x5  }
0xd5: {  	v2 =	vld [tilespmem:$0x5E10]  }
0xd6: {  	s0 =	simm.s32 $0x0  }
0xd7: {  	v1 =	vld.idx.msk [tilespmem:v1+s0+$0x0], $0xffff;
	_ =	sdelay $0x3  }
0xd8: {  	v3 =	vld [tilespmem:$0x5E20]  }
0xd9: {  	[tilespmem:$0x19680] =	vst v1  }
0xda: {  	v1 =	vld.idx.msk [tilespmem:v2+s0+$0x0], $0xffff;
	_ =	sdelay $0x3  }
0xdb: {  	v2 =	vld [tilespmem:$0x5E30]  }
0xdc: {  	[tilespmem:$0x19690] =	vst v1  }
0xdd: {  	v1 =	vld.idx.msk [tilespmem:v3+s0+$0x0], $0xffff;
	_ =	sdelay $0x4  }
0xde: {  	[tilespmem:$0x196A0] =	vst v1  }
0xdf: {  	v1 =	vld.idx.msk [tilespmem:v2+s0+$0x0], $0xffff;
	_ =	sdelay $0x4  }
0xe0: {  	s1 =	simm.s32 $0x17780;
	[tilespmem:$0x196B0] =	vst v1  }
0xe1: {  	[spmem:s5] =	stream.indirect.scatter.add.f32 [tilespmem:s1], [sflag:$0x8], $0x1, s24, s26, $0xb8;
	[tilespmem:$0x1F480] =	vst v63  }
0xe2: {  	_ =	swait.ge [sflag:s11], $0x1F40  }
0xe3: {  	[sflag:s11] =	ssyncset.done $0x0  }
0xe4: {  	s9 =	simm.s32 $0x80;
	s16 =	rddreg [dreg:$0xf];
	[sflag:s11] =	ssyncadd.s32 $0xFFFFE0C0  }
0xe5: {  	[tilespmem:s9], [sflag:$0x1] =	stream.linear.gather [hbm4b:s16+s0], $0x1F40, $0x38;
	[tilespmem:$0x1F480] =	vst v63  }
0xe6: {  	s29 =	rddreg [dreg:$0x10]  }
0xe7: {  	[tilespmem:s18], [sflag:$0x1] =	stream.linear.gather [hbm4b:s29+s0], $0x1F40, $0x38;
	[tilespmem:$0x1F480] =	vst v63  }
0xe8: {  	_ =	swait.ge [sflag:s13], $0x1F40  }
0xe9: {  	[sflag:s13] =	ssyncset.done $0x0  }
0xea: {  	[sflag:s13] =	ssyncadd.s32 $0xFFFFE0C0  }
0xeb: {  	_ =	swait.ge [sflag:s13], $0x1F40  }
0xec: {  	[sflag:s13] =	ssyncset.done $0x0  }
0xed: {  	s0 =	simm.s32 $0x0;
	[sflag:s13] =	ssyncadd.s32 $0xFFFFE0C0  }
0xee: {  	v1 =	vld [tilespmem:s0+$0x5E40];
	_ =	sdelay $0x5  }
0xef: {  	v2 =	vld [tilespmem:s0+$0x5E50];
	_ =	sdelay $0x1  }
0xf0: {  	v1 =	vld.idx.msk [tilespmem:v1+s6+$0x0], $0xffff;
	_ =	sdelay $0x4  }
0xf1: {  	[tilespmem:s0+$0x196C0] =	vst v1;
	v1 =	vld [tilespmem:s0+$0x5E60]  }
0xf2: {  	v2 =	vld.idx.msk [tilespmem:v2+s6+$0x0], $0xffff;
	_ =	sdelay $0x4  }
0xf3: {  	[tilespmem:s0+$0x196D0] =	vst v2;
	v2 =	vld [tilespmem:s0+$0x5E70];
	_ =	sdelay $0x1  }
0xf4: {  	v1 =	vld.idx.msk [tilespmem:v1+s6+$0x0], $0xffff;
	_ =	sdelay $0x4  }
0xf5: {  	[tilespmem:s0+$0x196E0] =	vst v1;
	v1 =	vld [tilespmem:s0+$0x5E80]  }
0xf6: {  	v2 =	vld.idx.msk [tilespmem:v2+s6+$0x0], $0xffff;
	_ =	sdelay $0x4  }
0xf7: {  	[tilespmem:s0+$0x196F0] =	vst v2;
	v2 =	vld [tilespmem:s0+$0x5E90];
	_ =	sdelay $0x1  }
0xf8: {  	v1 =	vld.idx.msk [tilespmem:v1+s6+$0x0], $0xffff;
	_ =	sdelay $0x4  }
0xf9: {  	v3 =	vld [tilespmem:s0+$0x5EA0];
	[tilespmem:s0+$0x19700] =	vst v1  }
0xfa: {  	v1 =	vld.idx.msk [tilespmem:v2+s6+$0x0], $0xffff;
	_ =	sdelay $0x4  }
0xfb: {  	[tilespmem:s0+$0x19710] =	vst v1;
	v1 =	vld [tilespmem:s0+$0x5EB0];
	_ =	sdelay $0x1  }
0xfc: {  	v2 =	vld.idx.msk [tilespmem:v3+s6+$0x0], $0xffff;
	_ =	sdelay $0x2  }
0xfd: {  	s1 =	simm.s32 $0x0;
	s9 =	simm.s32 $0x200  }
.LBB2_10:
0xfe: {  	s15 =	sshra.s32 s9, $0x2;
	s1 =	sadd.s32 $0x8, s1  }
0xff: {  	v3 =	vld [tilespmem:s15+$0x5E40];
	p0 =	slt.u32 s1, $0x1E8;
	[tilespmem:s0+$0x19720] =	vst v2  }
0x100: {  	v1 =	vld.idx.msk [tilespmem:v1+s6+$0x0], $0xffff;
	_ =	sdelay $0x5  }
0x101: {  	v2 =	vld [tilespmem:s15+$0x5E50];
	[tilespmem:s0+$0x19730] =	vst v1;
	s0 =	smov.u32 s15  }
0x102: {  	v1 =	vld.idx.msk [tilespmem:v3+s6+$0x0], $0xffff;
	_ =	sdelay $0x5  }
0x103: {  	[tilespmem:s0+$0x196C0] =	vst v1;
	v1 =	vld [tilespmem:s0+$0x5E60]  }
0x104: {  	v2 =	vld.idx.msk [tilespmem:v2+s6+$0x0], $0xffff;
	_ =	sdelay $0x5  }
0x105: {  	[tilespmem:s0+$0x196D0] =	vst v2;
	v2 =	vld [tilespmem:s0+$0x5E70]  }
0x106: {  	v1 =	vld.idx.msk [tilespmem:v1+s6+$0x0], $0xffff;
	_ =	sdelay $0x5  }
0x107: {  	[tilespmem:s0+$0x196E0] =	vst v1;
	v1 =	vld [tilespmem:s0+$0x5E80]  }
0x108: {  	v2 =	vld.idx.msk [tilespmem:v2+s6+$0x0], $0xffff;
	_ =	sdelay $0x5  }
0x109: {  	[tilespmem:s0+$0x196F0] =	vst v2;
	v2 =	vld [tilespmem:s0+$0x5E90]  }
0x10a: {  	v1 =	vld.idx.msk [tilespmem:v1+s6+$0x0], $0xffff;
	_ =	sdelay $0x5  }
0x10b: {  	[tilespmem:s0+$0x19700] =	vst v1;
	v3 =	vld [tilespmem:s0+$0x5EA0]  }
0x10c: {  	v1 =	vld.idx.msk [tilespmem:v2+s6+$0x0], $0xffff;
	_ =	sdelay $0x5  }
0x10d: {  	[tilespmem:s0+$0x19710] =	vst v1;
	v1 =	vld [tilespmem:s0+$0x5EB0]  }
.Ltmp4:
0x10e: {  	v2 =	vld.idx.msk [tilespmem:v3+s6+$0x0], $0xffff;
	(pc) =	sbr.rel @p0 .LBB2_10-.Ltmp4, $2  }
0x10f: {  	_ =	sdelay $0x2  }
0x110: {  	s9 =	sadd.s32 $0x200, s9  }
0x111: {  	_ =	sdelay $0x2  }
0x112: {  	[tilespmem:s0+$0x19720] =	vst v2  }
0x113: {  	v1 =	vld.idx.msk [tilespmem:v1+s6+$0x0], $0xffff;
	_ =	sdelay $0x4  }
0x114: {  	[tilespmem:s0+$0x19730] =	vst v1  }
0x115: {  	v1 =	vld [tilespmem:$0x7D40];
	_ =	sdelay $0x5  }
0x116: {  	v2 =	vld [tilespmem:$0x7D50]  }
0x117: {  	s15 =	simm.s32 $0x0  }
0x118: {  	v1 =	vld.idx.msk [tilespmem:v1+s15+$0x0], $0xffff;
	_ =	sdelay $0x3  }
0x119: {  	v3 =	vld [tilespmem:$0x7D60]  }
0x11a: {  	[tilespmem:$0x1B5C0] =	vst v1  }
0x11b: {  	v1 =	vld.idx.msk [tilespmem:v2+s15+$0x0], $0xffff;
	_ =	sdelay $0x3  }
0x11c: {  	v2 =	vld [tilespmem:$0x7D70]  }
0x11d: {  	[tilespmem:$0x1B5D0] =	vst v1  }
0x11e: {  	v1 =	vld.idx.msk [tilespmem:v3+s15+$0x0], $0xffff;
	_ =	sdelay $0x4  }
0x11f: {  	[tilespmem:$0x1B5E0] =	vst v1  }
0x120: {  	v1 =	vld.idx.msk [tilespmem:v2+s15+$0x0], $0xffff;
	_ =	sdelay $0x4  }
0x121: {  	s1 =	simm.s32 $0x196C0;
	[tilespmem:$0x1B5F0] =	vst v1  }
0x122: {  	[spmem:s5] =	stream.indirect.scatter.add.f32 [tilespmem:s1], [sflag:$0x9], $0x1, s30, s26, $0xb8;
	[tilespmem:$0x1F480] =	vst v63  }
0x123: {  	_ =	swait.ge [sflag:s7], $0x1F40  }
0x124: {  	[sflag:s7] =	ssyncset.done $0x0  }
0x125: {  	s9 =	simm.s32 $0x1FC0;
	s16 =	rddreg [dreg:$0x11];
	[sflag:s7] =	ssyncadd.s32 $0xFFFFE0C0  }
0x126: {  	[tilespmem:s9], [sflag:$0x2] =	stream.linear.gather [hbm4b:s16+s15], $0x1F40, $0x38;
	[tilespmem:$0x1F480] =	vst v63  }
0x127: {  	s29 =	rddreg [dreg:$0x12]  }
0x128: {  	[tilespmem:s22], [sflag:$0x2] =	stream.linear.gather [hbm4b:s29+s15], $0x1F40, $0x38;
	[tilespmem:$0x1F480] =	vst v63  }
0x129: {  	_ =	swait.ge [sflag:s14], $0x1F40  }
0x12a: {  	[sflag:s14] =	ssyncset.done $0x0  }
0x12b: {  	[sflag:s14] =	ssyncadd.s32 $0xFFFFE0C0  }
0x12c: {  	_ =	swait.ge [sflag:s14], $0x1F40  }
0x12d: {  	[sflag:s14] =	ssyncset.done $0x0  }
0x12e: {  	s0 =	simm.s32 $0x0;
	[sflag:s14] =	ssyncadd.s32 $0xFFFFE0C0  }
0x12f: {  	v1 =	vld [tilespmem:s0+$0x7D80];
	_ =	sdelay $0x5  }
0x130: {  	v2 =	vld [tilespmem:s0+$0x7D90];
	_ =	sdelay $0x1  }
0x131: {  	v1 =	vld.idx.msk [tilespmem:v1+s6+$0x0], $0xffff;
	_ =	sdelay $0x4  }
0x132: {  	[tilespmem:s0+$0x1B600] =	vst v1;
	v1 =	vld [tilespmem:s0+$0x7DA0]  }
0x133: {  	v2 =	vld.idx.msk [tilespmem:v2+s6+$0x0], $0xffff;
	_ =	sdelay $0x4  }
0x134: {  	[tilespmem:s0+$0x1B610] =	vst v2;
	v2 =	vld [tilespmem:s0+$0x7DB0];
	_ =	sdelay $0x1  }
0x135: {  	v1 =	vld.idx.msk [tilespmem:v1+s6+$0x0], $0xffff;
	_ =	sdelay $0x4  }
0x136: {  	[tilespmem:s0+$0x1B620] =	vst v1;
	v1 =	vld [tilespmem:s0+$0x7DC0]  }
0x137: {  	v2 =	vld.idx.msk [tilespmem:v2+s6+$0x0], $0xffff;
	_ =	sdelay $0x4  }
0x138: {  	[tilespmem:s0+$0x1B630] =	vst v2;
	v2 =	vld [tilespmem:s0+$0x7DD0];
	_ =	sdelay $0x1  }
0x139: {  	v1 =	vld.idx.msk [tilespmem:v1+s6+$0x0], $0xffff;
	_ =	sdelay $0x4  }
0x13a: {  	v3 =	vld [tilespmem:s0+$0x7DE0];
	[tilespmem:s0+$0x1B640] =	vst v1  }
0x13b: {  	v1 =	vld.idx.msk [tilespmem:v2+s6+$0x0], $0xffff;
	_ =	sdelay $0x4  }
0x13c: {  	[tilespmem:s0+$0x1B650] =	vst v1;
	v1 =	vld [tilespmem:s0+$0x7DF0];
	_ =	sdelay $0x1  }
0x13d: {  	v2 =	vld.idx.msk [tilespmem:v3+s6+$0x0], $0xffff;
	_ =	sdelay $0x2  }
0x13e: {  	s1 =	simm.s32 $0x0;
	s9 =	simm.s32 $0x200  }
.LBB2_12:
0x13f: {  	s15 =	sshra.s32 s9, $0x2;
	s1 =	sadd.s32 $0x8, s1  }
0x140: {  	v3 =	vld [tilespmem:s15+$0x7D80];
	p0 =	slt.u32 s1, $0x1E8;
	[tilespmem:s0+$0x1B660] =	vst v2  }
0x141: {  	v1 =	vld.idx.msk [tilespmem:v1+s6+$0x0], $0xffff;
	_ =	sdelay $0x5  }
0x142: {  	v2 =	vld [tilespmem:s15+$0x7D90];
	[tilespmem:s0+$0x1B670] =	vst v1;
	s0 =	smov.u32 s15  }
0x143: {  	v1 =	vld.idx.msk [tilespmem:v3+s6+$0x0], $0xffff;
	_ =	sdelay $0x5  }
0x144: {  	[tilespmem:s0+$0x1B600] =	vst v1;
	v1 =	vld [tilespmem:s0+$0x7DA0]  }
0x145: {  	v2 =	vld.idx.msk [tilespmem:v2+s6+$0x0], $0xffff;
	_ =	sdelay $0x5  }
0x146: {  	[tilespmem:s0+$0x1B610] =	vst v2;
	v2 =	vld [tilespmem:s0+$0x7DB0]  }
0x147: {  	v1 =	vld.idx.msk [tilespmem:v1+s6+$0x0], $0xffff;
	_ =	sdelay $0x5  }
0x148: {  	[tilespmem:s0+$0x1B620] =	vst v1;
	v1 =	vld [tilespmem:s0+$0x7DC0]  }
0x149: {  	v2 =	vld.idx.msk [tilespmem:v2+s6+$0x0], $0xffff;
	_ =	sdelay $0x5  }
0x14a: {  	[tilespmem:s0+$0x1B630] =	vst v2;
	v2 =	vld [tilespmem:s0+$0x7DD0]  }
0x14b: {  	v1 =	vld.idx.msk [tilespmem:v1+s6+$0x0], $0xffff;
	_ =	sdelay $0x5  }
0x14c: {  	[tilespmem:s0+$0x1B640] =	vst v1;
	v3 =	vld [tilespmem:s0+$0x7DE0]  }
0x14d: {  	v1 =	vld.idx.msk [tilespmem:v2+s6+$0x0], $0xffff;
	_ =	sdelay $0x5  }
0x14e: {  	[tilespmem:s0+$0x1B650] =	vst v1;
	v1 =	vld [tilespmem:s0+$0x7DF0]  }
.Ltmp5:
0x14f: {  	v2 =	vld.idx.msk [tilespmem:v3+s6+$0x0], $0xffff;
	(pc) =	sbr.rel @p0 .LBB2_12-.Ltmp5, $2  }
0x150: {  	_ =	sdelay $0x2  }
0x151: {  	s9 =	sadd.s32 $0x200, s9  }
0x152: {  	_ =	sdelay $0x2  }
0x153: {  	[tilespmem:s0+$0x1B660] =	vst v2  }
0x154: {  	v1 =	vld.idx.msk [tilespmem:v1+s6+$0x0], $0xffff;
	_ =	sdelay $0x4  }
0x155: {  	[tilespmem:s0+$0x1B670] =	vst v1  }
0x156: {  	v1 =	vld [tilespmem:$0x9C80];
	_ =	sdelay $0x5  }
0x157: {  	v2 =	vld [tilespmem:$0x9C90];
	_ =	sdelay $0x1  }
0x158: {  	v1 =	vld.idx.msk [tilespmem:v1+s6+$0x0], $0xffff;
	_ =	sdelay $0x3  }
0x159: {  	v3 =	vld [tilespmem:$0x9CA0]  }
0x15a: {  	[tilespmem:$0x1D500] =	vst v1  }
0x15b: {  	v1 =	vld.idx.msk [tilespmem:v2+s6+$0x0], $0xffff;
	_ =	sdelay $0x3  }
0x15c: {  	v2 =	vld [tilespmem:$0x9CB0]  }
0x15d: {  	[tilespmem:$0x1D510] =	vst v1  }
0x15e: {  	v1 =	vld.idx.msk [tilespmem:v3+s6+$0x0], $0xffff;
	_ =	sdelay $0x4  }
0x15f: {  	[tilespmem:$0x1D520] =	vst v1  }
0x160: {  	v1 =	vld.idx.msk [tilespmem:v2+s6+$0x0], $0xffff;
	_ =	sdelay $0x4  }
0x161: {  	s9 =	simm.s32 $0x1B600;
	[tilespmem:$0x1D530] =	vst v1  }
0x162: {  	[spmem:s5] =	stream.indirect.scatter.add.f32 [tilespmem:s9], [sflag:$0xA], $0x1, s4, s26, $0xb8;
	[tilespmem:$0x1F480] =	vst v63  }
0x163: {  	_ =	swait.ge [sflag:s20], $0x1F40  }
0x164: {  	[sflag:s20] =	ssyncset.done $0x0  }
0x165: {  	s1 =	simm.s32 $0x3F00;
	s15 =	rddreg [dreg:$0x13];
	[sflag:s20] =	ssyncadd.s32 $0xFFFFE0C0  }
0x166: {  	[tilespmem:s1], [sflag:$0x3] =	stream.linear.gather [hbm4b:s15+s6], $0x1F40, $0x38;
	[tilespmem:$0x1F480] =	vst v63  }
0x167: {  	s29 =	simm.s32 $0x1;
	s16 =	rddreg [dreg:$0x14]  }
0x168: {  	[tilespmem:s24], [sflag:$0x3] =	stream.linear.gather [hbm4b:s16+s6], $0x1F40, $0x38;
	[tilespmem:$0x1F480] =	vst v63  }
.LBB2_14:
0x169: {  	_ =	swait.ge [sflag:s25], $0x1F40  }
0x16a: {  	[sflag:s25] =	ssyncset.done $0x0  }
0x16b: {  	[sflag:s25] =	ssyncadd.s32 $0xFFFFE0C0  }
0x16c: {  	_ =	swait.ge [sflag:s25], $0x1F40  }
0x16d: {  	s0 =	simm.s32 $0xFFFFFFF8;
	[sflag:s25] =	ssyncset.done $0x0  }
0x16e: {  	s1 =	simm.s32 $0xC0;
	s9 =	simm.s32 $0x13940;
	[sflag:s25] =	ssyncadd.s32 $0xFFFFE0C0  }
.LBB2_15:
0x16f: {  	v1 =	vld [tilespmem:s1+$0xFFFFFFC0];
	_ =	sdelay $0x7  }
0x170: {  	v1 =	vld.idx.msk [tilespmem:v1+s6+$0x0], $0xffff;
	_ =	sdelay $0x4  }
0x171: {  	[tilespmem:s9+$0xFFFFFFC0] =	vst v1  }
0x172: {  	v1 =	vld [tilespmem:s1+$0xFFFFFFD0];
	_ =	sdelay $0x7  }
0x173: {  	v1 =	vld.idx.msk [tilespmem:v1+s6+$0x0], $0xffff;
	_ =	sdelay $0x4  }
0x174: {  	[tilespmem:s9+$0xFFFFFFD0] =	vst v1  }
0x175: {  	v1 =	vld [tilespmem:s1+$0xFFFFFFE0];
	_ =	sdelay $0x7  }
0x176: {  	v1 =	vld.idx.msk [tilespmem:v1+s6+$0x0], $0xffff;
	_ =	sdelay $0x4  }
0x177: {  	[tilespmem:s9+$0xFFFFFFE0] =	vst v1  }
0x178: {  	v1 =	vld [tilespmem:s1+$0xFFFFFFF0];
	_ =	sdelay $0x7  }
0x179: {  	v1 =	vld.idx.msk [tilespmem:v1+s6+$0x0], $0xffff;
	_ =	sdelay $0x4  }
0x17a: {  	[tilespmem:s9+$0xFFFFFFF0] =	vst v1  }
0x17b: {  	v1 =	vld [tilespmem:s1+$0x0];
	_ =	sdelay $0x7  }
0x17c: {  	v1 =	vld.idx.msk [tilespmem:v1+s6+$0x0], $0xffff;
	_ =	sdelay $0x4  }
0x17d: {  	[tilespmem:s9+$0x0] =	vst v1  }
0x17e: {  	v1 =	vld [tilespmem:s1+$0x10];
	_ =	sdelay $0x7  }
0x17f: {  	v1 =	vld.idx.msk [tilespmem:v1+s6+$0x0], $0xffff;
	_ =	sdelay $0x4  }
0x180: {  	[tilespmem:s9+$0x10] =	vst v1  }
0x181: {  	v1 =	vld [tilespmem:s1+$0x20];
	_ =	sdelay $0x7  }
0x182: {  	v1 =	vld.idx.msk [tilespmem:v1+s6+$0x0], $0xffff;
	_ =	sdelay $0x4  }
0x183: {  	[tilespmem:s9+$0x20] =	vst v1  }
0x184: {  	v1 =	vld [tilespmem:s1+$0x30];
	_ =	sdelay $0x6  }
0x185: {  	s0 =	sadd.s32 $0x8, s0  }
0x186: {  	p0 =	slt.u32 s0, $0x1E8;
	v1 =	vld.idx.msk [tilespmem:v1+s6+$0x0], $0xffff  }
.Ltmp6:
0x187: {  	_ = 	snop;
	(pc) =	sbr.rel @p0 .LBB2_15-.Ltmp6, $2  }
0x188: {  	_ =	sdelay $0x2  }
0x189: {  	s1 =	sadd.s32 $0x80, s1;
	[tilespmem:s9+$0x30] =	vst v1;
	s9 =	sadd.s32 $0x80, s9  }
0x18a: {  	v1 =	vld [tilespmem:$0x1F80];
	_ =	sdelay $0x5  }
0x18b: {  	v2 =	vld [tilespmem:$0x1F90];
	_ =	sdelay $0x1  }
0x18c: {  	v1 =	vld.idx.msk [tilespmem:v1+s6+$0x0], $0xffff;
	_ =	sdelay $0x3  }
0x18d: {  	v3 =	vld [tilespmem:$0x1FA0]  }
0x18e: {  	[tilespmem:$0x15800] =	vst v1  }
0x18f: {  	v1 =	vld.idx.msk [tilespmem:v2+s6+$0x0], $0xffff;
	_ =	sdelay $0x3  }
0x190: {  	v2 =	vld [tilespmem:$0x1FB0]  }
0x191: {  	[tilespmem:$0x15810] =	vst v1  }
0x192: {  	v1 =	vld.idx.msk [tilespmem:v3+s6+$0x0], $0xffff;
	_ =	sdelay $0x4  }
0x193: {  	[tilespmem:$0x15820] =	vst v1  }
0x194: {  	v1 =	vld.idx.msk [tilespmem:v2+s6+$0x0], $0xffff;
	_ =	sdelay $0x4  }
0x195: {  	s0 =	smul.u32 $0x9C40, s29;
	s1 =	simm.s32 $0x13900;
	[tilespmem:$0x15830] =	vst v1  }
0x196: {  	[spmem:s5] =	stream.indirect.scatter.add.f32 [tilespmem:s1], [sflag:$0x6], $0x1, s18, s26, $0xb8;
	[tilespmem:$0x1F480] =	vst v63  }
0x197: {  	s16 =	sadd.s32 s0, s10;
	_ =	swait.ge [sflag:s23], $0x1F40  }
0x198: {  	s1 =	sshrl.u32 s16, $0x3;
	[sflag:s23] =	ssyncset.done $0x0  }
0x199: {  	s15 =	simm.s32 $0x5E40;
	s9 =	sadd.s32 s2, s1;
	[sflag:s23] =	ssyncadd.s32 $0xFFFFE0C0  }
0x19a: {  	[tilespmem:s15], [sflag:$0x4] =	stream.linear.gather [hbm4b:s9+s6], $0x1F40, $0x38;
	[tilespmem:$0x1F480] =	vst v63  }
0x19b: {  	s1 =	sadd.s32 s3, s1  }
0x19c: {  	[tilespmem:s30], [sflag:$0x4] =	stream.linear.gather [hbm4b:s1+s6], $0x1F40, $0x38;
	[tilespmem:$0x1F480] =	vst v63  }
0x19d: {  	_ =	swait.ge [sflag:s31], $0x1F40  }
0x19e: {  	[sflag:s31] =	ssyncset.done $0x0  }
0x19f: {  	[sflag:s31] =	ssyncadd.s32 $0xFFFFE0C0  }
0x1a0: {  	_ =	swait.ge [sflag:s31], $0x1F40  }
0x1a1: {  	s9 =	simm.s32 $0x2030;
	[sflag:s31] =	ssyncset.done $0x0  }
0x1a2: {  	s15 =	simm.s32 $0x158B0;
	s1 =	simm.s32 $0xFFFFFFF8;
	[sflag:s31] =	ssyncadd.s32 $0xFFFFE0C0  }
.LBB2_17:
0x1a3: {  	v1 =	vld [tilespmem:s9+$0xFFFFFF90];
	_ =	sdelay $0x7  }
0x1a4: {  	v1 =	vld.idx.msk [tilespmem:v1+s6+$0x0], $0xffff;
	_ =	sdelay $0x4  }
0x1a5: {  	[tilespmem:s15+$0xFFFFFF90] =	vst v1  }
0x1a6: {  	v1 =	vld [tilespmem:s9+$0xFFFFFFA0];
	_ =	sdelay $0x7  }
0x1a7: {  	v1 =	vld.idx.msk [tilespmem:v1+s6+$0x0], $0xffff;
	_ =	sdelay $0x4  }
0x1a8: {  	[tilespmem:s15+$0xFFFFFFA0] =	vst v1  }
0x1a9: {  	v1 =	vld [tilespmem:s9+$0xFFFFFFB0];
	_ =	sdelay $0x7  }
0x1aa: {  	v1 =	vld.idx.msk [tilespmem:v1+s6+$0x0], $0xffff;
	_ =	sdelay $0x4  }
0x1ab: {  	[tilespmem:s15+$0xFFFFFFB0] =	vst v1  }
0x1ac: {  	v1 =	vld [tilespmem:s9+$0xFFFFFFC0];
	_ =	sdelay $0x7  }
0x1ad: {  	v1 =	vld.idx.msk [tilespmem:v1+s6+$0x0], $0xffff;
	_ =	sdelay $0x4  }
0x1ae: {  	[tilespmem:s15+$0xFFFFFFC0] =	vst v1  }
0x1af: {  	v1 =	vld [tilespmem:s9+$0xFFFFFFD0];
	_ =	sdelay $0x7  }
0x1b0: {  	v1 =	vld.idx.msk [tilespmem:v1+s6+$0x0], $0xffff;
	_ =	sdelay $0x4  }
0x1b1: {  	[tilespmem:s15+$0xFFFFFFD0] =	vst v1  }
0x1b2: {  	v1 =	vld [tilespmem:s9+$0xFFFFFFE0];
	_ =	sdelay $0x7  }
0x1b3: {  	v1 =	vld.idx.msk [tilespmem:v1+s6+$0x0], $0xffff;
	_ =	sdelay $0x4  }
0x1b4: {  	[tilespmem:s15+$0xFFFFFFE0] =	vst v1  }
0x1b5: {  	v1 =	vld [tilespmem:s9+$0xFFFFFFF0];
	_ =	sdelay $0x7  }
0x1b6: {  	v1 =	vld.idx.msk [tilespmem:v1+s6+$0x0], $0xffff;
	_ =	sdelay $0x4  }
0x1b7: {  	[tilespmem:s15+$0xFFFFFFF0] =	vst v1  }
0x1b8: {  	v1 =	vld [tilespmem:s9+$0x0];
	_ =	sdelay $0x6  }
0x1b9: {  	s1 =	sadd.s32 $0x8, s1  }
0x1ba: {  	p0 =	slt.u32 s1, $0x1E8;
	v1 =	vld.idx.msk [tilespmem:v1+s6+$0x0], $0xffff  }
.Ltmp7:
0x1bb: {  	_ = 	snop;
	(pc) =	sbr.rel @p0 .LBB2_17-.Ltmp7, $2  }
0x1bc: {  	_ =	sdelay $0x2  }
0x1bd: {  	s9 =	sadd.s32 $0x80, s9;
	[tilespmem:s15+$0x0] =	vst v1;
	s15 =	sadd.s32 $0x80, s15  }
0x1be: {  	v1 =	vld [tilespmem:$0x3EC0];
	_ =	sdelay $0x5  }
0x1bf: {  	v2 =	vld [tilespmem:$0x3ED0];
	_ =	sdelay $0x1  }
0x1c0: {  	v1 =	vld.idx.msk [tilespmem:v1+s6+$0x0], $0xffff;
	_ =	sdelay $0x3  }
0x1c1: {  	v3 =	vld [tilespmem:$0x3EE0]  }
0x1c2: {  	[tilespmem:$0x17740] =	vst v1  }
0x1c3: {  	v1 =	vld.idx.msk [tilespmem:v2+s6+$0x0], $0xffff;
	_ =	sdelay $0x3  }
0x1c4: {  	v2 =	vld [tilespmem:$0x3EF0]  }
0x1c5: {  	[tilespmem:$0x17750] =	vst v1  }
0x1c6: {  	v1 =	vld.idx.msk [tilespmem:v3+s6+$0x0], $0xffff;
	_ =	sdelay $0x4  }
0x1c7: {  	[tilespmem:$0x17760] =	vst v1  }
0x1c8: {  	v1 =	vld.idx.msk [tilespmem:v2+s6+$0x0], $0xffff;
	_ =	sdelay $0x4  }
0x1c9: {  	s1 =	simm.s32 $0x15840;
	[tilespmem:$0x17770] =	vst v1  }
0x1ca: {  	[spmem:s5] =	stream.indirect.scatter.add.f32 [tilespmem:s1], [sflag:$0x7], $0x1, s22, s26, $0xb8;
	[tilespmem:$0x1F480] =	vst v63  }
0x1cb: {  	s16 =	sadd.s32 s0, s12;
	_ =	swait.ge [sflag:s28], $0x1F40  }
0x1cc: {  	s1 =	sshrl.u32 s16, $0x3;
	[sflag:s28] =	ssyncset.done $0x0  }
0x1cd: {  	s15 =	simm.s32 $0x7D80;
	s9 =	sadd.s32 s2, s1;
	[sflag:s28] =	ssyncadd.s32 $0xFFFFE0C0  }
0x1ce: {  	[tilespmem:s15], [sflag:$0x5] =	stream.linear.gather [hbm4b:s9+s6], $0x1F40, $0x38;
	[tilespmem:$0x1F480] =	vst v63  }
0x1cf: {  	s1 =	sadd.s32 s3, s1  }
0x1d0: {  	[tilespmem:s4], [sflag:$0x5] =	stream.linear.gather [hbm4b:s1+s6], $0x1F40, $0x38;
	[tilespmem:$0x1F480] =	vst v63  }
0x1d1: {  	_ =	swait.ge [sflag:s8], $0x1F40  }
0x1d2: {  	[sflag:s8] =	ssyncset.done $0x0  }
0x1d3: {  	[sflag:s8] =	ssyncadd.s32 $0xFFFFE0C0  }
0x1d4: {  	_ =	swait.ge [sflag:s8], $0x1F40  }
0x1d5: {  	s9 =	simm.s32 $0x3F70;
	[sflag:s8] =	ssyncset.done $0x0  }
0x1d6: {  	s15 =	simm.s32 $0x177F0;
	s1 =	simm.s32 $0xFFFFFFF8;
	[sflag:s8] =	ssyncadd.s32 $0xFFFFE0C0  }
.LBB2_19:
0x1d7: {  	v1 =	vld [tilespmem:s9+$0xFFFFFF90];
	_ =	sdelay $0x7  }
0x1d8: {  	v1 =	vld.idx.msk [tilespmem:v1+s6+$0x0], $0xffff;
	_ =	sdelay $0x4  }
0x1d9: {  	[tilespmem:s15+$0xFFFFFF90] =	vst v1  }
0x1da: {  	v1 =	vld [tilespmem:s9+$0xFFFFFFA0];
	_ =	sdelay $0x7  }
0x1db: {  	v1 =	vld.idx.msk [tilespmem:v1+s6+$0x0], $0xffff;
	_ =	sdelay $0x4  }
0x1dc: {  	[tilespmem:s15+$0xFFFFFFA0] =	vst v1  }
0x1dd: {  	v1 =	vld [tilespmem:s9+$0xFFFFFFB0];
	_ =	sdelay $0x7  }
0x1de: {  	v1 =	vld.idx.msk [tilespmem:v1+s6+$0x0], $0xffff;
	_ =	sdelay $0x4  }
0x1df: {  	[tilespmem:s15+$0xFFFFFFB0] =	vst v1  }
0x1e0: {  	v1 =	vld [tilespmem:s9+$0xFFFFFFC0];
	_ =	sdelay $0x7  }
0x1e1: {  	v1 =	vld.idx.msk [tilespmem:v1+s6+$0x0], $0xffff;
	_ =	sdelay $0x4  }
0x1e2: {  	[tilespmem:s15+$0xFFFFFFC0] =	vst v1  }
0x1e3: {  	v1 =	vld [tilespmem:s9+$0xFFFFFFD0];
	_ =	sdelay $0x7  }
0x1e4: {  	v1 =	vld.idx.msk [tilespmem:v1+s6+$0x0], $0xffff;
	_ =	sdelay $0x4  }
0x1e5: {  	[tilespmem:s15+$0xFFFFFFD0] =	vst v1  }
0x1e6: {  	v1 =	vld [tilespmem:s9+$0xFFFFFFE0];
	_ =	sdelay $0x7  }
0x1e7: {  	v1 =	vld.idx.msk [tilespmem:v1+s6+$0x0], $0xffff;
	_ =	sdelay $0x4  }
0x1e8: {  	[tilespmem:s15+$0xFFFFFFE0] =	vst v1  }
0x1e9: {  	v1 =	vld [tilespmem:s9+$0xFFFFFFF0];
	_ =	sdelay $0x7  }
0x1ea: {  	v1 =	vld.idx.msk [tilespmem:v1+s6+$0x0], $0xffff;
	_ =	sdelay $0x4  }
0x1eb: {  	[tilespmem:s15+$0xFFFFFFF0] =	vst v1  }
0x1ec: {  	v1 =	vld [tilespmem:s9+$0x0];
	_ =	sdelay $0x6  }
0x1ed: {  	s1 =	sadd.s32 $0x8, s1  }
0x1ee: {  	p0 =	slt.u32 s1, $0x1E8;
	v1 =	vld.idx.msk [tilespmem:v1+s6+$0x0], $0xffff  }
.Ltmp8:
0x1ef: {  	_ = 	snop;
	(pc) =	sbr.rel @p0 .LBB2_19-.Ltmp8, $2  }
0x1f0: {  	_ =	sdelay $0x2  }
0x1f1: {  	s9 =	sadd.s32 $0x80, s9;
	[tilespmem:s15+$0x0] =	vst v1;
	s15 =	sadd.s32 $0x80, s15  }
0x1f2: {  	v1 =	vld [tilespmem:$0x5E00];
	_ =	sdelay $0x5  }
0x1f3: {  	v2 =	vld [tilespmem:$0x5E10]  }
0x1f4: {  	s1 =	simm.s32 $0x0  }
0x1f5: {  	v1 =	vld.idx.msk [tilespmem:v1+s1+$0x0], $0xffff;
	_ =	sdelay $0x3  }
0x1f6: {  	v3 =	vld [tilespmem:$0x5E20]  }
0x1f7: {  	[tilespmem:$0x19680] =	vst v1  }
0x1f8: {  	v1 =	vld.idx.msk [tilespmem:v2+s1+$0x0], $0xffff;
	_ =	sdelay $0x3  }
0x1f9: {  	v2 =	vld [tilespmem:$0x5E30]  }
0x1fa: {  	[tilespmem:$0x19690] =	vst v1  }
0x1fb: {  	v1 =	vld.idx.msk [tilespmem:v3+s1+$0x0], $0xffff;
	_ =	sdelay $0x4  }
0x1fc: {  	[tilespmem:$0x196A0] =	vst v1  }
0x1fd: {  	v1 =	vld.idx.msk [tilespmem:v2+s1+$0x0], $0xffff;
	_ =	sdelay $0x4  }
0x1fe: {  	s9 =	simm.s32 $0x17780;
	[tilespmem:$0x196B0] =	vst v1  }
0x1ff: {  	[spmem:s5] =	stream.indirect.scatter.add.f32 [tilespmem:s9], [sflag:$0x8], $0x1, s24, s26, $0xb8;
	[tilespmem:$0x1F480] =	vst v63  }
0x200: {  	s16 =	sadd.s32 s0, s17;
	_ =	swait.ge [sflag:s11], $0x1F40  }
0x201: {  	s9 =	sshrl.u32 s16, $0x3;
	[sflag:s11] =	ssyncset.done $0x0  }
0x202: {  	s16 =	simm.s32 $0x80;
	s15 =	sadd.s32 s2, s9;
	[sflag:s11] =	ssyncadd.s32 $0xFFFFE0C0  }
0x203: {  	[tilespmem:s16], [sflag:$0x1] =	stream.linear.gather [hbm4b:s15+s1], $0x1F40, $0x38;
	[tilespmem:$0x1F480] =	vst v63  }
0x204: {  	s9 =	sadd.s32 s3, s9  }
0x205: {  	[tilespmem:s18], [sflag:$0x1] =	stream.linear.gather [hbm4b:s9+s1], $0x1F40, $0x38;
	[tilespmem:$0x1F480] =	vst v63  }
0x206: {  	_ =	swait.ge [sflag:s13], $0x1F40  }
0x207: {  	[sflag:s13] =	ssyncset.done $0x0  }
0x208: {  	[sflag:s13] =	ssyncadd.s32 $0xFFFFE0C0  }
0x209: {  	_ =	swait.ge [sflag:s13], $0x1F40  }
0x20a: {  	[sflag:s13] =	ssyncset.done $0x0  }
0x20b: {  	s1 =	simm.s32 $0x0;
	[sflag:s13] =	ssyncadd.s32 $0xFFFFE0C0  }
0x20c: {  	v1 =	vld [tilespmem:s1+$0x5E40];
	_ =	sdelay $0x5  }
0x20d: {  	v2 =	vld [tilespmem:s1+$0x5E50];
	_ =	sdelay $0x1  }
0x20e: {  	v1 =	vld.idx.msk [tilespmem:v1+s6+$0x0], $0xffff;
	_ =	sdelay $0x4  }
0x20f: {  	[tilespmem:s1+$0x196C0] =	vst v1;
	v1 =	vld [tilespmem:s1+$0x5E60]  }
0x210: {  	v2 =	vld.idx.msk [tilespmem:v2+s6+$0x0], $0xffff;
	_ =	sdelay $0x4  }
0x211: {  	[tilespmem:s1+$0x196D0] =	vst v2;
	v2 =	vld [tilespmem:s1+$0x5E70];
	_ =	sdelay $0x1  }
0x212: {  	v1 =	vld.idx.msk [tilespmem:v1+s6+$0x0], $0xffff;
	_ =	sdelay $0x4  }
0x213: {  	[tilespmem:s1+$0x196E0] =	vst v1;
	v1 =	vld [tilespmem:s1+$0x5E80]  }
0x214: {  	v2 =	vld.idx.msk [tilespmem:v2+s6+$0x0], $0xffff;
	_ =	sdelay $0x4  }
0x215: {  	[tilespmem:s1+$0x196F0] =	vst v2;
	v2 =	vld [tilespmem:s1+$0x5E90];
	_ =	sdelay $0x1  }
0x216: {  	v1 =	vld.idx.msk [tilespmem:v1+s6+$0x0], $0xffff;
	_ =	sdelay $0x4  }
0x217: {  	v3 =	vld [tilespmem:s1+$0x5EA0];
	[tilespmem:s1+$0x19700] =	vst v1  }
0x218: {  	v1 =	vld.idx.msk [tilespmem:v2+s6+$0x0], $0xffff;
	_ =	sdelay $0x4  }
0x219: {  	[tilespmem:s1+$0x19710] =	vst v1;
	v1 =	vld [tilespmem:s1+$0x5EB0];
	_ =	sdelay $0x1  }
0x21a: {  	v2 =	vld.idx.msk [tilespmem:v3+s6+$0x0], $0xffff;
	_ =	sdelay $0x2  }
0x21b: {  	s15 =	simm.s32 $0x200;
	s9 =	simm.s32 $0x0  }
.LBB2_21:
0x21c: {  	s16 =	sshra.s32 s15, $0x2;
	s9 =	sadd.s32 $0x8, s9  }
0x21d: {  	v3 =	vld [tilespmem:s16+$0x5E40];
	p0 =	slt.u32 s9, $0x1E8;
	[tilespmem:s1+$0x19720] =	vst v2  }
0x21e: {  	v1 =	vld.idx.msk [tilespmem:v1+s6+$0x0], $0xffff;
	_ =	sdelay $0x5  }
0x21f: {  	v2 =	vld [tilespmem:s16+$0x5E50];
	[tilespmem:s1+$0x19730] =	vst v1;
	s1 =	smov.u32 s16  }
0x220: {  	v1 =	vld.idx.msk [tilespmem:v3+s6+$0x0], $0xffff;
	_ =	sdelay $0x5  }
0x221: {  	[tilespmem:s1+$0x196C0] =	vst v1;
	v1 =	vld [tilespmem:s1+$0x5E60]  }
0x222: {  	v2 =	vld.idx.msk [tilespmem:v2+s6+$0x0], $0xffff;
	_ =	sdelay $0x5  }
0x223: {  	[tilespmem:s1+$0x196D0] =	vst v2;
	v2 =	vld [tilespmem:s1+$0x5E70]  }
0x224: {  	v1 =	vld.idx.msk [tilespmem:v1+s6+$0x0], $0xffff;
	_ =	sdelay $0x5  }
0x225: {  	[tilespmem:s1+$0x196E0] =	vst v1;
	v1 =	vld [tilespmem:s1+$0x5E80]  }
0x226: {  	v2 =	vld.idx.msk [tilespmem:v2+s6+$0x0], $0xffff;
	_ =	sdelay $0x5  }
0x227: {  	[tilespmem:s1+$0x196F0] =	vst v2;
	v2 =	vld [tilespmem:s1+$0x5E90]  }
0x228: {  	v1 =	vld.idx.msk [tilespmem:v1+s6+$0x0], $0xffff;
	_ =	sdelay $0x5  }
0x229: {  	[tilespmem:s1+$0x19700] =	vst v1;
	v3 =	vld [tilespmem:s1+$0x5EA0]  }
0x22a: {  	v1 =	vld.idx.msk [tilespmem:v2+s6+$0x0], $0xffff;
	_ =	sdelay $0x5  }
0x22b: {  	[tilespmem:s1+$0x19710] =	vst v1;
	v1 =	vld [tilespmem:s1+$0x5EB0]  }
.Ltmp9:
0x22c: {  	v2 =	vld.idx.msk [tilespmem:v3+s6+$0x0], $0xffff;
	(pc) =	sbr.rel @p0 .LBB2_21-.Ltmp9, $2  }
0x22d: {  	_ =	sdelay $0x2  }
0x22e: {  	s15 =	sadd.s32 $0x200, s15  }
0x22f: {  	_ =	sdelay $0x2  }
0x230: {  	[tilespmem:s1+$0x19720] =	vst v2  }
0x231: {  	v1 =	vld.idx.msk [tilespmem:v1+s6+$0x0], $0xffff;
	_ =	sdelay $0x4  }
0x232: {  	[tilespmem:s1+$0x19730] =	vst v1  }
0x233: {  	v1 =	vld [tilespmem:$0x7D40];
	_ =	sdelay $0x5  }
0x234: {  	v2 =	vld [tilespmem:$0x7D50]  }
0x235: {  	s1 =	simm.s32 $0x0  }
0x236: {  	v1 =	vld.idx.msk [tilespmem:v1+s1+$0x0], $0xffff;
	_ =	sdelay $0x3  }
0x237: {  	v3 =	vld [tilespmem:$0x7D60]  }
0x238: {  	[tilespmem:$0x1B5C0] =	vst v1  }
0x239: {  	v1 =	vld.idx.msk [tilespmem:v2+s1+$0x0], $0xffff;
	_ =	sdelay $0x3  }
0x23a: {  	v2 =	vld [tilespmem:$0x7D70]  }
0x23b: {  	[tilespmem:$0x1B5D0] =	vst v1  }
0x23c: {  	v1 =	vld.idx.msk [tilespmem:v3+s1+$0x0], $0xffff;
	_ =	sdelay $0x4  }
0x23d: {  	[tilespmem:$0x1B5E0] =	vst v1  }
0x23e: {  	v1 =	vld.idx.msk [tilespmem:v2+s1+$0x0], $0xffff;
	_ =	sdelay $0x4  }
0x23f: {  	s9 =	simm.s32 $0x196C0;
	[tilespmem:$0x1B5F0] =	vst v1  }
0x240: {  	[spmem:s5] =	stream.indirect.scatter.add.f32 [tilespmem:s9], [sflag:$0x9], $0x1, s30, s26, $0xb8;
	[tilespmem:$0x1F480] =	vst v63  }
0x241: {  	s16 =	sadd.s32 s0, s19;
	_ =	swait.ge [sflag:s7], $0x1F40  }
0x242: {  	s9 =	sshrl.u32 s16, $0x3;
	[sflag:s7] =	ssyncset.done $0x0  }
0x243: {  	s16 =	simm.s32 $0x1FC0;
	s15 =	sadd.s32 s2, s9;
	[sflag:s7] =	ssyncadd.s32 $0xFFFFE0C0  }
0x244: {  	[tilespmem:s16], [sflag:$0x2] =	stream.linear.gather [hbm4b:s15+s1], $0x1F40, $0x38;
	[tilespmem:$0x1F480] =	vst v63  }
0x245: {  	s9 =	sadd.s32 s3, s9  }
0x246: {  	[tilespmem:s22], [sflag:$0x2] =	stream.linear.gather [hbm4b:s9+s1], $0x1F40, $0x38;
	[tilespmem:$0x1F480] =	vst v63  }
0x247: {  	_ =	swait.ge [sflag:s14], $0x1F40  }
0x248: {  	[sflag:s14] =	ssyncset.done $0x0  }
0x249: {  	[sflag:s14] =	ssyncadd.s32 $0xFFFFE0C0  }
0x24a: {  	_ =	swait.ge [sflag:s14], $0x1F40  }
0x24b: {  	[sflag:s14] =	ssyncset.done $0x0  }
0x24c: {  	s1 =	simm.s32 $0x0;
	[sflag:s14] =	ssyncadd.s32 $0xFFFFE0C0  }
0x24d: {  	v1 =	vld [tilespmem:s1+$0x7D80];
	_ =	sdelay $0x5  }
0x24e: {  	v2 =	vld [tilespmem:s1+$0x7D90];
	_ =	sdelay $0x1  }
0x24f: {  	v1 =	vld.idx.msk [tilespmem:v1+s6+$0x0], $0xffff;
	_ =	sdelay $0x4  }
0x250: {  	[tilespmem:s1+$0x1B600] =	vst v1;
	v1 =	vld [tilespmem:s1+$0x7DA0]  }
0x251: {  	v2 =	vld.idx.msk [tilespmem:v2+s6+$0x0], $0xffff;
	_ =	sdelay $0x4  }
0x252: {  	[tilespmem:s1+$0x1B610] =	vst v2;
	v2 =	vld [tilespmem:s1+$0x7DB0];
	_ =	sdelay $0x1  }
0x253: {  	v1 =	vld.idx.msk [tilespmem:v1+s6+$0x0], $0xffff;
	_ =	sdelay $0x4  }
0x254: {  	[tilespmem:s1+$0x1B620] =	vst v1;
	v1 =	vld [tilespmem:s1+$0x7DC0]  }
0x255: {  	v2 =	vld.idx.msk [tilespmem:v2+s6+$0x0], $0xffff;
	_ =	sdelay $0x4  }
0x256: {  	[tilespmem:s1+$0x1B630] =	vst v2;
	v2 =	vld [tilespmem:s1+$0x7DD0];
	_ =	sdelay $0x1  }
0x257: {  	v1 =	vld.idx.msk [tilespmem:v1+s6+$0x0], $0xffff;
	_ =	sdelay $0x4  }
0x258: {  	v3 =	vld [tilespmem:s1+$0x7DE0];
	[tilespmem:s1+$0x1B640] =	vst v1  }
0x259: {  	v1 =	vld.idx.msk [tilespmem:v2+s6+$0x0], $0xffff;
	_ =	sdelay $0x4  }
0x25a: {  	[tilespmem:s1+$0x1B650] =	vst v1;
	v1 =	vld [tilespmem:s1+$0x7DF0];
	_ =	sdelay $0x1  }
0x25b: {  	v2 =	vld.idx.msk [tilespmem:v3+s6+$0x0], $0xffff;
	_ =	sdelay $0x2  }
0x25c: {  	s15 =	simm.s32 $0x200;
	s9 =	simm.s32 $0x0  }
.LBB2_23:
0x25d: {  	s16 =	sshra.s32 s15, $0x2;
	s9 =	sadd.s32 $0x8, s9  }
0x25e: {  	v3 =	vld [tilespmem:s16+$0x7D80];
	p0 =	slt.u32 s9, $0x1E8;
	[tilespmem:s1+$0x1B660] =	vst v2  }
0x25f: {  	v1 =	vld.idx.msk [tilespmem:v1+s6+$0x0], $0xffff;
	_ =	sdelay $0x5  }
0x260: {  	v2 =	vld [tilespmem:s16+$0x7D90];
	[tilespmem:s1+$0x1B670] =	vst v1;
	s1 =	smov.u32 s16  }
0x261: {  	v1 =	vld.idx.msk [tilespmem:v3+s6+$0x0], $0xffff;
	_ =	sdelay $0x5  }
0x262: {  	[tilespmem:s1+$0x1B600] =	vst v1;
	v1 =	vld [tilespmem:s1+$0x7DA0]  }
0x263: {  	v2 =	vld.idx.msk [tilespmem:v2+s6+$0x0], $0xffff;
	_ =	sdelay $0x5  }
0x264: {  	[tilespmem:s1+$0x1B610] =	vst v2;
	v2 =	vld [tilespmem:s1+$0x7DB0]  }
0x265: {  	v1 =	vld.idx.msk [tilespmem:v1+s6+$0x0], $0xffff;
	_ =	sdelay $0x5  }
0x266: {  	[tilespmem:s1+$0x1B620] =	vst v1;
	v1 =	vld [tilespmem:s1+$0x7DC0]  }
0x267: {  	v2 =	vld.idx.msk [tilespmem:v2+s6+$0x0], $0xffff;
	_ =	sdelay $0x5  }
0x268: {  	[tilespmem:s1+$0x1B630] =	vst v2;
	v2 =	vld [tilespmem:s1+$0x7DD0]  }
0x269: {  	v1 =	vld.idx.msk [tilespmem:v1+s6+$0x0], $0xffff;
	_ =	sdelay $0x5  }
0x26a: {  	[tilespmem:s1+$0x1B640] =	vst v1;
	v3 =	vld [tilespmem:s1+$0x7DE0]  }
0x26b: {  	v1 =	vld.idx.msk [tilespmem:v2+s6+$0x0], $0xffff;
	_ =	sdelay $0x5  }
0x26c: {  	[tilespmem:s1+$0x1B650] =	vst v1;
	v1 =	vld [tilespmem:s1+$0x7DF0]  }
.Ltmp10:
0x26d: {  	v2 =	vld.idx.msk [tilespmem:v3+s6+$0x0], $0xffff;
	(pc) =	sbr.rel @p0 .LBB2_23-.Ltmp10, $2  }
0x26e: {  	_ =	sdelay $0x2  }
0x26f: {  	s15 =	sadd.s32 $0x200, s15  }
0x270: {  	_ =	sdelay $0x2  }
0x271: {  	[tilespmem:s1+$0x1B660] =	vst v2  }
0x272: {  	v1 =	vld.idx.msk [tilespmem:v1+s6+$0x0], $0xffff;
	_ =	sdelay $0x4  }
0x273: {  	[tilespmem:s1+$0x1B670] =	vst v1  }
0x274: {  	v1 =	vld [tilespmem:$0x9C80];
	_ =	sdelay $0x5  }
0x275: {  	v2 =	vld [tilespmem:$0x9C90];
	_ =	sdelay $0x1  }
0x276: {  	v1 =	vld.idx.msk [tilespmem:v1+s6+$0x0], $0xffff;
	_ =	sdelay $0x3  }
0x277: {  	v3 =	vld [tilespmem:$0x9CA0]  }
0x278: {  	[tilespmem:$0x1D500] =	vst v1  }
0x279: {  	v1 =	vld.idx.msk [tilespmem:v2+s6+$0x0], $0xffff;
	_ =	sdelay $0x3  }
0x27a: {  	v2 =	vld [tilespmem:$0x9CB0]  }
0x27b: {  	[tilespmem:$0x1D510] =	vst v1  }
0x27c: {  	v1 =	vld.idx.msk [tilespmem:v3+s6+$0x0], $0xffff;
	_ =	sdelay $0x4  }
0x27d: {  	[tilespmem:$0x1D520] =	vst v1  }
0x27e: {  	v1 =	vld.idx.msk [tilespmem:v2+s6+$0x0], $0xffff;
	_ =	sdelay $0x4  }
0x27f: {  	s15 =	simm.s32 $0x1B600;
	s29 =	sadd.s32 $0x1, s29;
	[tilespmem:$0x1D530] =	vst v1  }
0x280: {  	[spmem:s5] =	stream.indirect.scatter.add.f32 [tilespmem:s15], [sflag:$0xA], $0x1, s4, s26, $0xb8;
	[tilespmem:$0x1F480] =	vst v63  }
0x281: {  	s0 =	sadd.s32 s0, s21;
	p0 =	sne.s32 s29, $0x4;
	_ =	swait.ge [sflag:s20], $0x1F40  }
.Ltmp11:
0x282: {  	s0 =	sshrl.u32 s0, $0x3;
	[sflag:s20] =	ssyncset.done $0x0;
	(pc) =	sbr.rel @p0 .LBB2_14-.Ltmp11, $4  }
0x283: {  	s9 =	simm.s32 $0x3F00;
	s16 =	sadd.s32 s2, s0;
	[sflag:s20] =	ssyncadd.s32 $0xFFFFE0C0  }
0x284: {  	[tilespmem:s9], [sflag:$0x3] =	stream.linear.gather [hbm4b:s16+s6], $0x1F40, $0x38;
	[tilespmem:$0x1F480] =	vst v63  }
0x285: {  	s0 =	sadd.s32 s3, s0  }
0x286: {  	[tilespmem:s24], [sflag:$0x3] =	stream.linear.gather [hbm4b:s0+s6], $0x1F40, $0x38;
	[tilespmem:$0x1F480] =	vst v63  }
0x287: {  	_ =	swait.ge [sflag:s25], $0x1F40  }
0x288: {  	[sflag:s25] =	ssyncset.done $0x0  }
0x289: {  	[sflag:s25] =	ssyncadd.s32 $0xFFFFE0C0  }
0x28a: {  	_ =	swait.ge [sflag:s25], $0x1F40  }
0x28b: {  	s0 =	simm.s32 $0xFFFFFFF8;
	[sflag:s25] =	ssyncset.done $0x0  }
0x28c: {  	s1 =	simm.s32 $0xC0;
	s9 =	simm.s32 $0x13940;
	[sflag:s25] =	ssyncadd.s32 $0xFFFFE0C0  }
.LBB2_26:
0x28d: {  	v1 =	vld [tilespmem:s1+$0xFFFFFFC0];
	_ =	sdelay $0x7  }
0x28e: {  	v1 =	vld.idx.msk [tilespmem:v1+s6+$0x0], $0xffff;
	_ =	sdelay $0x4  }
0x28f: {  	[tilespmem:s9+$0xFFFFFFC0] =	vst v1  }
0x290: {  	v1 =	vld [tilespmem:s1+$0xFFFFFFD0];
	_ =	sdelay $0x7  }
0x291: {  	v1 =	vld.idx.msk [tilespmem:v1+s6+$0x0], $0xffff;
	_ =	sdelay $0x4  }
0x292: {  	[tilespmem:s9+$0xFFFFFFD0] =	vst v1  }
0x293: {  	v1 =	vld [tilespmem:s1+$0xFFFFFFE0];
	_ =	sdelay $0x7  }
0x294: {  	v1 =	vld.idx.msk [tilespmem:v1+s6+$0x0], $0xffff;
	_ =	sdelay $0x4  }
0x295: {  	[tilespmem:s9+$0xFFFFFFE0] =	vst v1  }
0x296: {  	v1 =	vld [tilespmem:s1+$0xFFFFFFF0];
	_ =	sdelay $0x7  }
0x297: {  	v1 =	vld.idx.msk [tilespmem:v1+s6+$0x0], $0xffff;
	_ =	sdelay $0x4  }
0x298: {  	[tilespmem:s9+$0xFFFFFFF0] =	vst v1  }
0x299: {  	v1 =	vld [tilespmem:s1+$0x0];
	_ =	sdelay $0x7  }
0x29a: {  	v1 =	vld.idx.msk [tilespmem:v1+s6+$0x0], $0xffff;
	_ =	sdelay $0x4  }
0x29b: {  	[tilespmem:s9+$0x0] =	vst v1  }
0x29c: {  	v1 =	vld [tilespmem:s1+$0x10];
	_ =	sdelay $0x7  }
0x29d: {  	v1 =	vld.idx.msk [tilespmem:v1+s6+$0x0], $0xffff;
	_ =	sdelay $0x4  }
0x29e: {  	[tilespmem:s9+$0x10] =	vst v1  }
0x29f: {  	v1 =	vld [tilespmem:s1+$0x20];
	_ =	sdelay $0x7  }
0x2a0: {  	v1 =	vld.idx.msk [tilespmem:v1+s6+$0x0], $0xffff;
	_ =	sdelay $0x4  }
0x2a1: {  	[tilespmem:s9+$0x20] =	vst v1  }
0x2a2: {  	v1 =	vld [tilespmem:s1+$0x30];
	_ =	sdelay $0x6  }
0x2a3: {  	s0 =	sadd.s32 $0x8, s0  }
0x2a4: {  	p0 =	slt.u32 s0, $0x1E8;
	v1 =	vld.idx.msk [tilespmem:v1+s6+$0x0], $0xffff  }
.Ltmp12:
0x2a5: {  	_ = 	snop;
	(pc) =	sbr.rel @p0 .LBB2_26-.Ltmp12, $2  }
0x2a6: {  	_ =	sdelay $0x2  }
0x2a7: {  	s1 =	sadd.s32 $0x80, s1;
	[tilespmem:s9+$0x30] =	vst v1;
	s9 =	sadd.s32 $0x80, s9  }
0x2a8: {  	v1 =	vld [tilespmem:$0x1F80];
	_ =	sdelay $0x5  }
0x2a9: {  	v2 =	vld [tilespmem:$0x1F90];
	_ =	sdelay $0x1  }
0x2aa: {  	v1 =	vld.idx.msk [tilespmem:v1+s6+$0x0], $0xffff;
	_ =	sdelay $0x3  }
0x2ab: {  	v3 =	vld [tilespmem:$0x1FA0]  }
0x2ac: {  	[tilespmem:$0x15800] =	vst v1  }
0x2ad: {  	v1 =	vld.idx.msk [tilespmem:v2+s6+$0x0], $0xffff;
	_ =	sdelay $0x3  }
0x2ae: {  	v2 =	vld [tilespmem:$0x1FB0]  }
0x2af: {  	[tilespmem:$0x15810] =	vst v1  }
0x2b0: {  	v1 =	vld.idx.msk [tilespmem:v3+s6+$0x0], $0xffff;
	_ =	sdelay $0x4  }
0x2b1: {  	[tilespmem:$0x15820] =	vst v1  }
0x2b2: {  	v1 =	vld.idx.msk [tilespmem:v2+s6+$0x0], $0xffff;
	_ =	sdelay $0x4  }
0x2b3: {  	s0 =	simm.s32 $0x13900;
	[tilespmem:$0x15830] =	vst v1  }
0x2b4: {  	[spmem:s5] =	stream.indirect.scatter.add.f32 [tilespmem:s0], [sflag:$0x6], $0x1, s18, s26, $0xb8;
	[tilespmem:$0x1F480] =	vst v63  }
0x2b5: {  	_ =	swait.ge [sflag:s23], $0x1F40  }
0x2b6: {  	[sflag:s23] =	ssyncset.done $0x0  }
0x2b7: {  	s1 =	simm.s32 $0x5E40;
	s16 =	rddreg [dreg:$0x15];
	[sflag:s23] =	ssyncadd.s32 $0xFFFFE0C0  }
0x2b8: {  	[tilespmem:s1], [sflag:$0x4] =	stream.linear.gather [hbm4b:s16+s6], $0x1F40, $0x38;
	[tilespmem:$0x1F480] =	vst v63  }
0x2b9: {  	s29 =	rddreg [dreg:$0x16]  }
0x2ba: {  	[tilespmem:s30], [sflag:$0x4] =	stream.linear.gather [hbm4b:s29+s6], $0x1F40, $0x38;
	[tilespmem:$0x1F480] =	vst v63  }
0x2bb: {  	_ =	swait.ge [sflag:s31], $0x1F40  }
0x2bc: {  	[sflag:s31] =	ssyncset.done $0x0  }
0x2bd: {  	[sflag:s31] =	ssyncadd.s32 $0xFFFFE0C0  }
0x2be: {  	_ =	swait.ge [sflag:s31], $0x1F40  }
0x2bf: {  	s9 =	simm.s32 $0x158B0;
	[sflag:s31] =	ssyncset.done $0x0  }
0x2c0: {  	s0 =	simm.s32 $0xFFFFFFF8;
	s1 =	simm.s32 $0x2030;
	[sflag:s31] =	ssyncadd.s32 $0xFFFFE0C0  }
.LBB2_28:
0x2c1: {  	v1 =	vld [tilespmem:s1+$0xFFFFFF90];
	_ =	sdelay $0x7  }
0x2c2: {  	v1 =	vld.idx.msk [tilespmem:v1+s6+$0x0], $0xffff;
	_ =	sdelay $0x4  }
0x2c3: {  	[tilespmem:s9+$0xFFFFFF90] =	vst v1  }
0x2c4: {  	v1 =	vld [tilespmem:s1+$0xFFFFFFA0];
	_ =	sdelay $0x7  }
0x2c5: {  	v1 =	vld.idx.msk [tilespmem:v1+s6+$0x0], $0xffff;
	_ =	sdelay $0x4  }
0x2c6: {  	[tilespmem:s9+$0xFFFFFFA0] =	vst v1  }
0x2c7: {  	v1 =	vld [tilespmem:s1+$0xFFFFFFB0];
	_ =	sdelay $0x7  }
0x2c8: {  	v1 =	vld.idx.msk [tilespmem:v1+s6+$0x0], $0xffff;
	_ =	sdelay $0x4  }
0x2c9: {  	[tilespmem:s9+$0xFFFFFFB0] =	vst v1  }
0x2ca: {  	v1 =	vld [tilespmem:s1+$0xFFFFFFC0];
	_ =	sdelay $0x7  }
0x2cb: {  	v1 =	vld.idx.msk [tilespmem:v1+s6+$0x0], $0xffff;
	_ =	sdelay $0x4  }
0x2cc: {  	[tilespmem:s9+$0xFFFFFFC0] =	vst v1  }
0x2cd: {  	v1 =	vld [tilespmem:s1+$0xFFFFFFD0];
	_ =	sdelay $0x7  }
0x2ce: {  	v1 =	vld.idx.msk [tilespmem:v1+s6+$0x0], $0xffff;
	_ =	sdelay $0x4  }
0x2cf: {  	[tilespmem:s9+$0xFFFFFFD0] =	vst v1  }
0x2d0: {  	v1 =	vld [tilespmem:s1+$0xFFFFFFE0];
	_ =	sdelay $0x7  }
0x2d1: {  	v1 =	vld.idx.msk [tilespmem:v1+s6+$0x0], $0xffff;
	_ =	sdelay $0x4  }
0x2d2: {  	[tilespmem:s9+$0xFFFFFFE0] =	vst v1  }
0x2d3: {  	v1 =	vld [tilespmem:s1+$0xFFFFFFF0];
	_ =	sdelay $0x7  }
0x2d4: {  	v1 =	vld.idx.msk [tilespmem:v1+s6+$0x0], $0xffff;
	_ =	sdelay $0x4  }
0x2d5: {  	[tilespmem:s9+$0xFFFFFFF0] =	vst v1  }
0x2d6: {  	v1 =	vld [tilespmem:s1+$0x0];
	_ =	sdelay $0x6  }
0x2d7: {  	s0 =	sadd.s32 $0x8, s0  }
0x2d8: {  	p0 =	slt.u32 s0, $0x1E8;
	v1 =	vld.idx.msk [tilespmem:v1+s6+$0x0], $0xffff  }
.Ltmp13:
0x2d9: {  	_ = 	snop;
	(pc) =	sbr.rel @p0 .LBB2_28-.Ltmp13, $2  }
0x2da: {  	_ =	sdelay $0x2  }
0x2db: {  	s1 =	sadd.s32 $0x80, s1;
	[tilespmem:s9+$0x0] =	vst v1;
	s9 =	sadd.s32 $0x80, s9  }
0x2dc: {  	v1 =	vld [tilespmem:$0x3EC0];
	_ =	sdelay $0x5  }
0x2dd: {  	v2 =	vld [tilespmem:$0x3ED0];
	_ =	sdelay $0x1  }
0x2de: {  	v1 =	vld.idx.msk [tilespmem:v1+s6+$0x0], $0xffff;
	_ =	sdelay $0x3  }
0x2df: {  	v3 =	vld [tilespmem:$0x3EE0]  }
0x2e0: {  	[tilespmem:$0x17740] =	vst v1  }
0x2e1: {  	v1 =	vld.idx.msk [tilespmem:v2+s6+$0x0], $0xffff;
	_ =	sdelay $0x3  }
0x2e2: {  	v2 =	vld [tilespmem:$0x3EF0]  }
0x2e3: {  	[tilespmem:$0x17750] =	vst v1  }
0x2e4: {  	v1 =	vld.idx.msk [tilespmem:v3+s6+$0x0], $0xffff;
	_ =	sdelay $0x4  }
0x2e5: {  	[tilespmem:$0x17760] =	vst v1  }
0x2e6: {  	v1 =	vld.idx.msk [tilespmem:v2+s6+$0x0], $0xffff;
	_ =	sdelay $0x4  }
0x2e7: {  	s0 =	simm.s32 $0x15840;
	[tilespmem:$0x17770] =	vst v1  }
0x2e8: {  	[spmem:s5] =	stream.indirect.scatter.add.f32 [tilespmem:s0], [sflag:$0x7], $0x1, s22, s26, $0xb8;
	[tilespmem:$0x1F480] =	vst v63  }
0x2e9: {  	_ =	swait.ge [sflag:s28], $0x1F40  }
0x2ea: {  	[sflag:s28] =	ssyncset.done $0x0  }
0x2eb: {  	s1 =	simm.s32 $0x7D80;
	s16 =	rddreg [dreg:$0x19];
	[sflag:s28] =	ssyncadd.s32 $0xFFFFE0C0  }
0x2ec: {  	[tilespmem:s1], [sflag:$0x5] =	stream.linear.gather [hbm4b:s16+s6], $0x1F40, $0x38;
	[tilespmem:$0x1F480] =	vst v63  }
0x2ed: {  	s29 =	rddreg [dreg:$0x1a]  }
0x2ee: {  	[tilespmem:s4], [sflag:$0x5] =	stream.linear.gather [hbm4b:s29+s6], $0x1F40, $0x38;
	[tilespmem:$0x1F480] =	vst v63  }
0x2ef: {  	_ =	swait.ge [sflag:s8], $0x1F40  }
0x2f0: {  	[sflag:s8] =	ssyncset.done $0x0  }
0x2f1: {  	[sflag:s8] =	ssyncadd.s32 $0xFFFFE0C0  }
0x2f2: {  	_ =	swait.ge [sflag:s8], $0x1F40  }
0x2f3: {  	s9 =	simm.s32 $0x177F0;
	[sflag:s8] =	ssyncset.done $0x0  }
0x2f4: {  	s0 =	simm.s32 $0xFFFFFFF8;
	s1 =	simm.s32 $0x3F70;
	[sflag:s8] =	ssyncadd.s32 $0xFFFFE0C0  }
.LBB2_30:
0x2f5: {  	v1 =	vld [tilespmem:s1+$0xFFFFFF90];
	_ =	sdelay $0x7  }
0x2f6: {  	v1 =	vld.idx.msk [tilespmem:v1+s6+$0x0], $0xffff;
	_ =	sdelay $0x4  }
0x2f7: {  	[tilespmem:s9+$0xFFFFFF90] =	vst v1  }
0x2f8: {  	v1 =	vld [tilespmem:s1+$0xFFFFFFA0];
	_ =	sdelay $0x7  }
0x2f9: {  	v1 =	vld.idx.msk [tilespmem:v1+s6+$0x0], $0xffff;
	_ =	sdelay $0x4  }
0x2fa: {  	[tilespmem:s9+$0xFFFFFFA0] =	vst v1  }
0x2fb: {  	v1 =	vld [tilespmem:s1+$0xFFFFFFB0];
	_ =	sdelay $0x7  }
0x2fc: {  	v1 =	vld.idx.msk [tilespmem:v1+s6+$0x0], $0xffff;
	_ =	sdelay $0x4  }
0x2fd: {  	[tilespmem:s9+$0xFFFFFFB0] =	vst v1  }
0x2fe: {  	v1 =	vld [tilespmem:s1+$0xFFFFFFC0];
	_ =	sdelay $0x7  }
0x2ff: {  	v1 =	vld.idx.msk [tilespmem:v1+s6+$0x0], $0xffff;
	_ =	sdelay $0x4  }
0x300: {  	[tilespmem:s9+$0xFFFFFFC0] =	vst v1  }
0x301: {  	v1 =	vld [tilespmem:s1+$0xFFFFFFD0];
	_ =	sdelay $0x7  }
0x302: {  	v1 =	vld.idx.msk [tilespmem:v1+s6+$0x0], $0xffff;
	_ =	sdelay $0x4  }
0x303: {  	[tilespmem:s9+$0xFFFFFFD0] =	vst v1  }
0x304: {  	v1 =	vld [tilespmem:s1+$0xFFFFFFE0];
	_ =	sdelay $0x7  }
0x305: {  	v1 =	vld.idx.msk [tilespmem:v1+s6+$0x0], $0xffff;
	_ =	sdelay $0x4  }
0x306: {  	[tilespmem:s9+$0xFFFFFFE0] =	vst v1  }
0x307: {  	v1 =	vld [tilespmem:s1+$0xFFFFFFF0];
	_ =	sdelay $0x7  }
0x308: {  	v1 =	vld.idx.msk [tilespmem:v1+s6+$0x0], $0xffff;
	_ =	sdelay $0x4  }
0x309: {  	[tilespmem:s9+$0xFFFFFFF0] =	vst v1  }
0x30a: {  	v1 =	vld [tilespmem:s1+$0x0];
	_ =	sdelay $0x6  }
0x30b: {  	s0 =	sadd.s32 $0x8, s0  }
0x30c: {  	p0 =	slt.u32 s0, $0x1E8;
	v1 =	vld.idx.msk [tilespmem:v1+s6+$0x0], $0xffff  }
.Ltmp14:
0x30d: {  	_ = 	snop;
	(pc) =	sbr.rel @p0 .LBB2_30-.Ltmp14, $2  }
0x30e: {  	_ =	sdelay $0x2  }
0x30f: {  	s1 =	sadd.s32 $0x80, s1;
	[tilespmem:s9+$0x0] =	vst v1;
	s9 =	sadd.s32 $0x80, s9  }
0x310: {  	v1 =	vld [tilespmem:$0x5E00];
	_ =	sdelay $0x5  }
0x311: {  	v2 =	vld [tilespmem:$0x5E10]  }
0x312: {  	s0 =	simm.s32 $0x0  }
0x313: {  	v1 =	vld.idx.msk [tilespmem:v1+s0+$0x0], $0xffff;
	_ =	sdelay $0x3  }
0x314: {  	v3 =	vld [tilespmem:$0x5E20]  }
0x315: {  	[tilespmem:$0x19680] =	vst v1  }
0x316: {  	v1 =	vld.idx.msk [tilespmem:v2+s0+$0x0], $0xffff;
	_ =	sdelay $0x3  }
0x317: {  	v2 =	vld [tilespmem:$0x5E30]  }
0x318: {  	[tilespmem:$0x19690] =	vst v1  }
0x319: {  	v1 =	vld.idx.msk [tilespmem:v3+s0+$0x0], $0xffff;
	_ =	sdelay $0x4  }
0x31a: {  	[tilespmem:$0x196A0] =	vst v1  }
0x31b: {  	v1 =	vld.idx.msk [tilespmem:v2+s0+$0x0], $0xffff;
	_ =	sdelay $0x4  }
0x31c: {  	s29 =	simm.s32 $0x17780;
	[tilespmem:$0x196B0] =	vst v1  }
0x31d: {  	[spmem:s5] =	stream.indirect.scatter.add.f32 [tilespmem:s29], [sflag:$0x8], $0x1, s24, s26, $0xb8;
	[tilespmem:$0x1F480] =	vst v63  }
0x31e: {  	_ =	swait.ge [sflag:s11], $0x1F40  }
0x31f: {  	[sflag:s11] =	ssyncset.done $0x0  }
0x320: {  	[sflag:s11] =	ssyncadd.s32 $0xFFFFE0C0  }
0x321: {  	_ =	swait.ge [sflag:s13], $0x1F40  }
0x322: {  	[sflag:s13] =	ssyncset.done $0x0  }
0x323: {  	[sflag:s13] =	ssyncadd.s32 $0xFFFFE0C0  }
0x324: {  	_ =	swait.ge [sflag:s13], $0x1F40  }
0x325: {  	[sflag:s13] =	ssyncset.done $0x0  }
0x326: {  	s0 =	simm.s32 $0x0;
	[sflag:s13] =	ssyncadd.s32 $0xFFFFE0C0  }
0x327: {  	v1 =	vld [tilespmem:s0+$0x5E40];
	_ =	sdelay $0x5  }
0x328: {  	v2 =	vld [tilespmem:s0+$0x5E50];
	_ =	sdelay $0x1  }
0x329: {  	v1 =	vld.idx.msk [tilespmem:v1+s6+$0x0], $0xffff;
	_ =	sdelay $0x4  }
0x32a: {  	[tilespmem:s0+$0x196C0] =	vst v1;
	v1 =	vld [tilespmem:s0+$0x5E60]  }
0x32b: {  	v2 =	vld.idx.msk [tilespmem:v2+s6+$0x0], $0xffff;
	_ =	sdelay $0x4  }
0x32c: {  	[tilespmem:s0+$0x196D0] =	vst v2;
	v2 =	vld [tilespmem:s0+$0x5E70];
	_ =	sdelay $0x1  }
0x32d: {  	v1 =	vld.idx.msk [tilespmem:v1+s6+$0x0], $0xffff;
	_ =	sdelay $0x4  }
0x32e: {  	[tilespmem:s0+$0x196E0] =	vst v1;
	v1 =	vld [tilespmem:s0+$0x5E80]  }
0x32f: {  	v2 =	vld.idx.msk [tilespmem:v2+s6+$0x0], $0xffff;
	_ =	sdelay $0x4  }
0x330: {  	[tilespmem:s0+$0x196F0] =	vst v2;
	v2 =	vld [tilespmem:s0+$0x5E90];
	_ =	sdelay $0x1  }
0x331: {  	v1 =	vld.idx.msk [tilespmem:v1+s6+$0x0], $0xffff;
	_ =	sdelay $0x4  }
0x332: {  	v3 =	vld [tilespmem:s0+$0x5EA0];
	[tilespmem:s0+$0x19700] =	vst v1  }
0x333: {  	v1 =	vld.idx.msk [tilespmem:v2+s6+$0x0], $0xffff;
	_ =	sdelay $0x4  }
0x334: {  	[tilespmem:s0+$0x19710] =	vst v1;
	v1 =	vld [tilespmem:s0+$0x5EB0];
	_ =	sdelay $0x1  }
0x335: {  	v2 =	vld.idx.msk [tilespmem:v3+s6+$0x0], $0xffff;
	_ =	sdelay $0x2  }
0x336: {  	s1 =	simm.s32 $0x0;
	s9 =	simm.s32 $0x200  }
.LBB2_32:
0x337: {  	s15 =	sshra.s32 s9, $0x2;
	s1 =	sadd.s32 $0x8, s1  }
0x338: {  	v3 =	vld [tilespmem:s15+$0x5E40];
	p0 =	slt.u32 s1, $0x1E8;
	[tilespmem:s0+$0x19720] =	vst v2  }
0x339: {  	v1 =	vld.idx.msk [tilespmem:v1+s6+$0x0], $0xffff;
	_ =	sdelay $0x5  }
0x33a: {  	v2 =	vld [tilespmem:s15+$0x5E50];
	[tilespmem:s0+$0x19730] =	vst v1;
	s0 =	smov.u32 s15  }
0x33b: {  	v1 =	vld.idx.msk [tilespmem:v3+s6+$0x0], $0xffff;
	_ =	sdelay $0x5  }
0x33c: {  	[tilespmem:s0+$0x196C0] =	vst v1;
	v1 =	vld [tilespmem:s0+$0x5E60]  }
0x33d: {  	v2 =	vld.idx.msk [tilespmem:v2+s6+$0x0], $0xffff;
	_ =	sdelay $0x5  }
0x33e: {  	[tilespmem:s0+$0x196D0] =	vst v2;
	v2 =	vld [tilespmem:s0+$0x5E70]  }
0x33f: {  	v1 =	vld.idx.msk [tilespmem:v1+s6+$0x0], $0xffff;
	_ =	sdelay $0x5  }
0x340: {  	[tilespmem:s0+$0x196E0] =	vst v1;
	v1 =	vld [tilespmem:s0+$0x5E80]  }
0x341: {  	v2 =	vld.idx.msk [tilespmem:v2+s6+$0x0], $0xffff;
	_ =	sdelay $0x5  }
0x342: {  	[tilespmem:s0+$0x196F0] =	vst v2;
	v2 =	vld [tilespmem:s0+$0x5E90]  }
0x343: {  	v1 =	vld.idx.msk [tilespmem:v1+s6+$0x0], $0xffff;
	_ =	sdelay $0x5  }
0x344: {  	[tilespmem:s0+$0x19700] =	vst v1;
	v3 =	vld [tilespmem:s0+$0x5EA0]  }
0x345: {  	v1 =	vld.idx.msk [tilespmem:v2+s6+$0x0], $0xffff;
	_ =	sdelay $0x5  }
0x346: {  	[tilespmem:s0+$0x19710] =	vst v1;
	v1 =	vld [tilespmem:s0+$0x5EB0]  }
.Ltmp15:
0x347: {  	v2 =	vld.idx.msk [tilespmem:v3+s6+$0x0], $0xffff;
	(pc) =	sbr.rel @p0 .LBB2_32-.Ltmp15, $2  }
0x348: {  	_ =	sdelay $0x2  }
0x349: {  	s9 =	sadd.s32 $0x200, s9  }
0x34a: {  	_ =	sdelay $0x2  }
0x34b: {  	[tilespmem:s0+$0x19720] =	vst v2  }
0x34c: {  	v1 =	vld.idx.msk [tilespmem:v1+s6+$0x0], $0xffff;
	_ =	sdelay $0x4  }
0x34d: {  	[tilespmem:s0+$0x19730] =	vst v1  }
0x34e: {  	v1 =	vld [tilespmem:$0x7D40];
	_ =	sdelay $0x5  }
0x34f: {  	v2 =	vld [tilespmem:$0x7D50]  }
0x350: {  	s16 =	simm.s32 $0x0  }
0x351: {  	v1 =	vld.idx.msk [tilespmem:v1+s16+$0x0], $0xffff;
	_ =	sdelay $0x3  }
0x352: {  	v3 =	vld [tilespmem:$0x7D60]  }
0x353: {  	[tilespmem:$0x1B5C0] =	vst v1  }
0x354: {  	v1 =	vld.idx.msk [tilespmem:v2+s16+$0x0], $0xffff;
	_ =	sdelay $0x3  }
0x355: {  	v2 =	vld [tilespmem:$0x7D70]  }
0x356: {  	[tilespmem:$0x1B5D0] =	vst v1  }
0x357: {  	v1 =	vld.idx.msk [tilespmem:v3+s16+$0x0], $0xffff;
	_ =	sdelay $0x4  }
0x358: {  	[tilespmem:$0x1B5E0] =	vst v1  }
0x359: {  	v1 =	vld.idx.msk [tilespmem:v2+s16+$0x0], $0xffff;
	_ =	sdelay $0x4  }
0x35a: {  	s29 =	simm.s32 $0x196C0;
	[tilespmem:$0x1B5F0] =	vst v1  }
0x35b: {  	[spmem:s5] =	stream.indirect.scatter.add.f32 [tilespmem:s29], [sflag:$0x9], $0x1, s30, s26, $0xb8;
	[tilespmem:$0x1F480] =	vst v63  }
0x35c: {  	_ =	swait.ge [sflag:s7], $0x1F40  }
0x35d: {  	[sflag:s7] =	ssyncset.done $0x0  }
0x35e: {  	[sflag:s7] =	ssyncadd.s32 $0xFFFFE0C0  }
0x35f: {  	_ =	swait.ge [sflag:s14], $0x1F40  }
0x360: {  	[sflag:s14] =	ssyncset.done $0x0  }
0x361: {  	[sflag:s14] =	ssyncadd.s32 $0xFFFFE0C0  }
0x362: {  	_ =	swait.ge [sflag:s14], $0x1F40  }
0x363: {  	[sflag:s14] =	ssyncset.done $0x0  }
0x364: {  	s0 =	simm.s32 $0x0;
	[sflag:s14] =	ssyncadd.s32 $0xFFFFE0C0  }
0x365: {  	v1 =	vld [tilespmem:s0+$0x7D80];
	_ =	sdelay $0x5  }
0x366: {  	v2 =	vld [tilespmem:s0+$0x7D90];
	_ =	sdelay $0x1  }
0x367: {  	v1 =	vld.idx.msk [tilespmem:v1+s6+$0x0], $0xffff;
	_ =	sdelay $0x4  }
0x368: {  	[tilespmem:s0+$0x1B600] =	vst v1;
	v1 =	vld [tilespmem:s0+$0x7DA0]  }
0x369: {  	v2 =	vld.idx.msk [tilespmem:v2+s6+$0x0], $0xffff;
	_ =	sdelay $0x4  }
0x36a: {  	[tilespmem:s0+$0x1B610] =	vst v2;
	v2 =	vld [tilespmem:s0+$0x7DB0];
	_ =	sdelay $0x1  }
0x36b: {  	v1 =	vld.idx.msk [tilespmem:v1+s6+$0x0], $0xffff;
	_ =	sdelay $0x4  }
0x36c: {  	[tilespmem:s0+$0x1B620] =	vst v1;
	v1 =	vld [tilespmem:s0+$0x7DC0]  }
0x36d: {  	v2 =	vld.idx.msk [tilespmem:v2+s6+$0x0], $0xffff;
	_ =	sdelay $0x4  }
0x36e: {  	[tilespmem:s0+$0x1B630] =	vst v2;
	v2 =	vld [tilespmem:s0+$0x7DD0];
	_ =	sdelay $0x1  }
0x36f: {  	v1 =	vld.idx.msk [tilespmem:v1+s6+$0x0], $0xffff;
	_ =	sdelay $0x4  }
0x370: {  	v3 =	vld [tilespmem:s0+$0x7DE0];
	[tilespmem:s0+$0x1B640] =	vst v1  }
0x371: {  	v1 =	vld.idx.msk [tilespmem:v2+s6+$0x0], $0xffff;
	_ =	sdelay $0x4  }
0x372: {  	[tilespmem:s0+$0x1B650] =	vst v1;
	v1 =	vld [tilespmem:s0+$0x7DF0];
	_ =	sdelay $0x1  }
0x373: {  	v2 =	vld.idx.msk [tilespmem:v3+s6+$0x0], $0xffff;
	_ =	sdelay $0x2  }
0x374: {  	s1 =	simm.s32 $0x0;
	s9 =	simm.s32 $0x200  }
.LBB2_34:
0x375: {  	s15 =	sshra.s32 s9, $0x2;
	s1 =	sadd.s32 $0x8, s1  }
0x376: {  	v3 =	vld [tilespmem:s15+$0x7D80];
	p0 =	slt.u32 s1, $0x1E8;
	[tilespmem:s0+$0x1B660] =	vst v2  }
0x377: {  	v1 =	vld.idx.msk [tilespmem:v1+s6+$0x0], $0xffff;
	_ =	sdelay $0x5  }
0x378: {  	v2 =	vld [tilespmem:s15+$0x7D90];
	[tilespmem:s0+$0x1B670] =	vst v1;
	s0 =	smov.u32 s15  }
0x379: {  	v1 =	vld.idx.msk [tilespmem:v3+s6+$0x0], $0xffff;
	_ =	sdelay $0x5  }
0x37a: {  	[tilespmem:s0+$0x1B600] =	vst v1;
	v1 =	vld [tilespmem:s0+$0x7DA0]  }
0x37b: {  	v2 =	vld.idx.msk [tilespmem:v2+s6+$0x0], $0xffff;
	_ =	sdelay $0x5  }
0x37c: {  	[tilespmem:s0+$0x1B610] =	vst v2;
	v2 =	vld [tilespmem:s0+$0x7DB0]  }
0x37d: {  	v1 =	vld.idx.msk [tilespmem:v1+s6+$0x0], $0xffff;
	_ =	sdelay $0x5  }
0x37e: {  	[tilespmem:s0+$0x1B620] =	vst v1;
	v1 =	vld [tilespmem:s0+$0x7DC0]  }
0x37f: {  	v2 =	vld.idx.msk [tilespmem:v2+s6+$0x0], $0xffff;
	_ =	sdelay $0x5  }
0x380: {  	[tilespmem:s0+$0x1B630] =	vst v2;
	v2 =	vld [tilespmem:s0+$0x7DD0]  }
0x381: {  	v1 =	vld.idx.msk [tilespmem:v1+s6+$0x0], $0xffff;
	_ =	sdelay $0x5  }
0x382: {  	[tilespmem:s0+$0x1B640] =	vst v1;
	v3 =	vld [tilespmem:s0+$0x7DE0]  }
0x383: {  	v1 =	vld.idx.msk [tilespmem:v2+s6+$0x0], $0xffff;
	_ =	sdelay $0x5  }
0x384: {  	[tilespmem:s0+$0x1B650] =	vst v1;
	v1 =	vld [tilespmem:s0+$0x7DF0]  }
.Ltmp16:
0x385: {  	v2 =	vld.idx.msk [tilespmem:v3+s6+$0x0], $0xffff;
	(pc) =	sbr.rel @p0 .LBB2_34-.Ltmp16, $2  }
0x386: {  	_ =	sdelay $0x2  }
0x387: {  	s9 =	sadd.s32 $0x200, s9  }
0x388: {  	_ =	sdelay $0x2  }
0x389: {  	[tilespmem:s0+$0x1B660] =	vst v2  }
0x38a: {  	v1 =	vld.idx.msk [tilespmem:v1+s6+$0x0], $0xffff;
	_ =	sdelay $0x4  }
0x38b: {  	[tilespmem:s0+$0x1B670] =	vst v1  }
0x38c: {  	v1 =	vld [tilespmem:$0x9C80];
	_ =	sdelay $0x5  }
0x38d: {  	v2 =	vld [tilespmem:$0x9C90];
	_ =	sdelay $0x1  }
0x38e: {  	v1 =	vld.idx.msk [tilespmem:v1+s6+$0x0], $0xffff;
	_ =	sdelay $0x3  }
0x38f: {  	v3 =	vld [tilespmem:$0x9CA0]  }
0x390: {  	[tilespmem:$0x1D500] =	vst v1  }
0x391: {  	v1 =	vld.idx.msk [tilespmem:v2+s6+$0x0], $0xffff;
	_ =	sdelay $0x3  }
0x392: {  	v2 =	vld [tilespmem:$0x9CB0]  }
0x393: {  	[tilespmem:$0x1D510] =	vst v1  }
0x394: {  	v1 =	vld.idx.msk [tilespmem:v3+s6+$0x0], $0xffff;
	_ =	sdelay $0x4  }
0x395: {  	[tilespmem:$0x1D520] =	vst v1  }
0x396: {  	v1 =	vld.idx.msk [tilespmem:v2+s6+$0x0], $0xffff;
	_ =	sdelay $0x4  }
0x397: {  	s9 =	simm.s32 $0x1B600;
	[tilespmem:$0x1D530] =	vst v1  }
0x398: {  	[spmem:s5] =	stream.indirect.scatter.add.f32 [tilespmem:s9], [sflag:$0xA], $0x1, s4, s26, $0xb8;
	[tilespmem:$0x1F480] =	vst v63  }
0x399: {  	_ =	swait.ge [sflag:s20], $0x1F40  }
0x39a: {  	[sflag:s20] =	ssyncset.done $0x0  }
0x39b: {  	[sflag:s20] =	ssyncadd.s32 $0xFFFFE0C0  }
0x39c: {  	_ =	swait.ge [sflag:s23], $0x1F40  }
0x39d: {  	[sflag:s23] =	ssyncset.done $0x0  }
0x39e: {  	[sflag:s23] =	ssyncadd.s32 $0xFFFFE0C0  }
0x39f: {  	_ =	swait.ge [sflag:s28], $0x1F40  }
0x3a0: {  	[sflag:s28] =	ssyncset.done $0x0  }
0x3a1: {  	[sflag:s28] =	ssyncadd.s32 $0xFFFFE0C0  }
0x3a2: {  	s15 =	stileid.u32;
	[bflag:$0x0] =	sbarrier.arrive $0xFFFF  }
0x3a3: {  	s0 =	sshll.u32 s15, $0x6;
	s15 =	rddreg [dreg:$0x6]  }
0x3a4: {  	s0 =	sor.u32 $0x1C0B, s0;
	s9 =	rddreg [dreg:$0x1b];
	s1 =	sshrl.u32 s15, $0x3  }
0x3a5: {  	[hbm:s9], [sflag:s0] =	dma.local [spmem:s1], $0x320  }
0x3a6: {  	s9 =	simm.s32 $0xB  }
0x3a7: {  	_ =	swait.ge [sflag:s9], $0x320  }
0x3a8: {  	s16 =	sld [smem:$0x7FD];
	_ =	sdelay $0x2  }
0x3a9: {  	s29 =	rddreg [dreg:$0x1c];
	s1 =	sadd.s32 $0x1, s16  }
0x3aa: {  	p0 =	sne.s32 s1, s29  }
.Ltmp17:
0x3ab: {  	_ = 	snop;
	(pc) =	sbr.rel @p0 .LBB2_1-.Ltmp17, $3  }
0x3ac: {  	_ =	sdelay $0x1  }
0x3ad: {  	[sflag:s9] =	ssyncset.done $0x0  }
0x3ae: {  	[sflag:s9] =	ssyncadd.s32 $0xFFFFFCE0  }
0x3af: {  	_ =	sfence.sel $0x180000  }
0x3b0: {  	[bflag:$0x0] =	sbarrier.arrive $0xFFFF  }
0x3b1: {  	_ =	strace $0x90000047  }
0x3b2: {  	s0 =	stileid.u32;
	[bflag:$0x2] =	sbarrier.arrive $0xFFFF  }
0x3b3: {  	p0 =	sne.s32 s0, $0x0;
	s0 =	rddreg [dreg:$0x5]  }
0x3b4: {  	s0 =	sadd.s32 @!p0 $0x100000, s0  }
0x3b5: {  	[sflag:s0] =	ssyncadd.tile.s32 @!p0 $0x1;
	_ =	shalt  }
.Lfunc_end2:
_tile_overlayer_lowered:
.L_overlay_start_2:
0x3b6: {  	(tag) =	ssettag $0x2  }
0x3b7: {  	s0 =	rddreg [dreg:$0x0];
	s2 =	stileid.u32  }
0x3b8: {  	s1 =	rddreg [dreg:$0x1];
	p0 =	sne.s32 s2, $0x0  }
0x3b9: {  	s3 =	rddreg [dreg:$0x2];
	[bflag:$0x3] =	sbarrier.arrive $0xFFFF;
	s2 =	simm.s32 @!p0 $0x1C0B  }
0x3ba: {  	[timem:s3], [sflag:s2] =	dma.local @!p0 [hbm:s0], s1  }
0x3bb: {  	s0 =	simm.s32 @!p0 $0xB  }
0x3bc: {  	_ =	swait.ge @!p0 [sflag:s0], s1  }
0x3bd: {  	s1 =	ssub.s32 @!p0 $0x0, s1;
	[sflag:s0] =	ssyncset.done @!p0 $0x0  }
0x3be: {  	[sflag:s0] =	ssyncadd.s32 @!p0 s1  }
0x3bf: {  	[bflag:$0x3] =	sbarrier.arrive $0xFFFF  }
0x3c0: {  	_ =	shalt  }

</sc_bundles>
